<compile_context>
chip_gen: v7x
topology: tpu7x:2x2x1
jax: 0.10.2.dev20260603
libtpu: 0.0.44.dev20260713+nightly
codegen_flags: <defaults>
</compile_context>

<pallas_src>
import functools

import jax
import jax.numpy as jnp
from jax import lax
from jax.experimental import pallas as pl
from jax.experimental.pallas import tpu as pltpu
from jax.experimental.pallas import tpu_sc as plsc

B = 100
N = 200
FLAT = N * N
NUM_EL = int(0.3 * N * N)
H1 = 512
H2 = 1024
OUT = 2
EPS = 1e-5

KBLK = 2048
KT = (FLAT + KBLK - 1) // KBLK

NC = 2
NS = 16
L = 16
NW = NC * NS
ROUNDS = (B + NW - 1) // NW
NBINS = 256
HIST_W = NBINS * L


def _sc_thresh_body(adj_ref, thr_ref, buf0, buf1, hist, stage, sem0, sem1):
    wid = lax.axis_index("s") * NC + lax.axis_index("c")
    lane = lax.iota(jnp.int32, L)
    lane_base = lane * NBINS
    ones = jnp.ones((L,), jnp.int32)
    bufs = (buf0, buf1)
    sems = (sem0, sem1)

    def start_fetch(r):
        g = r * NW + wid

        @pl.when(g < B)
        def _():
            pltpu.make_async_copy(adj_ref.at[g], bufs[r % 2], sems[r % 2]).start()

    start_fetch(0)
    for r in range(ROUNDS):
        g = r * NW + wid
        buf = bufs[r % 2]

        @pl.when(g < B)
        def _():
            pltpu.make_async_copy(adj_ref.at[g], buf, sems[r % 2]).wait()

        if r + 1 < ROUNDS:
            start_fetch(r + 1)

        @pl.when(g < B)
        def _():

            def run_pass(shift, prefix, target, first):
                @plsc.parallel_loop(0, HIST_W // L, unroll=8)
                def _(i):
                    hist[pl.ds(i * L, L)] = jnp.zeros((L,), jnp.int32)

                @plsc.parallel_loop(0, FLAT // L, unroll=16)
                def _(i):
                    v = buf[pl.ds(i * L, L)]
                    bits = lax.bitcast_convert_type(jnp.abs(v), jnp.int32)
                    digit = lax.shift_right_logical(bits, shift) & 0xFF
                    idx = digit + lane_base
                    if first:
                        plsc.addupdate_scatter(hist, [idx], ones)
                    else:
                        m = lax.shift_right_logical(bits, shift + 8) == prefix
                        plsc.addupdate_scatter(hist, [idx], ones, mask=m)

                def srch(j, carry):
                    cnt, d_star, excl = carry

                    def mrg(l, a):
                        return a + hist[pl.ds(l * NBINS + j * L, L)]

                    v = lax.fori_loop(0, L, mrg, jnp.zeros((L,), jnp.int32))
                    cs = plsc.cumsum(v)
                    tot = jnp.sum(v)
                    cross = (cnt <= target) & (cnt + tot > target)
                    inb = (cnt + cs) <= target
                    d_loc = jnp.sum(inb.astype(jnp.int32))
                    excl_loc = cnt + jnp.max(jnp.where(inb, cs, 0))
                    d_star = jnp.where(cross, j * L + d_loc, d_star)
                    excl = jnp.where(cross, excl_loc, excl)
                    return (cnt + tot, d_star, excl)

                _, d_star, excl = lax.fori_loop(
                    0, NBINS // L, srch,
                    (jnp.int32(0), jnp.int32(0), jnp.int32(0)))
                return (prefix << 8) | d_star, target - excl

            target = jnp.int32(FLAT - NUM_EL)
            prefix = jnp.int32(0)
            prefix, target = run_pass(23, prefix, target, True)
            prefix, target = run_pass(15, prefix, target, False)

            thr_bits = prefix << 15
            thr = lax.bitcast_convert_type(
                jnp.broadcast_to(thr_bits, (L,)), jnp.float32)
            stage[...] = thr
            pltpu.sync_copy(stage, thr_ref.at[g])


_sc_thresh = functools.partial(
    pl.kernel,
    out_type=jax.ShapeDtypeStruct((B, L), jnp.float32),
    mesh=plsc.VectorSubcoreMesh(core_axis_name="c", subcore_axis_name="s",
                                num_cores=NC, num_subcores=NS),
    compiler_params=pltpu.CompilerParams(needs_layout_passes=False),
    scratch_types=[
        pltpu.VMEM((FLAT,), jnp.float32),
        pltpu.VMEM((FLAT,), jnp.float32),
        pltpu.VMEM((HIST_W,), jnp.int32),
        pltpu.VMEM((L,), jnp.float32),
        pltpu.SemaphoreType.DMA,
        pltpu.SemaphoreType.DMA,
    ],
)(_sc_thresh_body)


def _mlp_body(x_ref, adj_ref, thr_ref, w1_ref, b1_ref, g1_ref, be1_ref,
              w2_ref, b2_ref, g2_ref, be2_ref, w3_ref, b3_ref,
              out_ref, acc_ref):
    i = pl.program_id(0)

    @pl.when(i == 0)
    def _():
        acc_ref[...] = jnp.zeros_like(acc_ref)

    thr = thr_ref[:, 0:1]
    col = i * KBLK + jax.lax.broadcasted_iota(jnp.int32, (B, KBLK), 1)
    keep = (col < FLAT) & (jnp.abs(adj_ref[...]) >= thr)
    xm = jnp.where(keep, x_ref[...], 0.0)
    row = i * KBLK + jax.lax.broadcasted_iota(jnp.int32, (KBLK, H1), 0)
    w1 = jnp.where(row < FLAT, w1_ref[...], 0.0)
    acc_ref[...] += jnp.dot(xm, w1, preferred_element_type=jnp.float32,
                            precision=jax.lax.Precision.DEFAULT)

    @pl.when(i == KT - 1)
    def _():
        s = 1.0 / (1.0 + EPS) ** 0.5
        h = jnp.maximum(acc_ref[...] + b1_ref[...], 0.0)
        h = g1_ref[...] * h * s + be1_ref[...]
        h = jnp.maximum(jnp.dot(h, w2_ref[...], preferred_element_type=jnp.float32)
                        + b2_ref[...], 0.0)
        h = g2_ref[...] * h * s + be2_ref[...]
        lg = jnp.dot(h, w3_ref[...], preferred_element_type=jnp.float32) + b3_ref[...]
        c = jax.lax.broadcasted_iota(jnp.int32, lg.shape, 1)
        neg = jnp.where(c < OUT, lg, -jnp.inf)
        m = jnp.max(neg, axis=1, keepdims=True)
        ex = jnp.where(c < OUT, jnp.exp(lg - m), 0.0)
        lse = m + jnp.log(jnp.sum(ex, axis=1, keepdims=True))
        out_ref[...] = lg - lse


def kernel(x, adj_logits, W1, b1, gamma1, beta1, W2, b2, gamma2, beta2, W3, b3):
    adj = adj_logits.reshape(B, FLAT)

    thr = _sc_thresh(adj)

    w3p = jnp.pad(W3, ((0, 0), (0, 128 - OUT)))
    b3p = jnp.pad(b3, (0, 128 - OUT)).reshape(1, 128)

    out = pl.pallas_call(
        _mlp_body,
        grid=(KT,),
        in_specs=[
            pl.BlockSpec((B, KBLK), lambda i: (0, i)),
            pl.BlockSpec((B, KBLK), lambda i: (0, i)),
            pl.BlockSpec((B, L), lambda i: (0, 0)),
            pl.BlockSpec((KBLK, H1), lambda i: (i, 0)),
            pl.BlockSpec((1, H1), lambda i: (0, 0)),
            pl.BlockSpec((1, H1), lambda i: (0, 0)),
            pl.BlockSpec((1, H1), lambda i: (0, 0)),
            pl.BlockSpec((H1, H2), lambda i: (0, 0)),
            pl.BlockSpec((1, H2), lambda i: (0, 0)),
            pl.BlockSpec((1, H2), lambda i: (0, 0)),
            pl.BlockSpec((1, H2), lambda i: (0, 0)),
            pl.BlockSpec((H2, 128), lambda i: (0, 0)),
            pl.BlockSpec((1, 128), lambda i: (0, 0)),
        ],
        out_specs=pl.BlockSpec((B, 128), lambda i: (0, 0)),
        out_shape=jax.ShapeDtypeStruct((B, 128), jnp.float32),
        scratch_shapes=[pltpu.VMEM((B, H1), jnp.float32)],
    )(x, adj, thr, W1, b1.reshape(1, H1), gamma1.reshape(1, H1),
      beta1.reshape(1, H1), W2, b2.reshape(1, H2), gamma2.reshape(1, H2),
      beta2.reshape(1, H2), w3p, b3p)

    return out[:, :OUT]

# --- scband reference (transcript-rebuilt; emitter-appended) ---
"""Pipeline reference for scband-neuro-sparse-11441792877012 (READ-ONLY COPY).

The authoritative reference and input builder live on the scoring server;
editing this copy changes nothing except your own understanding.
"""

import jax, jax.numpy as jnp
import numpy as np

B = 100
N = 200
FLAT = N * N  # 40000
NUM_EL = int(0.3 * N * N)  # 12000, matches num_elements in GraphClassifier.forward
DIM = 64
H = 2 * DIM  # aggr='cat' doubles dim -> 128
H1 = 4 * H   # 512
H2 = 8 * H   # 1024
OUT = 2
EPS = 1e-5


def setup_inputs(seed: int = 0) -> dict:
    key = jax.random.key(seed)
    ks = jax.random.split(key, 12)
    x = jax.random.normal(ks[0], (B, FLAT), dtype=jnp.float32)
    adj_logits = jax.random.normal(ks[1], (B, N, N), dtype=jnp.float32)
    # classifier MLP params (fc1 consumes the flattened masked 100x40000 tensor)
    W1 = jax.random.normal(ks[2], (FLAT, H1), dtype=jnp.float32) * 0.01
    b1 = jnp.zeros((H1,), dtype=jnp.float32)
    gamma1 = jnp.ones((H1,), dtype=jnp.float32)
    beta1 = jnp.zeros((H1,), dtype=jnp.float32)
    W2 = jax.random.normal(ks[3], (H1, H2), dtype=jnp.float32) * 0.02
    b2 = jnp.zeros((H2,), dtype=jnp.float32)
    gamma2 = jnp.ones((H2,), dtype=jnp.float32)
    beta2 = jnp.zeros((H2,), dtype=jnp.float32)
    W3 = jax.random.normal(ks[4], (H2, OUT), dtype=jnp.float32) * 0.02
    b3 = jnp.zeros((OUT,), dtype=jnp.float32)
    return {"x": x, "adj_logits": adj_logits, "W1": W1, "b1": b1,
            "gamma1": gamma1, "beta1": beta1, "W2": W2, "b2": b2,
            "gamma2": gamma2, "beta2": beta2, "W3": W3, "b3": b3}


def reference(x, adj_logits, W1, b1, gamma1, beta1, W2, b2, gamma2, beta2, W3, b3):
    # --- top-k masking core (GraphClassifier.forward) ---
    # per-graph: keep top 30% of |adj_logits| entries, binarize to a 0/1 mask
    abs_flat = jnp.abs(adj_logits).reshape(B, FLAT)
    _, topk_idx = jax.lax.top_k(abs_flat, NUM_EL)
    mask = jnp.zeros((B, FLAT), dtype=x.dtype).at[
        jnp.arange(B)[:, None], topk_idx].set(1.0)
    mask = mask.reshape(B, N, N)
    # apply mask to node features viewed as per-graph adjacency blocks
    xm = x.reshape(B, N, N) * mask
    xf = xm.reshape(B, FLAT)
    # --- classifier MLP (eval mode: dropout off, BN uses running stats 0/1) ---
    h = jnp.maximum(jnp.dot(xf, W1) + b1, 0.0)
    h = gamma1 * h / jnp.sqrt(1.0 + EPS) + beta1
    h = jnp.maximum(jnp.dot(h, W2) + b2, 0.0)
    h = gamma2 * h / jnp.sqrt(1.0 + EPS) + beta2
    logits = jnp.dot(h, W3) + b3
    xy = jax.nn.log_softmax(logits, axis=-1)
    return xy

if __name__ == "__main__":
    import jax
    _d = setup_inputs()
    print(jax.jit(kernel)(*tuple(_d.values())))

</pallas_src>

<mosaic_0001>
#map = affine_map<(d0, d1) -> (0, 0)>
module attributes {stable_mosaic.version = 14 : i64} {
  func.func @_sc_thresh_body(%arg0: i32, %arg1: i32, %arg2: memref<100x40000xf32, #tpu.memory_space<hbm>>, %arg3: memref<100x16xf32, #tpu.memory_space<hbm>>, %arg4: memref<40000xf32, #tpu.memory_space<vmem>>, %arg5: memref<40000xf32, #tpu.memory_space<vmem>>, %arg6: memref<4096xi32, #tpu.memory_space<vmem>>, %arg7: memref<16xf32, #tpu.memory_space<vmem>>, %arg8: memref<!tpu.dma_semaphore, #tpu.memory_space<semaphore_mem>>, %arg9: memref<!tpu.dma_semaphore, #tpu.memory_space<semaphore_mem>>) attributes {dimension_semantics = [#tpu.dimension_semantics<core_parallel>, #tpu.dimension_semantics<subcore_parallel>], iteration_bounds = array<i64: 2, 16>, scalar_prefetch = 0 : i64, scratch_operands = 6 : i64, tpu.core_type = #tpu.core_type<sc_vector_subcore>, window_params = [{transform_indices = #map}, {transform_indices = #map}]} {
    %mul3A = arith.constant 2 : i32
    %mul3A_0 = arith.muli %arg1, %mul3A : i32
    %add3A = arith.addi %mul3A_0, %arg0 : i32
    %iota3A = tpu.iota {dimensions = array<i32: 0>} : vector<16xi32>
    %mul3A_1 = arith.constant 256 : i32
    %mul3A_2 = vector.broadcast %mul3A_1 : i32 to vector<16xi32>
    %mul3A_3 = arith.muli %iota3A, %mul3A_2 : vector<16xi32>
    %broadcast_in_dim3A = arith.constant 1 : i32
    %broadcast_in_dim3A_4 = vector.broadcast %broadcast_in_dim3A : i32 to vector<16xi32>
    %add3A_5 = arith.constant 0 : i32
    %add3A_6 = arith.addi %add3A_5, %add3A : i32
    %lt3A = arith.constant 100 : i32
    %lt3A_7 = arith.cmpi slt, %add3A_6, %lt3A : i32
    %convert_element_type3A = arith.extui %lt3A_7 : i1 to i32
    %cond3A = arith.constant 0 : i32
    %cond3A_8 = arith.cmpi ne, %convert_element_type3A, %cond3A : i32
    scf.if %cond3A_8 {
      %dma_start3A = arith.constant 0 : i32
      %dma_start3A_78 = tpu.memref_slice %arg2[%add3A_6, %dma_start3A] : memref<100x40000xf32, #tpu.memory_space<hbm>> -> memref<1x40000xf32, #tpu.memory_space<hbm>>
      %dma_start3A_79 = tpu.memref_squeeze %dma_start3A_78 : memref<1x40000xf32, #tpu.memory_space<hbm>> -> memref<40000xf32, #tpu.memory_space<hbm>>
      %dma_start3A_80 = arith.constant 0 : i32
      %dma_start3A_81 = tpu.memref_slice %arg2[%add3A_6, %dma_start3A_80] : memref<100x40000xf32, #tpu.memory_space<hbm>> -> memref<1x40000xf32, #tpu.memory_space<hbm>>
      %dma_start3A_82 = tpu.memref_squeeze %dma_start3A_81 : memref<1x40000xf32, #tpu.memory_space<hbm>> -> memref<40000xf32, #tpu.memory_space<hbm>>
      tpu.enqueue_dma source(%dma_start3A_82 : memref<40000xf32, #tpu.memory_space<hbm>>) target(%arg4 : memref<40000xf32, #tpu.memory_space<vmem>>) target_semaphore(%arg8 : memref<!tpu.dma_semaphore, #tpu.memory_space<semaphore_mem>>)
    } else {
    }
    %add3A_9 = arith.constant 0 : i32
    %add3A_10 = arith.addi %add3A_9, %add3A : i32
    %lt3A_11 = arith.constant 100 : i32
    %lt3A_12 = arith.cmpi slt, %add3A_10, %lt3A_11 : i32
    %convert_element_type3A_13 = arith.extui %lt3A_12 : i1 to i32
    %cond3A_14 = arith.constant 0 : i32
    %cond3A_15 = arith.cmpi ne, %convert_element_type3A_13, %cond3A_14 : i32
    scf.if %cond3A_15 {
      %dma_wait3A = arith.constant 0 : i32
      %dma_wait3A_78 = tpu.memref_slice %arg2[%add3A_10, %dma_wait3A] : memref<100x40000xf32, #tpu.memory_space<hbm>> -> memref<1x40000xf32, #tpu.memory_space<hbm>>
      %dma_wait3A_79 = tpu.memref_squeeze %dma_wait3A_78 : memref<1x40000xf32, #tpu.memory_space<hbm>> -> memref<40000xf32, #tpu.memory_space<hbm>>
      %dma_wait3A_80 = arith.constant 0 : i32
      %dma_wait3A_81 = tpu.memref_slice %arg2[%add3A_10, %dma_wait3A_80] : memref<100x40000xf32, #tpu.memory_space<hbm>> -> memref<1x40000xf32, #tpu.memory_space<hbm>>
      %dma_wait3A_82 = tpu.memref_squeeze %dma_wait3A_81 : memref<1x40000xf32, #tpu.memory_space<hbm>> -> memref<40000xf32, #tpu.memory_space<hbm>>
      tpu.wait_dma2 semaphore(%arg8 : memref<!tpu.dma_semaphore, #tpu.memory_space<semaphore_mem>>) src(%dma_wait3A_82 : memref<40000xf32, #tpu.memory_space<hbm>>) dst(%arg4 : memref<40000xf32, #tpu.memory_space<vmem>>)
    } else {
    }
    %add3A_16 = arith.constant 32 : i32
    %add3A_17 = arith.addi %add3A_16, %add3A : i32
    %lt3A_18 = arith.constant 100 : i32
    %lt3A_19 = arith.cmpi slt, %add3A_17, %lt3A_18 : i32
    %convert_element_type3A_20 = arith.extui %lt3A_19 : i1 to i32
    %cond3A_21 = arith.constant 0 : i32
    %cond3A_22 = arith.cmpi ne, %convert_element_type3A_20, %cond3A_21 : i32
    scf.if %cond3A_22 {
      %dma_start3A = arith.constant 0 : i32
      %dma_start3A_78 = tpu.memref_slice %arg2[%add3A_17, %dma_start3A] : memref<100x40000xf32, #tpu.memory_space<hbm>> -> memref<1x40000xf32, #tpu.memory_space<hbm>>
      %dma_start3A_79 = tpu.memref_squeeze %dma_start3A_78 : memref<1x40000xf32, #tpu.memory_space<hbm>> -> memref<40000xf32, #tpu.memory_space<hbm>>
      %dma_start3A_80 = arith.constant 0 : i32
      %dma_start3A_81 = tpu.memref_slice %arg2[%add3A_17, %dma_start3A_80] : memref<100x40000xf32, #tpu.memory_space<hbm>> -> memref<1x40000xf32, #tpu.memory_space<hbm>>
      %dma_start3A_82 = tpu.memref_squeeze %dma_start3A_81 : memref<1x40000xf32, #tpu.memory_space<hbm>> -> memref<40000xf32, #tpu.memory_space<hbm>>
      tpu.enqueue_dma source(%dma_start3A_82 : memref<40000xf32, #tpu.memory_space<hbm>>) target(%arg5 : memref<40000xf32, #tpu.memory_space<vmem>>) target_semaphore(%arg9 : memref<!tpu.dma_semaphore, #tpu.memory_space<semaphore_mem>>)
    } else {
    }
    %lt3A_23 = arith.constant 100 : i32
    %lt3A_24 = arith.cmpi slt, %add3A_10, %lt3A_23 : i32
    %convert_element_type3A_25 = arith.extui %lt3A_24 : i1 to i32
    %cond3A_26 = arith.constant 0 : i32
    %cond3A_27 = arith.cmpi ne, %convert_element_type3A_25, %cond3A_26 : i32
    scf.if %cond3A_27 {
      %parallel_loop3A = arith.constant 0 : i32
      %parallel_loop3A_78 = arith.constant 256 : i32
      %parallel_loop3A_79 = arith.constant 1 : i32
      scf.for %parallel_loop3A_118 = %parallel_loop3A to %parallel_loop3A_78 step %parallel_loop3A_79  : i32 {
        %parallel_loop3A_119 = arith.constant 0 : i32
        %parallel_loop3A_120 = vector.broadcast %parallel_loop3A_119 : i32 to vector<16xi32>
        %parallel_loop3A_121 = arith.constant 16 : i32
        %parallel_loop3A_122 = arith.muli %parallel_loop3A_118, %parallel_loop3A_121 : i32
        %parallel_loop3A_123 = arith.index_cast %parallel_loop3A_122 : i32 to index
        %parallel_loop3A_124 = tpu.vector_load %arg6[%parallel_loop3A_123] {strides = array<i32>} : memref<4096xi32, #tpu.memory_space<vmem>>, vector<16xi32>,
        tpu.vector_store %arg6[%parallel_loop3A_123], %parallel_loop3A_120 {strides = array<i32>} : memref<4096xi32, #tpu.memory_space<vmem>>, vector<16xi32>,
      } {sc.loop_unroll_factor = 8 : i64, sc.parallel_access}
      %parallel_loop3A_80 = arith.constant 0 : i32
      %parallel_loop3A_81 = arith.constant 2500 : i32
      %parallel_loop3A_82 = arith.constant 1 : i32
      scf.for %parallel_loop3A_118 = %parallel_loop3A_80 to %parallel_loop3A_81 step %parallel_loop3A_82  : i32 {
        %parallel_loop3A_119 = arith.constant 16 : i32
        %parallel_loop3A_120 = arith.muli %parallel_loop3A_118, %parallel_loop3A_119 : i32
        %parallel_loop3A_121 = arith.index_cast %parallel_loop3A_120 : i32 to index
        %parallel_loop3A_122 = tpu.vector_load %arg4[%parallel_loop3A_121] {strides = array<i32>} : memref<40000xf32, #tpu.memory_space<vmem>>, vector<16xf32>,
        %parallel_loop3A_123 = math.absf %parallel_loop3A_122 : vector<16xf32>
        %parallel_loop3A_124 = tpu.bitcast %parallel_loop3A_123 : vector<16xf32> -> vector<16xi32>
        %parallel_loop3A_125 = arith.constant 23 : i32
        %parallel_loop3A_126 = vector.broadcast %parallel_loop3A_125 : i32 to vector<16xi32>
        %parallel_loop3A_127 = arith.shrui %parallel_loop3A_124, %parallel_loop3A_126 : vector<16xi32>
        %parallel_loop3A_128 = arith.constant 255 : i32
        %parallel_loop3A_129 = vector.broadcast %parallel_loop3A_128 : i32 to vector<16xi32>
        %parallel_loop3A_130 = arith.andi %parallel_loop3A_127, %parallel_loop3A_129 : vector<16xi32>
        %parallel_loop3A_131 = arith.addi %parallel_loop3A_130, %mul3A_3 : vector<16xi32>
        tpu.vector_store_idx %arg6[%parallel_loop3A_131], %broadcast_in_dim3A_4 {add = true} : memref<4096xi32, #tpu.memory_space<vmem>>[vector<16xi32>], vector<16xi32>,
      } {sc.loop_unroll_factor = 16 : i64, sc.parallel_access}
      %scan3A = arith.constant 28000 : i32
      %scan3A_83 = arith.constant 0 : i32
      %scan3A_84 = arith.constant 0 : i32
      %scan3A_85 = arith.constant 0 : i32
      %scan3A_86 = arith.constant 0 : i32
      %scan3A_87 = arith.constant 16 : i32
      %scan3A_88 = arith.addi %scan3A_86, %scan3A_87 : i32
      %scan3A_89 = arith.constant 1 : i32
      %scan3A_90:3 = scf.for %scan3A_118 = %scan3A_86 to %scan3A_88 step %scan3A_89 iter_args(%scan3A_119 = %scan3A_83, %scan3A_120 = %scan3A_84, %scan3A_121 = %scan3A_85) -> (i32, i32, i32)  : i32 {
        %broadcast_in_dim3A_122 = arith.constant 0 : i32
        %broadcast_in_dim3A_123 = vector.broadcast %broadcast_in_dim3A_122 : i32 to vector<16xi32>
        %scan3A_124 = arith.constant 0 : i32
        %scan3A_125 = arith.constant 16 : i32
        %scan3A_126 = arith.addi %scan3A_124, %scan3A_125 : i32
        %scan3A_127 = arith.constant 1 : i32
        %scan3A_128 = scf.for %scan3A_160 = %scan3A_124 to %scan3A_126 step %scan3A_127 iter_args(%scan3A_161 = %broadcast_in_dim3A_123) -> (vector<16xi32>)  : i32 {
          %mul3A_162 = arith.constant 256 : i32
          %mul3A_163 = arith.muli %scan3A_160, %mul3A_162 : i32
          %mul3A_164 = arith.constant 16 : i32
          %mul3A_165 = arith.muli %scan3A_118, %mul3A_164 : i32
          %add3A_166 = arith.addi %mul3A_163, %mul3A_165 : i32
          %get3A = arith.index_cast %add3A_166 : i32 to index
          %get3A_167 = tpu.vector_load %arg6[%get3A] {strides = array<i32>} : memref<4096xi32, #tpu.memory_space<vmem>>, vector<16xi32>,
          %add3A_168 = arith.addi %scan3A_161, %get3A_167 : vector<16xi32>
          scf.yield %add3A_168 : vector<16xi32>
        }
        %scan3A_129 = arith.constant 16 : i32
        %broadcast_in_dim3A_130 = arith.constant true
        %broadcast_in_dim3A_131 = vector.broadcast %broadcast_in_dim3A_130 : i1 to vector<16xi1>
        %masked_cumsum3A = tpu.scan <sum>, %scan3A_128 masked %broadcast_in_dim3A_131 : vector<16xi32>, vector<16xi1> -> vector<16xi32>
        %reduce_sum3A = arith.constant true
        %reduce_sum3A_132 = vector.broadcast %reduce_sum3A : i1 to vector<16xi1>
        %reduce_sum3A_133 = tpu.scan <sum>, %scan3A_128 masked %reduce_sum3A_132 : vector<16xi32>, vector<16xi1> -> vector<16xi32>
        %reduce_sum3A_134 = vector.extract %reduce_sum3A_133[15] : i32 from vector<16xi32>
        %le3A = arith.cmpi sle, %scan3A_119, %scan3A : i32
        %add3A_135 = arith.addi %scan3A_119, %reduce_sum3A_134 : i32
        %gt3A = arith.cmpi sgt, %add3A_135, %scan3A : i32
        %and3A = arith.andi %le3A, %gt3A : i1
        %add3A_136 = vector.broadcast %scan3A_119 : i32 to vector<16xi32>
        %add3A_137 = arith.addi %add3A_136, %masked_cumsum3A : vector<16xi32>
        %le3A_138 = vector.broadcast %scan3A : i32 to vector<16xi32>
        %le3A_139 = arith.cmpi sle, %add3A_137, %le3A_138 : vector<16xi32>
        %convert_element_type3A_140 = arith.extui %le3A_139 : vector<16xi1> to vector<16xi32>
        %reduce_sum3A_141 = arith.constant true
        %reduce_sum3A_142 = vector.broadcast %reduce_sum3A_141 : i1 to vector<16xi1>
        %reduce_sum3A_143 = tpu.scan <sum>, %convert_element_type3A_140 masked %reduce_sum3A_142 : vector<16xi32>, vector<16xi1> -> vector<16xi32>
        %reduce_sum3A_144 = vector.extract %reduce_sum3A_143[15] : i32 from vector<16xi32>
        %jit3A = arith.constant 0 : i32
        %broadcast_in_dim3A_145 = vector.broadcast %jit3A : i32 to vector<16xi32>
        %select_n3A = arith.select %le3A_139, %masked_cumsum3A, %broadcast_in_dim3A_145 : vector<16xi1>, vector<16xi32>
        %reduce_max3A = arith.constant true
        %reduce_max3A_146 = vector.broadcast %reduce_max3A : i1 to vector<16xi1>
        %reduce_max3A_147 = arith.constant -2147483648 : i32
        %reduce_max3A_148 = vector.broadcast %reduce_max3A_147 : i32 to vector<16xi32>
        %reduce_max3A_149 = arith.xori %select_n3A, %reduce_max3A_148 : vector<16xi32>
        %reduce_max3A_150 = tpu.scan <max>, %reduce_max3A_149 masked %reduce_max3A_146 : vector<16xi32>, vector<16xi1> -> vector<16xi32>
        %reduce_max3A_151 = arith.xori %reduce_max3A_150, %reduce_max3A_148 : vector<16xi32>
        %reduce_max3A_152 = vector.extract %reduce_max3A_151[15] : i32 from vector<16xi32>
        %add3A_153 = arith.addi %scan3A_119, %reduce_max3A_152 : i32
        %mul3A_154 = arith.constant 16 : i32
        %mul3A_155 = arith.muli %scan3A_118, %mul3A_154 : i32
        %add3A_156 = arith.addi %mul3A_155, %reduce_sum3A_144 : i32
        %select_n3A_157 = arith.select %and3A, %add3A_156, %scan3A_120 : i32
        %select_n3A_158 = arith.select %and3A, %add3A_153, %scan3A_121 : i32
        %add3A_159 = arith.addi %scan3A_119, %reduce_sum3A_134 : i32
        scf.yield %add3A_159, %select_n3A_157, %select_n3A_158 : i32, i32, i32
      }
      %scan3A_91 = arith.constant 16 : i32
      %shift_left3A = arith.constant 0 : i32
      %shift_left3A_92 = arith.constant 8 : i32
      %shift_left3A_93 = arith.shli %shift_left3A, %shift_left3A_92 : i32
      %or3A = arith.ori %shift_left3A_93, %scan3A_90#1 : i32
      %sub3A = arith.constant 28000 : i32
      %sub3A_94 = arith.subi %sub3A, %scan3A_90#2 : i32
      %parallel_loop3A_95 = arith.constant 0 : i32
      %parallel_loop3A_96 = arith.constant 256 : i32
      %parallel_loop3A_97 = arith.constant 1 : i32
      scf.for %parallel_loop3A_118 = %parallel_loop3A_95 to %parallel_loop3A_96 step %parallel_loop3A_97  : i32 {
        %parallel_loop3A_119 = arith.constant 0 : i32
        %parallel_loop3A_120 = vector.broadcast %parallel_loop3A_119 : i32 to vector<16xi32>
        %parallel_loop3A_121 = arith.constant 16 : i32
        %parallel_loop3A_122 = arith.muli %parallel_loop3A_118, %parallel_loop3A_121 : i32
        %parallel_loop3A_123 = arith.index_cast %parallel_loop3A_122 : i32 to index
        %parallel_loop3A_124 = tpu.vector_load %arg6[%parallel_loop3A_123] {strides = array<i32>} : memref<4096xi32, #tpu.memory_space<vmem>>, vector<16xi32>,
        tpu.vector_store %arg6[%parallel_loop3A_123], %parallel_loop3A_120 {strides = array<i32>} : memref<4096xi32, #tpu.memory_space<vmem>>, vector<16xi32>,
      } {sc.loop_unroll_factor = 8 : i64, sc.parallel_access}
      %parallel_loop3A_98 = arith.constant 0 : i32
      %parallel_loop3A_99 = arith.constant 2500 : i32
      %parallel_loop3A_100 = arith.constant 1 : i32
      scf.for %parallel_loop3A_118 = %parallel_loop3A_98 to %parallel_loop3A_99 step %parallel_loop3A_100  : i32 {
        %parallel_loop3A_119 = arith.constant 16 : i32
        %parallel_loop3A_120 = arith.muli %parallel_loop3A_118, %parallel_loop3A_119 : i32
        %parallel_loop3A_121 = arith.index_cast %parallel_loop3A_120 : i32 to index
        %parallel_loop3A_122 = tpu.vector_load %arg4[%parallel_loop3A_121] {strides = array<i32>} : memref<40000xf32, #tpu.memory_space<vmem>>, vector<16xf32>,
        %parallel_loop3A_123 = math.absf %parallel_loop3A_122 : vector<16xf32>
        %parallel_loop3A_124 = tpu.bitcast %parallel_loop3A_123 : vector<16xf32> -> vector<16xi32>
        %parallel_loop3A_125 = arith.constant 15 : i32
        %parallel_loop3A_126 = vector.broadcast %parallel_loop3A_125 : i32 to vector<16xi32>
        %parallel_loop3A_127 = arith.shrui %parallel_loop3A_124, %parallel_loop3A_126 : vector<16xi32>
        %parallel_loop3A_128 = arith.constant 255 : i32
        %parallel_loop3A_129 = vector.broadcast %parallel_loop3A_128 : i32 to vector<16xi32>
        %parallel_loop3A_130 = arith.andi %parallel_loop3A_127, %parallel_loop3A_129 : vector<16xi32>
        %parallel_loop3A_131 = arith.addi %parallel_loop3A_130, %mul3A_3 : vector<16xi32>
        %parallel_loop3A_132 = arith.constant 23 : i32
        %parallel_loop3A_133 = vector.broadcast %parallel_loop3A_132 : i32 to vector<16xi32>
        %parallel_loop3A_134 = arith.shrui %parallel_loop3A_124, %parallel_loop3A_133 : vector<16xi32>
        %parallel_loop3A_135 = vector.broadcast %or3A : i32 to vector<16xi32>
        %parallel_loop3A_136 = arith.cmpi eq, %parallel_loop3A_134, %parallel_loop3A_135 : vector<16xi32>
        tpu.vector_store_idx %arg6[%parallel_loop3A_131], %broadcast_in_dim3A_4 masked %parallel_loop3A_136 {add = true} : memref<4096xi32, #tpu.memory_space<vmem>>[vector<16xi32>], vector<16xi32>, vector<16xi1>
      } {sc.loop_unroll_factor = 16 : i64, sc.parallel_access}
      %scan3A_101 = arith.constant 0 : i32
      %scan3A_102 = arith.constant 0 : i32
      %scan3A_103 = arith.constant 0 : i32
      %scan3A_104 = arith.constant 0 : i32
      %scan3A_105 = arith.constant 16 : i32
      %scan3A_106 = arith.addi %scan3A_104, %scan3A_105 : i32
      %scan3A_107 = arith.constant 1 : i32
      %scan3A_108:3 = scf.for %scan3A_118 = %scan3A_104 to %scan3A_106 step %scan3A_107 iter_args(%scan3A_119 = %scan3A_101, %scan3A_120 = %scan3A_102, %scan3A_121 = %scan3A_103) -> (i32, i32, i32)  : i32 {
        %broadcast_in_dim3A_122 = arith.constant 0 : i32
        %broadcast_in_dim3A_123 = vector.broadcast %broadcast_in_dim3A_122 : i32 to vector<16xi32>
        %scan3A_124 = arith.constant 0 : i32
        %scan3A_125 = arith.constant 16 : i32
        %scan3A_126 = arith.addi %scan3A_124, %scan3A_125 : i32
        %scan3A_127 = arith.constant 1 : i32
        %scan3A_128 = scf.for %scan3A_160 = %scan3A_124 to %scan3A_126 step %scan3A_127 iter_args(%scan3A_161 = %broadcast_in_dim3A_123) -> (vector<16xi32>)  : i32 {
          %mul3A_162 = arith.constant 256 : i32
          %mul3A_163 = arith.muli %scan3A_160, %mul3A_162 : i32
          %mul3A_164 = arith.constant 16 : i32
          %mul3A_165 = arith.muli %scan3A_118, %mul3A_164 : i32
          %add3A_166 = arith.addi %mul3A_163, %mul3A_165 : i32
          %get3A = arith.index_cast %add3A_166 : i32 to index
          %get3A_167 = tpu.vector_load %arg6[%get3A] {strides = array<i32>} : memref<4096xi32, #tpu.memory_space<vmem>>, vector<16xi32>,
          %add3A_168 = arith.addi %scan3A_161, %get3A_167 : vector<16xi32>
          scf.yield %add3A_168 : vector<16xi32>
        }
        %scan3A_129 = arith.constant 16 : i32
        %broadcast_in_dim3A_130 = arith.constant true
        %broadcast_in_dim3A_131 = vector.broadcast %broadcast_in_dim3A_130 : i1 to vector<16xi1>
        %masked_cumsum3A = tpu.scan <sum>, %scan3A_128 masked %broadcast_in_dim3A_131 : vector<16xi32>, vector<16xi1> -> vector<16xi32>
        %reduce_sum3A = arith.constant true
        %reduce_sum3A_132 = vector.broadcast %reduce_sum3A : i1 to vector<16xi1>
        %reduce_sum3A_133 = tpu.scan <sum>, %scan3A_128 masked %reduce_sum3A_132 : vector<16xi32>, vector<16xi1> -> vector<16xi32>
        %reduce_sum3A_134 = vector.extract %reduce_sum3A_133[15] : i32 from vector<16xi32>
        %le3A = arith.cmpi sle, %scan3A_119, %sub3A_94 : i32
        %add3A_135 = arith.addi %scan3A_119, %reduce_sum3A_134 : i32
        %gt3A = arith.cmpi sgt, %add3A_135, %sub3A_94 : i32
        %and3A = arith.andi %le3A, %gt3A : i1
        %add3A_136 = vector.broadcast %scan3A_119 : i32 to vector<16xi32>
        %add3A_137 = arith.addi %add3A_136, %masked_cumsum3A : vector<16xi32>
        %le3A_138 = vector.broadcast %sub3A_94 : i32 to vector<16xi32>
        %le3A_139 = arith.cmpi sle, %add3A_137, %le3A_138 : vector<16xi32>
        %convert_element_type3A_140 = arith.extui %le3A_139 : vector<16xi1> to vector<16xi32>
        %reduce_sum3A_141 = arith.constant true
        %reduce_sum3A_142 = vector.broadcast %reduce_sum3A_141 : i1 to vector<16xi1>
        %reduce_sum3A_143 = tpu.scan <sum>, %convert_element_type3A_140 masked %reduce_sum3A_142 : vector<16xi32>, vector<16xi1> -> vector<16xi32>
        %reduce_sum3A_144 = vector.extract %reduce_sum3A_143[15] : i32 from vector<16xi32>
        %jit3A = arith.constant 0 : i32
        %broadcast_in_dim3A_145 = vector.broadcast %jit3A : i32 to vector<16xi32>
        %select_n3A = arith.select %le3A_139, %masked_cumsum3A, %broadcast_in_dim3A_145 : vector<16xi1>, vector<16xi32>
        %reduce_max3A = arith.constant true
        %reduce_max3A_146 = vector.broadcast %reduce_max3A : i1 to vector<16xi1>
        %reduce_max3A_147 = arith.constant -2147483648 : i32
        %reduce_max3A_148 = vector.broadcast %reduce_max3A_147 : i32 to vector<16xi32>
        %reduce_max3A_149 = arith.xori %select_n3A, %reduce_max3A_148 : vector<16xi32>
        %reduce_max3A_150 = tpu.scan <max>, %reduce_max3A_149 masked %reduce_max3A_146 : vector<16xi32>, vector<16xi1> -> vector<16xi32>
        %reduce_max3A_151 = arith.xori %reduce_max3A_150, %reduce_max3A_148 : vector<16xi32>
        %reduce_max3A_152 = vector.extract %reduce_max3A_151[15] : i32 from vector<16xi32>
        %add3A_153 = arith.addi %scan3A_119, %reduce_max3A_152 : i32
        %mul3A_154 = arith.constant 16 : i32
        %mul3A_155 = arith.muli %scan3A_118, %mul3A_154 : i32
        %add3A_156 = arith.addi %mul3A_155, %reduce_sum3A_144 : i32
        %select_n3A_157 = arith.select %and3A, %add3A_156, %scan3A_120 : i32
        %select_n3A_158 = arith.select %and3A, %add3A_153, %scan3A_121 : i32
        %add3A_159 = arith.addi %scan3A_119, %reduce_sum3A_134 : i32
        scf.yield %add3A_159, %select_n3A_157, %select_n3A_158 : i32, i32, i32
      }
      %scan3A_109 = arith.constant 16 : i32
      %shift_left3A_110 = arith.constant 8 : i32
      %shift_left3A_111 = arith.shli %or3A, %shift_left3A_110 : i32
      %or3A_112 = arith.ori %shift_left3A_111, %scan3A_108#1 : i32
      %sub3A_113 = arith.subi %sub3A_94, %scan3A_108#2 : i32
      %shift_left3A_114 = arith.constant 15 : i32
      %shift_left3A_115 = arith.shli %or3A_112, %shift_left3A_114 : i32
      %broadcast_in_dim3A_116 = vector.broadcast %shift_left3A_115 : i32 to vector<16xi32>
      %bitcast_convert_type3A = tpu.bitcast %broadcast_in_dim3A_116 : vector<16xi32> -> vector<16xf32>
      %swap3A = arith.constant 0 : index
      %swap3A_117 = tpu.vector_load %arg7[%swap3A] {strides = array<i32>} : memref<16xf32, #tpu.memory_space<vmem>>, vector<16xf32>,
      tpu.vector_store %arg7[%swap3A], %bitcast_convert_type3A {strides = array<i32>} : memref<16xf32, #tpu.memory_space<vmem>>, vector<16xf32>,
      "tpu.region"() ({
        %run_scoped3A = tpu.sem_alloc : memref<!tpu.dma_semaphore, #tpu.memory_space<semaphore_mem>>
        %dma_start3A = arith.constant 0 : i32
        %dma_start3A_118 = tpu.memref_slice %arg3[%add3A_10, %dma_start3A] : memref<100x16xf32, #tpu.memory_space<hbm>> -> memref<1x16xf32, #tpu.memory_space<hbm>>
        %dma_start3A_119 = tpu.memref_squeeze %dma_start3A_118 : memref<1x16xf32, #tpu.memory_space<hbm>> -> memref<16xf32, #tpu.memory_space<hbm>>
        %dma_start3A_120 = arith.constant 0 : i32
        %dma_start3A_121 = tpu.memref_slice %arg3[%add3A_10, %dma_start3A_120] : memref<100x16xf32, #tpu.memory_space<hbm>> -> memref<1x16xf32, #tpu.memory_space<hbm>>
        %dma_start3A_122 = tpu.memref_squeeze %dma_start3A_121 : memref<1x16xf32, #tpu.memory_space<hbm>> -> memref<16xf32, #tpu.memory_space<hbm>>
        tpu.enqueue_dma source(%arg7 : memref<16xf32, #tpu.memory_space<vmem>>) target(%dma_start3A_122 : memref<16xf32, #tpu.memory_space<hbm>>) target_semaphore(%run_scoped3A : memref<!tpu.dma_semaphore, #tpu.memory_space<semaphore_mem>>)
        %dma_wait3A = arith.constant 0 : i32
        %dma_wait3A_123 = tpu.memref_slice %arg3[%add3A_10, %dma_wait3A] : memref<100x16xf32, #tpu.memory_space<hbm>> -> memref<1x16xf32, #tpu.memory_space<hbm>>
        %dma_wait3A_124 = tpu.memref_squeeze %dma_wait3A_123 : memref<1x16xf32, #tpu.memory_space<hbm>> -> memref<16xf32, #tpu.memory_space<hbm>>
        %dma_wait3A_125 = arith.constant 0 : i32
        %dma_wait3A_126 = tpu.memref_slice %arg3[%add3A_10, %dma_wait3A_125] : memref<100x16xf32, #tpu.memory_space<hbm>> -> memref<1x16xf32, #tpu.memory_space<hbm>>
        %dma_wait3A_127 = tpu.memref_squeeze %dma_wait3A_126 : memref<1x16xf32, #tpu.memory_space<hbm>> -> memref<16xf32, #tpu.memory_space<hbm>>
        tpu.wait_dma2 semaphore(%run_scoped3A : memref<!tpu.dma_semaphore, #tpu.memory_space<semaphore_mem>>) src(%arg7 : memref<16xf32, #tpu.memory_space<vmem>>) dst(%dma_wait3A_127 : memref<16xf32, #tpu.memory_space<hbm>>)
        tpu.yield
      }) : () -> ()
    } else {
    }
    %add3A_28 = arith.constant 32 : i32
    %add3A_29 = arith.addi %add3A_28, %add3A : i32
    %lt3A_30 = arith.constant 100 : i32
    %lt3A_31 = arith.cmpi slt, %add3A_29, %lt3A_30 : i32
    %convert_element_type3A_32 = arith.extui %lt3A_31 : i1 to i32
    %cond3A_33 = arith.constant 0 : i32
    %cond3A_34 = arith.cmpi ne, %convert_element_type3A_32, %cond3A_33 : i32
    scf.if %cond3A_34 {
      %dma_wait3A = arith.constant 0 : i32
      %dma_wait3A_78 = tpu.memref_slice %arg2[%add3A_29, %dma_wait3A] : memref<100x40000xf32, #tpu.memory_space<hbm>> -> memref<1x40000xf32, #tpu.memory_space<hbm>>
      %dma_wait3A_79 = tpu.memref_squeeze %dma_wait3A_78 : memref<1x40000xf32, #tpu.memory_space<hbm>> -> memref<40000xf32, #tpu.memory_space<hbm>>
      %dma_wait3A_80 = arith.constant 0 : i32
      %dma_wait3A_81 = tpu.memref_slice %arg2[%add3A_29, %dma_wait3A_80] : memref<100x40000xf32, #tpu.memory_space<hbm>> -> memref<1x40000xf32, #tpu.memory_space<hbm>>
      %dma_wait3A_82 = tpu.memref_squeeze %dma_wait3A_81 : memref<1x40000xf32, #tpu.memory_space<hbm>> -> memref<40000xf32, #tpu.memory_space<hbm>>
      tpu.wait_dma2 semaphore(%arg9 : memref<!tpu.dma_semaphore, #tpu.memory_space<semaphore_mem>>) src(%dma_wait3A_82 : memref<40000xf32, #tpu.memory_space<hbm>>) dst(%arg5 : memref<40000xf32, #tpu.memory_space<vmem>>)
    } else {
    }
    %add3A_35 = arith.constant 64 : i32
    %add3A_36 = arith.addi %add3A_35, %add3A : i32
    %lt3A_37 = arith.constant 100 : i32
    %lt3A_38 = arith.cmpi slt, %add3A_36, %lt3A_37 : i32
    %convert_element_type3A_39 = arith.extui %lt3A_38 : i1 to i32
    %cond3A_40 = arith.constant 0 : i32
    %cond3A_41 = arith.cmpi ne, %convert_element_type3A_39, %cond3A_40 : i32
    scf.if %cond3A_41 {
      %dma_start3A = arith.constant 0 : i32
      %dma_start3A_78 = tpu.memref_slice %arg2[%add3A_36, %dma_start3A] : memref<100x40000xf32, #tpu.memory_space<hbm>> -> memref<1x40000xf32, #tpu.memory_space<hbm>>
      %dma_start3A_79 = tpu.memref_squeeze %dma_start3A_78 : memref<1x40000xf32, #tpu.memory_space<hbm>> -> memref<40000xf32, #tpu.memory_space<hbm>>
      %dma_start3A_80 = arith.constant 0 : i32
      %dma_start3A_81 = tpu.memref_slice %arg2[%add3A_36, %dma_start3A_80] : memref<100x40000xf32, #tpu.memory_space<hbm>> -> memref<1x40000xf32, #tpu.memory_space<hbm>>
      %dma_start3A_82 = tpu.memref_squeeze %dma_start3A_81 : memref<1x40000xf32, #tpu.memory_space<hbm>> -> memref<40000xf32, #tpu.memory_space<hbm>>
      tpu.enqueue_dma source(%dma_start3A_82 : memref<40000xf32, #tpu.memory_space<hbm>>) target(%arg4 : memref<40000xf32, #tpu.memory_space<vmem>>) target_semaphore(%arg8 : memref<!tpu.dma_semaphore, #tpu.memory_space<semaphore_mem>>)
    } else {
    }
    %lt3A_42 = arith.constant 100 : i32
    %lt3A_43 = arith.cmpi slt, %add3A_29, %lt3A_42 : i32
    %convert_element_type3A_44 = arith.extui %lt3A_43 : i1 to i32
    %cond3A_45 = arith.constant 0 : i32
    %cond3A_46 = arith.cmpi ne, %convert_element_type3A_44, %cond3A_45 : i32
    scf.if %cond3A_46 {
      %parallel_loop3A = arith.constant 0 : i32
      %parallel_loop3A_78 = arith.constant 256 : i32
      %parallel_loop3A_79 = arith.constant 1 : i32
      scf.for %parallel_loop3A_118 = %parallel_loop3A to %parallel_loop3A_78 step %parallel_loop3A_79  : i32 {
        %parallel_loop3A_119 = arith.constant 0 : i32
        %parallel_loop3A_120 = vector.broadcast %parallel_loop3A_119 : i32 to vector<16xi32>
        %parallel_loop3A_121 = arith.constant 16 : i32
        %parallel_loop3A_122 = arith.muli %parallel_loop3A_118, %parallel_loop3A_121 : i32
        %parallel_loop3A_123 = arith.index_cast %parallel_loop3A_122 : i32 to index
        %parallel_loop3A_124 = tpu.vector_load %arg6[%parallel_loop3A_123] {strides = array<i32>} : memref<4096xi32, #tpu.memory_space<vmem>>, vector<16xi32>,
        tpu.vector_store %arg6[%parallel_loop3A_123], %parallel_loop3A_120 {strides = array<i32>} : memref<4096xi32, #tpu.memory_space<vmem>>, vector<16xi32>,
      } {sc.loop_unroll_factor = 8 : i64, sc.parallel_access}
      %parallel_loop3A_80 = arith.constant 0 : i32
      %parallel_loop3A_81 = arith.constant 2500 : i32
      %parallel_loop3A_82 = arith.constant 1 : i32
      scf.for %parallel_loop3A_118 = %parallel_loop3A_80 to %parallel_loop3A_81 step %parallel_loop3A_82  : i32 {
        %parallel_loop3A_119 = arith.constant 16 : i32
        %parallel_loop3A_120 = arith.muli %parallel_loop3A_118, %parallel_loop3A_119 : i32
        %parallel_loop3A_121 = arith.index_cast %parallel_loop3A_120 : i32 to index
        %parallel_loop3A_122 = tpu.vector_load %arg5[%parallel_loop3A_121] {strides = array<i32>} : memref<40000xf32, #tpu.memory_space<vmem>>, vector<16xf32>,
        %parallel_loop3A_123 = math.absf %parallel_loop3A_122 : vector<16xf32>
        %parallel_loop3A_124 = tpu.bitcast %parallel_loop3A_123 : vector<16xf32> -> vector<16xi32>
        %parallel_loop3A_125 = arith.constant 23 : i32
        %parallel_loop3A_126 = vector.broadcast %parallel_loop3A_125 : i32 to vector<16xi32>
        %parallel_loop3A_127 = arith.shrui %parallel_loop3A_124, %parallel_loop3A_126 : vector<16xi32>
        %parallel_loop3A_128 = arith.constant 255 : i32
        %parallel_loop3A_129 = vector.broadcast %parallel_loop3A_128 : i32 to vector<16xi32>
        %parallel_loop3A_130 = arith.andi %parallel_loop3A_127, %parallel_loop3A_129 : vector<16xi32>
        %parallel_loop3A_131 = arith.addi %parallel_loop3A_130, %mul3A_3 : vector<16xi32>
        tpu.vector_store_idx %arg6[%parallel_loop3A_131], %broadcast_in_dim3A_4 {add = true} : memref<4096xi32, #tpu.memory_space<vmem>>[vector<16xi32>], vector<16xi32>,
      } {sc.loop_unroll_factor = 16 : i64, sc.parallel_access}
      %scan3A = arith.constant 28000 : i32
      %scan3A_83 = arith.constant 0 : i32
      %scan3A_84 = arith.constant 0 : i32
      %scan3A_85 = arith.constant 0 : i32
      %scan3A_86 = arith.constant 0 : i32
      %scan3A_87 = arith.constant 16 : i32
      %scan3A_88 = arith.addi %scan3A_86, %scan3A_87 : i32
      %scan3A_89 = arith.constant 1 : i32
      %scan3A_90:3 = scf.for %scan3A_118 = %scan3A_86 to %scan3A_88 step %scan3A_89 iter_args(%scan3A_119 = %scan3A_83, %scan3A_120 = %scan3A_84, %scan3A_121 = %scan3A_85) -> (i32, i32, i32)  : i32 {
        %broadcast_in_dim3A_122 = arith.constant 0 : i32
        %broadcast_in_dim3A_123 = vector.broadcast %broadcast_in_dim3A_122 : i32 to vector<16xi32>
        %scan3A_124 = arith.constant 0 : i32
        %scan3A_125 = arith.constant 16 : i32
        %scan3A_126 = arith.addi %scan3A_124, %scan3A_125 : i32
        %scan3A_127 = arith.constant 1 : i32
        %scan3A_128 = scf.for %scan3A_160 = %scan3A_124 to %scan3A_126 step %scan3A_127 iter_args(%scan3A_161 = %broadcast_in_dim3A_123) -> (vector<16xi32>)  : i32 {
          %mul3A_162 = arith.constant 256 : i32
          %mul3A_163 = arith.muli %scan3A_160, %mul3A_162 : i32
          %mul3A_164 = arith.constant 16 : i32
          %mul3A_165 = arith.muli %scan3A_118, %mul3A_164 : i32
          %add3A_166 = arith.addi %mul3A_163, %mul3A_165 : i32
          %get3A = arith.index_cast %add3A_166 : i32 to index
          %get3A_167 = tpu.vector_load %arg6[%get3A] {strides = array<i32>} : memref<4096xi32, #tpu.memory_space<vmem>>, vector<16xi32>,
          %add3A_168 = arith.addi %scan3A_161, %get3A_167 : vector<16xi32>
          scf.yield %add3A_168 : vector<16xi32>
        }
        %scan3A_129 = arith.constant 16 : i32
        %broadcast_in_dim3A_130 = arith.constant true
        %broadcast_in_dim3A_131 = vector.broadcast %broadcast_in_dim3A_130 : i1 to vector<16xi1>
        %masked_cumsum3A = tpu.scan <sum>, %scan3A_128 masked %broadcast_in_dim3A_131 : vector<16xi32>, vector<16xi1> -> vector<16xi32>
        %reduce_sum3A = arith.constant true
        %reduce_sum3A_132 = vector.broadcast %reduce_sum3A : i1 to vector<16xi1>
        %reduce_sum3A_133 = tpu.scan <sum>, %scan3A_128 masked %reduce_sum3A_132 : vector<16xi32>, vector<16xi1> -> vector<16xi32>
        %reduce_sum3A_134 = vector.extract %reduce_sum3A_133[15] : i32 from vector<16xi32>
        %le3A = arith.cmpi sle, %scan3A_119, %scan3A : i32
        %add3A_135 = arith.addi %scan3A_119, %reduce_sum3A_134 : i32
        %gt3A = arith.cmpi sgt, %add3A_135, %scan3A : i32
        %and3A = arith.andi %le3A, %gt3A : i1
        %add3A_136 = vector.broadcast %scan3A_119 : i32 to vector<16xi32>
        %add3A_137 = arith.addi %add3A_136, %masked_cumsum3A : vector<16xi32>
        %le3A_138 = vector.broadcast %scan3A : i32 to vector<16xi32>
        %le3A_139 = arith.cmpi sle, %add3A_137, %le3A_138 : vector<16xi32>
        %convert_element_type3A_140 = arith.extui %le3A_139 : vector<16xi1> to vector<16xi32>
        %reduce_sum3A_141 = arith.constant true
        %reduce_sum3A_142 = vector.broadcast %reduce_sum3A_141 : i1 to vector<16xi1>
        %reduce_sum3A_143 = tpu.scan <sum>, %convert_element_type3A_140 masked %reduce_sum3A_142 : vector<16xi32>, vector<16xi1> -> vector<16xi32>
        %reduce_sum3A_144 = vector.extract %reduce_sum3A_143[15] : i32 from vector<16xi32>
        %jit3A = arith.constant 0 : i32
        %broadcast_in_dim3A_145 = vector.broadcast %jit3A : i32 to vector<16xi32>
        %select_n3A = arith.select %le3A_139, %masked_cumsum3A, %broadcast_in_dim3A_145 : vector<16xi1>, vector<16xi32>
        %reduce_max3A = arith.constant true
        %reduce_max3A_146 = vector.broadcast %reduce_max3A : i1 to vector<16xi1>
        %reduce_max3A_147 = arith.constant -2147483648 : i32
        %reduce_max3A_148 = vector.broadcast %reduce_max3A_147 : i32 to vector<16xi32>
        %reduce_max3A_149 = arith.xori %select_n3A, %reduce_max3A_148 : vector<16xi32>
        %reduce_max3A_150 = tpu.scan <max>, %reduce_max3A_149 masked %reduce_max3A_146 : vector<16xi32>, vector<16xi1> -> vector<16xi32>
        %reduce_max3A_151 = arith.xori %reduce_max3A_150, %reduce_max3A_148 : vector<16xi32>
        %reduce_max3A_152 = vector.extract %reduce_max3A_151[15] : i32 from vector<16xi32>
        %add3A_153 = arith.addi %scan3A_119, %reduce_max3A_152 : i32
        %mul3A_154 = arith.constant 16 : i32
        %mul3A_155 = arith.muli %scan3A_118, %mul3A_154 : i32
        %add3A_156 = arith.addi %mul3A_155, %reduce_sum3A_144 : i32
        %select_n3A_157 = arith.select %and3A, %add3A_156, %scan3A_120 : i32
        %select_n3A_158 = arith.select %and3A, %add3A_153, %scan3A_121 : i32
        %add3A_159 = arith.addi %scan3A_119, %reduce_sum3A_134 : i32
        scf.yield %add3A_159, %select_n3A_157, %select_n3A_158 : i32, i32, i32
      }
      %scan3A_91 = arith.constant 16 : i32
      %shift_left3A = arith.constant 0 : i32
      %shift_left3A_92 = arith.constant 8 : i32
      %shift_left3A_93 = arith.shli %shift_left3A, %shift_left3A_92 : i32
      %or3A = arith.ori %shift_left3A_93, %scan3A_90#1 : i32
      %sub3A = arith.constant 28000 : i32
      %sub3A_94 = arith.subi %sub3A, %scan3A_90#2 : i32
      %parallel_loop3A_95 = arith.constant 0 : i32
      %parallel_loop3A_96 = arith.constant 256 : i32
      %parallel_loop3A_97 = arith.constant 1 : i32
      scf.for %parallel_loop3A_118 = %parallel_loop3A_95 to %parallel_loop3A_96 step %parallel_loop3A_97  : i32 {
        %parallel_loop3A_119 = arith.constant 0 : i32
        %parallel_loop3A_120 = vector.broadcast %parallel_loop3A_119 : i32 to vector<16xi32>
        %parallel_loop3A_121 = arith.constant 16 : i32
        %parallel_loop3A_122 = arith.muli %parallel_loop3A_118, %parallel_loop3A_121 : i32
        %parallel_loop3A_123 = arith.index_cast %parallel_loop3A_122 : i32 to index
        %parallel_loop3A_124 = tpu.vector_load %arg6[%parallel_loop3A_123] {strides = array<i32>} : memref<4096xi32, #tpu.memory_space<vmem>>, vector<16xi32>,
        tpu.vector_store %arg6[%parallel_loop3A_123], %parallel_loop3A_120 {strides = array<i32>} : memref<4096xi32, #tpu.memory_space<vmem>>, vector<16xi32>,
      } {sc.loop_unroll_factor = 8 : i64, sc.parallel_access}
      %parallel_loop3A_98 = arith.constant 0 : i32
      %parallel_loop3A_99 = arith.constant 2500 : i32
      %parallel_loop3A_100 = arith.constant 1 : i32
      scf.for %parallel_loop3A_118 = %parallel_loop3A_98 to %parallel_loop3A_99 step %parallel_loop3A_100  : i32 {
        %parallel_loop3A_119 = arith.constant 16 : i32
        %parallel_loop3A_120 = arith.muli %parallel_loop3A_118, %parallel_loop3A_119 : i32
        %parallel_loop3A_121 = arith.index_cast %parallel_loop3A_120 : i32 to index
        %parallel_loop3A_122 = tpu.vector_load %arg5[%parallel_loop3A_121] {strides = array<i32>} : memref<40000xf32, #tpu.memory_space<vmem>>, vector<16xf32>,
        %parallel_loop3A_123 = math.absf %parallel_loop3A_122 : vector<16xf32>
        %parallel_loop3A_124 = tpu.bitcast %parallel_loop3A_123 : vector<16xf32> -> vector<16xi32>
        %parallel_loop3A_125 = arith.constant 15 : i32
        %parallel_loop3A_126 = vector.broadcast %parallel_loop3A_125 : i32 to vector<16xi32>
        %parallel_loop3A_127 = arith.shrui %parallel_loop3A_124, %parallel_loop3A_126 : vector<16xi32>
        %parallel_loop3A_128 = arith.constant 255 : i32
        %parallel_loop3A_129 = vector.broadcast %parallel_loop3A_128 : i32 to vector<16xi32>
        %parallel_loop3A_130 = arith.andi %parallel_loop3A_127, %parallel_loop3A_129 : vector<16xi32>
        %parallel_loop3A_131 = arith.addi %parallel_loop3A_130, %mul3A_3 : vector<16xi32>
        %parallel_loop3A_132 = arith.constant 23 : i32
        %parallel_loop3A_133 = vector.broadcast %parallel_loop3A_132 : i32 to vector<16xi32>
        %parallel_loop3A_134 = arith.shrui %parallel_loop3A_124, %parallel_loop3A_133 : vector<16xi32>
        %parallel_loop3A_135 = vector.broadcast %or3A : i32 to vector<16xi32>
        %parallel_loop3A_136 = arith.cmpi eq, %parallel_loop3A_134, %parallel_loop3A_135 : vector<16xi32>
        tpu.vector_store_idx %arg6[%parallel_loop3A_131], %broadcast_in_dim3A_4 masked %parallel_loop3A_136 {add = true} : memref<4096xi32, #tpu.memory_space<vmem>>[vector<16xi32>], vector<16xi32>, vector<16xi1>
      } {sc.loop_unroll_factor = 16 : i64, sc.parallel_access}
      %scan3A_101 = arith.constant 0 : i32
      %scan3A_102 = arith.constant 0 : i32
      %scan3A_103 = arith.constant 0 : i32
      %scan3A_104 = arith.constant 0 : i32
      %scan3A_105 = arith.constant 16 : i32
      %scan3A_106 = arith.addi %scan3A_104, %scan3A_105 : i32
      %scan3A_107 = arith.constant 1 : i32
      %scan3A_108:3 = scf.for %scan3A_118 = %scan3A_104 to %scan3A_106 step %scan3A_107 iter_args(%scan3A_119 = %scan3A_101, %scan3A_120 = %scan3A_102, %scan3A_121 = %scan3A_103) -> (i32, i32, i32)  : i32 {
        %broadcast_in_dim3A_122 = arith.constant 0 : i32
        %broadcast_in_dim3A_123 = vector.broadcast %broadcast_in_dim3A_122 : i32 to vector<16xi32>
        %scan3A_124 = arith.constant 0 : i32
        %scan3A_125 = arith.constant 16 : i32
        %scan3A_126 = arith.addi %scan3A_124, %scan3A_125 : i32
        %scan3A_127 = arith.constant 1 : i32
        %scan3A_128 = scf.for %scan3A_160 = %scan3A_124 to %scan3A_126 step %scan3A_127 iter_args(%scan3A_161 = %broadcast_in_dim3A_123) -> (vector<16xi32>)  : i32 {
          %mul3A_162 = arith.constant 256 : i32
          %mul3A_163 = arith.muli %scan3A_160, %mul3A_162 : i32
          %mul3A_164 = arith.constant 16 : i32
          %mul3A_165 = arith.muli %scan3A_118, %mul3A_164 : i32
          %add3A_166 = arith.addi %mul3A_163, %mul3A_165 : i32
          %get3A = arith.index_cast %add3A_166 : i32 to index
          %get3A_167 = tpu.vector_load %arg6[%get3A] {strides = array<i32>} : memref<4096xi32, #tpu.memory_space<vmem>>, vector<16xi32>,
          %add3A_168 = arith.addi %scan3A_161, %get3A_167 : vector<16xi32>
          scf.yield %add3A_168 : vector<16xi32>
        }
        %scan3A_129 = arith.constant 16 : i32
        %broadcast_in_dim3A_130 = arith.constant true
        %broadcast_in_dim3A_131 = vector.broadcast %broadcast_in_dim3A_130 : i1 to vector<16xi1>
        %masked_cumsum3A = tpu.scan <sum>, %scan3A_128 masked %broadcast_in_dim3A_131 : vector<16xi32>, vector<16xi1> -> vector<16xi32>
        %reduce_sum3A = arith.constant true
        %reduce_sum3A_132 = vector.broadcast %reduce_sum3A : i1 to vector<16xi1>
        %reduce_sum3A_133 = tpu.scan <sum>, %scan3A_128 masked %reduce_sum3A_132 : vector<16xi32>, vector<16xi1> -> vector<16xi32>
        %reduce_sum3A_134 = vector.extract %reduce_sum3A_133[15] : i32 from vector<16xi32>
        %le3A = arith.cmpi sle, %scan3A_119, %sub3A_94 : i32
        %add3A_135 = arith.addi %scan3A_119, %reduce_sum3A_134 : i32
        %gt3A = arith.cmpi sgt, %add3A_135, %sub3A_94 : i32
        %and3A = arith.andi %le3A, %gt3A : i1
        %add3A_136 = vector.broadcast %scan3A_119 : i32 to vector<16xi32>
        %add3A_137 = arith.addi %add3A_136, %masked_cumsum3A : vector<16xi32>
        %le3A_138 = vector.broadcast %sub3A_94 : i32 to vector<16xi32>
        %le3A_139 = arith.cmpi sle, %add3A_137, %le3A_138 : vector<16xi32>
        %convert_element_type3A_140 = arith.extui %le3A_139 : vector<16xi1> to vector<16xi32>
        %reduce_sum3A_141 = arith.constant true
        %reduce_sum3A_142 = vector.broadcast %reduce_sum3A_141 : i1 to vector<16xi1>
        %reduce_sum3A_143 = tpu.scan <sum>, %convert_element_type3A_140 masked %reduce_sum3A_142 : vector<16xi32>, vector<16xi1> -> vector<16xi32>
        %reduce_sum3A_144 = vector.extract %reduce_sum3A_143[15] : i32 from vector<16xi32>
        %jit3A = arith.constant 0 : i32
        %broadcast_in_dim3A_145 = vector.broadcast %jit3A : i32 to vector<16xi32>
        %select_n3A = arith.select %le3A_139, %masked_cumsum3A, %broadcast_in_dim3A_145 : vector<16xi1>, vector<16xi32>
        %reduce_max3A = arith.constant true
        %reduce_max3A_146 = vector.broadcast %reduce_max3A : i1 to vector<16xi1>
        %reduce_max3A_147 = arith.constant -2147483648 : i32
        %reduce_max3A_148 = vector.broadcast %reduce_max3A_147 : i32 to vector<16xi32>
        %reduce_max3A_149 = arith.xori %select_n3A, %reduce_max3A_148 : vector<16xi32>
        %reduce_max3A_150 = tpu.scan <max>, %reduce_max3A_149 masked %reduce_max3A_146 : vector<16xi32>, vector<16xi1> -> vector<16xi32>
        %reduce_max3A_151 = arith.xori %reduce_max3A_150, %reduce_max3A_148 : vector<16xi32>
        %reduce_max3A_152 = vector.extract %reduce_max3A_151[15] : i32 from vector<16xi32>
        %add3A_153 = arith.addi %scan3A_119, %reduce_max3A_152 : i32
        %mul3A_154 = arith.constant 16 : i32
        %mul3A_155 = arith.muli %scan3A_118, %mul3A_154 : i32
        %add3A_156 = arith.addi %mul3A_155, %reduce_sum3A_144 : i32
        %select_n3A_157 = arith.select %and3A, %add3A_156, %scan3A_120 : i32
        %select_n3A_158 = arith.select %and3A, %add3A_153, %scan3A_121 : i32
        %add3A_159 = arith.addi %scan3A_119, %reduce_sum3A_134 : i32
        scf.yield %add3A_159, %select_n3A_157, %select_n3A_158 : i32, i32, i32
      }
      %scan3A_109 = arith.constant 16 : i32
      %shift_left3A_110 = arith.constant 8 : i32
      %shift_left3A_111 = arith.shli %or3A, %shift_left3A_110 : i32
      %or3A_112 = arith.ori %shift_left3A_111, %scan3A_108#1 : i32
      %sub3A_113 = arith.subi %sub3A_94, %scan3A_108#2 : i32
      %shift_left3A_114 = arith.constant 15 : i32
      %shift_left3A_115 = arith.shli %or3A_112, %shift_left3A_114 : i32
      %broadcast_in_dim3A_116 = vector.broadcast %shift_left3A_115 : i32 to vector<16xi32>
      %bitcast_convert_type3A = tpu.bitcast %broadcast_in_dim3A_116 : vector<16xi32> -> vector<16xf32>
      %swap3A = arith.constant 0 : index
      %swap3A_117 = tpu.vector_load %arg7[%swap3A] {strides = array<i32>} : memref<16xf32, #tpu.memory_space<vmem>>, vector<16xf32>,
      tpu.vector_store %arg7[%swap3A], %bitcast_convert_type3A {strides = array<i32>} : memref<16xf32, #tpu.memory_space<vmem>>, vector<16xf32>,
      "tpu.region"() ({
        %run_scoped3A = tpu.sem_alloc : memref<!tpu.dma_semaphore, #tpu.memory_space<semaphore_mem>>
        %dma_start3A = arith.constant 0 : i32
        %dma_start3A_118 = tpu.memref_slice %arg3[%add3A_29, %dma_start3A] : memref<100x16xf32, #tpu.memory_space<hbm>> -> memref<1x16xf32, #tpu.memory_space<hbm>>
        %dma_start3A_119 = tpu.memref_squeeze %dma_start3A_118 : memref<1x16xf32, #tpu.memory_space<hbm>> -> memref<16xf32, #tpu.memory_space<hbm>>
        %dma_start3A_120 = arith.constant 0 : i32
        %dma_start3A_121 = tpu.memref_slice %arg3[%add3A_29, %dma_start3A_120] : memref<100x16xf32, #tpu.memory_space<hbm>> -> memref<1x16xf32, #tpu.memory_space<hbm>>
        %dma_start3A_122 = tpu.memref_squeeze %dma_start3A_121 : memref<1x16xf32, #tpu.memory_space<hbm>> -> memref<16xf32, #tpu.memory_space<hbm>>
        tpu.enqueue_dma source(%arg7 : memref<16xf32, #tpu.memory_space<vmem>>) target(%dma_start3A_122 : memref<16xf32, #tpu.memory_space<hbm>>) target_semaphore(%run_scoped3A : memref<!tpu.dma_semaphore, #tpu.memory_space<semaphore_mem>>)
        %dma_wait3A = arith.constant 0 : i32
        %dma_wait3A_123 = tpu.memref_slice %arg3[%add3A_29, %dma_wait3A] : memref<100x16xf32, #tpu.memory_space<hbm>> -> memref<1x16xf32, #tpu.memory_space<hbm>>
        %dma_wait3A_124 = tpu.memref_squeeze %dma_wait3A_123 : memref<1x16xf32, #tpu.memory_space<hbm>> -> memref<16xf32, #tpu.memory_space<hbm>>
        %dma_wait3A_125 = arith.constant 0 : i32
        %dma_wait3A_126 = tpu.memref_slice %arg3[%add3A_29, %dma_wait3A_125] : memref<100x16xf32, #tpu.memory_space<hbm>> -> memref<1x16xf32, #tpu.memory_space<hbm>>
        %dma_wait3A_127 = tpu.memref_squeeze %dma_wait3A_126 : memref<1x16xf32, #tpu.memory_space<hbm>> -> memref<16xf32, #tpu.memory_space<hbm>>
        tpu.wait_dma2 semaphore(%run_scoped3A : memref<!tpu.dma_semaphore, #tpu.memory_space<semaphore_mem>>) src(%arg7 : memref<16xf32, #tpu.memory_space<vmem>>) dst(%dma_wait3A_127 : memref<16xf32, #tpu.memory_space<hbm>>)
        tpu.yield
      }) : () -> ()
    } else {
    }
    %add3A_47 = arith.constant 64 : i32
    %add3A_48 = arith.addi %add3A_47, %add3A : i32
    %lt3A_49 = arith.constant 100 : i32
    %lt3A_50 = arith.cmpi slt, %add3A_48, %lt3A_49 : i32
    %convert_element_type3A_51 = arith.extui %lt3A_50 : i1 to i32
    %cond3A_52 = arith.constant 0 : i32
    %cond3A_53 = arith.cmpi ne, %convert_element_type3A_51, %cond3A_52 : i32
    scf.if %cond3A_53 {
      %dma_wait3A = arith.constant 0 : i32
      %dma_wait3A_78 = tpu.memref_slice %arg2[%add3A_48, %dma_wait3A] : memref<100x40000xf32, #tpu.memory_space<hbm>> -> memref<1x40000xf32, #tpu.memory_space<hbm>>
      %dma_wait3A_79 = tpu.memref_squeeze %dma_wait3A_78 : memref<1x40000xf32, #tpu.memory_space<hbm>> -> memref<40000xf32, #tpu.memory_space<hbm>>
      %dma_wait3A_80 = arith.constant 0 : i32
      %dma_wait3A_81 = tpu.memref_slice %arg2[%add3A_48, %dma_wait3A_80] : memref<100x40000xf32, #tpu.memory_space<hbm>> -> memref<1x40000xf32, #tpu.memory_space<hbm>>
      %dma_wait3A_82 = tpu.memref_squeeze %dma_wait3A_81 : memref<1x40000xf32, #tpu.memory_space<hbm>> -> memref<40000xf32, #tpu.memory_space<hbm>>
      tpu.wait_dma2 semaphore(%arg8 : memref<!tpu.dma_semaphore, #tpu.memory_space<semaphore_mem>>) src(%dma_wait3A_82 : memref<40000xf32, #tpu.memory_space<hbm>>) dst(%arg4 : memref<40000xf32, #tpu.memory_space<vmem>>)
    } else {
    }
    %add3A_54 = arith.constant 96 : i32
    %add3A_55 = arith.addi %add3A_54, %add3A : i32
    %lt3A_56 = arith.constant 100 : i32
    %lt3A_57 = arith.cmpi slt, %add3A_55, %lt3A_56 : i32
    %convert_element_type3A_58 = arith.extui %lt3A_57 : i1 to i32
    %cond3A_59 = arith.constant 0 : i32
    %cond3A_60 = arith.cmpi ne, %convert_element_type3A_58, %cond3A_59 : i32
    scf.if %cond3A_60 {
      %dma_start3A = arith.constant 0 : i32
      %dma_start3A_78 = tpu.memref_slice %arg2[%add3A_55, %dma_start3A] : memref<100x40000xf32, #tpu.memory_space<hbm>> -> memref<1x40000xf32, #tpu.memory_space<hbm>>
      %dma_start3A_79 = tpu.memref_squeeze %dma_start3A_78 : memref<1x40000xf32, #tpu.memory_space<hbm>> -> memref<40000xf32, #tpu.memory_space<hbm>>
      %dma_start3A_80 = arith.constant 0 : i32
      %dma_start3A_81 = tpu.memref_slice %arg2[%add3A_55, %dma_start3A_80] : memref<100x40000xf32, #tpu.memory_space<hbm>> -> memref<1x40000xf32, #tpu.memory_space<hbm>>
      %dma_start3A_82 = tpu.memref_squeeze %dma_start3A_81 : memref<1x40000xf32, #tpu.memory_space<hbm>> -> memref<40000xf32, #tpu.memory_space<hbm>>
      tpu.enqueue_dma source(%dma_start3A_82 : memref<40000xf32, #tpu.memory_space<hbm>>) target(%arg5 : memref<40000xf32, #tpu.memory_space<vmem>>) target_semaphore(%arg9 : memref<!tpu.dma_semaphore, #tpu.memory_space<semaphore_mem>>)
    } else {
    }
    %lt3A_61 = arith.constant 100 : i32
    %lt3A_62 = arith.cmpi slt, %add3A_48, %lt3A_61 : i32
    %convert_element_type3A_63 = arith.extui %lt3A_62 : i1 to i32
    %cond3A_64 = arith.constant 0 : i32
    %cond3A_65 = arith.cmpi ne, %convert_element_type3A_63, %cond3A_64 : i32
    scf.if %cond3A_65 {
      %parallel_loop3A = arith.constant 0 : i32
      %parallel_loop3A_78 = arith.constant 256 : i32
      %parallel_loop3A_79 = arith.constant 1 : i32
      scf.for %parallel_loop3A_118 = %parallel_loop3A to %parallel_loop3A_78 step %parallel_loop3A_79  : i32 {
        %parallel_loop3A_119 = arith.constant 0 : i32
        %parallel_loop3A_120 = vector.broadcast %parallel_loop3A_119 : i32 to vector<16xi32>
        %parallel_loop3A_121 = arith.constant 16 : i32
        %parallel_loop3A_122 = arith.muli %parallel_loop3A_118, %parallel_loop3A_121 : i32
        %parallel_loop3A_123 = arith.index_cast %parallel_loop3A_122 : i32 to index
        %parallel_loop3A_124 = tpu.vector_load %arg6[%parallel_loop3A_123] {strides = array<i32>} : memref<4096xi32, #tpu.memory_space<vmem>>, vector<16xi32>,
        tpu.vector_store %arg6[%parallel_loop3A_123], %parallel_loop3A_120 {strides = array<i32>} : memref<4096xi32, #tpu.memory_space<vmem>>, vector<16xi32>,
      } {sc.loop_unroll_factor = 8 : i64, sc.parallel_access}
      %parallel_loop3A_80 = arith.constant 0 : i32
      %parallel_loop3A_81 = arith.constant 2500 : i32
      %parallel_loop3A_82 = arith.constant 1 : i32
      scf.for %parallel_loop3A_118 = %parallel_loop3A_80 to %parallel_loop3A_81 step %parallel_loop3A_82  : i32 {
        %parallel_loop3A_119 = arith.constant 16 : i32
        %parallel_loop3A_120 = arith.muli %parallel_loop3A_118, %parallel_loop3A_119 : i32
        %parallel_loop3A_121 = arith.index_cast %parallel_loop3A_120 : i32 to index
        %parallel_loop3A_122 = tpu.vector_load %arg4[%parallel_loop3A_121] {strides = array<i32>} : memref<40000xf32, #tpu.memory_space<vmem>>, vector<16xf32>,
        %parallel_loop3A_123 = math.absf %parallel_loop3A_122 : vector<16xf32>
        %parallel_loop3A_124 = tpu.bitcast %parallel_loop3A_123 : vector<16xf32> -> vector<16xi32>
        %parallel_loop3A_125 = arith.constant 23 : i32
        %parallel_loop3A_126 = vector.broadcast %parallel_loop3A_125 : i32 to vector<16xi32>
        %parallel_loop3A_127 = arith.shrui %parallel_loop3A_124, %parallel_loop3A_126 : vector<16xi32>
        %parallel_loop3A_128 = arith.constant 255 : i32
        %parallel_loop3A_129 = vector.broadcast %parallel_loop3A_128 : i32 to vector<16xi32>
        %parallel_loop3A_130 = arith.andi %parallel_loop3A_127, %parallel_loop3A_129 : vector<16xi32>
        %parallel_loop3A_131 = arith.addi %parallel_loop3A_130, %mul3A_3 : vector<16xi32>
        tpu.vector_store_idx %arg6[%parallel_loop3A_131], %broadcast_in_dim3A_4 {add = true} : memref<4096xi32, #tpu.memory_space<vmem>>[vector<16xi32>], vector<16xi32>,
      } {sc.loop_unroll_factor = 16 : i64, sc.parallel_access}
      %scan3A = arith.constant 28000 : i32
      %scan3A_83 = arith.constant 0 : i32
      %scan3A_84 = arith.constant 0 : i32
      %scan3A_85 = arith.constant 0 : i32
      %scan3A_86 = arith.constant 0 : i32
      %scan3A_87 = arith.constant 16 : i32
      %scan3A_88 = arith.addi %scan3A_86, %scan3A_87 : i32
      %scan3A_89 = arith.constant 1 : i32
      %scan3A_90:3 = scf.for %scan3A_118 = %scan3A_86 to %scan3A_88 step %scan3A_89 iter_args(%scan3A_119 = %scan3A_83, %scan3A_120 = %scan3A_84, %scan3A_121 = %scan3A_85) -> (i32, i32, i32)  : i32 {
        %broadcast_in_dim3A_122 = arith.constant 0 : i32
        %broadcast_in_dim3A_123 = vector.broadcast %broadcast_in_dim3A_122 : i32 to vector<16xi32>
        %scan3A_124 = arith.constant 0 : i32
        %scan3A_125 = arith.constant 16 : i32
        %scan3A_126 = arith.addi %scan3A_124, %scan3A_125 : i32
        %scan3A_127 = arith.constant 1 : i32
        %scan3A_128 = scf.for %scan3A_160 = %scan3A_124 to %scan3A_126 step %scan3A_127 iter_args(%scan3A_161 = %broadcast_in_dim3A_123) -> (vector<16xi32>)  : i32 {
          %mul3A_162 = arith.constant 256 : i32
          %mul3A_163 = arith.muli %scan3A_160, %mul3A_162 : i32
          %mul3A_164 = arith.constant 16 : i32
          %mul3A_165 = arith.muli %scan3A_118, %mul3A_164 : i32
          %add3A_166 = arith.addi %mul3A_163, %mul3A_165 : i32
          %get3A = arith.index_cast %add3A_166 : i32 to index
          %get3A_167 = tpu.vector_load %arg6[%get3A] {strides = array<i32>} : memref<4096xi32, #tpu.memory_space<vmem>>, vector<16xi32>,
          %add3A_168 = arith.addi %scan3A_161, %get3A_167 : vector<16xi32>
          scf.yield %add3A_168 : vector<16xi32>
        }
        %scan3A_129 = arith.constant 16 : i32
        %broadcast_in_dim3A_130 = arith.constant true
        %broadcast_in_dim3A_131 = vector.broadcast %broadcast_in_dim3A_130 : i1 to vector<16xi1>
        %masked_cumsum3A = tpu.scan <sum>, %scan3A_128 masked %broadcast_in_dim3A_131 : vector<16xi32>, vector<16xi1> -> vector<16xi32>
        %reduce_sum3A = arith.constant true
        %reduce_sum3A_132 = vector.broadcast %reduce_sum3A : i1 to vector<16xi1>
        %reduce_sum3A_133 = tpu.scan <sum>, %scan3A_128 masked %reduce_sum3A_132 : vector<16xi32>, vector<16xi1> -> vector<16xi32>
        %reduce_sum3A_134 = vector.extract %reduce_sum3A_133[15] : i32 from vector<16xi32>
        %le3A = arith.cmpi sle, %scan3A_119, %scan3A : i32
        %add3A_135 = arith.addi %scan3A_119, %reduce_sum3A_134 : i32
        %gt3A = arith.cmpi sgt, %add3A_135, %scan3A : i32
        %and3A = arith.andi %le3A, %gt3A : i1
        %add3A_136 = vector.broadcast %scan3A_119 : i32 to vector<16xi32>
        %add3A_137 = arith.addi %add3A_136, %masked_cumsum3A : vector<16xi32>
        %le3A_138 = vector.broadcast %scan3A : i32 to vector<16xi32>
        %le3A_139 = arith.cmpi sle, %add3A_137, %le3A_138 : vector<16xi32>
        %convert_element_type3A_140 = arith.extui %le3A_139 : vector<16xi1> to vector<16xi32>
        %reduce_sum3A_141 = arith.constant true
        %reduce_sum3A_142 = vector.broadcast %reduce_sum3A_141 : i1 to vector<16xi1>
        %reduce_sum3A_143 = tpu.scan <sum>, %convert_element_type3A_140 masked %reduce_sum3A_142 : vector<16xi32>, vector<16xi1> -> vector<16xi32>
        %reduce_sum3A_144 = vector.extract %reduce_sum3A_143[15] : i32 from vector<16xi32>
        %jit3A = arith.constant 0 : i32
        %broadcast_in_dim3A_145 = vector.broadcast %jit3A : i32 to vector<16xi32>
        %select_n3A = arith.select %le3A_139, %masked_cumsum3A, %broadcast_in_dim3A_145 : vector<16xi1>, vector<16xi32>
        %reduce_max3A = arith.constant true
        %reduce_max3A_146 = vector.broadcast %reduce_max3A : i1 to vector<16xi1>
        %reduce_max3A_147 = arith.constant -2147483648 : i32
        %reduce_max3A_148 = vector.broadcast %reduce_max3A_147 : i32 to vector<16xi32>
        %reduce_max3A_149 = arith.xori %select_n3A, %reduce_max3A_148 : vector<16xi32>
        %reduce_max3A_150 = tpu.scan <max>, %reduce_max3A_149 masked %reduce_max3A_146 : vector<16xi32>, vector<16xi1> -> vector<16xi32>
        %reduce_max3A_151 = arith.xori %reduce_max3A_150, %reduce_max3A_148 : vector<16xi32>
        %reduce_max3A_152 = vector.extract %reduce_max3A_151[15] : i32 from vector<16xi32>
        %add3A_153 = arith.addi %scan3A_119, %reduce_max3A_152 : i32
        %mul3A_154 = arith.constant 16 : i32
        %mul3A_155 = arith.muli %scan3A_118, %mul3A_154 : i32
        %add3A_156 = arith.addi %mul3A_155, %reduce_sum3A_144 : i32
        %select_n3A_157 = arith.select %and3A, %add3A_156, %scan3A_120 : i32
        %select_n3A_158 = arith.select %and3A, %add3A_153, %scan3A_121 : i32
        %add3A_159 = arith.addi %scan3A_119, %reduce_sum3A_134 : i32
        scf.yield %add3A_159, %select_n3A_157, %select_n3A_158 : i32, i32, i32
      }
      %scan3A_91 = arith.constant 16 : i32
      %shift_left3A = arith.constant 0 : i32
      %shift_left3A_92 = arith.constant 8 : i32
      %shift_left3A_93 = arith.shli %shift_left3A, %shift_left3A_92 : i32
      %or3A = arith.ori %shift_left3A_93, %scan3A_90#1 : i32
      %sub3A = arith.constant 28000 : i32
      %sub3A_94 = arith.subi %sub3A, %scan3A_90#2 : i32
      %parallel_loop3A_95 = arith.constant 0 : i32
      %parallel_loop3A_96 = arith.constant 256 : i32
      %parallel_loop3A_97 = arith.constant 1 : i32
      scf.for %parallel_loop3A_118 = %parallel_loop3A_95 to %parallel_loop3A_96 step %parallel_loop3A_97  : i32 {
        %parallel_loop3A_119 = arith.constant 0 : i32
        %parallel_loop3A_120 = vector.broadcast %parallel_loop3A_119 : i32 to vector<16xi32>
        %parallel_loop3A_121 = arith.constant 16 : i32
        %parallel_loop3A_122 = arith.muli %parallel_loop3A_118, %parallel_loop3A_121 : i32
        %parallel_loop3A_123 = arith.index_cast %parallel_loop3A_122 : i32 to index
        %parallel_loop3A_124 = tpu.vector_load %arg6[%parallel_loop3A_123] {strides = array<i32>} : memref<4096xi32, #tpu.memory_space<vmem>>, vector<16xi32>,
        tpu.vector_store %arg6[%parallel_loop3A_123], %parallel_loop3A_120 {strides = array<i32>} : memref<4096xi32, #tpu.memory_space<vmem>>, vector<16xi32>,
      } {sc.loop_unroll_factor = 8 : i64, sc.parallel_access}
      %parallel_loop3A_98 = arith.constant 0 : i32
      %parallel_loop3A_99 = arith.constant 2500 : i32
      %parallel_loop3A_100 = arith.constant 1 : i32
      scf.for %parallel_loop3A_118 = %parallel_loop3A_98 to %parallel_loop3A_99 step %parallel_loop3A_100  : i32 {
        %parallel_loop3A_119 = arith.constant 16 : i32
        %parallel_loop3A_120 = arith.muli %parallel_loop3A_118, %parallel_loop3A_119 : i32
        %parallel_loop3A_121 = arith.index_cast %parallel_loop3A_120 : i32 to index
        %parallel_loop3A_122 = tpu.vector_load %arg4[%parallel_loop3A_121] {strides = array<i32>} : memref<40000xf32, #tpu.memory_space<vmem>>, vector<16xf32>,
        %parallel_loop3A_123 = math.absf %parallel_loop3A_122 : vector<16xf32>
        %parallel_loop3A_124 = tpu.bitcast %parallel_loop3A_123 : vector<16xf32> -> vector<16xi32>
        %parallel_loop3A_125 = arith.constant 15 : i32
        %parallel_loop3A_126 = vector.broadcast %parallel_loop3A_125 : i32 to vector<16xi32>
        %parallel_loop3A_127 = arith.shrui %parallel_loop3A_124, %parallel_loop3A_126 : vector<16xi32>
        %parallel_loop3A_128 = arith.constant 255 : i32
        %parallel_loop3A_129 = vector.broadcast %parallel_loop3A_128 : i32 to vector<16xi32>
        %parallel_loop3A_130 = arith.andi %parallel_loop3A_127, %parallel_loop3A_129 : vector<16xi32>
        %parallel_loop3A_131 = arith.addi %parallel_loop3A_130, %mul3A_3 : vector<16xi32>
        %parallel_loop3A_132 = arith.constant 23 : i32
        %parallel_loop3A_133 = vector.broadcast %parallel_loop3A_132 : i32 to vector<16xi32>
        %parallel_loop3A_134 = arith.shrui %parallel_loop3A_124, %parallel_loop3A_133 : vector<16xi32>
        %parallel_loop3A_135 = vector.broadcast %or3A : i32 to vector<16xi32>
        %parallel_loop3A_136 = arith.cmpi eq, %parallel_loop3A_134, %parallel_loop3A_135 : vector<16xi32>
        tpu.vector_store_idx %arg6[%parallel_loop3A_131], %broadcast_in_dim3A_4 masked %parallel_loop3A_136 {add = true} : memref<4096xi32, #tpu.memory_space<vmem>>[vector<16xi32>], vector<16xi32>, vector<16xi1>
      } {sc.loop_unroll_factor = 16 : i64, sc.parallel_access}
      %scan3A_101 = arith.constant 0 : i32
      %scan3A_102 = arith.constant 0 : i32
      %scan3A_103 = arith.constant 0 : i32
      %scan3A_104 = arith.constant 0 : i32
      %scan3A_105 = arith.constant 16 : i32
      %scan3A_106 = arith.addi %scan3A_104, %scan3A_105 : i32
      %scan3A_107 = arith.constant 1 : i32
      %scan3A_108:3 = scf.for %scan3A_118 = %scan3A_104 to %scan3A_106 step %scan3A_107 iter_args(%scan3A_119 = %scan3A_101, %scan3A_120 = %scan3A_102, %scan3A_121 = %scan3A_103) -> (i32, i32, i32)  : i32 {
        %broadcast_in_dim3A_122 = arith.constant 0 : i32
        %broadcast_in_dim3A_123 = vector.broadcast %broadcast_in_dim3A_122 : i32 to vector<16xi32>
        %scan3A_124 = arith.constant 0 : i32
        %scan3A_125 = arith.constant 16 : i32
        %scan3A_126 = arith.addi %scan3A_124, %scan3A_125 : i32
        %scan3A_127 = arith.constant 1 : i32
        %scan3A_128 = scf.for %scan3A_160 = %scan3A_124 to %scan3A_126 step %scan3A_127 iter_args(%scan3A_161 = %broadcast_in_dim3A_123) -> (vector<16xi32>)  : i32 {
          %mul3A_162 = arith.constant 256 : i32
          %mul3A_163 = arith.muli %scan3A_160, %mul3A_162 : i32
          %mul3A_164 = arith.constant 16 : i32
          %mul3A_165 = arith.muli %scan3A_118, %mul3A_164 : i32
          %add3A_166 = arith.addi %mul3A_163, %mul3A_165 : i32
          %get3A = arith.index_cast %add3A_166 : i32 to index
          %get3A_167 = tpu.vector_load %arg6[%get3A] {strides = array<i32>} : memref<4096xi32, #tpu.memory_space<vmem>>, vector<16xi32>,
          %add3A_168 = arith.addi %scan3A_161, %get3A_167 : vector<16xi32>
          scf.yield %add3A_168 : vector<16xi32>
        }
        %scan3A_129 = arith.constant 16 : i32
        %broadcast_in_dim3A_130 = arith.constant true
        %broadcast_in_dim3A_131 = vector.broadcast %broadcast_in_dim3A_130 : i1 to vector<16xi1>
        %masked_cumsum3A = tpu.scan <sum>, %scan3A_128 masked %broadcast_in_dim3A_131 : vector<16xi32>, vector<16xi1> -> vector<16xi32>
        %reduce_sum3A = arith.constant true
        %reduce_sum3A_132 = vector.broadcast %reduce_sum3A : i1 to vector<16xi1>
        %reduce_sum3A_133 = tpu.scan <sum>, %scan3A_128 masked %reduce_sum3A_132 : vector<16xi32>, vector<16xi1> -> vector<16xi32>
        %reduce_sum3A_134 = vector.extract %reduce_sum3A_133[15] : i32 from vector<16xi32>
        %le3A = arith.cmpi sle, %scan3A_119, %sub3A_94 : i32
        %add3A_135 = arith.addi %scan3A_119, %reduce_sum3A_134 : i32
        %gt3A = arith.cmpi sgt, %add3A_135, %sub3A_94 : i32
        %and3A = arith.andi %le3A, %gt3A : i1
        %add3A_136 = vector.broadcast %scan3A_119 : i32 to vector<16xi32>
        %add3A_137 = arith.addi %add3A_136, %masked_cumsum3A : vector<16xi32>
        %le3A_138 = vector.broadcast %sub3A_94 : i32 to vector<16xi32>
        %le3A_139 = arith.cmpi sle, %add3A_137, %le3A_138 : vector<16xi32>
        %convert_element_type3A_140 = arith.extui %le3A_139 : vector<16xi1> to vector<16xi32>
        %reduce_sum3A_141 = arith.constant true
        %reduce_sum3A_142 = vector.broadcast %reduce_sum3A_141 : i1 to vector<16xi1>
        %reduce_sum3A_143 = tpu.scan <sum>, %convert_element_type3A_140 masked %reduce_sum3A_142 : vector<16xi32>, vector<16xi1> -> vector<16xi32>
        %reduce_sum3A_144 = vector.extract %reduce_sum3A_143[15] : i32 from vector<16xi32>
        %jit3A = arith.constant 0 : i32
        %broadcast_in_dim3A_145 = vector.broadcast %jit3A : i32 to vector<16xi32>
        %select_n3A = arith.select %le3A_139, %masked_cumsum3A, %broadcast_in_dim3A_145 : vector<16xi1>, vector<16xi32>
        %reduce_max3A = arith.constant true
        %reduce_max3A_146 = vector.broadcast %reduce_max3A : i1 to vector<16xi1>
        %reduce_max3A_147 = arith.constant -2147483648 : i32
        %reduce_max3A_148 = vector.broadcast %reduce_max3A_147 : i32 to vector<16xi32>
        %reduce_max3A_149 = arith.xori %select_n3A, %reduce_max3A_148 : vector<16xi32>
        %reduce_max3A_150 = tpu.scan <max>, %reduce_max3A_149 masked %reduce_max3A_146 : vector<16xi32>, vector<16xi1> -> vector<16xi32>
        %reduce_max3A_151 = arith.xori %reduce_max3A_150, %reduce_max3A_148 : vector<16xi32>
        %reduce_max3A_152 = vector.extract %reduce_max3A_151[15] : i32 from vector<16xi32>
        %add3A_153 = arith.addi %scan3A_119, %reduce_max3A_152 : i32
        %mul3A_154 = arith.constant 16 : i32
        %mul3A_155 = arith.muli %scan3A_118, %mul3A_154 : i32
        %add3A_156 = arith.addi %mul3A_155, %reduce_sum3A_144 : i32
        %select_n3A_157 = arith.select %and3A, %add3A_156, %scan3A_120 : i32
        %select_n3A_158 = arith.select %and3A, %add3A_153, %scan3A_121 : i32
        %add3A_159 = arith.addi %scan3A_119, %reduce_sum3A_134 : i32
        scf.yield %add3A_159, %select_n3A_157, %select_n3A_158 : i32, i32, i32
      }
      %scan3A_109 = arith.constant 16 : i32
      %shift_left3A_110 = arith.constant 8 : i32
      %shift_left3A_111 = arith.shli %or3A, %shift_left3A_110 : i32
      %or3A_112 = arith.ori %shift_left3A_111, %scan3A_108#1 : i32
      %sub3A_113 = arith.subi %sub3A_94, %scan3A_108#2 : i32
      %shift_left3A_114 = arith.constant 15 : i32
      %shift_left3A_115 = arith.shli %or3A_112, %shift_left3A_114 : i32
      %broadcast_in_dim3A_116 = vector.broadcast %shift_left3A_115 : i32 to vector<16xi32>
      %bitcast_convert_type3A = tpu.bitcast %broadcast_in_dim3A_116 : vector<16xi32> -> vector<16xf32>
      %swap3A = arith.constant 0 : index
      %swap3A_117 = tpu.vector_load %arg7[%swap3A] {strides = array<i32>} : memref<16xf32, #tpu.memory_space<vmem>>, vector<16xf32>,
      tpu.vector_store %arg7[%swap3A], %bitcast_convert_type3A {strides = array<i32>} : memref<16xf32, #tpu.memory_space<vmem>>, vector<16xf32>,
      "tpu.region"() ({
        %run_scoped3A = tpu.sem_alloc : memref<!tpu.dma_semaphore, #tpu.memory_space<semaphore_mem>>
        %dma_start3A = arith.constant 0 : i32
        %dma_start3A_118 = tpu.memref_slice %arg3[%add3A_48, %dma_start3A] : memref<100x16xf32, #tpu.memory_space<hbm>> -> memref<1x16xf32, #tpu.memory_space<hbm>>
        %dma_start3A_119 = tpu.memref_squeeze %dma_start3A_118 : memref<1x16xf32, #tpu.memory_space<hbm>> -> memref<16xf32, #tpu.memory_space<hbm>>
        %dma_start3A_120 = arith.constant 0 : i32
        %dma_start3A_121 = tpu.memref_slice %arg3[%add3A_48, %dma_start3A_120] : memref<100x16xf32, #tpu.memory_space<hbm>> -> memref<1x16xf32, #tpu.memory_space<hbm>>
        %dma_start3A_122 = tpu.memref_squeeze %dma_start3A_121 : memref<1x16xf32, #tpu.memory_space<hbm>> -> memref<16xf32, #tpu.memory_space<hbm>>
        tpu.enqueue_dma source(%arg7 : memref<16xf32, #tpu.memory_space<vmem>>) target(%dma_start3A_122 : memref<16xf32, #tpu.memory_space<hbm>>) target_semaphore(%run_scoped3A : memref<!tpu.dma_semaphore, #tpu.memory_space<semaphore_mem>>)
        %dma_wait3A = arith.constant 0 : i32
        %dma_wait3A_123 = tpu.memref_slice %arg3[%add3A_48, %dma_wait3A] : memref<100x16xf32, #tpu.memory_space<hbm>> -> memref<1x16xf32, #tpu.memory_space<hbm>>
        %dma_wait3A_124 = tpu.memref_squeeze %dma_wait3A_123 : memref<1x16xf32, #tpu.memory_space<hbm>> -> memref<16xf32, #tpu.memory_space<hbm>>
        %dma_wait3A_125 = arith.constant 0 : i32
        %dma_wait3A_126 = tpu.memref_slice %arg3[%add3A_48, %dma_wait3A_125] : memref<100x16xf32, #tpu.memory_space<hbm>> -> memref<1x16xf32, #tpu.memory_space<hbm>>
        %dma_wait3A_127 = tpu.memref_squeeze %dma_wait3A_126 : memref<1x16xf32, #tpu.memory_space<hbm>> -> memref<16xf32, #tpu.memory_space<hbm>>
        tpu.wait_dma2 semaphore(%run_scoped3A : memref<!tpu.dma_semaphore, #tpu.memory_space<semaphore_mem>>) src(%arg7 : memref<16xf32, #tpu.memory_space<vmem>>) dst(%dma_wait3A_127 : memref<16xf32, #tpu.memory_space<hbm>>)
        tpu.yield
      }) : () -> ()
    } else {
    }
    %add3A_66 = arith.constant 96 : i32
    %add3A_67 = arith.addi %add3A_66, %add3A : i32
    %lt3A_68 = arith.constant 100 : i32
    %lt3A_69 = arith.cmpi slt, %add3A_67, %lt3A_68 : i32
    %convert_element_type3A_70 = arith.extui %lt3A_69 : i1 to i32
    %cond3A_71 = arith.constant 0 : i32
    %cond3A_72 = arith.cmpi ne, %convert_element_type3A_70, %cond3A_71 : i32
    scf.if %cond3A_72 {
      %dma_wait3A = arith.constant 0 : i32
      %dma_wait3A_78 = tpu.memref_slice %arg2[%add3A_67, %dma_wait3A] : memref<100x40000xf32, #tpu.memory_space<hbm>> -> memref<1x40000xf32, #tpu.memory_space<hbm>>
      %dma_wait3A_79 = tpu.memref_squeeze %dma_wait3A_78 : memref<1x40000xf32, #tpu.memory_space<hbm>> -> memref<40000xf32, #tpu.memory_space<hbm>>
      %dma_wait3A_80 = arith.constant 0 : i32
      %dma_wait3A_81 = tpu.memref_slice %arg2[%add3A_67, %dma_wait3A_80] : memref<100x40000xf32, #tpu.memory_space<hbm>> -> memref<1x40000xf32, #tpu.memory_space<hbm>>
      %dma_wait3A_82 = tpu.memref_squeeze %dma_wait3A_81 : memref<1x40000xf32, #tpu.memory_space<hbm>> -> memref<40000xf32, #tpu.memory_space<hbm>>
      tpu.wait_dma2 semaphore(%arg9 : memref<!tpu.dma_semaphore, #tpu.memory_space<semaphore_mem>>) src(%dma_wait3A_82 : memref<40000xf32, #tpu.memory_space<hbm>>) dst(%arg5 : memref<40000xf32, #tpu.memory_space<vmem>>)
    } else {
    }
    %lt3A_73 = arith.constant 100 : i32
    %lt3A_74 = arith.cmpi slt, %add3A_67, %lt3A_73 : i32
    %convert_element_type3A_75 = arith.extui %lt3A_74 : i1 to i32
    %cond3A_76 = arith.constant 0 : i32
    %cond3A_77 = arith.cmpi ne, %convert_element_type3A_75, %cond3A_76 : i32
    scf.if %cond3A_77 {
      %parallel_loop3A = arith.constant 0 : i32
      %parallel_loop3A_78 = arith.constant 256 : i32
      %parallel_loop3A_79 = arith.constant 1 : i32
      scf.for %parallel_loop3A_118 = %parallel_loop3A to %parallel_loop3A_78 step %parallel_loop3A_79  : i32 {
        %parallel_loop3A_119 = arith.constant 0 : i32
        %parallel_loop3A_120 = vector.broadcast %parallel_loop3A_119 : i32 to vector<16xi32>
        %parallel_loop3A_121 = arith.constant 16 : i32
        %parallel_loop3A_122 = arith.muli %parallel_loop3A_118, %parallel_loop3A_121 : i32
        %parallel_loop3A_123 = arith.index_cast %parallel_loop3A_122 : i32 to index
        %parallel_loop3A_124 = tpu.vector_load %arg6[%parallel_loop3A_123] {strides = array<i32>} : memref<4096xi32, #tpu.memory_space<vmem>>, vector<16xi32>,
        tpu.vector_store %arg6[%parallel_loop3A_123], %parallel_loop3A_120 {strides = array<i32>} : memref<4096xi32, #tpu.memory_space<vmem>>, vector<16xi32>,
      } {sc.loop_unroll_factor = 8 : i64, sc.parallel_access}
      %parallel_loop3A_80 = arith.constant 0 : i32
      %parallel_loop3A_81 = arith.constant 2500 : i32
      %parallel_loop3A_82 = arith.constant 1 : i32
      scf.for %parallel_loop3A_118 = %parallel_loop3A_80 to %parallel_loop3A_81 step %parallel_loop3A_82  : i32 {
        %parallel_loop3A_119 = arith.constant 16 : i32
        %parallel_loop3A_120 = arith.muli %parallel_loop3A_118, %parallel_loop3A_119 : i32
        %parallel_loop3A_121 = arith.index_cast %parallel_loop3A_120 : i32 to index
        %parallel_loop3A_122 = tpu.vector_load %arg5[%parallel_loop3A_121] {strides = array<i32>} : memref<40000xf32, #tpu.memory_space<vmem>>, vector<16xf32>,
        %parallel_loop3A_123 = math.absf %parallel_loop3A_122 : vector<16xf32>
        %parallel_loop3A_124 = tpu.bitcast %parallel_loop3A_123 : vector<16xf32> -> vector<16xi32>
        %parallel_loop3A_125 = arith.constant 23 : i32
        %parallel_loop3A_126 = vector.broadcast %parallel_loop3A_125 : i32 to vector<16xi32>
        %parallel_loop3A_127 = arith.shrui %parallel_loop3A_124, %parallel_loop3A_126 : vector<16xi32>
        %parallel_loop3A_128 = arith.constant 255 : i32
        %parallel_loop3A_129 = vector.broadcast %parallel_loop3A_128 : i32 to vector<16xi32>
        %parallel_loop3A_130 = arith.andi %parallel_loop3A_127, %parallel_loop3A_129 : vector<16xi32>
        %parallel_loop3A_131 = arith.addi %parallel_loop3A_130, %mul3A_3 : vector<16xi32>
        tpu.vector_store_idx %arg6[%parallel_loop3A_131], %broadcast_in_dim3A_4 {add = true} : memref<4096xi32, #tpu.memory_space<vmem>>[vector<16xi32>], vector<16xi32>,
      } {sc.loop_unroll_factor = 16 : i64, sc.parallel_access}
      %scan3A = arith.constant 28000 : i32
      %scan3A_83 = arith.constant 0 : i32
      %scan3A_84 = arith.constant 0 : i32
      %scan3A_85 = arith.constant 0 : i32
      %scan3A_86 = arith.constant 0 : i32
      %scan3A_87 = arith.constant 16 : i32
      %scan3A_88 = arith.addi %scan3A_86, %scan3A_87 : i32
      %scan3A_89 = arith.constant 1 : i32
      %scan3A_90:3 = scf.for %scan3A_118 = %scan3A_86 to %scan3A_88 step %scan3A_89 iter_args(%scan3A_119 = %scan3A_83, %scan3A_120 = %scan3A_84, %scan3A_121 = %scan3A_85) -> (i32, i32, i32)  : i32 {
        %broadcast_in_dim3A_122 = arith.constant 0 : i32
        %broadcast_in_dim3A_123 = vector.broadcast %broadcast_in_dim3A_122 : i32 to vector<16xi32>
        %scan3A_124 = arith.constant 0 : i32
        %scan3A_125 = arith.constant 16 : i32
        %scan3A_126 = arith.addi %scan3A_124, %scan3A_125 : i32
        %scan3A_127 = arith.constant 1 : i32
        %scan3A_128 = scf.for %scan3A_160 = %scan3A_124 to %scan3A_126 step %scan3A_127 iter_args(%scan3A_161 = %broadcast_in_dim3A_123) -> (vector<16xi32>)  : i32 {
          %mul3A_162 = arith.constant 256 : i32
          %mul3A_163 = arith.muli %scan3A_160, %mul3A_162 : i32
          %mul3A_164 = arith.constant 16 : i32
          %mul3A_165 = arith.muli %scan3A_118, %mul3A_164 : i32
          %add3A_166 = arith.addi %mul3A_163, %mul3A_165 : i32
          %get3A = arith.index_cast %add3A_166 : i32 to index
          %get3A_167 = tpu.vector_load %arg6[%get3A] {strides = array<i32>} : memref<4096xi32, #tpu.memory_space<vmem>>, vector<16xi32>,
          %add3A_168 = arith.addi %scan3A_161, %get3A_167 : vector<16xi32>
          scf.yield %add3A_168 : vector<16xi32>
        }
        %scan3A_129 = arith.constant 16 : i32
        %broadcast_in_dim3A_130 = arith.constant true
        %broadcast_in_dim3A_131 = vector.broadcast %broadcast_in_dim3A_130 : i1 to vector<16xi1>
        %masked_cumsum3A = tpu.scan <sum>, %scan3A_128 masked %broadcast_in_dim3A_131 : vector<16xi32>, vector<16xi1> -> vector<16xi32>
        %reduce_sum3A = arith.constant true
        %reduce_sum3A_132 = vector.broadcast %reduce_sum3A : i1 to vector<16xi1>
        %reduce_sum3A_133 = tpu.scan <sum>, %scan3A_128 masked %reduce_sum3A_132 : vector<16xi32>, vector<16xi1> -> vector<16xi32>
        %reduce_sum3A_134 = vector.extract %reduce_sum3A_133[15] : i32 from vector<16xi32>
        %le3A = arith.cmpi sle, %scan3A_119, %scan3A : i32
        %add3A_135 = arith.addi %scan3A_119, %reduce_sum3A_134 : i32
        %gt3A = arith.cmpi sgt, %add3A_135, %scan3A : i32
        %and3A = arith.andi %le3A, %gt3A : i1
        %add3A_136 = vector.broadcast %scan3A_119 : i32 to vector<16xi32>
        %add3A_137 = arith.addi %add3A_136, %masked_cumsum3A : vector<16xi32>
        %le3A_138 = vector.broadcast %scan3A : i32 to vector<16xi32>
        %le3A_139 = arith.cmpi sle, %add3A_137, %le3A_138 : vector<16xi32>
        %convert_element_type3A_140 = arith.extui %le3A_139 : vector<16xi1> to vector<16xi32>
        %reduce_sum3A_141 = arith.constant true
        %reduce_sum3A_142 = vector.broadcast %reduce_sum3A_141 : i1 to vector<16xi1>
        %reduce_sum3A_143 = tpu.scan <sum>, %convert_element_type3A_140 masked %reduce_sum3A_142 : vector<16xi32>, vector<16xi1> -> vector<16xi32>
        %reduce_sum3A_144 = vector.extract %reduce_sum3A_143[15] : i32 from vector<16xi32>
        %jit3A = arith.constant 0 : i32
        %broadcast_in_dim3A_145 = vector.broadcast %jit3A : i32 to vector<16xi32>
        %select_n3A = arith.select %le3A_139, %masked_cumsum3A, %broadcast_in_dim3A_145 : vector<16xi1>, vector<16xi32>
        %reduce_max3A = arith.constant true
        %reduce_max3A_146 = vector.broadcast %reduce_max3A : i1 to vector<16xi1>
        %reduce_max3A_147 = arith.constant -2147483648 : i32
        %reduce_max3A_148 = vector.broadcast %reduce_max3A_147 : i32 to vector<16xi32>
        %reduce_max3A_149 = arith.xori %select_n3A, %reduce_max3A_148 : vector<16xi32>
        %reduce_max3A_150 = tpu.scan <max>, %reduce_max3A_149 masked %reduce_max3A_146 : vector<16xi32>, vector<16xi1> -> vector<16xi32>
        %reduce_max3A_151 = arith.xori %reduce_max3A_150, %reduce_max3A_148 : vector<16xi32>
        %reduce_max3A_152 = vector.extract %reduce_max3A_151[15] : i32 from vector<16xi32>
        %add3A_153 = arith.addi %scan3A_119, %reduce_max3A_152 : i32
        %mul3A_154 = arith.constant 16 : i32
        %mul3A_155 = arith.muli %scan3A_118, %mul3A_154 : i32
        %add3A_156 = arith.addi %mul3A_155, %reduce_sum3A_144 : i32
        %select_n3A_157 = arith.select %and3A, %add3A_156, %scan3A_120 : i32
        %select_n3A_158 = arith.select %and3A, %add3A_153, %scan3A_121 : i32
        %add3A_159 = arith.addi %scan3A_119, %reduce_sum3A_134 : i32
        scf.yield %add3A_159, %select_n3A_157, %select_n3A_158 : i32, i32, i32
      }
      %scan3A_91 = arith.constant 16 : i32
      %shift_left3A = arith.constant 0 : i32
      %shift_left3A_92 = arith.constant 8 : i32
      %shift_left3A_93 = arith.shli %shift_left3A, %shift_left3A_92 : i32
      %or3A = arith.ori %shift_left3A_93, %scan3A_90#1 : i32
      %sub3A = arith.constant 28000 : i32
      %sub3A_94 = arith.subi %sub3A, %scan3A_90#2 : i32
      %parallel_loop3A_95 = arith.constant 0 : i32
      %parallel_loop3A_96 = arith.constant 256 : i32
      %parallel_loop3A_97 = arith.constant 1 : i32
      scf.for %parallel_loop3A_118 = %parallel_loop3A_95 to %parallel_loop3A_96 step %parallel_loop3A_97  : i32 {
        %parallel_loop3A_119 = arith.constant 0 : i32
        %parallel_loop3A_120 = vector.broadcast %parallel_loop3A_119 : i32 to vector<16xi32>
        %parallel_loop3A_121 = arith.constant 16 : i32
        %parallel_loop3A_122 = arith.muli %parallel_loop3A_118, %parallel_loop3A_121 : i32
        %parallel_loop3A_123 = arith.index_cast %parallel_loop3A_122 : i32 to index
        %parallel_loop3A_124 = tpu.vector_load %arg6[%parallel_loop3A_123] {strides = array<i32>} : memref<4096xi32, #tpu.memory_space<vmem>>, vector<16xi32>,
        tpu.vector_store %arg6[%parallel_loop3A_123], %parallel_loop3A_120 {strides = array<i32>} : memref<4096xi32, #tpu.memory_space<vmem>>, vector<16xi32>,
      } {sc.loop_unroll_factor = 8 : i64, sc.parallel_access}
      %parallel_loop3A_98 = arith.constant 0 : i32
      %parallel_loop3A_99 = arith.constant 2500 : i32
      %parallel_loop3A_100 = arith.constant 1 : i32
      scf.for %parallel_loop3A_118 = %parallel_loop3A_98 to %parallel_loop3A_99 step %parallel_loop3A_100  : i32 {
        %parallel_loop3A_119 = arith.constant 16 : i32
        %parallel_loop3A_120 = arith.muli %parallel_loop3A_118, %parallel_loop3A_119 : i32
        %parallel_loop3A_121 = arith.index_cast %parallel_loop3A_120 : i32 to index
        %parallel_loop3A_122 = tpu.vector_load %arg5[%parallel_loop3A_121] {strides = array<i32>} : memref<40000xf32, #tpu.memory_space<vmem>>, vector<16xf32>,
        %parallel_loop3A_123 = math.absf %parallel_loop3A_122 : vector<16xf32>
        %parallel_loop3A_124 = tpu.bitcast %parallel_loop3A_123 : vector<16xf32> -> vector<16xi32>
        %parallel_loop3A_125 = arith.constant 15 : i32
        %parallel_loop3A_126 = vector.broadcast %parallel_loop3A_125 : i32 to vector<16xi32>
        %parallel_loop3A_127 = arith.shrui %parallel_loop3A_124, %parallel_loop3A_126 : vector<16xi32>
        %parallel_loop3A_128 = arith.constant 255 : i32
        %parallel_loop3A_129 = vector.broadcast %parallel_loop3A_128 : i32 to vector<16xi32>
        %parallel_loop3A_130 = arith.andi %parallel_loop3A_127, %parallel_loop3A_129 : vector<16xi32>
        %parallel_loop3A_131 = arith.addi %parallel_loop3A_130, %mul3A_3 : vector<16xi32>
        %parallel_loop3A_132 = arith.constant 23 : i32
        %parallel_loop3A_133 = vector.broadcast %parallel_loop3A_132 : i32 to vector<16xi32>
        %parallel_loop3A_134 = arith.shrui %parallel_loop3A_124, %parallel_loop3A_133 : vector<16xi32>
        %parallel_loop3A_135 = vector.broadcast %or3A : i32 to vector<16xi32>
        %parallel_loop3A_136 = arith.cmpi eq, %parallel_loop3A_134, %parallel_loop3A_135 : vector<16xi32>
        tpu.vector_store_idx %arg6[%parallel_loop3A_131], %broadcast_in_dim3A_4 masked %parallel_loop3A_136 {add = true} : memref<4096xi32, #tpu.memory_space<vmem>>[vector<16xi32>], vector<16xi32>, vector<16xi1>
      } {sc.loop_unroll_factor = 16 : i64, sc.parallel_access}
      %scan3A_101 = arith.constant 0 : i32
      %scan3A_102 = arith.constant 0 : i32
      %scan3A_103 = arith.constant 0 : i32
      %scan3A_104 = arith.constant 0 : i32
      %scan3A_105 = arith.constant 16 : i32
      %scan3A_106 = arith.addi %scan3A_104, %scan3A_105 : i32
      %scan3A_107 = arith.constant 1 : i32
      %scan3A_108:3 = scf.for %scan3A_118 = %scan3A_104 to %scan3A_106 step %scan3A_107 iter_args(%scan3A_119 = %scan3A_101, %scan3A_120 = %scan3A_102, %scan3A_121 = %scan3A_103) -> (i32, i32, i32)  : i32 {
        %broadcast_in_dim3A_122 = arith.constant 0 : i32
        %broadcast_in_dim3A_123 = vector.broadcast %broadcast_in_dim3A_122 : i32 to vector<16xi32>
        %scan3A_124 = arith.constant 0 : i32
        %scan3A_125 = arith.constant 16 : i32
        %scan3A_126 = arith.addi %scan3A_124, %scan3A_125 : i32
        %scan3A_127 = arith.constant 1 : i32
        %scan3A_128 = scf.for %scan3A_160 = %scan3A_124 to %scan3A_126 step %scan3A_127 iter_args(%scan3A_161 = %broadcast_in_dim3A_123) -> (vector<16xi32>)  : i32 {
          %mul3A_162 = arith.constant 256 : i32
          %mul3A_163 = arith.muli %scan3A_160, %mul3A_162 : i32
          %mul3A_164 = arith.constant 16 : i32
          %mul3A_165 = arith.muli %scan3A_118, %mul3A_164 : i32
          %add3A_166 = arith.addi %mul3A_163, %mul3A_165 : i32
          %get3A = arith.index_cast %add3A_166 : i32 to index
          %get3A_167 = tpu.vector_load %arg6[%get3A] {strides = array<i32>} : memref<4096xi32, #tpu.memory_space<vmem>>, vector<16xi32>,
          %add3A_168 = arith.addi %scan3A_161, %get3A_167 : vector<16xi32>
          scf.yield %add3A_168 : vector<16xi32>
        }
        %scan3A_129 = arith.constant 16 : i32
        %broadcast_in_dim3A_130 = arith.constant true
        %broadcast_in_dim3A_131 = vector.broadcast %broadcast_in_dim3A_130 : i1 to vector<16xi1>
        %masked_cumsum3A = tpu.scan <sum>, %scan3A_128 masked %broadcast_in_dim3A_131 : vector<16xi32>, vector<16xi1> -> vector<16xi32>
        %reduce_sum3A = arith.constant true
        %reduce_sum3A_132 = vector.broadcast %reduce_sum3A : i1 to vector<16xi1>
        %reduce_sum3A_133 = tpu.scan <sum>, %scan3A_128 masked %reduce_sum3A_132 : vector<16xi32>, vector<16xi1> -> vector<16xi32>
        %reduce_sum3A_134 = vector.extract %reduce_sum3A_133[15] : i32 from vector<16xi32>
        %le3A = arith.cmpi sle, %scan3A_119, %sub3A_94 : i32
        %add3A_135 = arith.addi %scan3A_119, %reduce_sum3A_134 : i32
        %gt3A = arith.cmpi sgt, %add3A_135, %sub3A_94 : i32
        %and3A = arith.andi %le3A, %gt3A : i1
        %add3A_136 = vector.broadcast %scan3A_119 : i32 to vector<16xi32>
        %add3A_137 = arith.addi %add3A_136, %masked_cumsum3A : vector<16xi32>
        %le3A_138 = vector.broadcast %sub3A_94 : i32 to vector<16xi32>
        %le3A_139 = arith.cmpi sle, %add3A_137, %le3A_138 : vector<16xi32>
        %convert_element_type3A_140 = arith.extui %le3A_139 : vector<16xi1> to vector<16xi32>
        %reduce_sum3A_141 = arith.constant true
        %reduce_sum3A_142 = vector.broadcast %reduce_sum3A_141 : i1 to vector<16xi1>
        %reduce_sum3A_143 = tpu.scan <sum>, %convert_element_type3A_140 masked %reduce_sum3A_142 : vector<16xi32>, vector<16xi1> -> vector<16xi32>
        %reduce_sum3A_144 = vector.extract %reduce_sum3A_143[15] : i32 from vector<16xi32>
        %jit3A = arith.constant 0 : i32
        %broadcast_in_dim3A_145 = vector.broadcast %jit3A : i32 to vector<16xi32>
        %select_n3A = arith.select %le3A_139, %masked_cumsum3A, %broadcast_in_dim3A_145 : vector<16xi1>, vector<16xi32>
        %reduce_max3A = arith.constant true
        %reduce_max3A_146 = vector.broadcast %reduce_max3A : i1 to vector<16xi1>
        %reduce_max3A_147 = arith.constant -2147483648 : i32
        %reduce_max3A_148 = vector.broadcast %reduce_max3A_147 : i32 to vector<16xi32>
        %reduce_max3A_149 = arith.xori %select_n3A, %reduce_max3A_148 : vector<16xi32>
        %reduce_max3A_150 = tpu.scan <max>, %reduce_max3A_149 masked %reduce_max3A_146 : vector<16xi32>, vector<16xi1> -> vector<16xi32>
        %reduce_max3A_151 = arith.xori %reduce_max3A_150, %reduce_max3A_148 : vector<16xi32>
        %reduce_max3A_152 = vector.extract %reduce_max3A_151[15] : i32 from vector<16xi32>
        %add3A_153 = arith.addi %scan3A_119, %reduce_max3A_152 : i32
        %mul3A_154 = arith.constant 16 : i32
        %mul3A_155 = arith.muli %scan3A_118, %mul3A_154 : i32
        %add3A_156 = arith.addi %mul3A_155, %reduce_sum3A_144 : i32
        %select_n3A_157 = arith.select %and3A, %add3A_156, %scan3A_120 : i32
        %select_n3A_158 = arith.select %and3A, %add3A_153, %scan3A_121 : i32
        %add3A_159 = arith.addi %scan3A_119, %reduce_sum3A_134 : i32
        scf.yield %add3A_159, %select_n3A_157, %select_n3A_158 : i32, i32, i32
      }
      %scan3A_109 = arith.constant 16 : i32
      %shift_left3A_110 = arith.constant 8 : i32
      %shift_left3A_111 = arith.shli %or3A, %shift_left3A_110 : i32
      %or3A_112 = arith.ori %shift_left3A_111, %scan3A_108#1 : i32
      %sub3A_113 = arith.subi %sub3A_94, %scan3A_108#2 : i32
      %shift_left3A_114 = arith.constant 15 : i32
      %shift_left3A_115 = arith.shli %or3A_112, %shift_left3A_114 : i32
      %broadcast_in_dim3A_116 = vector.broadcast %shift_left3A_115 : i32 to vector<16xi32>
      %bitcast_convert_type3A = tpu.bitcast %broadcast_in_dim3A_116 : vector<16xi32> -> vector<16xf32>
      %swap3A = arith.constant 0 : index
      %swap3A_117 = tpu.vector_load %arg7[%swap3A] {strides = array<i32>} : memref<16xf32, #tpu.memory_space<vmem>>, vector<16xf32>,
      tpu.vector_store %arg7[%swap3A], %bitcast_convert_type3A {strides = array<i32>} : memref<16xf32, #tpu.memory_space<vmem>>, vector<16xf32>,
      "tpu.region"() ({
        %run_scoped3A = tpu.sem_alloc : memref<!tpu.dma_semaphore, #tpu.memory_space<semaphore_mem>>
        %dma_start3A = arith.constant 0 : i32
        %dma_start3A_118 = tpu.memref_slice %arg3[%add3A_67, %dma_start3A] : memref<100x16xf32, #tpu.memory_space<hbm>> -> memref<1x16xf32, #tpu.memory_space<hbm>>
        %dma_start3A_119 = tpu.memref_squeeze %dma_start3A_118 : memref<1x16xf32, #tpu.memory_space<hbm>> -> memref<16xf32, #tpu.memory_space<hbm>>
        %dma_start3A_120 = arith.constant 0 : i32
        %dma_start3A_121 = tpu.memref_slice %arg3[%add3A_67, %dma_start3A_120] : memref<100x16xf32, #tpu.memory_space<hbm>> -> memref<1x16xf32, #tpu.memory_space<hbm>>
        %dma_start3A_122 = tpu.memref_squeeze %dma_start3A_121 : memref<1x16xf32, #tpu.memory_space<hbm>> -> memref<16xf32, #tpu.memory_space<hbm>>
        tpu.enqueue_dma source(%arg7 : memref<16xf32, #tpu.memory_space<vmem>>) target(%dma_start3A_122 : memref<16xf32, #tpu.memory_space<hbm>>) target_semaphore(%run_scoped3A : memref<!tpu.dma_semaphore, #tpu.memory_space<semaphore_mem>>)
        %dma_wait3A = arith.constant 0 : i32
        %dma_wait3A_123 = tpu.memref_slice %arg3[%add3A_67, %dma_wait3A] : memref<100x16xf32, #tpu.memory_space<hbm>> -> memref<1x16xf32, #tpu.memory_space<hbm>>
        %dma_wait3A_124 = tpu.memref_squeeze %dma_wait3A_123 : memref<1x16xf32, #tpu.memory_space<hbm>> -> memref<16xf32, #tpu.memory_space<hbm>>
        %dma_wait3A_125 = arith.constant 0 : i32
        %dma_wait3A_126 = tpu.memref_slice %arg3[%add3A_67, %dma_wait3A_125] : memref<100x16xf32, #tpu.memory_space<hbm>> -> memref<1x16xf32, #tpu.memory_space<hbm>>
        %dma_wait3A_127 = tpu.memref_squeeze %dma_wait3A_126 : memref<1x16xf32, #tpu.memory_space<hbm>> -> memref<16xf32, #tpu.memory_space<hbm>>
        tpu.wait_dma2 semaphore(%run_scoped3A : memref<!tpu.dma_semaphore, #tpu.memory_space<semaphore_mem>>) src(%arg7 : memref<16xf32, #tpu.memory_space<vmem>>) dst(%dma_wait3A_127 : memref<16xf32, #tpu.memory_space<hbm>>)
        tpu.yield
      }) : () -> ()
    } else {
    }
    return
  }
}

module attributes {stable_mosaic.version = 14 : i64} {
  func.func @_mlp_body(%arg0: i32, %arg1: memref<100x2048xf32, #tpu.memory_space<vmem>>, %arg2: memref<100x2048xf32, #tpu.memory_space<vmem>>, %arg3: memref<100x16xf32, #tpu.memory_space<vmem>>, %arg4: memref<2048x512xf32, #tpu.memory_space<vmem>>, %arg5: memref<1x512xf32, #tpu.memory_space<vmem>>, %arg6: memref<1x512xf32, #tpu.memory_space<vmem>>, %arg7: memref<1x512xf32, #tpu.memory_space<vmem>>, %arg8: memref<512x1024xf32, #tpu.memory_space<vmem>>, %arg9: memref<1x1024xf32, #tpu.memory_space<vmem>>, %arg10: memref<1x1024xf32, #tpu.memory_space<vmem>>, %arg11: memref<1x1024xf32, #tpu.memory_space<vmem>>, %arg12: memref<1024x128xf32, #tpu.memory_space<vmem>>, %arg13: memref<1x128xf32, #tpu.memory_space<vmem>>, %arg14: memref<100x128xf32, #tpu.memory_space<vmem>>, %arg15: memref<100x512xf32, #tpu.memory_space<vmem>>) attributes {dimension_semantics = [#tpu.dimension_semantics<arbitrary>], iteration_bounds = array<i64: 20>, scalar_prefetch = 0 : i64, scratch_operands = 1 : i64, tpu.core_type = #tpu.core_type<tc>, window_params = [{transform_indices = @transform_0, window_bounds = array<i64: 100, 2048>}, {transform_indices = @transform_1, window_bounds = array<i64: 100, 2048>}, {pipeline_mode = #tpu.pipeline_mode<synchronous>, transform_indices = @transform_2, window_bounds = array<i64: 100, 16>}, {transform_indices = @transform_3, window_bounds = array<i64: 2048, 512>}, {pipeline_mode = #tpu.pipeline_mode<synchronous>, transform_indices = @transform_4, window_bounds = array<i64: 1, 512>}, {pipeline_mode = #tpu.pipeline_mode<synchronous>, transform_indices = @transform_5, window_bounds = array<i64: 1, 512>}, {pipeline_mode = #tpu.pipeline_mode<synchronous>, transform_indices = @transform_6, window_bounds = array<i64: 1, 512>}, {pipeline_mode = #tpu.pipeline_mode<synchronous>, transform_indices = @transform_7, window_bounds = array<i64: 512, 1024>}, {pipeline_mode = #tpu.pipeline_mode<synchronous>, transform_indices = @transform_8, window_bounds = array<i64: 1, 1024>}, {pipeline_mode = #tpu.pipeline_mode<synchronous>, transform_indices = @transform_9, window_bounds = array<i64: 1, 1024>}, {pipeline_mode = #tpu.pipeline_mode<synchronous>, transform_indices = @transform_10, window_bounds = array<i64: 1, 1024>}, {pipeline_mode = #tpu.pipeline_mode<synchronous>, transform_indices = @transform_11, window_bounds = array<i64: 1024, 128>}, {pipeline_mode = #tpu.pipeline_mode<synchronous>, transform_indices = @transform_12, window_bounds = array<i64: 1, 128>}, {pipeline_mode = #tpu.pipeline_mode<synchronous>, transform_indices = @transform_13, window_bounds = array<i64: 100, 128>}]} {
    %eq3A = arith.constant 0 : i32
    %eq3A_0 = arith.cmpi eq, %arg0, %eq3A : i32
    %convert_element_type3A = arith.extui %eq3A_0 : i1 to i32
    %cond3A = arith.constant 0 : i32
    %cond3A_1 = arith.cmpi ne, %convert_element_type3A, %cond3A : i32
    scf.if %cond3A_1 {
      %broadcast_in_dim3A_41 = arith.constant 0.000000e+00 : f32
      %broadcast_in_dim3A_42 = vector.broadcast %broadcast_in_dim3A_41 : f32 to vector<100x512xf32>
      %swap3A_43 = arith.constant 0 : index
      %swap3A_44 = arith.constant 0 : index
      %swap3A_45 = vector.load %arg15[%swap3A_43, %swap3A_44] : memref<100x512xf32, #tpu.memory_space<vmem>>, vector<100x512xf32>
      tpu.vector_store %arg15[%swap3A_43, %swap3A_44], %broadcast_in_dim3A_42 {strides = array<i32>} : memref<100x512xf32, #tpu.memory_space<vmem>>, vector<100x512xf32>,
    } else {
    }
    %get3A = arith.constant 0 : index
    %get3A_2 = arith.constant 0 : index
    %get3A_3 = vector.load %arg3[%get3A, %get3A_2] : memref<100x16xf32, #tpu.memory_space<vmem>>, vector<100x1xf32>
    %mul3A = arith.constant 2048 : i32
    %mul3A_4 = arith.muli %arg0, %mul3A : i32
    %iota3A = tpu.iota {dimensions = array<i32: 1>} : vector<100x2048xi32>
    %add3A = vector.broadcast %mul3A_4 : i32 to vector<100x2048xi32>
    %add3A_5 = arith.addi %add3A, %iota3A : vector<100x2048xi32>
    %lt3A = arith.constant 40000 : i32
    %lt3A_6 = vector.broadcast %lt3A : i32 to vector<100x2048xi32>
    %lt3A_7 = arith.cmpi slt, %add3A_5, %lt3A_6 : vector<100x2048xi32>
    %get3A_8 = arith.constant 0 : index
    %get3A_9 = arith.constant 0 : index
    %get3A_10 = vector.load %arg2[%get3A_8, %get3A_9] : memref<100x2048xf32, #tpu.memory_space<vmem>>, vector<100x2048xf32>
    %abs3A = math.absf %get3A_10 : vector<100x2048xf32>
    %ge3A = vector.broadcast %get3A_3 : vector<100x1xf32> to vector<100x2048xf32>
    %ge3A_11 = arith.cmpf oge, %abs3A, %ge3A : vector<100x2048xf32>
    %and3A = arith.andi %lt3A_7, %ge3A_11 : vector<100x2048xi1>
    %get3A_12 = arith.constant 0 : index
    %get3A_13 = arith.constant 0 : index
    %get3A_14 = vector.load %arg1[%get3A_12, %get3A_13] : memref<100x2048xf32, #tpu.memory_space<vmem>>, vector<100x2048xf32>
    %jit3A = arith.constant 0.000000e+00 : f32
    %broadcast_in_dim3A = vector.broadcast %jit3A : f32 to vector<100x2048xf32>
    %select_n3A = arith.select %and3A, %get3A_14, %broadcast_in_dim3A : vector<100x2048xi1>, vector<100x2048xf32>
    %mul3A_15 = arith.constant 2048 : i32
    %mul3A_16 = arith.muli %arg0, %mul3A_15 : i32
    %iota3A_17 = tpu.iota {dimensions = array<i32: 0>} : vector<2048x512xi32>
    %add3A_18 = vector.broadcast %mul3A_16 : i32 to vector<2048x512xi32>
    %add3A_19 = arith.addi %add3A_18, %iota3A_17 : vector<2048x512xi32>
    %lt3A_20 = arith.constant 40000 : i32
    %lt3A_21 = vector.broadcast %lt3A_20 : i32 to vector<2048x512xi32>
    %lt3A_22 = arith.cmpi slt, %add3A_19, %lt3A_21 : vector<2048x512xi32>
    %get3A_23 = arith.constant 0 : index
    %get3A_24 = arith.constant 0 : index
    %get3A_25 = vector.load %arg4[%get3A_23, %get3A_24] : memref<2048x512xf32, #tpu.memory_space<vmem>>, vector<2048x512xf32>
    %jit3A_26 = arith.constant 0.000000e+00 : f32
    %broadcast_in_dim3A_27 = vector.broadcast %jit3A_26 : f32 to vector<2048x512xf32>
    %select_n3A_28 = arith.select %lt3A_22, %get3A_25, %broadcast_in_dim3A_27 : vector<2048x512xi1>, vector<2048x512xf32>
    %get3A_29 = arith.constant 0 : index
    %get3A_30 = arith.constant 0 : index
    %get3A_31 = vector.load %arg15[%get3A_29, %get3A_30] : memref<100x512xf32, #tpu.memory_space<vmem>>, vector<100x512xf32>
    %dot_general3A = arith.constant dense<0.000000e+00> : vector<100x512xf32>
    %dot_general3A_32 = tpu.matmul %select_n3A, %select_n3A_28, %dot_general3A {dimension_numbers = #tpu.dot_dimension_numbers<[1], [0], [0], [1], [0, 0, 1, 1], [], []>, transpose_lhs_hint = false} : vector<100x2048xf32>, vector<2048x512xf32>, vector<100x512xf32> -> vector<100x512xf32>
    %add3A_33 = arith.addf %get3A_31, %dot_general3A_32 : vector<100x512xf32>
    %swap3A = arith.constant 0 : index
    %swap3A_34 = arith.constant 0 : index
    %swap3A_35 = vector.load %arg15[%swap3A, %swap3A_34] : memref<100x512xf32, #tpu.memory_space<vmem>>, vector<100x512xf32>
    tpu.vector_store %arg15[%swap3A, %swap3A_34], %add3A_33 {strides = array<i32>} : memref<100x512xf32, #tpu.memory_space<vmem>>, vector<100x512xf32>,
    %eq3A_36 = arith.constant 19 : i32
    %eq3A_37 = arith.cmpi eq, %arg0, %eq3A_36 : i32
    %convert_element_type3A_38 = arith.extui %eq3A_37 : i1 to i32
    %cond3A_39 = arith.constant 0 : i32
    %cond3A_40 = arith.cmpi ne, %convert_element_type3A_38, %cond3A_39 : i32
    scf.if %cond3A_40 {
      %get3A_41 = arith.constant 0 : index
      %get3A_42 = arith.constant 0 : index
      %get3A_43 = vector.load %arg15[%get3A_41, %get3A_42] : memref<100x512xf32, #tpu.memory_space<vmem>>, vector<100x512xf32>
      %get3A_44 = arith.constant 0 : index
      %get3A_45 = arith.constant 0 : index
      %get3A_46 = vector.load %arg5[%get3A_44, %get3A_45] : memref<1x512xf32, #tpu.memory_space<vmem>>, vector<1x512xf32>
      %add3A_47 = vector.broadcast %get3A_46 : vector<1x512xf32> to vector<100x512xf32>
      %add3A_48 = arith.addf %get3A_43, %add3A_47 : vector<100x512xf32>
      %max3A = arith.constant 0.000000e+00 : f32
      %max3A_49 = vector.broadcast %max3A : f32 to vector<100x512xf32>
      %max3A_50 = arith.maximumf %add3A_48, %max3A_49 : vector<100x512xf32>
      %get3A_51 = arith.constant 0 : index
      %get3A_52 = arith.constant 0 : index
      %get3A_53 = vector.load %arg6[%get3A_51, %get3A_52] : memref<1x512xf32, #tpu.memory_space<vmem>>, vector<1x512xf32>
      %mul3A_54 = vector.broadcast %get3A_53 : vector<1x512xf32> to vector<100x512xf32>
      %mul3A_55 = arith.mulf %mul3A_54, %max3A_50 : vector<100x512xf32>
      %mul3A_56 = arith.constant 0.999994993 : f32
      %mul3A_57 = vector.broadcast %mul3A_56 : f32 to vector<100x512xf32>
      %mul3A_58 = arith.mulf %mul3A_55, %mul3A_57 : vector<100x512xf32>
      %get3A_59 = arith.constant 0 : index
      %get3A_60 = arith.constant 0 : index
      %get3A_61 = vector.load %arg7[%get3A_59, %get3A_60] : memref<1x512xf32, #tpu.memory_space<vmem>>, vector<1x512xf32>
      %add3A_62 = vector.broadcast %get3A_61 : vector<1x512xf32> to vector<100x512xf32>
      %add3A_63 = arith.addf %mul3A_58, %add3A_62 : vector<100x512xf32>
      %get3A_64 = arith.constant 0 : index
      %get3A_65 = arith.constant 0 : index
      %get3A_66 = vector.load %arg8[%get3A_64, %get3A_65] : memref<512x1024xf32, #tpu.memory_space<vmem>>, vector<512x1024xf32>
      %dot_general3A_67 = arith.constant dense<0.000000e+00> : vector<100x1024xf32>
      %dot_general3A_68 = tpu.matmul %add3A_63, %get3A_66, %dot_general3A_67 {dimension_numbers = #tpu.dot_dimension_numbers<[1], [0], [0], [1], [0, 0, 1, 1], [], []>, transpose_lhs_hint = false} : vector<100x512xf32>, vector<512x1024xf32>, vector<100x1024xf32> -> vector<100x1024xf32>
      %get3A_69 = arith.constant 0 : index
      %get3A_70 = arith.constant 0 : index
      %get3A_71 = vector.load %arg9[%get3A_69, %get3A_70] : memref<1x1024xf32, #tpu.memory_space<vmem>>, vector<1x1024xf32>
      %add3A_72 = vector.broadcast %get3A_71 : vector<1x1024xf32> to vector<100x1024xf32>
      %add3A_73 = arith.addf %dot_general3A_68, %add3A_72 : vector<100x1024xf32>
      %max3A_74 = arith.constant 0.000000e+00 : f32
      %max3A_75 = vector.broadcast %max3A_74 : f32 to vector<100x1024xf32>
      %max3A_76 = arith.maximumf %add3A_73, %max3A_75 : vector<100x1024xf32>
      %get3A_77 = arith.constant 0 : index
      %get3A_78 = arith.constant 0 : index
      %get3A_79 = vector.load %arg10[%get3A_77, %get3A_78] : memref<1x1024xf32, #tpu.memory_space<vmem>>, vector<1x1024xf32>
      %mul3A_80 = vector.broadcast %get3A_79 : vector<1x1024xf32> to vector<100x1024xf32>
      %mul3A_81 = arith.mulf %mul3A_80, %max3A_76 : vector<100x1024xf32>
      %mul3A_82 = arith.constant 0.999994993 : f32
      %mul3A_83 = vector.broadcast %mul3A_82 : f32 to vector<100x1024xf32>
      %mul3A_84 = arith.mulf %mul3A_81, %mul3A_83 : vector<100x1024xf32>
      %get3A_85 = arith.constant 0 : index
      %get3A_86 = arith.constant 0 : index
      %get3A_87 = vector.load %arg11[%get3A_85, %get3A_86] : memref<1x1024xf32, #tpu.memory_space<vmem>>, vector<1x1024xf32>
      %add3A_88 = vector.broadcast %get3A_87 : vector<1x1024xf32> to vector<100x1024xf32>
      %add3A_89 = arith.addf %mul3A_84, %add3A_88 : vector<100x1024xf32>
      %get3A_90 = arith.constant 0 : index
      %get3A_91 = arith.constant 0 : index
      %get3A_92 = vector.load %arg12[%get3A_90, %get3A_91] : memref<1024x128xf32, #tpu.memory_space<vmem>>, vector<1024x128xf32>
      %dot_general3A_93 = arith.constant dense<0.000000e+00> : vector<100x128xf32>
      %dot_general3A_94 = tpu.matmul %add3A_89, %get3A_92, %dot_general3A_93 {dimension_numbers = #tpu.dot_dimension_numbers<[1], [0], [0], [1], [0, 0, 1, 1], [], []>, transpose_lhs_hint = false} : vector<100x1024xf32>, vector<1024x128xf32>, vector<100x128xf32> -> vector<100x128xf32>
      %get3A_95 = arith.constant 0 : index
      %get3A_96 = arith.constant 0 : index
      %get3A_97 = vector.load %arg13[%get3A_95, %get3A_96] : memref<1x128xf32, #tpu.memory_space<vmem>>, vector<1x128xf32>
      %add3A_98 = vector.broadcast %get3A_97 : vector<1x128xf32> to vector<100x128xf32>
      %add3A_99 = arith.addf %dot_general3A_94, %add3A_98 : vector<100x128xf32>
      %iota3A_100 = tpu.iota {dimensions = array<i32: 1>} : vector<100x128xi32>
      %lt3A_101 = arith.constant 2 : i32
      %lt3A_102 = vector.broadcast %lt3A_101 : i32 to vector<100x128xi32>
      %lt3A_103 = arith.cmpi slt, %iota3A_100, %lt3A_102 : vector<100x128xi32>
      %jit3A_104 = arith.constant 0xFF800000 : f32
      %broadcast_in_dim3A_105 = vector.broadcast %jit3A_104 : f32 to vector<100x128xf32>
      %select_n3A_106 = arith.select %lt3A_103, %add3A_99, %broadcast_in_dim3A_105 : vector<100x128xi1>, vector<100x128xf32>
      %reduce_max3A = arith.constant dense<0xFF800000> : vector<100xf32>
      %reduce_max3A_107 = vector.multi_reduction <maximumf>, %select_n3A_106, %reduce_max3A [1] : vector<100x128xf32> to vector<100xf32>
      %broadcast_in_dim3A_108 = vector.shape_cast %reduce_max3A_107 : vector<100xf32> to vector<100x1xf32>
      %lt3A_109 = arith.constant 2 : i32
      %lt3A_110 = vector.broadcast %lt3A_109 : i32 to vector<100x128xi32>
      %lt3A_111 = arith.cmpi slt, %iota3A_100, %lt3A_110 : vector<100x128xi32>
      %sub3A = vector.broadcast %broadcast_in_dim3A_108 : vector<100x1xf32> to vector<100x128xf32>
      %sub3A_112 = arith.subf %add3A_99, %sub3A : vector<100x128xf32>
      %exp3A = math.exp %sub3A_112 : vector<100x128xf32>
      %jit3A_113 = arith.constant 0.000000e+00 : f32
      %broadcast_in_dim3A_114 = vector.broadcast %jit3A_113 : f32 to vector<100x128xf32>
      %select_n3A_115 = arith.select %lt3A_111, %exp3A, %broadcast_in_dim3A_114 : vector<100x128xi1>, vector<100x128xf32>
      %reduce_sum3A = arith.constant dense<0.000000e+00> : vector<100xf32>
      %reduce_sum3A_116 = vector.multi_reduction <add>, %select_n3A_115, %reduce_sum3A [1] : vector<100x128xf32> to vector<100xf32>
      %broadcast_in_dim3A_117 = vector.shape_cast %reduce_sum3A_116 : vector<100xf32> to vector<100x1xf32>
      %log3A = math.log %broadcast_in_dim3A_117 : vector<100x1xf32>
      %add3A_118 = arith.addf %broadcast_in_dim3A_108, %log3A : vector<100x1xf32>
      %sub3A_119 = vector.broadcast %add3A_118 : vector<100x1xf32> to vector<100x128xf32>
      %sub3A_120 = arith.subf %add3A_99, %sub3A_119 : vector<100x128xf32>
      %swap3A_121 = arith.constant 0 : index
      %swap3A_122 = arith.constant 0 : index
      %swap3A_123 = vector.load %arg14[%swap3A_121, %swap3A_122] : memref<100x128xf32, #tpu.memory_space<vmem>>, vector<100x128xf32>
      tpu.vector_store %arg14[%swap3A_121, %swap3A_122], %sub3A_120 {strides = array<i32>} : memref<100x128xf32, #tpu.memory_space<vmem>>, vector<100x128xf32>,
    } else {
    }
    return
  }
  func.func @transform_0(%arg0: i32) -> (i32, i32) {
    %c0_i32 = arith.constant 0 : i32
    %c0_i32_0 = arith.constant 0 : i32
    return %c0_i32, %arg0 : i32, i32
  }
  func.func @transform_1(%arg0: i32) -> (i32, i32) {
    %c0_i32 = arith.constant 0 : i32
    %c0_i32_0 = arith.constant 0 : i32
    return %c0_i32, %arg0 : i32, i32
  }
  func.func @transform_2(%arg0: i32) -> (i32, i32) {
    %c0_i32 = arith.constant 0 : i32
    %c0_i32_0 = arith.constant 0 : i32
    %c0_i32_1 = arith.constant 0 : i32
    return %c0_i32, %c0_i32_0 : i32, i32
  }
  func.func @transform_3(%arg0: i32) -> (i32, i32) {
    %c0_i32 = arith.constant 0 : i32
    %c0_i32_0 = arith.constant 0 : i32
    return %arg0, %c0_i32 : i32, i32
  }
  func.func @transform_4(%arg0: i32) -> (i32, i32) {
    %c0_i32 = arith.constant 0 : i32
    %c0_i32_0 = arith.constant 0 : i32
    %c0_i32_1 = arith.constant 0 : i32
    return %c0_i32, %c0_i32_0 : i32, i32
  }
  func.func @transform_5(%arg0: i32) -> (i32, i32) {
    %c0_i32 = arith.constant 0 : i32
    %c0_i32_0 = arith.constant 0 : i32
    %c0_i32_1 = arith.constant 0 : i32
    return %c0_i32, %c0_i32_0 : i32, i32
  }
  func.func @transform_6(%arg0: i32) -> (i32, i32) {
    %c0_i32 = arith.constant 0 : i32
    %c0_i32_0 = arith.constant 0 : i32
    %c0_i32_1 = arith.constant 0 : i32
    return %c0_i32, %c0_i32_0 : i32, i32
  }
  func.func @transform_7(%arg0: i32) -> (i32, i32) {
    %c0_i32 = arith.constant 0 : i32
    %c0_i32_0 = arith.constant 0 : i32
    %c0_i32_1 = arith.constant 0 : i32
    return %c0_i32, %c0_i32_0 : i32, i32
  }
  func.func @transform_8(%arg0: i32) -> (i32, i32) {
    %c0_i32 = arith.constant 0 : i32
    %c0_i32_0 = arith.constant 0 : i32
    %c0_i32_1 = arith.constant 0 : i32
    return %c0_i32, %c0_i32_0 : i32, i32
  }
  func.func @transform_9(%arg0: i32) -> (i32, i32) {
    %c0_i32 = arith.constant 0 : i32
    %c0_i32_0 = arith.constant 0 : i32
    %c0_i32_1 = arith.constant 0 : i32
    return %c0_i32, %c0_i32_0 : i32, i32
  }
  func.func @transform_10(%arg0: i32) -> (i32, i32) {
    %c0_i32 = arith.constant 0 : i32
    %c0_i32_0 = arith.constant 0 : i32
    %c0_i32_1 = arith.constant 0 : i32
    return %c0_i32, %c0_i32_0 : i32, i32
  }
  func.func @transform_11(%arg0: i32) -> (i32, i32) {
    %c0_i32 = arith.constant 0 : i32
    %c0_i32_0 = arith.constant 0 : i32
    %c0_i32_1 = arith.constant 0 : i32
    return %c0_i32, %c0_i32_0 : i32, i32
  }
  func.func @transform_12(%arg0: i32) -> (i32, i32) {
    %c0_i32 = arith.constant 0 : i32
    %c0_i32_0 = arith.constant 0 : i32
    %c0_i32_1 = arith.constant 0 : i32
    return %c0_i32, %c0_i32_0 : i32, i32
  }
  func.func @transform_13(%arg0: i32) -> (i32, i32) {
    %c0_i32 = arith.constant 0 : i32
    %c0_i32_0 = arith.constant 0 : i32
    %c0_i32_1 = arith.constant 0 : i32
    return %c0_i32, %c0_i32_0 : i32, i32
  }
}

</mosaic_0001>

<sc_bundles>
// kernel: kernel.4.cloned.1.call-start
scs
__scs_entry_jumppad:
0x0: {  	(pc) =	sbr.rel $0x88, $3  }
0x1: {  	(tag) =	ssettag $0x0;
	lr =	simm.s32 $0x1  }
0x2: {  	[smem:$0x3F95] =	sst lr;
	_ =	strace $0xD0000000  }
0x3: {  	_ = 	snop  }
0x4: {  	_ = 	snop  }
0x5: {  	_ = 	snop  }
0x6: {  	_ = 	snop  }
0x7: {  	_ = 	snop  }
__scs_overlays_trampoline_lowered:
0x8: {  	[smem:$0x3FA4] =	sst s0  }
0x9: {  	[smem:$0x3FA5] =	sst s1  }
0xa: {  	[smem:$0x3FA6] =	sst s2  }
0xb: {  	[smem:$0x3FA7] =	sst s3  }
0xc: {  	[smem:$0x3FA8] =	sst s4  }
0xd: {  	[smem:$0x3FA9] =	sst s5  }
0xe: {  	[smem:$0x3FAA] =	sst s6  }
0xf: {  	[smem:$0x3FAB] =	sst s7  }
0x10: {  	[smem:$0x3FAC] =	sst s8  }
0x11: {  	[smem:$0x3FAD] =	sst s9;
	s0 =	simm.s32 @!p0 $0x0  }
0x12: {  	s1 =	sld [smem:$0x3F93];
	s0 =	simm.s32 @p0 $0x1  }
0x13: {  	[smem:$0x3FAE] =	sst s0;
	s0 =	simm.s32 @!p1 $0x0  }
0x14: {  	s2 =	sld [smem:$0x3F92];
	s0 =	simm.s32 @p1 $0x1  }
0x15: {  	[smem:$0x3FAF] =	sst s0;
	s0 =	simm.s32 @!p2 $0x0  }
0x16: {  	s3 =	sld [smem:$0x3FDB];
	s0 =	simm.s32 @p2 $0x1  }
0x17: {  	s4 =	simm.s32 $0x1BF5;
	[smem:$0x3FB1] =	sst s0  }
0x18: {  	s0 =	sld [smem:$0x3F94];
	_ =	swait.ge [sflag:s4], $0x0  }
0x19: {  	s7 =	sld [smem:$0x3F95]  }
0x1a: {  	s8 =	sadd.s32 $0xFFFFE003, lr  }
0x1b: {  	s9 =	sadd.s32 $0xFFFFFEF7, lr;
	s5 =	simm.s32 $0xFFFFFFFF;
	p2 =	slt.u32 s8, $0xFFFFF086  }
0x1c: {  	p1 =	slt.u32 s9, $0xF7A;
	s5 =	simm.s32 @!p2 $0x0  }
0x1d: {  	s5 =	simm.s32 @p1 $0x1;
	p0 =	seq.s32 s7, s2  }
0x1e: {  	s7 =	smul.u32 @!p0 $0xF7A, s2;
	p2 =	seq.s32 @!p0 s5, $0x0  }
0x1f: {  	s9 =	smul.u32 $0xF7A, s1;
	s8 =	simm.s32 @!p0 $0x1BF5;
	p2 =	por !p2, p0  }
0x20: {  	[sflag:s8] =	ssyncset.s32 @!p0 $0xFFFFF086;
	s6 =	sadd.s32 @!p0 s3, s7;
	s7 =	simm.s32 @!p0 $0x108  }
0x21: {  	s3 =	sadd.s32 s3, s9;
	s6 =	sadd.s32 @!p0 $0x88, s6;
	s7 =	simm.s32 @p2 $0x1082  }
0x22: {  	[simem:s7], [sflag:s8] =	dma.local @!p0 [hbm:s6], $0xF7A  }
0x23: {  	s9 =	sor.u32 $0xD0000000, s2;
	s6 =	simm.s32 $0x108;
	_ =	swait.ge @!p0 [sflag:s8], $0x0  }
0x24: {  	s3 =	sadd.s32 $0x88, s3;
	s6 =	simm.s32 @!p1 $0x1082;
	[sflag:s4] =	ssyncset.s32 $0xFFFFF086  }
0x25: {  	[simem:s6], [sflag:s4] =	dma.local [hbm:s3], $0xF7A  }
0x26: {  	[smem:$0x3F95] =	sst s1;
	(tag) =	ssettag s2;
	_ =	strace s9  }
0x27: {  	s1 =	sld [smem:$0x3FA5]  }
0x28: {  	s2 =	sld [smem:$0x3FA6]  }
0x29: {  	s4 =	sld [smem:$0x3FA8]  }
0x2a: {  	p0 =	seq.s32 s5, $0x0;
	s5 =	sld [smem:$0x3FA9]  }
0x2b: {  	s6 =	sld [smem:$0x3FAA]  }
0x2c: {  	s7 =	sld [smem:$0x3FAB]  }
0x2d: {  	s3 =	simm.s32 $0x108;
	s8 =	sld [smem:$0x3FAC]  }
0x2e: {  	s3 =	simm.s32 @!p0 $0x1082;
	s9 =	sld [smem:$0x3FAD]  }
0x2f: {  	lr =	sadd.s32 s0, s3;
	s0 =	sld [smem:$0x3FA4]  }
0x30: {  	s3 =	sld [smem:$0x3FA7]  }
0x31: {  	[smem:$0x3FB0] =	sst s10  }
0x32: {  	s10 =	sld [smem:$0x3FAE];
	_ =	sdelay $0x3  }
0x33: {  	p0 =	seq.s32 s10, $0x1;
	s10 =	sld [smem:$0x3FB0];
	_ =	sdelay $0x3  }
0x34: {  	[smem:$0x3FB0] =	sst s10  }
0x35: {  	s10 =	sld [smem:$0x3FAF];
	_ =	sdelay $0x3  }
0x36: {  	p1 =	seq.s32 s10, $0x1;
	s10 =	sld [smem:$0x3FB0];
	_ =	sdelay $0x3  }
0x37: {  	[smem:$0x3FB0] =	sst s10  }
0x38: {  	s10 =	sld [smem:$0x3FB1]  }
0x39: {  	_ = 	snop;
	(pc) =	sbr.ind lr, $3  }
0x3a: {  	_ = 	snop  }
0x3b: {  	_ = 	snop  }
0x3c: {  	p2 =	seq.s32 s10, $0x1;
	s10 =	sld [smem:$0x3FB0]  }
0x3d: {  	_ =	shalt  }
0x3e: {  	_ =	shalt  }
0x3f: {  	_ =	shalt  }
0x40: {  	_ =	shalt  }
0x41: {  	_ =	shalt  }
0x42: {  	_ =	shalt  }
0x43: {  	_ =	shalt  }
0x44: {  	_ =	shalt  }
0x45: {  	_ =	shalt  }
0x46: {  	_ =	shalt  }
0x47: {  	_ =	shalt  }
0x48: {  	_ =	shalt  }
0x49: {  	_ =	shalt  }
0x4a: {  	_ =	shalt  }
0x4b: {  	_ =	shalt  }
0x4c: {  	_ =	shalt  }
0x4d: {  	_ =	shalt  }
0x4e: {  	_ =	shalt  }
0x4f: {  	_ =	shalt  }
0x50: {  	_ =	shalt  }
0x51: {  	_ =	shalt  }
0x52: {  	_ =	shalt  }
0x53: {  	_ =	shalt  }
0x54: {  	_ =	shalt  }
0x55: {  	_ =	shalt  }
0x56: {  	_ =	shalt  }
0x57: {  	_ =	shalt  }
0x58: {  	_ =	shalt  }
0x59: {  	_ =	shalt  }
0x5a: {  	_ =	shalt  }
0x5b: {  	_ =	shalt  }
0x5c: {  	_ =	shalt  }
0x5d: {  	_ =	shalt  }
0x5e: {  	_ =	shalt  }
0x5f: {  	_ =	shalt  }
0x60: {  	_ =	shalt  }
0x61: {  	_ =	shalt  }
0x62: {  	_ =	shalt  }
0x63: {  	_ =	shalt  }
0x64: {  	_ =	shalt  }
0x65: {  	_ =	shalt  }
0x66: {  	_ =	shalt  }
0x67: {  	_ =	shalt  }
0x68: {  	_ =	shalt  }
0x69: {  	_ =	shalt  }
0x6a: {  	_ =	shalt  }
0x6b: {  	_ =	shalt  }
0x6c: {  	_ =	shalt  }
0x6d: {  	_ =	shalt  }
0x6e: {  	_ =	shalt  }
0x6f: {  	_ =	shalt  }
0x70: {  	_ =	shalt  }
0x71: {  	_ =	shalt  }
0x72: {  	_ =	shalt  }
0x73: {  	_ =	shalt  }
0x74: {  	_ =	shalt  }
0x75: {  	_ =	shalt  }
0x76: {  	_ =	shalt  }
0x77: {  	_ =	shalt  }
0x78: {  	_ =	shalt  }
0x79: {  	_ =	shalt  }
0x7a: {  	_ =	shalt  }
0x7b: {  	_ =	shalt  }
0x7c: {  	_ =	shalt  }
0x7d: {  	_ =	shalt  }
0x7e: {  	_ =	shalt  }
0x7f: {  	_ =	shalt  }
0x80: {  	_ =	shalt  }
0x81: {  	_ =	shalt  }
0x82: {  	_ =	shalt  }
0x83: {  	_ =	shalt  }
0x84: {  	_ =	shalt  }
0x85: {  	_ =	shalt  }
0x86: {  	_ =	shalt  }
0x87: {  	_ =	shalt  }
.Lfunc_end0:
.L_simem_size_0:
called_computation_lowered:
.L_overlay_start_0:
0x88: {  	s2 =	sld [smem:$0x3FD9]  }
0x89: {  	s3 =	sld [smem:$0x3FFE];
	_ =	sdelay $0x1  }
0x8a: {  	s1 =	srdreg.scid  }
0x8b: {  	s0 =	sand.u32 $0x1, s1  }
0x8c: {  	s16 =	sshll.u32 s0, $0xA;
	s2 =	sadd.s32 s3, s2  }
0x8d: {  	s2 =	sadd.s32 s2, s16  }
0x8e: {  	[smem:$0x3FBC] =	sst s2  }
0x8f: {  	_ = 	snop  }
0x90: {  	(tm) =	ssettm $0x1  }
0x91: {  	s17 =	sld [smem:$0x3FFB];
	_ =	sdelay $0x3  }
0x92: {  	_ =	strace s17  }
0x93: {  	s2 =	sld [smem:$0x3FFC];
	_ =	sdelay $0x3  }
0x94: {  	_ =	strace s2  }
0x95: {  	s2 =	sld [smem:$0x3FFD];
	_ =	sdelay $0x3  }
0x96: {  	_ =	strace s2  }
0x97: {  	_ =	strace $0x8FFFFFFF  }
0x98: {  	s18 =	sld [smem:$0x3FDB];
	_ =	sdelay $0x1  }
0x99: {  	s19 =	simm.s32 $_scs_section_size  }
0x9a: {  	s4 =	simm.s32 $_size__tile_overlayer_lowered;
	s5 =	simm.s32 $_tile_overlayer_lowered  }
0x9b: {  	s22 =	simm.s32 $0x1BFF;
	s21 =	sshll.u32 s5, $0x1;
	s2 =	sadd.s32 s19, s18  }
0x9c: {  	s6 =	simm.s32 $0x0;
	s20 =	sshll.u32 s4, $0x1;
	s4 =	sadd.s32 s21, s2  }
0x9d: {  	[timem:s6], [sflag:s22] =	dma.local [hbm:s4], s20  }
0x9e: {  	_ =	swait.ge [sflag:s22], s20  }
0x9f: {  	s3 =	ssub.s32 $0x0, s20;
	[sflag:s22] =	ssyncset.done $0x0  }
0xa0: {  	[sflag:s22] =	ssyncadd.s32 s3;
	_ =	sdelay $0x1  }
0xa1: {  	s23 =	simm.s32 $0x1B8B  }
0xa2: {  	_ =	swait.ge [sflag:s23], $0x1  }
0xa3: {  	[sflag:s23] =	ssyncset.done $0x0  }
0xa4: {  	s25 =	simm.s32 $0x1B8E;
	s24 =	sld [smem:$0x3FFE];
	[sflag:s23] =	ssyncadd.s32 $0xFFFFFFFF  }
0xa5: {  	s26 =	simm.s32 $execute0_lowered;
	[smem:$0x3FD2] =	sst s25  }
0xa6: {  	s4 =	sshll.u32 s26, $0x1;
	_ =	strace $0x80000046;
	[dreg:$0x1] =	wrdreg $0xFFFFFFFF  }
0xa7: {  	s28 =	simm.s32 $_size_execute0_lowered;
	s2 =	sadd.s32 s2, s4;
	[dreg:$0x0] =	wrdreg $0x0  }
0xa8: {  	s4 =	sshll.u32 s28, $0x1;
	[dreg:$0x2] =	wrdreg s2  }
0xa9: {  	[dreg:$0x3] =	wrdreg s4  }
0xaa: {  	[dreg:$0x4] =	wrdreg $0xC0  }
0xab: {  	_ =	task [dreg:s6], $0x5FFFF  }
0xac: {  	[dreg:$0x1] =	wrdreg $0xFFFFFFFF  }
0xad: {  	[dreg:$0x0] =	wrdreg $0x60  }
0xae: {  	[dreg:$0x2] =	wrdreg s24  }
0xaf: {  	[dreg:$0x3] =	wrdreg $0x9  }
0xb0: {  	_ =	task.clear_ibuf [dreg:s6], $0x4FFFF;
	_ =	strace $0x90000046  }
0xb1: {  	s29 =	simm.s32 $0x9;
	_ =	strace $0x80000048  }
0xb2: {  	_ =	swait.ge [sflag:s29], $0x1  }
0xb3: {  	[sflag:s29] =	ssyncadd.s32 $0xFFFFFFFF  }
0xb4: {  	_ =	strace $0x90000048  }
0xb5: {  	_ =	sfence  }
0xb6: {  	s30 =	sld [smem:$0x0];
	_ =	sdelay $0x2  }
0xb7: {  	s31 =	sshll.u32 s1, $0xD;
	s1 =	sshrl.u32 s1, $0x2  }
0xb8: {  	s3 =	sand.u32 $0x4000, s31;
	s1 =	sadd.s32 s1, s30  }
0xb9: {  	s0 =	sor.u32 s3, s0;
	s1 =	sshll.u32 s1, $0x11  }
0xba: {  	s0 =	sor.u32 s1, s0  }
0xbb: {  	s0 =	sadd.s32 $0x8F2B, s0  }
0xbc: {  	[sflag:s0] =	ssyncadd.remote.s32 $0x1  }
0xbd: {  	_ =	sfence.sel $0xFFFF  }
0xbe: {  	[dreg:$0x0] =	wrdreg $0xFFFFFFFF;
	(pc) =	sbr.abs _section_cstart, $3  }
0xbf: {  	[dreg:$0x1] =	wrdreg $0xFFFFFFFF  }
0xc0: {  	_ =	task.clear_ibuf [dreg:s6], $0x2FFFF;
	_ =	strace $0x9FFFFFFF  }
0xc1: {  	(tm) =	ssettm $0x7FFFFFFF  }
tec
execute0_lowered:
.L_overlay_start_1:
0x0: {  	(tag) =	ssettag $0x1  }
0x1: {  	s0 =	rddreg [dreg:$0x0];
	s2 =	simm.s32 $0x0  }
0x2: {  	s1 =	srdreg.scid;
	s15 =	stileid.u32;
	s13 =	simm.s32 $0x400  }
0x3: {  	s14 =	simm.s32 $0x1;
	s16 =	simm.s32 $0x13900;
	s17 =	simm.s32 $0x14900  }
0x4: {  	s18 =	simm.s32 $0x3;
	s19 =	simm.s32 $0x2;
	s20 =	simm.s32 $0x0  }
0x5: {  	[smem:$0x7FF] =	sst s2;
	s1 =	sand.u32 $0x1, s1;
	s3 =	sshll.u32 s15, $0x1  }
0x6: {  	s7 =	sadd.s32 $0x2800, s0;
	s0 =	sadd.s32 $0x81C00, s0;
	s4 =	sshrl.u32 s15, $0x2  }
0x7: {  	p0 =	sgt.u32 s15, $0x1;
	_ =	strace $0x80000047;
	s3 =	sor.u32 s1, s3  }
0x8: {  	s1 =	ssub.s32 $0x2, s1;
	s4 =	smul.u32 $0x4E400, s4;
	s6 =	sor.u32 $0x20, s3  }
0x9: {  	s5 =	sshll.u32 s3, $0x7;
	s9 =	sshrl.u32 s1, $0x1;
	s23 =	sor.u32 $0x40, s3  }
0xa: {  	s11 =	sshll.u32 s3, $0x4;
	s8 =	sshrl.u32 s6, $0x3;
	s10 =	sand.u32 $0x380, s5  }
0xb: {  	s1 =	ssub.s32 s1, s9;
	s24 =	sshrl.u32 s23, $0x3;
	s6 =	sshll.u32 s6, $0x7  }
0xc: {  	s29 =	sadd.s32 s11, s7;
	s22 =	smul.u32 $0x4E400, s8;
	s4 =	sor.u32 s4, s10  }
0xd: {  	s9 =	smul.u32 $0x4E400, s24;
	s8 =	sshll.u32 s23, $0x7;
	s12 =	sand.u32 $0x1C00, s6  }
0xe: {  	s4 =	sshrl.u32 s4, $0x3;
	s8 =	sand.u32 $0x2C00, s8;
	s28 =	sor.u32 s10, s12  }
0xf: {  	s12 =	simm.s32 $0x80;
	s5 =	sor.u32 s10, s22;
	s25 =	sadd.s32 s7, s4  }
0x10: {  	s9 =	sor.u32 s10, s9;
	s8 =	sor.u32 s10, s8;
	s5 =	sshrl.u32 s5, $0x3  }
.Ltmp0:
0x11: {  	[dreg:$0x2] =	wrdreg s25;
	s9 =	sshrl.u32 s9, $0x3;
	(pc) =	sbr.rel .LBB2_1-.Ltmp0, $4  }
0x12: {  	s30 =	sshrl.u32 s8, $0x3;
	s8 =	sadd.s32 $0x75600, s29;
	s26 =	sadd.s32 s7, s5  }
0x13: {  	v1 =	vlaneseq.u32;
	s5 =	sadd.s32 s0, s11;
	s6 =	sadd.s32 s7, s9;
	s9 =	sshrl.u32 s28, $0x3  }
0x14: {  	v1 =	vmul.u32 $0x100, v1;
	s11 =	smax.u32 s1, $0x1;
	[dreg:$0x3] =	wrdreg s26;
	s31 =	sadd.s32 $0x600, s5  }
0x15: {  	v0 =	vimm.s32 $0x0;
	v2 =	vimm.s32 $0x1;
	s7 =	sadd.s32 s0, s9;
	s9 =	sadd.s32 s0, s30;
	[dreg:$0x4] =	wrdreg s31  }
.LBB2_98:
0x16: {  	v4 =	vadd.s32 v9, v4  }
0x17: {  	v44 =	vld [tilespmem:s31+$0x13B00];
	v4 =	vadd.s32 v4, v5  }
0x18: {  	v45 =	vld [tilespmem:s31+$0x13C00];
	v4 =	vadd.s32 v4, v7  }
0x19: {  	v46 =	vld [tilespmem:s31+$0x13D00];
	(xrf0) =	vadd.scan.msk.s32 $0xffff, v4  }
0x1a: {  	v47 =	vld [tilespmem:s31+$0x13E00]  }
0x1b: {  	v6 =	vadd.s32 v6, v8;
	v48 =	vld [tilespmem:s31+$0x13F00]  }
0x1c: {  	v49 =	vld [tilespmem:s31+$0x14000];
	v6 =	vadd.s32 v6, v44  }
0x1d: {  	v50 =	vld [tilespmem:s31+$0x14100];
	v5 =	vadd.s32 v6, v45  }
0x1e: {  	v10, _, _ =	vpop (xrf0);
	v51 =	vld [tilespmem:s31+$0x14200];
	v5 =	vadd.s32 v5, v46  }
0x1f: {  	v52 =	vld [tilespmem:s31+$0x14300];
	(v2sf) =	vpush v10, $0xF;
	v4 =	vadd.s32 v5, v47;
	v53, _, _ =	vpop (xrf0)  }
0x20: {  	v54 =	vld [tilespmem:s31+$0x14400];
	v4 =	vadd.s32 v4, v48;
	(v2sf) =	vpush v53, $0xF  }
0x21: {  	v55 =	vld [tilespmem:s31+$0x14500];
	v4 =	vadd.s32 v4, v49  }
0x22: {  	v56 =	vld [tilespmem:s31+$0x14600];
	v4 =	vadd.s32 v4, v50  }
0x23: {  	s0 =	spop (v2sf);
	v57 =	vld [tilespmem:s31+$0x14700];
	v4 =	vadd.s32 v4, v51  }
0x24: {  	v58 =	vld [tilespmem:s31+$0x14800];
	s1 =	spop (v2sf);
	v4 =	vadd.s32 v4, v52  }
0x25: {  	s1 =	sadd.s32 s28, s1;
	v4 =	vadd.s32 v4, v54  }
0x26: {  	v59 =	vadd.s32 s1, v53;
	v4 =	vadd.s32 v4, v55  }
0x27: {  	vm0 =	vle.s32 v59, v3;
	v4 =	vadd.s32 v4, v56  }
0x28: {  	v60 =	vsel vm0, $0x1, v0;
	v4 =	vadd.s32 v4, v57  }
0x29: {  	(xrf0) =	vadd.scan.msk.s32 $0xffff, v60;
	v4 =	vadd.s32 v4, v58  }
0x2a: {  	(xrf0) =	vadd.scan.msk.s32 $0xffff, v4;
	_ =	sdelay $0x3  }
0x2b: {  	s3 =	spop (v2sf)  }
0x2c: {  	v61, _, _ =	vpop (xrf0);
	s4 =	spop (v2sf)  }
0x2d: {  	v62, _, _ =	vpop (xrf0);
	s4 =	sadd.s32 s1, s4  }
0x2e: {  	v63 =	vadd.s32 s4, v62  }
0x2f: {  	vm15 =	vle.s32 v63, v3  }
0x30: {  	v3 =	vsel vm15, $0x1, v0  }
0x31: {  	(xrf0) =	vadd.scan.msk.s32 $0xffff, v3;
	_ =	sdelay $0x3  }
0x32: {  	(v2sf) =	vpush v61, $0xF;
	_ =	sdelay $0x1  }
0x33: {  	(v2sf) =	vpush v62, $0xF;
	v3, _, _ =	vpop (xrf0)  }
0x34: {  	(v2sf) =	vpush v3, $0xF;
	_ =	sdelay $0x6  }
0x35: {  	p1 =	sgt.s32 s28, s23;
	s10 =	smov.u32 s21;
	s0 =	sadd.s32 s29, s0  }
0x36: {  	p2 =	sle.s32 s30, s23;
	s10 =	smov.u32 @p1 s0  }
0x37: {  	s21 =	smov.u32 @p2 s10  }
0x38: {  	p1 =	sgt.s32 s1, s23;
	s0 =	sadd.s32 s24, s3;
	s3 =	smov.u32 s21  }
0x39: {  	p2 =	sle.s32 s28, s23;
	s3 =	smov.u32 @p1 s0  }
0x3a: {  	s21 =	smov.u32 @p2 s3;
	s24 =	spop (v2sf)  }
0x3b: {  	s3 =	smov.u32 s21;
	p1 =	sgt.s32 s4, s23;
	s0 =	sadd.s32 s25, s24  }
0x3c: {  	p2 =	sle.s32 s1, s23;
	s3 =	smov.u32 @p1 s0;
	s28 =	spop (v2sf)  }
0x3d: {  	s21 =	smov.u32 @p2 s3;
	s0 =	sadd.s32 s4, s28;
	s29 =	spop (v2sf)  }
0x3e: {  	s1 =	smov.u32 s21;
	p1 =	sgt.s32 s0, s23;
	s0 =	sadd.s32 s26, s29  }
0x3f: {  	p2 =	sle.s32 s4, s23;
	s1 =	smov.u32 @p1 s0  }
0x40: {  	s21 =	smov.u32 @p2 s1  }
0x41: {  	s30 =	sshll.u32 s22, $0x17;
	s1 =	sshll.u32 s21, $0xF  }
0x42: {  	s0 =	sor.u32 s30, s1  }
0x43: {  	v3 =	vmov s0  }
0x44: {  	v3 =	vbroadcast v3, $0x0;
	_ =	sdelay $0x1  }
0x45: {  	s31 =	rddreg [dreg:$0x4];
	[tilespmem:$0x14900] =	vst v3  }
0x46: {  	[hbm4b:s31+s2] =	stream.linear.scatter [tilespmem:s17], [sflag:$0x3], $0x80, $0x38;
	[tilespmem:$0x14980] =	vst v63  }
0x47: {  	_ =	swait.ge [sflag:s18], $0x80  }
0x48: {  	[sflag:s18] =	ssyncset.done $0x0  }
0x49: {  	[sflag:s18] =	ssyncadd.s32 $0xFFFFFF80  }
.LBB2_99:
0x4a: {  	s20 =	sadd.s32 $0x1, s20  }
0x4b: {  	p1 =	sne.s32 s20, s11  }
.Ltmp1:
0x4c: {  	_ = 	snop;
	(pc) =	sbr.rel @!p1 .LBB2_100-.Ltmp1, $1  }
0x4d: {  	_ =	sdelay $0x3  }
.LBB2_1:
0x4e: {  	s0 =	rddreg [dreg:$0x2]  }
0x4f: {  	[tilespmem:s2], [sflag:$0x1] =	stream.strided.gather [hbm4b:s0+s12], $0x9C80, s13, s12, $0x38;
	[tilespmem:$0x14980] =	vst v63  }
0x50: {  	_ =	swait.ge [sflag:s14], $0x9C80  }
0x51: {  	[sflag:s14] =	ssyncset.done $0x0  }
0x52: {  	s1 =	simm.s32 $0x9C80;
	s31 =	rddreg [dreg:$0x3];
	[sflag:s14] =	ssyncadd.s32 $0xFFFF6380  }
0x53: {  	[tilespmem:s1], [sflag:$0x2] =	stream.strided.gather [hbm4b:s31+s12], $0x9C80, s13, s12, $0x38;
	[tilespmem:$0x14980] =	vst v63  }
0x54: {  	s1 =	simm.s32 $0x13940  }
0x55: {  	[tilespmem:s1+$0xFFFFFFC0] =	vst v0  }
0x56: {  	[tilespmem:s1+$0x30] =	vst v0  }
0x57: {  	[tilespmem:s1+$0x20] =	vst v0  }
0x58: {  	[tilespmem:s1+$0x10] =	vst v0  }
0x59: {  	[tilespmem:s1+$0x0] =	vst v0  }
0x5a: {  	[tilespmem:s1+$0xFFFFFFF0] =	vst v0  }
0x5b: {  	s21 =	simm.s32 $0x0;
	[tilespmem:s1+$0xFFFFFFE0] =	vst v0  }
.LBB2_2:
0x5c: {  	s21 =	sadd.s32 $0x8, s21;
	[tilespmem:s1+$0xFFFFFFD0] =	vst v0;
	s1 =	sadd.s32 $0x80, s1  }
0x5d: {  	[tilespmem:s1+$0xFFFFFFC0] =	vst v0;
	p1 =	slt.u32 s21, $0xF8  }
0x5e: {  	[tilespmem:s1+$0x30] =	vst v0  }
.Ltmp2:
0x5f: {  	[tilespmem:s1+$0x20] =	vst v0;
	(pc) =	sbr.rel @p1 .LBB2_2-.Ltmp2, $4  }
0x60: {  	[tilespmem:s1+$0x10] =	vst v0  }
0x61: {  	[tilespmem:s1+$0x0] =	vst v0  }
0x62: {  	[tilespmem:s1+$0xFFFFFFF0] =	vst v0  }
0x63: {  	s0 =	simm.s32 $0x80;
	[tilespmem:s1+$0xFFFFFFE0] =	vst v0  }
0x64: {  	[tilespmem:s1+$0xFFFFFFD0] =	vst v0  }
0x65: {  	v3 =	vld [tilespmem:s0+$0x70]  }
0x66: {  	v4 =	vld [tilespmem:s0+$0x60]  }
0x67: {  	v5 =	vld [tilespmem:s0+$0xFFFFFFC0]  }
0x68: {  	v6 =	vld [tilespmem:s0+$0xFFFFFFF0]  }
0x69: {  	v7 =	vld [tilespmem:s0+$0x0]  }
0x6a: {  	v10 =	vld [tilespmem:s0+$0xFFFFFFE0]  }
0x6b: {  	v12 =	vld [tilespmem:s0+$0xFFFFFFD0]  }
0x6c: {  	v14 =	vld [tilespmem:s0+$0xFFFFFFA0];
	_ =	sdelay $0x2  }
0x6d: {  	v3 =	vand.u32 $0x7FFFFFFF, v3;
	v4 =	vand.u32 $0x7FFFFFFF, v4  }
0x6e: {  	v8 =	vld [tilespmem:s0+$0x10];
	v15 =	vand.u32 $0x7FFFFFFF, v7;
	v6 =	vand.u32 $0x7FFFFFFF, v6;
	v16 =	vand.u32 $0x7FFFFFFF, v10  }
0x6f: {  	v9 =	vld [tilespmem:s0+$0x20];
	v5 =	vand.u32 $0x7FFFFFFF, v5;
	v12 =	vand.u32 $0x7FFFFFFF, v12;
	v14 =	vand.u32 $0x7FFFFFFF, v14  }
0x70: {  	v3 =	vshrl.u32 v3, $0x17;
	v4 =	vshrl.u32 v4, $0x17;
	v6 =	vshrl.u32 v6, $0x17  }
0x71: {  	v11 =	vand.u32 $0x180, v3;
	v13 =	vand.u32 $0x180, v4;
	v3 =	vand.u32 $0x7F, v3  }
0x72: {  	v4 =	vand.u32 $0x7F, v4;
	v11 =	vor.u32 v1, v11;
	v13 =	vor.u32 v1, v13  }
0x73: {  	v11 =	vor.u32 v3, v11;
	v3 =	vand.u32 $0x7FFFFFFF, v8;
	v8 =	vor.u32 v4, v13;
	v13 =	vld [tilespmem:s0+$0xFFFFFF90]  }
0x74: {  	v21 =	vshrl.u32 v5, $0x17;
	v4 =	vshrl.u32 v3, $0x17;
	v3 =	vand.u32 $0x7FFFFFFF, v9  }
0x75: {  	v17 =	vshrl.u32 v14, $0x17;
	v16 =	vshrl.u32 v16, $0x17;
	v3 =	vshrl.u32 v3, $0x17  }
0x76: {  	v12 =	vshrl.u32 v12, $0x17;
	v9 =	vshrl.u32 v15, $0x17;
	v15 =	vand.u32 $0x180, v3  }
0x77: {  	v18 =	vand.u32 $0x180, v17;
	v14 =	vand.u32 $0x180, v16;
	v5 =	vor.u32 v1, v15;
	v15 =	vld [tilespmem:s0+$0xFFFFFFB0]  }
0x78: {  	v17 =	vand.u32 $0x7F, v17;
	v22 =	vand.u32 $0x180, v21;
	v13 =	vand.u32 $0x7FFFFFFF, v13  }
0x79: {  	v7 =	vand.u32 $0x180, v4;
	v10 =	vand.u32 $0x180, v9;
	v19 =	vshrl.u32 v13, $0x17  }
0x7a: {  	v20 =	vld [tilespmem:s0+$0x40];
	v13 =	vand.u32 $0x7F, v16;
	v16 =	vor.u32 v1, v18;
	v18 =	vand.u32 $0x180, v6  }
0x7b: {  	[tilespmem:v11+s16+$0x0] =	vst.idx.add.s32.msk $0xffff, v2;
	v23 =	vand.u32 $0x7F, v19;
	v11 =	vand.u32 $0x180, v19;
	v16 =	vor.u32 v17, v16  }
0x7c: {  	[tilespmem:v8+s16+$0x0] =	vst.idx.add.s32.msk $0xffff, v2;
	v17 =	vand.u32 $0x7F, v6;
	v6 =	vor.u32 v1, v11;
	v11 =	vand.u32 $0x7FFFFFFF, v15  }
0x7d: {  	v19 =	vld [tilespmem:s0+$0xFFFFFF80];
	v8 =	vor.u32 v23, v6;
	v6 =	vand.u32 $0x7F, v21;
	v15 =	vand.u32 $0x180, v12  }
0x7e: {  	v21 =	vor.u32 v1, v22;
	v12 =	vand.u32 $0x7F, v12;
	v22 =	vld [tilespmem:s0+$0x50];
	v15 =	vor.u32 v1, v15  }
0x7f: {  	s21 =	simm.s32 $0x0;
	s22 =	simm.s32 $0x180;
	v11 =	vshrl.u32 v11, $0x17;
	v6 =	vor.u32 v6, v21;
	v21 =	vld [tilespmem:s0+$0x30];
	v15 =	vor.u32 v12, v15  }
.LBB2_4:
0x80: {  	s21 =	sadd.s32 $0x10, s21;
	[tilespmem:v16+s16+$0x0] =	vst.idx.add.s32.msk $0xffff, v2;
	v16 =	vor.u32 v1, v18;
	v9 =	vand.u32 $0x7F, v9;
	v18 =	vand.u32 $0x7FFFFFFF, v20  }
0x81: {  	v14 =	vor.u32 v1, v14;
	v10 =	vor.u32 v1, v10;
	v12 =	vld [tilespmem:s22+$0xFFFFFFB0];
	p1 =	slt.u32 s21, $0x9B0;
	v18 =	vshrl.u32 v18, $0x17  }
0x82: {  	v16 =	vor.u32 v17, v16;
	v17 =	vor.u32 v9, v10;
	v20 =	vld [tilespmem:s22+$0xFFFFFF90];
	v19 =	vand.u32 $0x7FFFFFFF, v19  }
0x83: {  	v10 =	vor.u32 v13, v14;
	v9 =	vand.u32 $0x7F, v18;
	v23 =	vld [tilespmem:s22+$0xFFFFFFA0];
	v13 =	vand.u32 $0x7FFFFFFF, v22  }
0x84: {  	v18 =	vand.u32 $0x180, v18;
	v19 =	vshrl.u32 v19, $0x17;
	v14 =	vld [tilespmem:s22+$0xFFFFFFC0];
	v13 =	vshrl.u32 v13, $0x17  }
0x85: {  	v18 =	vor.u32 v1, v18;
	v21 =	vand.u32 $0x7FFFFFFF, v21;
	v22 =	vld [tilespmem:s22+$0x70];
	v24 =	vand.u32 $0x180, v13  }
0x86: {  	v9 =	vor.u32 v9, v18;
	v21 =	vshrl.u32 v21, $0x17;
	v13 =	vand.u32 $0x7F, v13;
	v25 =	vld [tilespmem:s22+$0x60]  }
0x87: {  	v4 =	vand.u32 $0x7F, v4;
	v7 =	vor.u32 v1, v7;
	v26 =	vand.u32 $0x180, v21;
	v18 =	vld [tilespmem:s22+$0xFFFFFFD0]  }
0x88: {  	v3 =	vand.u32 $0x7F, v3;
	v21 =	vand.u32 $0x7F, v21;
	v26 =	vor.u32 v1, v26;
	v27 =	vld [tilespmem:s22+$0xFFFFFFE0]  }
0x89: {  	v29 =	vor.u32 v3, v5;
	v3 =	vor.u32 v1, v24;
	v5 =	vor.u32 v21, v26;
	v28 =	vld [tilespmem:s22+$0xFFFFFFF0]  }
0x8a: {  	v24 =	vand.u32 $0x180, v19;
	v3 =	vor.u32 v13, v3;
	v21 =	vld [tilespmem:s22+$0x0];
	v22 =	vand.u32 $0x7FFFFFFF, v22  }
0x8b: {  	v4 =	vor.u32 v4, v7;
	v24 =	vor.u32 v1, v24;
	v13 =	vld [tilespmem:s22+$0x10];
	v22 =	vshrl.u32 v22, $0x17  }
0x8c: {  	v19 =	vand.u32 $0x7F, v19;
	v25 =	vand.u32 $0x7FFFFFFF, v25;
	v7 =	vld [tilespmem:s22+$0x20];
	v26 =	vand.u32 $0x180, v22  }
0x8d: {  	v19 =	vor.u32 v19, v24;
	v25 =	vshrl.u32 v25, $0x17;
	v26 =	vor.u32 v1, v26;
	[tilespmem:v15+s16+$0x0] =	vst.idx.add.s32.msk $0xffff, v2  }
0x8e: {  	v22 =	vand.u32 $0x7F, v22;
	v15 =	vand.u32 $0x180, v25;
	v24 =	vand.u32 $0x7F, v25;
	[tilespmem:v16+s16+$0x0] =	vst.idx.add.s32.msk $0xffff, v2  }
0x8f: {  	v15 =	vor.u32 v1, v15;
	v16 =	vor.u32 v22, v26;
	v22 =	vand.u32 $0x7F, v11;
	[tilespmem:v3+s16+$0x0] =	vst.idx.add.s32.msk $0xffff, v2  }
0x90: {  	v21 =	vand.u32 $0x7FFFFFFF, v21;
	v15 =	vor.u32 v24, v15;
	v3 =	vand.u32 $0x7FFFFFFF, v13;
	[tilespmem:v4+s16+$0x0] =	vst.idx.add.s32.msk $0xffff, v2  }
0x91: {  	v11 =	vand.u32 $0x180, v11;
	v4 =	vshrl.u32 v3, $0x17;
	v3 =	vand.u32 $0x7FFFFFFF, v7;
	[tilespmem:v9+s16+$0x0] =	vst.idx.add.s32.msk $0xffff, v2  }
0x92: {  	v13 =	vand.u32 $0x7FFFFFFF, v28;
	v7 =	vand.u32 $0x180, v4;
	v3 =	vshrl.u32 v3, $0x17;
	[tilespmem:v5+s16+$0x0] =	vst.idx.add.s32.msk $0xffff, v2  }
0x93: {  	v24 =	vand.u32 $0x7FFFFFFF, v27;
	v9 =	vshrl.u32 v21, $0x17;
	v5 =	vor.u32 v1, v11;
	[tilespmem:v8+s16+$0x0] =	vst.idx.add.s32.msk $0xffff, v2  }
0x94: {  	v11 =	vand.u32 $0x7FFFFFFF, v18;
	v8 =	vand.u32 $0x7FFFFFFF, v14;
	v18 =	vor.u32 v22, v5;
	[tilespmem:v10+s16+$0x0] =	vst.idx.add.s32.msk $0xffff, v2  }
0x95: {  	v21 =	vshrl.u32 v13, $0x17;
	v5 =	vand.u32 $0x180, v3;
	v10 =	vand.u32 $0x180, v9;
	[tilespmem:v19+s16+$0x0] =	vst.idx.add.s32.msk $0xffff, v2  }
0x96: {  	v13 =	vand.u32 $0x7FFFFFFF, v23;
	v22 =	vshrl.u32 v8, $0x17;
	v5 =	vor.u32 v1, v5;
	[tilespmem:v6+s16+$0x0] =	vst.idx.add.s32.msk $0xffff, v2  }
0x97: {  	v8 =	vshrl.u32 v13, $0x17;
	v13 =	vshrl.u32 v24, $0x17;
	v6 =	vand.u32 $0x7FFFFFFF, v20;
	[tilespmem:v29+s16+$0x0] =	vst.idx.add.s32.msk $0xffff, v2  }
0x98: {  	v19 =	vand.u32 $0x180, v8;
	v14 =	vand.u32 $0x180, v13;
	v6 =	vshrl.u32 v6, $0x17;
	[tilespmem:v17+s16+$0x0] =	vst.idx.add.s32.msk $0xffff, v2  }
0x99: {  	v8 =	vand.u32 $0x7F, v8;
	v23 =	vand.u32 $0x180, v22;
	v13 =	vand.u32 $0x7F, v13;
	[tilespmem:v18+s16+$0x0] =	vst.idx.add.s32.msk $0xffff, v2  }
0x9a: {  	v24 =	vand.u32 $0x7F, v6;
	v17 =	vor.u32 v1, v19;
	v18 =	vand.u32 $0x180, v21;
	[tilespmem:v16+s16+$0x0] =	vst.idx.add.s32.msk $0xffff, v2  }
.Ltmp3:
0x9b: {  	v6 =	vand.u32 $0x180, v6;
	v16 =	vor.u32 v8, v17;
	v17 =	vand.u32 $0x7F, v21;
	v20 =	vld [tilespmem:s22+$0x40];
	(pc) =	sbr.rel @p1 .LBB2_4-.Ltmp3, $4  }
0x9c: {  	v12 =	vand.u32 $0x7FFFFFFF, v12;
	v11 =	vshrl.u32 v11, $0x17;
	v6 =	vor.u32 v1, v6;
	[tilespmem:v15+s16+$0x0] =	vst.idx.add.s32.msk $0xffff, v2  }
0x9d: {  	v8 =	vor.u32 v24, v6;
	v6 =	vand.u32 $0x7F, v22;
	v15 =	vand.u32 $0x180, v11;
	v19 =	vld [tilespmem:s22+$0xFFFFFF80]  }
0x9e: {  	v21 =	vor.u32 v1, v23;
	v23 =	vand.u32 $0x7F, v11;
	v15 =	vor.u32 v1, v15;
	v22 =	vld [tilespmem:s22+$0x50]  }
0x9f: {  	v6 =	vor.u32 v6, v21;
	v11 =	vshrl.u32 v12, $0x17;
	v15 =	vor.u32 v23, v15;
	v21 =	vld [tilespmem:s22+$0x30];
	s22 =	sadd.s32 $0x100, s22  }
0xa0: {  	v18 =	vor.u32 v1, v18;
	v20 =	vand.u32 $0x7FFFFFFF, v20;
	v4 =	vand.u32 $0x7F, v4  }
0xa1: {  	v7 =	vor.u32 v1, v7;
	v14 =	vor.u32 v1, v14;
	v60 =	vand.u32 $0x7F, v9  }
0xa2: {  	v3 =	vand.u32 $0x7F, v3;
	v61 =	vor.u32 v1, v10;
	v62 =	vand.u32 $0x180, v11  }
0xa3: {  	v63 =	vand.u32 $0x7F, v11;
	v17 =	vor.u32 v17, v18;
	v20 =	vshrl.u32 v20, $0x17  }
0xa4: {  	v4 =	vor.u32 v4, v7;
	v13 =	vor.u32 v13, v14;
	v3 =	vor.u32 v3, v5  }
0xa5: {  	[tilespmem:v16+s16+$0x0] =	vst.idx.add.s32.msk $0xffff, v2;
	v5 =	vor.u32 v1, v62;
	v19 =	vand.u32 $0x7FFFFFFF, v19;
	v52 =	vand.u32 $0x7F, v20  }
0xa6: {  	[tilespmem:v15+s16+$0x0] =	vst.idx.add.s32.msk $0xffff, v2;
	v20 =	vand.u32 $0x180, v20;
	v5 =	vor.u32 v63, v5;
	v12 =	vand.u32 $0x7FFFFFFF, v22  }
0xa7: {  	[tilespmem:v8+s16+$0x0] =	vst.idx.add.s32.msk $0xffff, v2;
	v20 =	vor.u32 v1, v20;
	v19 =	vshrl.u32 v19, $0x17;
	v12 =	vshrl.u32 v12, $0x17  }
0xa8: {  	[tilespmem:v6+s16+$0x0] =	vst.idx.add.s32.msk $0xffff, v2;
	v21 =	vand.u32 $0x7FFFFFFF, v21;
	v54 =	vor.u32 v52, v20;
	v56 =	vand.u32 $0x180, v19  }
0xa9: {  	v58 =	vand.u32 $0x7F, v19;
	v51 =	vand.u32 $0x180, v12;
	v57 =	vor.u32 v1, v56;
	[tilespmem:v17+s16+$0x0] =	vst.idx.add.s32.msk $0xffff, v2  }
0xaa: {  	v12 =	vand.u32 $0x7F, v12;
	v21 =	vshrl.u32 v21, $0x17;
	v59 =	vor.u32 v58, v57;
	[tilespmem:v4+s16+$0x0] =	vst.idx.add.s32.msk $0xffff, v2  }
0xab: {  	v18 =	vor.u32 v1, v51;
	v53 =	vand.u32 $0x180, v21;
	v4 =	vor.u32 v60, v61;
	[tilespmem:v13+s16+$0x0] =	vst.idx.add.s32.msk $0xffff, v2  }
0xac: {  	v55 =	vand.u32 $0x7F, v21;
	[tilespmem:v3+s16+$0x0] =	vst.idx.add.s32.msk $0xffff, v2;
	v12 =	vor.u32 v12, v18;
	v7 =	vor.u32 v1, v53  }
0xad: {  	[tilespmem:v5+s16+$0x0] =	vst.idx.add.s32.msk $0xffff, v2;
	v7 =	vor.u32 v55, v7  }
0xae: {  	[tilespmem:v54+s16+$0x0] =	vst.idx.add.s32.msk $0xffff, v2  }
0xaf: {  	[tilespmem:v59+s16+$0x0] =	vst.idx.add.s32.msk $0xffff, v2  }
0xb0: {  	[tilespmem:v4+s16+$0x0] =	vst.idx.add.s32.msk $0xffff, v2  }
0xb1: {  	[tilespmem:v12+s16+$0x0] =	vst.idx.add.s32.msk $0xffff, v2  }
0xb2: {  	s21 =	simm.s32 $0x0;
	s0 =	simm.s32 $0x0;
	[tilespmem:v7+s16+$0x0] =	vst.idx.add.s32.msk $0xffff, v2  }
.LBB2_6:
0xb3: {  	s1 =	sshra.s32 s0, $0x2  }
0xb4: {  	v3 =	vld [tilespmem:s1+$0x9C00];
	_ =	sdelay $0x4  }
0xb5: {  	v3 =	vand.u32 $0x7FFFFFFF, v3  }
0xb6: {  	v3 =	vshrl.u32 v3, $0x17  }
0xb7: {  	v4 =	vand.u32 $0x180, v3  }
0xb8: {  	v3 =	vand.u32 $0x7F, v3;
	v4 =	vor.u32 v1, v4  }
0xb9: {  	p1 =	sne.s32 s0, $0xC0;
	v3 =	vor.u32 v3, v4  }
.Ltmp4:
0xba: {  	_ = 	snop;
	(pc) =	sbr.rel @p1 .LBB2_6-.Ltmp4, $2  }
0xbb: {  	_ =	sdelay $0x2  }
0xbc: {  	s0 =	sadd.s32 $0x40, s0;
	[tilespmem:v3+s16+$0x0] =	vst.idx.add.s32.msk $0xffff, v2  }
0xbd: {  	p4 =	por $0x0, $0x0  }
.Ltmp5:
0xbe: {  	_ = 	snop;
	(pc) =	sbr.rel @p4 .LBB2_8-.Ltmp5, $4  }
0xbf: {  	_ = 	snop  }
0xc0: {  	s1 =	sand.u32 $0xF0, s21  }
0xc1: {  	s23 =	simm.s32 $0x10;
	v4 =	vld [tilespmem:s1+$0x13900]  }
0xc2: {  	p1 =	por $0x0, $0x0;
	p2 =	por $0x0, $0x0;
	p3 =	por $0x0, $0x0;
	v7 =	vld [tilespmem:s1+$0x13A00]  }
0xc3: {  	v3 =	vld [tilespmem:s1+$0x13B00]  }
0xc4: {  	v5 =	vld [tilespmem:s1+$0x13C00]  }
0xc5: {  	v6 =	vld [tilespmem:s1+$0x13D00]  }
0xc6: {  	v8 =	vld [tilespmem:s1+$0x13E00]  }
0xc7: {  	v4 =	vadd.s32 v4, v7;
	v7 =	vld [tilespmem:s1+$0x13F00]  }
0xc8: {  	v3 =	vadd.s32 v4, v3;
	v4 =	vld [tilespmem:s1+$0x14000]  }
0xc9: {  	v3 =	vadd.s32 v3, v5;
	v5 =	vld [tilespmem:s1+$0x14100]  }
0xca: {  	v3 =	vadd.s32 v3, v6;
	v6 =	vld [tilespmem:s1+$0x14200]  }
0xcb: {  	v3 =	vadd.s32 v3, v8;
	v8 =	vld [tilespmem:s1+$0x14300]  }
0xcc: {  	v3 =	vadd.s32 v3, v7;
	v7 =	vld [tilespmem:s1+$0x14400]  }
0xcd: {  	v9 =	vld [tilespmem:s1+$0x14500];
	p4 =	por $0x0, $0x0;
	v3 =	vadd.s32 v3, v4  }
.Ltmp6:
0xce: {  	v4 =	vadd.s32 v3, v5;
	v3 =	vld [tilespmem:s1+$0x14600];
	(pc) =	sbr.rel @p4 .LBB2_10-.Ltmp6, $4  }
0xcf: {  	v5 =	vld [tilespmem:s1+$0x14700];
	v4 =	vadd.s32 v4, v6  }
0xd0: {  	s0 =	sand.u32 $0xF0, s23;
	v6 =	vld [tilespmem:s1+$0x14800];
	v8 =	vadd.s32 v4, v8  }
0xd1: {  	v4 =	vld [tilespmem:s0+$0x13900];
	v8 =	vadd.s32 v8, v7  }
0xd2: {  	s22 =	simm.s32 $0x20;
	p1 =	por $0x1, $0x1;
	v7 =	vld [tilespmem:s0+$0x13A00];
	v8 =	vadd.s32 v8, v9  }
0xd3: {  	v9 =	vld [tilespmem:s0+$0x13B00]  }
0xd4: {  	v3 =	vadd.s32 v8, v3;
	v8 =	vld [tilespmem:s0+$0x13C00]  }
0xd5: {  	v3 =	vadd.s32 v3, v5;
	v5 =	vld [tilespmem:s0+$0x13D00]  }
0xd6: {  	v3 =	vadd.s32 v3, v6;
	v6 =	vld [tilespmem:s0+$0x13E00]  }
0xd7: {  	(xrf0) =	vadd.scan.msk.s32 $0xffff, v3;
	v3 =	vadd.s32 v4, v7;
	v4 =	vld [tilespmem:s0+$0x13F00]  }
0xd8: {  	v7 =	vld [tilespmem:s0+$0x14000];
	v3 =	vadd.s32 v3, v9  }
0xd9: {  	v3 =	vadd.s32 v3, v8;
	v8 =	vld [tilespmem:s0+$0x14100]  }
0xda: {  	v3 =	vadd.s32 v3, v5;
	v5 =	vld [tilespmem:s0+$0x14200]  }
0xdb: {  	v3 =	vadd.s32 v3, v6;
	v6 =	vld [tilespmem:s0+$0x14300]  }
0xdc: {  	v3 =	vadd.s32 v3, v4;
	v4 =	vld [tilespmem:s0+$0x14400]  }
0xdd: {  	v10 =	vld [tilespmem:s0+$0x14500];
	p4 =	por $0x0, $0x0;
	v9, _, _ =	vpop (xrf0);
	v3 =	vadd.s32 v3, v7  }
.Ltmp7:
0xde: {  	v7 =	vadd.s32 v3, v8;
	v3 =	vld [tilespmem:s0+$0x14600];
	v8 =	vadd.s32 s21, v9;
	(pc) =	sbr.rel @p4 .LBB2_12-.Ltmp7, $4  }
0xdf: {  	v7 =	vadd.s32 v7, v5;
	v5 =	vld [tilespmem:s0+$0x14700];
	vm0 =	vlt.s32 v8, $0x6D61;
	v8 =	vxor.u32 $0x80000000, v9  }
0xe0: {  	s1 =	sand.u32 $0xF0, s22;
	v7 =	vadd.s32 v7, v6;
	v6 =	vld [tilespmem:s0+$0x14800];
	v8 =	vnsel vm0, $0x80000000, v8  }
0xe1: {  	v11 =	vsel vm0, $0x1, v0;
	v12 =	vadd.s32 v7, v4;
	v4 =	vld [tilespmem:s1+$0x13900];
	(xrf0) =	vmax.scan.msk.u32 $0xffff, v8  }
0xe2: {  	s31 =	simm.s32 $0x30;
	p2 =	por $0x1, $0x1;
	(v2sf) =	vpush v9, $0xF;
	v7 =	vld [tilespmem:s1+$0x13A00];
	v8 =	vadd.s32 v12, v10;
	(xrf0) =	vadd.scan.msk.s32 $0xffff, v11  }
0xe3: {  	_ =	sdelay $0x3  }
0xe4: {  	v9 =	vld [tilespmem:s1+$0x13B00]  }
0xe5: {  	v3 =	vadd.s32 v8, v3  }
0xe6: {  	v8 =	vld [tilespmem:s1+$0x13C00];
	v3 =	vadd.s32 v3, v5  }
0xe7: {  	v5 =	vld [tilespmem:s1+$0x13D00];
	v3 =	vadd.s32 v3, v6  }
0xe8: {  	v6 =	vld [tilespmem:s1+$0x13E00];
	(xrf0) =	vadd.scan.msk.s32 $0xffff, v3;
	v3 =	vadd.s32 v4, v7  }
0xe9: {  	v4 =	vld [tilespmem:s1+$0x13F00];
	v3 =	vadd.s32 v3, v9;
	v9, _, _ =	vpop (xrf0)  }
0xea: {  	v7 =	vld [tilespmem:s1+$0x14000];
	v10, _, _ =	vpop (xrf0);
	(v2sf) =	vpush v9, $0xF  }
0xeb: {  	v3 =	vadd.s32 v3, v8;
	v8 =	vld [tilespmem:s1+$0x14100];
	(v2sf) =	vpush v10, $0xF  }
0xec: {  	v3 =	vadd.s32 v3, v5;
	v5 =	vld [tilespmem:s1+$0x14200]  }
0xed: {  	v3 =	vadd.s32 v3, v6;
	v6 =	vld [tilespmem:s1+$0x14300]  }
0xee: {  	v3 =	vadd.s32 v3, v4;
	v4 =	vld [tilespmem:s1+$0x14400];
	v11, _, _ =	vpop (xrf0);
	s0 =	spop (v2sf)  }
0xef: {  	v12 =	vld [tilespmem:s1+$0x14500];
	p4 =	por $0x0, $0x0;
	v3 =	vadd.s32 v3, v7;
	(v2sf) =	vpush v11, $0xF;
	s24 =	sadd.s32 $0x0, s0  }
.Ltmp8:
0xf0: {  	v7 =	vadd.s32 v3, v8;
	v3 =	vld [tilespmem:s1+$0x14600];
	v8 =	vadd.s32 s24, v11;
	(pc) =	sbr.rel @p4 .LBB2_14-.Ltmp8, $4  }
0xf1: {  	v7 =	vadd.s32 v7, v5;
	v5 =	vld [tilespmem:s1+$0x14700];
	vm0 =	vlt.s32 v8, $0x6D61;
	v8 =	vxor.u32 $0x80000000, v11  }
0xf2: {  	s30 =	sand.u32 $0xF0, s31;
	v7 =	vadd.s32 v7, v6;
	v6 =	vld [tilespmem:s1+$0x14800];
	v8 =	vnsel vm0, $0x80000000, v8  }
0xf3: {  	p3 =	por $0x1, $0x1;
	s26 =	simm.s32 $0x0;
	s29 =	simm.s32 $0x0;
	v10 =	vadd.s32 v7, v4;
	v4 =	vld [tilespmem:s30+$0x13900];
	v9 =	vsel vm0, $0x1, v0;
	(xrf0) =	vmax.scan.msk.u32 $0xffff, v8  }
0xf4: {  	s25 =	simm.s32 $0x0;
	s28 =	simm.s32 $0x0;
	v7 =	vld [tilespmem:s30+$0x13A00];
	s0 =	simm.s32 $0x40;
	v8 =	vadd.s32 v10, v12;
	(xrf0) =	vadd.scan.msk.s32 $0xffff, v9  }
.LBB2_15:
0xf5: {  	p4 =	seq.s32 s0, $0xF0;
	v9 =	vld [tilespmem:s30+$0x13B00];
	v3 =	vadd.s32 v8, v3  }
0xf6: {  	v8 =	vld [tilespmem:s30+$0x13C00];
	v3 =	vadd.s32 v3, v5  }
0xf7: {  	v5 =	vld [tilespmem:s30+$0x13D00];
	v3 =	vadd.s32 v3, v6  }
0xf8: {  	v6 =	vld [tilespmem:s30+$0x13E00];
	(xrf0) =	vadd.scan.msk.s32 $0xffff, v3  }
0xf9: {  	p5 =	slt.s32 s26, $0x6D61;
	p6 =	sgt.s32 s24, $0x6D60;
	v3 =	vadd.s32 v4, v7;
	v4 =	vld [tilespmem:s30+$0x13F00];
	v7, _, _ =	vpop (xrf0);
	s1 =	spop (v2sf)  }
0xfa: {  	p5 =	por !p5, !p6;
	v3 =	vadd.s32 v3, v9;
	v9 =	vld [tilespmem:s30+$0x14000];
	v10, _, _ =	vpop (xrf0);
	(v2sf) =	vpush v7, $0xF;
	s1 =	sadd.s32 s1, s26;
	s26 =	spop (v2sf)  }
0xfb: {  	p5 =	por !p5, !p5;
	v3 =	vadd.s32 v3, v8;
	v7 =	vld [tilespmem:s30+$0x14100];
	(v2sf) =	vpush v10, $0xF;
	s1 =	sadd.s32 $0x80000000, s1;
	s26 =	sadd.s32 s29, s26  }
0xfc: {  	v3 =	vadd.s32 v3, v5;
	v5 =	vld [tilespmem:s30+$0x14200];
	s25 =	smov.u32 @p5 s26;
	s28 =	smov.u32 @p5 s1;
	s26 =	smov.u32 s24  }
0xfd: {  	s29 =	smov.u32 s23;
	s23 =	smov.u32 s22;
	s22 =	smov.u32 s31;
	v3 =	vadd.s32 v3, v6;
	v6 =	vld [tilespmem:s30+$0x14300]  }
0xfe: {  	s31 =	smov.u32 s0;
	v3 =	vadd.s32 v3, v4;
	v8 =	vld [tilespmem:s30+$0x14400];
	v4, _, _ =	vpop (xrf0);
	s1 =	spop (v2sf)  }
0xff: {  	v3 =	vadd.s32 v3, v9;
	v9 =	vld [tilespmem:s30+$0x14500];
	(v2sf) =	vpush v4, $0xF;
	s24 =	sadd.s32 s24, s1  }
.Ltmp9:
0x100: {  	v7 =	vadd.s32 v3, v7;
	v3 =	vld [tilespmem:s30+$0x14600];
	v10 =	vadd.s32 s24, v4;
	(pc) =	sbr.rel @!p4 .LBB2_15-.Ltmp9, $4  }
0x101: {  	v4 =	vxor.u32 $0x80000000, v4;
	v7 =	vadd.s32 v7, v5;
	v5 =	vld [tilespmem:s30+$0x14700];
	vm0 =	vlt.s32 v10, $0x6D61  }
0x102: {  	v7 =	vadd.s32 v7, v6;
	v6 =	vld [tilespmem:s30+$0x14800];
	s30 =	sand.u32 $0xF0, s0;
	v10 =	vsel vm0, $0x1, v0;
	v11 =	vnsel vm0, $0x80000000, v4  }
0x103: {  	v4 =	vld [tilespmem:s30+$0x13900];
	v8 =	vadd.s32 v7, v8;
	(xrf0) =	vmax.scan.msk.u32 $0xffff, v11  }
0x104: {  	s0 =	sadd.s32 $0x10, s0;
	v7 =	vld [tilespmem:s30+$0x13A00];
	v8 =	vadd.s32 v8, v9;
	(xrf0) =	vadd.scan.msk.s32 $0xffff, v10  }
0x105: {  	s0 =	smov.u32 s23;
	s1 =	smov.u32 s30;
	s23 =	smov.u32 s31  }
.LBB2_17:
0x106: {  	v3 =	vadd.s32 @p1 v8, v3  }
0x107: {  	v3 =	vadd.s32 @p1 v3, v5  }
0x108: {  	v49 =	vld [tilespmem:s1+$0x13B00];
	v3 =	vadd.s32 @p1 v3, v6  }
0x109: {  	v50 =	vld [tilespmem:s1+$0x13C00];
	(xrf0) =	vadd.scan.msk.s32 @p1 $0xffff, v3  }
0x10a: {  	v3 =	vld [tilespmem:s1+$0x13D00]  }
0x10b: {  	v51 =	vld [tilespmem:s1+$0x13E00]  }
0x10c: {  	v52 =	vld [tilespmem:s1+$0x13F00];
	v4 =	vadd.s32 v4, v7  }
0x10d: {  	v53 =	vld [tilespmem:s1+$0x14000];
	v9, _, _ =	vpop @p2 (xrf0);
	v4 =	vadd.s32 v4, v49  }
0x10e: {  	v54 =	vld [tilespmem:s1+$0x14100];
	v10, _, _ =	vpop @p2 (xrf0);
	(v2sf) =	vpush @p2 v9, $0xF;
	v4 =	vadd.s32 v4, v50  }
0x10f: {  	v55 =	vld [tilespmem:s1+$0x14200];
	(v2sf) =	vpush @p2 v10, $0xF;
	v3 =	vadd.s32 v4, v3;
	v9, _, _ =	vpop @p1 (xrf0)  }
0x110: {  	v56 =	vld [tilespmem:s1+$0x14300];
	v3 =	vadd.s32 v3, v51;
	(v2sf) =	vpush @p1 v9, $0xF  }
0x111: {  	v57 =	vld [tilespmem:s1+$0x14400];
	s31 =	spop @p3 (v2sf);
	v3 =	vadd.s32 v3, v52  }
0x112: {  	v58 =	vld [tilespmem:s1+$0x14500];
	s15 =	spop @p3 (v2sf);
	v3 =	vadd.s32 v3, v53  }
0x113: {  	v59 =	vld [tilespmem:s1+$0x14600];
	s30 =	spop @p2 (v2sf);
	v3 =	vadd.s32 v3, v54  }
0x114: {  	v60 =	vld [tilespmem:s1+$0x14700];
	s10 =	sadd.s32 @p2 s24, s30;
	s30 =	smov.u32 s21;
	v3 =	vadd.s32 v3, v55  }
0x115: {  	v61 =	vld [tilespmem:s1+$0x14800];
	s30 =	smov.u32 @p2 s10;
	v3 =	vadd.s32 v3, v56  }
0x116: {  	v10 =	vadd.s32 @p1 s30, v9;
	v3 =	vadd.s32 v3, v57  }
0x117: {  	v7 =	vxor.u32 @p1 $0x80000000, v9;
	vm0 =	vlt.s32 @p1 v10, $0x6D61;
	v3 =	vadd.s32 v3, v58  }
0x118: {  	v5 =	vnsel @p1 vm0, $0x80000000, v7;
	v3 =	vadd.s32 v3, v59  }
0x119: {  	v6 =	vsel @p1 vm0, $0x1, v0;
	(xrf0) =	vmax.scan.msk.u32 @p1 $0xffff, v5;
	v3 =	vadd.s32 v3, v60  }
0x11a: {  	(xrf0) =	vadd.scan.msk.s32 @p1 $0xffff, v6;
	v3 =	vadd.s32 v3, v61  }
0x11b: {  	(xrf0) =	vadd.scan.msk.s32 $0xffff, v3;
	_ =	sdelay $0x1  }
0x11c: {  	s10 =	spop @p2 (v2sf)  }
0x11d: {  	s3 =	spop @p2 (v2sf)  }
0x11e: {  	v3, _, _ =	vpop @p1 (xrf0);
	s1 =	spop @p1 (v2sf)  }
0x11f: {  	v4, _, _ =	vpop @p1 (xrf0);
	s4 =	sadd.s32 @p1 s30, s1;
	s1 =	smov.u32 s21  }
0x120: {  	v62, _, _ =	vpop (xrf0);
	s1 =	smov.u32 @p1 s4  }
0x121: {  	(v2sf) =	vpush @p1 v3, $0xF;
	v3 =	vadd.s32 s1, v62  }
0x122: {  	vm15 =	vlt.s32 v3, $0x6D61;
	v3 =	vxor.u32 $0x80000000, v62  }
0x123: {  	v3 =	vnsel vm15, $0x80000000, v3  }
0x124: {  	(xrf0) =	vmax.scan.msk.u32 $0xffff, v3;
	_ =	sdelay $0x1  }
0x125: {  	p4 =	slt.s32 @p3 s26, $0x6D61;
	p5 =	sgt.s32 @p3 s24, $0x6D60  }
0x126: {  	p4 =	por @p3 !p4, !p5;
	(v2sf) =	vpush @p1 v4, $0xF  }
0x127: {  	p4 =	por @p3 !p4, !p4  }
0x128: {  	p4 =	por !p4, !p3;
	s15 =	sadd.s32 @p3 s29, s15;
	s4 =	sadd.s32 @p3 s31, s26;
	(v2sf) =	vpush v62, $0xF  }
0x129: {  	s15 =	smov.u32 @p4 s25;
	s25 =	smov.u32 s21;
	s4 =	sadd.s32 @p3 $0x80000000, s4;
	v3, _, _ =	vpop (xrf0)  }
0x12a: {  	s25 =	smov.u32 @p3 s15;
	s26 =	smov.u32 s21;
	s4 =	smov.u32 @p4 s28;
	v63 =	vsel vm15, $0x1, v0;
	(v2sf) =	vpush v3, $0xF  }
0x12b: {  	s15 =	smov.u32 @p1 s22;
	s26 =	smov.u32 @p3 s4;
	s4 =	smov.u32 s21;
	(xrf0) =	vadd.scan.msk.s32 $0xffff, v63  }
0x12c: {  	s4 =	smov.u32 @p1 s15;
	s15 =	smov.u32 @p2 s24  }
0x12d: {  	s0 =	smov.u32 @p2 s0;
	s15 =	smov.u32 @p2 s15  }
0x12e: {  	s22 =	smov.u32 @p1 s30;
	p4 =	sgt.s32 @p2 s30, $0x6D60;
	p3 =	slt.s32 @p2 s15, $0x6D61  }
0x12f: {  	s22 =	smov.u32 @p1 s22;
	s0 =	sadd.s32 @p2 s0, s3;
	p3 =	por @p2 !p3, !p4  }
0x130: {  	p5 =	sgt.s32 @p1 s1, $0x6D60;
	s24 =	smov.u32 s21;
	p3 =	por @p2 !p3, !p3  }
0x131: {  	s4 =	smov.u32 @p1 s4;
	s10 =	sadd.s32 @p2 s10, s15;
	p3 =	por !p3, !p2;
	v4, _, _ =	vpop (xrf0)  }
0x132: {  	s10 =	sadd.s32 @p2 $0x80000000, s10;
	p4 =	slt.s32 @p1 s22, $0x6D61;
	s0 =	smov.u32 @p3 s25;
	(v2sf) =	vpush v4, $0xF  }
0x133: {  	s10 =	smov.u32 @p3 s26;
	p3 =	por @p1 !p4, !p5;
	p5 =	slt.s32 s1, $0x6D61  }
0x134: {  	s15 =	spop @p1 (v2sf);
	s24 =	smov.u32 @p2 s0;
	p3 =	por @p1 !p3, !p3  }
0x135: {  	s0 =	smov.u32 s21;
	s3 =	spop @p1 (v2sf);
	s15 =	sadd.s32 @p1 s15, s22  }
0x136: {  	p3 =	por !p3, !p1;
	s0 =	smov.u32 @p2 s10;
	s22 =	smov.u32 s21  }
0x137: {  	s3 =	sadd.s32 @p1 s4, s3;
	s4 =	sadd.s32 @p1 $0x80000000, s15;
	s29 =	spop (v2sf)  }
0x138: {  	s3 =	smov.u32 @p3 s24;
	s4 =	smov.u32 @p3 s0;
	s0 =	sadd.s32 s1, s29  }
0x139: {  	s22 =	smov.u32 @p1 s3;
	p6 =	sgt.s32 s0, $0x6D60;
	s30 =	spop (v2sf)  }
0x13a: {  	s21 =	smov.u32 @p1 s4;
	p1 =	por !p5, !p6;
	s0 =	sadd.s32 s30, s1  }
0x13b: {  	p1 =	por !p1, !p1;
	s0 =	sadd.s32 $0x80000000, s0  }
0x13c: {  	s21 =	smov.u32 @p1 s0;
	s0 =	simm.s32 $0x13940  }
0x13d: {  	[tilespmem:s0+$0xFFFFFFC0] =	vst v0  }
0x13e: {  	[tilespmem:s0+$0x30] =	vst v0  }
0x13f: {  	[tilespmem:s0+$0x20] =	vst v0  }
0x140: {  	[tilespmem:s0+$0x10] =	vst v0  }
0x141: {  	s31 =	spop (v2sf);
	[tilespmem:s0+$0x0] =	vst v0  }
0x142: {  	s1 =	sadd.s32 s23, s31;
	[tilespmem:s0+$0xFFFFFFF0] =	vst v0  }
0x143: {  	s22 =	smov.u32 @p1 s1;
	s1 =	simm.s32 $0x0;
	[tilespmem:s0+$0xFFFFFFE0] =	vst v0  }
.LBB2_18:
0x144: {  	s1 =	sadd.s32 $0x8, s1;
	[tilespmem:s0+$0xFFFFFFD0] =	vst v0;
	s0 =	sadd.s32 $0x80, s0  }
0x145: {  	[tilespmem:s0+$0xFFFFFFC0] =	vst v0;
	p1 =	slt.u32 s1, $0xF8  }
0x146: {  	[tilespmem:s0+$0x30] =	vst v0  }
.Ltmp10:
0x147: {  	[tilespmem:s0+$0x20] =	vst v0;
	(pc) =	sbr.rel @p1 .LBB2_18-.Ltmp10, $4  }
0x148: {  	[tilespmem:s0+$0x10] =	vst v0  }
0x149: {  	[tilespmem:s0+$0x0] =	vst v0  }
0x14a: {  	[tilespmem:s0+$0xFFFFFFF0] =	vst v0  }
0x14b: {  	[tilespmem:s0+$0xFFFFFFE0] =	vst v0  }
0x14c: {  	[tilespmem:s0+$0xFFFFFFD0] =	vst v0;
	s31 =	simm.s32 $0x80  }
0x14d: {  	v4 =	vld [tilespmem:s31+$0x40]  }
0x14e: {  	v5 =	vld [tilespmem:s31+$0x50]  }
0x14f: {  	v6 =	vld [tilespmem:s31+$0xFFFFFFE0]  }
0x150: {  	v8 =	vld [tilespmem:s31+$0xFFFFFFB0]  }
0x151: {  	v10 =	vld [tilespmem:s31+$0xFFFFFFD0]  }
0x152: {  	v13 =	vld [tilespmem:s31+$0xFFFFFFA0];
	_ =	sdelay $0x2  }
0x153: {  	v3 =	vmov s22;
	v4 =	vand.u32 $0x7FFFFFFF, v4;
	v5 =	vand.u32 $0x7FFFFFFF, v5  }
0x154: {  	v6 =	vand.u32 $0x7FFFFFFF, v6;
	v20 =	vand.u32 $0x7FFFFFFF, v10;
	v8 =	vand.u32 $0x7FFFFFFF, v8  }
0x155: {  	v7 =	vld [tilespmem:s31+$0x0];
	v19 =	vand.u32 $0x7FFFFFFF, v13;
	v9 =	vshrl.u32 v4, $0xF;
	v11 =	vshrl.u32 v4, $0x17  }
0x156: {  	v12 =	vshrl.u32 v5, $0xF;
	v5 =	vshrl.u32 v5, $0x17;
	v14 =	vshrl.u32 v6, $0xF  }
0x157: {  	v6 =	vshrl.u32 v6, $0x17;
	v13 =	vshrl.u32 v8, $0xF;
	v16 =	vshrl.u32 v19, $0xF  }
0x158: {  	v22 =	vshrl.u32 v8, $0x17;
	v4 =	vand.u32 $0xFF, v9;
	v9 =	vld [tilespmem:s31+$0xFFFFFFC0];
	vm1 =	veq.s32 v5, v3  }
0x159: {  	v5 =	vand.u32 $0xFF, v12;
	vm3 =	veq.s32 v11, v3;
	v12 =	vld [tilespmem:s31+$0xFFFFFFF0];
	v10 =	vand.u32 $0xFF, v14  }
0x15a: {  	v17 =	vand.u32 $0xFF, v13;
	v15 =	vor.u32 v1, v5;
	v5 =	vand.u32 $0x7FFFFFFF, v7;
	v7 =	vld [tilespmem:s31+$0xFFFFFF90]  }
0x15b: {  	v23 =	vand.u32 $0xFF, v16;
	vm8 =	veq.s32 v6, v3;
	vm4 =	veq.s32 v22, v3  }
0x15c: {  	v18 =	vld [tilespmem:s31+$0x70];
	v4 =	vor.u32 v1, v4;
	v10 =	vor.u32 v1, v10;
	v11 =	vshrl.u32 v5, $0x17  }
0x15d: {  	v6 =	vor.u32 v1, v23;
	v5 =	vshrl.u32 v5, $0xF;
	vm0 =	veq.s32 v11, v3  }
0x15e: {  	v8 =	vld [tilespmem:s31+$0x10];
	v11 =	vand.u32 $0x7FFFFFFF, v9;
	v9 =	vand.u32 $0xFF, v5;
	v14 =	vand.u32 $0x7FFFFFFF, v12  }
0x15f: {  	v16 =	vld [tilespmem:s31+$0x30];
	v5 =	vshrl.u32 v20, $0xF;
	v7 =	vand.u32 $0x7FFFFFFF, v7;
	v13 =	vshrl.u32 v14, $0xF  }
0x160: {  	[tilespmem:v15+s16+$0x0] =	vst.idx.add.s32.msk vm1, v2;
	v21 =	vshrl.u32 v11, $0xF;
	v12 =	vshrl.u32 v7, $0xF;
	v7 =	vshrl.u32 v7, $0x17  }
0x161: {  	v15 =	vand.u32 $0xFF, v13;
	v13 =	vand.u32 $0x7FFFFFFF, v18;
	v18 =	vld [tilespmem:s31+$0x20];
	vm2 =	veq.s32 v7, v3  }
0x162: {  	v7 =	vand.u32 $0xFF, v12;
	v12 =	vshrl.u32 v19, $0x17;
	v19 =	vld [tilespmem:s31+$0xFFFFFF80];
	v22 =	vshrl.u32 v13, $0x17  }
0x163: {  	s23 =	simm.s32 $0x0;
	s24 =	simm.s32 $0x180;
	v7 =	vor.u32 v1, v7;
	vm1 =	veq.s32 v12, v3;
	v12 =	vshrl.u32 v20, $0x17;
	v20 =	vld [tilespmem:s31+$0x60]  }
.LBB2_20:
0x164: {  	v17 =	vor.u32 v1, v17  }
0x165: {  	v23 =	vld [tilespmem:s24+$0x40];
	s23 =	sadd.s32 $0x10, s23;
	v11 =	vshrl.u32 v11, $0x17;
	v8 =	vand.u32 $0x7FFFFFFF, v8;
	vm7 =	vmmov vm3  }
0x166: {  	v24 =	vld [tilespmem:s24+$0xFFFFFFF0];
	p1 =	slt.u32 s23, $0x9B0;
	vm6 =	veq.s32 v11, v3;
	v11 =	vshrl.u32 v14, $0x17;
	v14 =	vshrl.u32 v8, $0xF  }
0x167: {  	v21 =	vand.u32 $0xFF, v21;
	vm5 =	veq.s32 v12, v3;
	vm3 =	veq.s32 v22, v3;
	v25 =	vld [tilespmem:s24+$0xFFFFFF90]  }
0x168: {  	v15 =	vor.u32 v1, v15;
	v9 =	vor.u32 v1, v9;
	v16 =	vand.u32 $0x7FFFFFFF, v16;
	v12 =	vld [tilespmem:s24+$0xFFFFFFA0]  }
0x169: {  	v18 =	vand.u32 $0x7FFFFFFF, v18;
	v19 =	vand.u32 $0x7FFFFFFF, v19;
	v22 =	vld [tilespmem:s24+$0xFFFFFFB0];
	v20 =	vand.u32 $0x7FFFFFFF, v20  }
0x16a: {  	v14 =	vand.u32 $0xFF, v14;
	v26 =	vld [tilespmem:s24+$0xFFFFFFC0];
	v23 =	vand.u32 $0x7FFFFFFF, v23;
	v27 =	vshrl.u32 v20, $0x17  }
0x16b: {  	v13 =	vshrl.u32 v13, $0xF;
	v29 =	vshrl.u32 v19, $0x17;
	v20 =	vshrl.u32 v20, $0xF;
	v28 =	vld [tilespmem:s24+$0xFFFFFFD0]  }
0x16c: {  	v13 =	vand.u32 $0xFF, v13;
	vm9 =	veq.s32 v29, v3;
	v20 =	vand.u32 $0xFF, v20;
	v30 =	vld [tilespmem:s24+$0x50]  }
0x16d: {  	v19 =	vshrl.u32 v19, $0xF;
	v31 =	vshrl.u32 v23, $0xF;
	v23 =	vshrl.u32 v23, $0x17;
	v29 =	vld [tilespmem:s24+$0xFFFFFFE0]  }
0x16e: {  	v5 =	vand.u32 $0xFF, v5;
	v33 =	vshrl.u32 v16, $0xF;
	v13 =	vor.u32 v1, v13;
	v32 =	vld [tilespmem:s24+$0x0]  }
0x16f: {  	v21 =	vor.u32 v1, v21;
	v31 =	vand.u32 $0xFF, v31;
	[tilespmem:v10+s16+$0x0] =	vst.idx.add.s32.msk vm8, v2;
	v10 =	vshrl.u32 v16, $0x17  }
0x170: {  	v19 =	vand.u32 $0xFF, v19;
	v16 =	vor.u32 v1, v31;
	[tilespmem:v9+s16+$0x0] =	vst.idx.add.s32.msk vm0, v2;
	v9 =	vand.u32 $0xFF, v33  }
0x171: {  	v19 =	vor.u32 v1, v19;
	vm8 =	veq.s32 v11, v3;
	v30 =	vand.u32 $0x7FFFFFFF, v30;
	v31 =	vld [tilespmem:s24+$0x70]  }
0x172: {  	v11 =	vshrl.u32 v30, $0xF;
	v30 =	vshrl.u32 v30, $0x17;
	[tilespmem:v7+s16+$0x0] =	vst.idx.add.s32.msk vm2, v2;
	v7 =	vor.u32 v1, v9  }
0x173: {  	vm0 =	veq.s32 v30, v3;
	v9 =	vand.u32 $0xFF, v11;
	v11 =	vshrl.u32 v8, $0x17;
	[tilespmem:v13+s16+$0x0] =	vst.idx.add.s32.msk vm3, v2  }
0x174: {  	vm3 =	veq.s32 v23, v3;
	v8 =	vld [tilespmem:s24+$0x10];
	v9 =	vor.u32 v1, v9;
	vm10 =	veq.s32 v11, v3  }
0x175: {  	v13 =	vor.u32 v1, v5;
	v5 =	vor.u32 v1, v14;
	v11 =	vshrl.u32 v18, $0xF;
	[tilespmem:v17+s16+$0x0] =	vst.idx.add.s32.msk vm4, v2  }
0x176: {  	vm4 =	veq.s32 v10, v3;
	[tilespmem:v6+s16+$0x0] =	vst.idx.add.s32.msk vm1, v2;
	v6 =	vshrl.u32 v18, $0x17;
	vm1 =	veq.s32 v27, v3  }
0x177: {  	v10 =	vand.u32 $0x7FFFFFFF, v32;
	[tilespmem:v19+s16+$0x0] =	vst.idx.add.s32.msk vm9, v2;
	vm2 =	veq.s32 v6, v3;
	v6 =	vor.u32 v1, v20  }
0x178: {  	v14 =	vand.u32 $0x7FFFFFFF, v29;
	v11 =	vand.u32 $0xFF, v11;
	v17 =	vshrl.u32 v10, $0x17;
	[tilespmem:v4+s16+$0x0] =	vst.idx.add.s32.msk vm7, v2;
	v4 =	vmovc v16  }
0x179: {  	v18 =	vor.u32 v1, v11;
	v20 =	vshrl.u32 v14, $0x17;
	v16 =	vshrl.u32 v14, $0xF;
	[tilespmem:v9+s16+$0x0] =	vst.idx.add.s32.msk vm0, v2  }
0x17a: {  	v23 =	vand.u32 $0x7FFFFFFF, v28;
	v19 =	vand.u32 $0xFF, v16;
	vm0 =	veq.s32 v17, v3;
	[tilespmem:v5+s16+$0x0] =	vst.idx.add.s32.msk vm10, v2  }
0x17b: {  	v11 =	vand.u32 $0x7FFFFFFF, v26;
	v9 =	vshrl.u32 v10, $0xF;
	v5 =	vand.u32 $0x7FFFFFFF, v22;
	[tilespmem:v15+s16+$0x0] =	vst.idx.add.s32.msk vm8, v2  }
0x17c: {  	v10 =	vand.u32 $0x7FFFFFFF, v12;
	v9 =	vand.u32 $0xFF, v9;
	v12 =	vshrl.u32 v5, $0xF;
	[tilespmem:v21+s16+$0x0] =	vst.idx.add.s32.msk vm6, v2  }
0x17d: {  	v16 =	vshrl.u32 v10, $0xF;
	v22 =	vshrl.u32 v5, $0x17;
	v5 =	vshrl.u32 v23, $0xF;
	[tilespmem:v7+s16+$0x0] =	vst.idx.add.s32.msk vm4, v2  }
0x17e: {  	v14 =	vand.u32 $0x7FFFFFFF, v24;
	v17 =	vand.u32 $0xFF, v12;
	v7 =	vand.u32 $0x7FFFFFFF, v25;
	[tilespmem:v18+s16+$0x0] =	vst.idx.add.s32.msk vm2, v2  }
0x17f: {  	v15 =	vshrl.u32 v14, $0xF;
	v12 =	vshrl.u32 v7, $0xF;
	v7 =	vshrl.u32 v7, $0x17;
	[tilespmem:v6+s16+$0x0] =	vst.idx.add.s32.msk vm1, v2  }
.Ltmp11:
0x180: {  	v15 =	vand.u32 $0xFF, v15;
	vm2 =	veq.s32 v7, v3;
	v6 =	vand.u32 $0xFF, v12;
	[tilespmem:v13+s16+$0x0] =	vst.idx.add.s32.msk vm5, v2;
	(pc) =	sbr.rel @p1 .LBB2_20-.Ltmp11, $4  }
0x181: {  	v7 =	vor.u32 v1, v6;
	v6 =	vand.u32 $0xFF, v16;
	v13 =	vand.u32 $0x7FFFFFFF, v31;
	v16 =	vld [tilespmem:s24+$0x30]  }
0x182: {  	v21 =	vshrl.u32 v11, $0xF;
	v12 =	vshrl.u32 v10, $0x17;
	v10 =	vor.u32 v1, v19;
	v18 =	vld [tilespmem:s24+$0x20]  }
0x183: {  	vm8 =	veq.s32 v20, v3;
	vm1 =	veq.s32 v12, v3;
	v12 =	vshrl.u32 v23, $0x17;
	v19 =	vld [tilespmem:s24+$0xFFFFFF80]  }
0x184: {  	vm4 =	veq.s32 v22, v3;
	v6 =	vor.u32 v1, v6;
	v22 =	vshrl.u32 v13, $0x17;
	v20 =	vld [tilespmem:s24+$0x60];
	s24 =	sadd.s32 $0x100, s24  }
0x185: {  	v17 =	vor.u32 v1, v17  }
0x186: {  	v11 =	vshrl.u32 v11, $0x17;
	v8 =	vand.u32 $0x7FFFFFFF, v8;
	vm5 =	vmmov vm3  }
0x187: {  	v48 =	vshrl.u32 v14, $0x17;
	v21 =	vand.u32 $0xFF, v21;
	v9 =	vor.u32 v1, v9  }
0x188: {  	v13 =	vshrl.u32 v13, $0xF;
	vm6 =	veq.s32 v22, v3;
	v15 =	vor.u32 v1, v15  }
0x189: {  	vm15 =	veq.s32 v12, v3;
	v5 =	vand.u32 $0xFF, v5;
	vm9 =	veq.s32 v11, v3  }
0x18a: {  	v49 =	vshrl.u32 v8, $0xF;
	v13 =	vand.u32 $0xFF, v13;
	v16 =	vand.u32 $0x7FFFFFFF, v16  }
0x18b: {  	v8 =	vshrl.u32 v8, $0x17;
	vm11 =	veq.s32 v48, v3;
	v57 =	vor.u32 v1, v21  }
0x18c: {  	[tilespmem:v10+s16+$0x0] =	vst.idx.add.s32.msk vm8, v2;
	v5 =	vor.u32 v1, v5;
	v13 =	vor.u32 v1, v13;
	v18 =	vand.u32 $0x7FFFFFFF, v18  }
0x18d: {  	[tilespmem:v7+s16+$0x0] =	vst.idx.add.s32.msk vm2, v2;
	v14 =	vand.u32 $0xFF, v49;
	vm10 =	veq.s32 v8, v3;
	v55 =	vshrl.u32 v16, $0xF  }
0x18e: {  	[tilespmem:v6+s16+$0x0] =	vst.idx.add.s32.msk vm1, v2;
	v58 =	vshrl.u32 v16, $0x17;
	v19 =	vand.u32 $0x7FFFFFFF, v19;
	v56 =	vor.u32 v1, v14  }
0x18f: {  	v7 =	vand.u32 $0xFF, v55;
	v59 =	vshrl.u32 v18, $0xF;
	v60 =	vshrl.u32 v18, $0x17;
	[tilespmem:v9+s16+$0x0] =	vst.idx.add.s32.msk vm0, v2  }
0x190: {  	vm12 =	veq.s32 v58, v3;
	v50 =	vshrl.u32 v19, $0x17;
	v19 =	vshrl.u32 v19, $0xF;
	[tilespmem:v17+s16+$0x0] =	vst.idx.add.s32.msk vm4, v2  }
0x191: {  	v20 =	vand.u32 $0x7FFFFFFF, v20;
	v7 =	vor.u32 v1, v7;
	vm13 =	veq.s32 v60, v3;
	[tilespmem:v4+s16+$0x0] =	vst.idx.add.s32.msk vm5, v2  }
0x192: {  	v61 =	vand.u32 $0xFF, v59;
	vm7 =	veq.s32 v50, v3;
	v51 =	vand.u32 $0xFF, v19;
	[tilespmem:v5+s16+$0x0] =	vst.idx.add.s32.msk vm15, v2  }
0x193: {  	v53 =	vshrl.u32 v20, $0x17;
	v54 =	vshrl.u32 v20, $0xF;
	v52 =	vor.u32 v1, v51;
	[tilespmem:v13+s16+$0x0] =	vst.idx.add.s32.msk vm6, v2  }
0x194: {  	v62 =	vand.u32 $0xFF, v54;
	vm14 =	veq.s32 v53, v3;
	v4 =	vor.u32 v1, v61;
	[tilespmem:v15+s16+$0x0] =	vst.idx.add.s32.msk vm11, v2  }
0x195: {  	v63 =	vor.u32 v1, v62;
	[tilespmem:v57+s16+$0x0] =	vst.idx.add.s32.msk vm9, v2  }
0x196: {  	[tilespmem:v56+s16+$0x0] =	vst.idx.add.s32.msk vm10, v2  }
0x197: {  	[tilespmem:v7+s16+$0x0] =	vst.idx.add.s32.msk vm12, v2  }
0x198: {  	[tilespmem:v52+s16+$0x0] =	vst.idx.add.s32.msk vm7, v2  }
0x199: {  	[tilespmem:v4+s16+$0x0] =	vst.idx.add.s32.msk vm13, v2  }
0x19a: {  	s0 =	simm.s32 $0x0;
	[tilespmem:v63+s16+$0x0] =	vst.idx.add.s32.msk vm14, v2  }
.LBB2_22:
0x19b: {  	s1 =	sshra.s32 s0, $0x2  }
0x19c: {  	v4 =	vld [tilespmem:s1+$0x9C00];
	_ =	sdelay $0x4  }
0x19d: {  	v4 =	vand.u32 $0x7FFFFFFF, v4  }
0x19e: {  	v5 =	vshrl.u32 v4, $0xF;
	v4 =	vshrl.u32 v4, $0x17  }
0x19f: {  	vm0 =	veq.s32 v4, v3;
	v4 =	vand.u32 $0xFF, v5  }
0x1a0: {  	p1 =	seq.s32 s0, $0xC0;
	v4 =	vor.u32 v1, v4  }
.Ltmp12:
0x1a1: {  	_ = 	snop;
	(pc) =	sbr.rel @!p1 .LBB2_22-.Ltmp12, $2  }
0x1a2: {  	_ =	sdelay $0x2  }
0x1a3: {  	s0 =	sadd.s32 $0x40, s0;
	[tilespmem:v4+s16+$0x0] =	vst.idx.add.s32.msk vm0, v2  }
0x1a4: {  	s23 =	ssub.s32 $0x6D60, s21;
	s21 =	simm.s32 $0x0  }
0x1a5: {  	s0 =	sand.u32 $0xF0, s21  }
0x1a6: {  	v4 =	vld [tilespmem:s0+$0x13900]  }
0x1a7: {  	v5 =	vld [tilespmem:s0+$0x13A00]  }
0x1a8: {  	v6 =	vld [tilespmem:s0+$0x13B00]  }
0x1a9: {  	v7 =	vld [tilespmem:s0+$0x13C00]  }
0x1aa: {  	v8 =	vld [tilespmem:s0+$0x13D00]  }
0x1ab: {  	v9 =	vld [tilespmem:s0+$0x13E00]  }
0x1ac: {  	v10 =	vld [tilespmem:s0+$0x13F00];
	v4 =	vadd.s32 v4, v5  }
0x1ad: {  	v5 =	vld [tilespmem:s0+$0x14000];
	v4 =	vadd.s32 v4, v6  }
0x1ae: {  	v6 =	vld [tilespmem:s0+$0x14100];
	v4 =	vadd.s32 v4, v7  }
0x1af: {  	v7 =	vld [tilespmem:s0+$0x14200];
	v4 =	vadd.s32 v4, v8  }
0x1b0: {  	v8 =	vld [tilespmem:s0+$0x14300];
	v4 =	vadd.s32 v4, v9  }
0x1b1: {  	v9 =	vld [tilespmem:s0+$0x14400];
	v4 =	vadd.s32 v4, v10  }
0x1b2: {  	v10 =	vld [tilespmem:s0+$0x14500];
	v4 =	vadd.s32 v4, v5  }
0x1b3: {  	v5 =	vld [tilespmem:s0+$0x14600];
	v4 =	vadd.s32 v4, v6  }
0x1b4: {  	v6 =	vld [tilespmem:s0+$0x14700];
	v4 =	vadd.s32 v4, v7  }
0x1b5: {  	s24 =	simm.s32 $0x10;
	v7 =	vld [tilespmem:s0+$0x14800];
	v4 =	vadd.s32 v4, v8  }
0x1b6: {  	s1 =	sand.u32 $0xF0, s24;
	v4 =	vadd.s32 v4, v9  }
0x1b7: {  	v8 =	vld [tilespmem:s1+$0x13900];
	v4 =	vadd.s32 v4, v10  }
0x1b8: {  	v9 =	vld [tilespmem:s1+$0x13A00];
	v4 =	vadd.s32 v4, v5  }
0x1b9: {  	v10 =	vld [tilespmem:s1+$0x13B00];
	v4 =	vadd.s32 v4, v6  }
0x1ba: {  	v5 =	vld [tilespmem:s1+$0x13C00];
	v4 =	vadd.s32 v4, v7  }
0x1bb: {  	v6 =	vld [tilespmem:s1+$0x13D00];
	(xrf0) =	vadd.scan.msk.s32 $0xffff, v4  }
0x1bc: {  	v7 =	vld [tilespmem:s1+$0x13E00]  }
0x1bd: {  	v8 =	vadd.s32 v8, v9  }
0x1be: {  	v8 =	vadd.s32 v8, v10  }
0x1bf: {  	v5 =	vadd.s32 v8, v5  }
0x1c0: {  	v4 =	vld [tilespmem:s1+$0x13F00];
	v5 =	vadd.s32 v5, v6  }
0x1c1: {  	v11 =	vld [tilespmem:s1+$0x14000];
	v5 =	vadd.s32 v5, v7;
	v7, _, _ =	vpop (xrf0)  }
0x1c2: {  	v9 =	vld [tilespmem:s1+$0x14100];
	(v2sf) =	vpush v7, $0xF  }
0x1c3: {  	v10 =	vld [tilespmem:s1+$0x14200]  }
0x1c4: {  	v8 =	vld [tilespmem:s1+$0x14300]  }
0x1c5: {  	v6 =	vld [tilespmem:s1+$0x14400];
	v4 =	vadd.s32 v5, v4  }
0x1c6: {  	v12 =	vld [tilespmem:s1+$0x14500];
	v4 =	vadd.s32 v4, v11  }
0x1c7: {  	v3 =	vmov s23;
	v5 =	vld [tilespmem:s1+$0x14600];
	v4 =	vadd.s32 v4, v9;
	v7 =	vadd.s32 s21, v7  }
0x1c8: {  	s25 =	simm.s32 $0x20;
	v11 =	vld [tilespmem:s1+$0x14700];
	v4 =	vadd.s32 v4, v10;
	vm0 =	vle.s32 v7, v3  }
0x1c9: {  	s15 =	sand.u32 $0xF0, s25;
	v9 =	vld [tilespmem:s1+$0x14800];
	v4 =	vadd.s32 v4, v8;
	v7 =	vsel vm0, $0x1, v0  }
0x1ca: {  	v10 =	vld [tilespmem:s15+$0x13900];
	v4 =	vadd.s32 v4, v6;
	(xrf0) =	vadd.scan.msk.s32 $0xffff, v7  }
0x1cb: {  	v8 =	vld [tilespmem:s15+$0x13A00];
	v4 =	vadd.s32 v4, v12  }
0x1cc: {  	v6 =	vld [tilespmem:s15+$0x13B00];
	v4 =	vadd.s32 v4, v5  }
0x1cd: {  	v62 =	vld [tilespmem:s15+$0x13C00];
	v4 =	vadd.s32 v4, v11  }
0x1ce: {  	v5 =	vld [tilespmem:s15+$0x13D00];
	v4 =	vadd.s32 v4, v9  }
0x1cf: {  	v11 =	vld [tilespmem:s15+$0x13E00];
	(xrf0) =	vadd.scan.msk.s32 $0xffff, v4  }
0x1d0: {  	v7 =	vadd.s32 v10, v8;
	v8 =	vld [tilespmem:s15+$0x13F00];
	v10, _, _ =	vpop (xrf0)  }
0x1d1: {  	v4 =	vadd.s32 v7, v6;
	v6 =	vld [tilespmem:s15+$0x14000];
	s26 =	spop (v2sf);
	(v2sf) =	vpush v10, $0xF  }
0x1d2: {  	v7 =	vld [tilespmem:s15+$0x14100];
	v4 =	vadd.s32 v4, v62  }
0x1d3: {  	v4 =	vadd.s32 v4, v5;
	v5 =	vld [tilespmem:s15+$0x14200]  }
0x1d4: {  	v9 =	vld [tilespmem:s15+$0x14300];
	v4 =	vadd.s32 v4, v11  }
0x1d5: {  	v4 =	vadd.s32 v4, v8;
	v8 =	vld [tilespmem:s15+$0x14400];
	v63, _, _ =	vpop (xrf0)  }
0x1d6: {  	v11 =	vld [tilespmem:s15+$0x14500];
	v4 =	vadd.s32 v4, v6;
	s28 =	sadd.s32 $0x0, s26;
	(v2sf) =	vpush v63, $0xF  }
0x1d7: {  	v6 =	vadd.s32 v4, v7;
	v4 =	vld [tilespmem:s15+$0x14600];
	v7 =	vadd.s32 s28, v63  }
0x1d8: {  	v6 =	vadd.s32 v6, v5;
	v5 =	vld [tilespmem:s15+$0x14700];
	s26 =	simm.s32 $0x30;
	vm15 =	vle.s32 v7, v3  }
0x1d9: {  	v6 =	vadd.s32 v6, v9;
	s31 =	sand.u32 $0xF0, s26;
	v7 =	vld [tilespmem:s15+$0x14800];
	v9 =	vsel vm15, $0x1, v0  }
0x1da: {  	v10 =	vadd.s32 v6, v8;
	v6 =	vld [tilespmem:s31+$0x13900];
	(xrf0) =	vadd.scan.msk.s32 $0xffff, v9  }
0x1db: {  	s29 =	simm.s32 $0x0;
	s30 =	simm.s32 $0x0;
	s0 =	simm.s32 $0x40;
	v8 =	vld [tilespmem:s31+$0x13A00];
	v9 =	vadd.s32 v10, v11  }
.LBB2_24:
0x1dc: {  	p1 =	sne.s32 s0, $0xF0;
	v10 =	vld [tilespmem:s31+$0x13B00];
	v4 =	vadd.s32 v9, v4  }
0x1dd: {  	v9 =	vld [tilespmem:s31+$0x13C00];
	v4 =	vadd.s32 v4, v5  }
0x1de: {  	v5 =	vld [tilespmem:s31+$0x13D00];
	v4 =	vadd.s32 v4, v7  }
0x1df: {  	v7 =	vld [tilespmem:s31+$0x13E00];
	(xrf0) =	vadd.scan.msk.s32 $0xffff, v4  }
0x1e0: {  	p2 =	sgt.s32 s28, s23;
	v4 =	vadd.s32 v6, v8;
	v6 =	vld [tilespmem:s31+$0x13F00];
	v8, _, _ =	vpop (xrf0);
	s1 =	spop (v2sf)  }
0x1e1: {  	s3 =	smov.u32 s21;
	v4 =	vadd.s32 v4, v10;
	v10 =	vld [tilespmem:s31+$0x14000];
	(v2sf) =	vpush v8, $0xF;
	s1 =	sadd.s32 s29, s1;
	s29 =	smov.u32 s24  }
0x1e2: {  	p3 =	sle.s32 s30, s23;
	s30 =	smov.u32 s28;
	v4 =	vadd.s32 v4, v9;
	v8 =	vld [tilespmem:s31+$0x14100];
	s3 =	smov.u32 @p2 s1  }
0x1e3: {  	s24 =	smov.u32 s25;
	s25 =	smov.u32 s26;
	v4 =	vadd.s32 v4, v5;
	v5 =	vld [tilespmem:s31+$0x14200];
	s21 =	smov.u32 @p3 s3  }
0x1e4: {  	s26 =	smov.u32 s0;
	v4 =	vadd.s32 v4, v7;
	v7 =	vld [tilespmem:s31+$0x14300]  }
0x1e5: {  	v4 =	vadd.s32 v4, v6;
	v9 =	vld [tilespmem:s31+$0x14400];
	v6, _, _ =	vpop (xrf0);
	s1 =	spop (v2sf)  }
0x1e6: {  	v4 =	vadd.s32 v4, v10;
	v10 =	vld [tilespmem:s31+$0x14500];
	(v2sf) =	vpush v6, $0xF;
	s28 =	sadd.s32 s28, s1  }
.Ltmp13:
0x1e7: {  	v8 =	vadd.s32 v4, v8;
	v4 =	vld [tilespmem:s31+$0x14600];
	v6 =	vadd.s32 s28, v6;
	(pc) =	sbr.rel @p1 .LBB2_24-.Ltmp13, $4  }
0x1e8: {  	v8 =	vadd.s32 v8, v5;
	v5 =	vld [tilespmem:s31+$0x14700];
	vm0 =	vle.s32 v6, v3  }
0x1e9: {  	v8 =	vadd.s32 v8, v7;
	v7 =	vld [tilespmem:s31+$0x14800];
	s31 =	sand.u32 $0xF0, s0;
	v11 =	vsel vm0, $0x1, v0  }
0x1ea: {  	v6 =	vld [tilespmem:s31+$0x13900];
	v9 =	vadd.s32 v8, v9;
	(xrf0) =	vadd.scan.msk.s32 $0xffff, v11  }
0x1eb: {  	s0 =	sadd.s32 $0x10, s0;
	v8 =	vld [tilespmem:s31+$0x13A00];
	v9 =	vadd.s32 v9, v10  }
0x1ec: {  	v4 =	vadd.s32 v9, v4  }
0x1ed: {  	v44 =	vld [tilespmem:s31+$0x13B00];
	v4 =	vadd.s32 v4, v5  }
0x1ee: {  	v45 =	vld [tilespmem:s31+$0x13C00];
	v4 =	vadd.s32 v4, v7  }
0x1ef: {  	v46 =	vld [tilespmem:s31+$0x13D00];
	(xrf0) =	vadd.scan.msk.s32 $0xffff, v4  }
0x1f0: {  	v47 =	vld [tilespmem:s31+$0x13E00]  }
0x1f1: {  	v48 =	vld [tilespmem:s31+$0x13F00];
	v6 =	vadd.s32 v6, v8  }
0x1f2: {  	v49 =	vld [tilespmem:s31+$0x14000];
	v6 =	vadd.s32 v6, v44  }
0x1f3: {  	v50 =	vld [tilespmem:s31+$0x14100];
	v5 =	vadd.s32 v6, v45  }
0x1f4: {  	v51 =	vld [tilespmem:s31+$0x14200];
	v10, _, _ =	vpop (xrf0);
	v5 =	vadd.s32 v5, v46  }
0x1f5: {  	v52 =	vld [tilespmem:s31+$0x14300];
	(v2sf) =	vpush v10, $0xF;
	v4 =	vadd.s32 v5, v47;
	v53, _, _ =	vpop (xrf0)  }
0x1f6: {  	v54 =	vld [tilespmem:s31+$0x14400];
	v4 =	vadd.s32 v4, v48;
	(v2sf) =	vpush v53, $0xF  }
0x1f7: {  	v55 =	vld [tilespmem:s31+$0x14500];
	v4 =	vadd.s32 v4, v49  }
0x1f8: {  	v56 =	vld [tilespmem:s31+$0x14600];
	v4 =	vadd.s32 v4, v50  }
0x1f9: {  	v57 =	vld [tilespmem:s31+$0x14700];
	s0 =	spop (v2sf);
	v4 =	vadd.s32 v4, v51  }
0x1fa: {  	v58 =	vld [tilespmem:s31+$0x14800];
	s1 =	spop (v2sf);
	v4 =	vadd.s32 v4, v52  }
0x1fb: {  	s1 =	sadd.s32 s28, s1;
	v4 =	vadd.s32 v4, v54  }
0x1fc: {  	v59 =	vadd.s32 s1, v53;
	v4 =	vadd.s32 v4, v55  }
0x1fd: {  	vm0 =	vle.s32 v59, v3;
	v4 =	vadd.s32 v4, v56  }
0x1fe: {  	v60 =	vsel vm0, $0x1, v0;
	v4 =	vadd.s32 v4, v57  }
0x1ff: {  	(xrf0) =	vadd.scan.msk.s32 $0xffff, v60;
	v4 =	vadd.s32 v4, v58  }
0x200: {  	(xrf0) =	vadd.scan.msk.s32 $0xffff, v4;
	_ =	sdelay $0x3  }
0x201: {  	s3 =	spop (v2sf)  }
0x202: {  	v61, _, _ =	vpop (xrf0);
	s4 =	spop (v2sf)  }
0x203: {  	v62, _, _ =	vpop (xrf0);
	s4 =	sadd.s32 s1, s4  }
0x204: {  	v63 =	vadd.s32 s4, v62  }
0x205: {  	vm15 =	vle.s32 v63, v3  }
0x206: {  	v3 =	vsel vm15, $0x1, v0  }
0x207: {  	(xrf0) =	vadd.scan.msk.s32 $0xffff, v3;
	_ =	sdelay $0x3  }
0x208: {  	(v2sf) =	vpush v61, $0xF;
	_ =	sdelay $0x1  }
0x209: {  	(v2sf) =	vpush v62, $0xF;
	v3, _, _ =	vpop (xrf0)  }
0x20a: {  	(v2sf) =	vpush v3, $0xF;
	_ =	sdelay $0x6  }
0x20b: {  	p1 =	sgt.s32 s28, s23;
	s10 =	smov.u32 s21;
	s0 =	sadd.s32 s29, s0  }
0x20c: {  	p2 =	sle.s32 s30, s23;
	s10 =	smov.u32 @p1 s0  }
0x20d: {  	s21 =	smov.u32 @p2 s10  }
0x20e: {  	p1 =	sgt.s32 s1, s23;
	s0 =	sadd.s32 s24, s3;
	s3 =	smov.u32 s21  }
0x20f: {  	p2 =	sle.s32 s28, s23;
	s3 =	smov.u32 @p1 s0  }
0x210: {  	s21 =	smov.u32 @p2 s3;
	s28 =	spop (v2sf)  }
0x211: {  	s3 =	smov.u32 s21;
	p1 =	sgt.s32 s4, s23;
	s0 =	sadd.s32 s25, s28  }
0x212: {  	p2 =	sle.s32 s1, s23;
	s3 =	smov.u32 @p1 s0;
	s29 =	spop (v2sf)  }
0x213: {  	s21 =	smov.u32 @p2 s3;
	s0 =	sadd.s32 s4, s29;
	s30 =	spop (v2sf)  }
0x214: {  	s1 =	smov.u32 s21;
	p1 =	sgt.s32 s0, s23;
	s0 =	sadd.s32 s26, s30  }
0x215: {  	p2 =	sle.s32 s4, s23;
	s1 =	smov.u32 @p1 s0  }
0x216: {  	s21 =	smov.u32 @p2 s1  }
0x217: {  	s31 =	sshll.u32 s22, $0x17;
	s1 =	sshll.u32 s21, $0xF  }
0x218: {  	s0 =	sor.u32 s31, s1  }
0x219: {  	v3 =	vmov s0  }
0x21a: {  	v3 =	vbroadcast v3, $0x0;
	_ =	sdelay $0x1  }
0x21b: {  	[tilespmem:$0x14900] =	vst v3  }
0x21c: {  	[hbm4b:s5+s2] =	stream.linear.scatter [tilespmem:s17], [sflag:$0x3], $0x80, $0x38;
	[tilespmem:$0x14980] =	vst v63  }
0x21d: {  	_ =	swait.ge [sflag:s18], $0x80  }
0x21e: {  	[sflag:s18] =	ssyncset.done $0x0  }
0x21f: {  	[sflag:s18] =	ssyncadd.s32 $0xFFFFFF80  }
0x220: {  	_ =	swait.ge [sflag:s19], $0x9C80  }
0x221: {  	[sflag:s19] =	ssyncset.done $0x0  }
0x222: {  	s1 =	simm.s32 $0x13940;
	[sflag:s19] =	ssyncadd.s32 $0xFFFF6380  }
0x223: {  	[tilespmem:s2], [sflag:$0x1] =	stream.strided.gather [hbm4b:s6+s12], $0x9C80, s13, s12, $0x38;
	[tilespmem:$0x14980] =	vst v63  }
0x224: {  	[tilespmem:s1+$0xFFFFFFC0] =	vst v0  }
0x225: {  	[tilespmem:s1+$0x30] =	vst v0  }
0x226: {  	[tilespmem:s1+$0x20] =	vst v0  }
0x227: {  	[tilespmem:s1+$0x10] =	vst v0  }
0x228: {  	[tilespmem:s1+$0x0] =	vst v0  }
0x229: {  	[tilespmem:s1+$0xFFFFFFF0] =	vst v0  }
0x22a: {  	s21 =	simm.s32 $0x0;
	s0 =	simm.s32 $0x9D00;
	[tilespmem:s1+$0xFFFFFFE0] =	vst v0  }
.LBB2_26:
0x22b: {  	s21 =	sadd.s32 $0x8, s21;
	[tilespmem:s1+$0xFFFFFFD0] =	vst v0;
	s1 =	sadd.s32 $0x80, s1  }
0x22c: {  	[tilespmem:s1+$0xFFFFFFC0] =	vst v0;
	p1 =	slt.u32 s21, $0xF8  }
0x22d: {  	[tilespmem:s1+$0x30] =	vst v0  }
.Ltmp14:
0x22e: {  	[tilespmem:s1+$0x20] =	vst v0;
	(pc) =	sbr.rel @p1 .LBB2_26-.Ltmp14, $4  }
0x22f: {  	[tilespmem:s1+$0x10] =	vst v0  }
0x230: {  	[tilespmem:s1+$0x0] =	vst v0  }
0x231: {  	[tilespmem:s1+$0xFFFFFFF0] =	vst v0  }
0x232: {  	[tilespmem:s1+$0xFFFFFFE0] =	vst v0  }
0x233: {  	[tilespmem:s1+$0xFFFFFFD0] =	vst v0  }
0x234: {  	v3 =	vld [tilespmem:s0+$0x70]  }
0x235: {  	v4 =	vld [tilespmem:s0+$0x60]  }
0x236: {  	v5 =	vld [tilespmem:s0+$0xFFFFFFC0]  }
0x237: {  	v6 =	vld [tilespmem:s0+$0xFFFFFFF0]  }
0x238: {  	v7 =	vld [tilespmem:s0+$0x0]  }
0x239: {  	v10 =	vld [tilespmem:s0+$0xFFFFFFE0]  }
0x23a: {  	v12 =	vld [tilespmem:s0+$0xFFFFFFD0]  }
0x23b: {  	v14 =	vld [tilespmem:s0+$0xFFFFFFA0];
	_ =	sdelay $0x2  }
0x23c: {  	v3 =	vand.u32 $0x7FFFFFFF, v3;
	v4 =	vand.u32 $0x7FFFFFFF, v4  }
0x23d: {  	v8 =	vld [tilespmem:s0+$0x10];
	v15 =	vand.u32 $0x7FFFFFFF, v7;
	v6 =	vand.u32 $0x7FFFFFFF, v6;
	v16 =	vand.u32 $0x7FFFFFFF, v10  }
0x23e: {  	v9 =	vld [tilespmem:s0+$0x20];
	v5 =	vand.u32 $0x7FFFFFFF, v5;
	v12 =	vand.u32 $0x7FFFFFFF, v12;
	v14 =	vand.u32 $0x7FFFFFFF, v14  }
0x23f: {  	v3 =	vshrl.u32 v3, $0x17;
	v4 =	vshrl.u32 v4, $0x17;
	v6 =	vshrl.u32 v6, $0x17  }
0x240: {  	v11 =	vand.u32 $0x180, v3;
	v13 =	vand.u32 $0x180, v4;
	v3 =	vand.u32 $0x7F, v3  }
0x241: {  	v4 =	vand.u32 $0x7F, v4;
	v11 =	vor.u32 v1, v11;
	v13 =	vor.u32 v1, v13  }
0x242: {  	v11 =	vor.u32 v3, v11;
	v3 =	vand.u32 $0x7FFFFFFF, v8;
	v8 =	vor.u32 v4, v13;
	v13 =	vld [tilespmem:s0+$0xFFFFFF90]  }
0x243: {  	v21 =	vshrl.u32 v5, $0x17;
	v4 =	vshrl.u32 v3, $0x17;
	v3 =	vand.u32 $0x7FFFFFFF, v9  }
0x244: {  	v17 =	vshrl.u32 v14, $0x17;
	v16 =	vshrl.u32 v16, $0x17;
	v3 =	vshrl.u32 v3, $0x17  }
0x245: {  	v12 =	vshrl.u32 v12, $0x17;
	v9 =	vshrl.u32 v15, $0x17;
	v15 =	vand.u32 $0x180, v3  }
0x246: {  	v18 =	vand.u32 $0x180, v17;
	v14 =	vand.u32 $0x180, v16;
	v5 =	vor.u32 v1, v15;
	v15 =	vld [tilespmem:s0+$0xFFFFFFB0]  }
0x247: {  	v17 =	vand.u32 $0x7F, v17;
	v22 =	vand.u32 $0x180, v21;
	v13 =	vand.u32 $0x7FFFFFFF, v13  }
0x248: {  	v7 =	vand.u32 $0x180, v4;
	v10 =	vand.u32 $0x180, v9;
	v19 =	vshrl.u32 v13, $0x17  }
0x249: {  	v20 =	vld [tilespmem:s0+$0x40];
	v13 =	vand.u32 $0x7F, v16;
	v16 =	vor.u32 v1, v18;
	v18 =	vand.u32 $0x180, v6  }
0x24a: {  	[tilespmem:v11+s16+$0x0] =	vst.idx.add.s32.msk $0xffff, v2;
	v23 =	vand.u32 $0x7F, v19;
	v11 =	vand.u32 $0x180, v19;
	v16 =	vor.u32 v17, v16  }
0x24b: {  	[tilespmem:v8+s16+$0x0] =	vst.idx.add.s32.msk $0xffff, v2;
	v17 =	vand.u32 $0x7F, v6;
	v6 =	vor.u32 v1, v11;
	v11 =	vand.u32 $0x7FFFFFFF, v15  }
0x24c: {  	v19 =	vld [tilespmem:s0+$0xFFFFFF80];
	v8 =	vor.u32 v23, v6;
	v6 =	vand.u32 $0x7F, v21;
	v15 =	vand.u32 $0x180, v12  }
0x24d: {  	v21 =	vor.u32 v1, v22;
	v12 =	vand.u32 $0x7F, v12;
	v22 =	vld [tilespmem:s0+$0x50];
	v15 =	vor.u32 v1, v15  }
0x24e: {  	s21 =	simm.s32 $0x0;
	s22 =	simm.s32 $0x9E00;
	v11 =	vshrl.u32 v11, $0x17;
	v6 =	vor.u32 v6, v21;
	v21 =	vld [tilespmem:s0+$0x30];
	v15 =	vor.u32 v12, v15  }
.LBB2_28:
0x24f: {  	s21 =	sadd.s32 $0x10, s21;
	[tilespmem:v16+s16+$0x0] =	vst.idx.add.s32.msk $0xffff, v2;
	v16 =	vor.u32 v1, v18;
	v9 =	vand.u32 $0x7F, v9;
	v18 =	vand.u32 $0x7FFFFFFF, v20  }
0x250: {  	v14 =	vor.u32 v1, v14;
	v10 =	vor.u32 v1, v10;
	v12 =	vld [tilespmem:s22+$0xFFFFFFB0];
	p1 =	slt.u32 s21, $0x9B0;
	v18 =	vshrl.u32 v18, $0x17  }
0x251: {  	v16 =	vor.u32 v17, v16;
	v17 =	vor.u32 v9, v10;
	v20 =	vld [tilespmem:s22+$0xFFFFFF90];
	v19 =	vand.u32 $0x7FFFFFFF, v19  }
0x252: {  	v10 =	vor.u32 v13, v14;
	v9 =	vand.u32 $0x7F, v18;
	v23 =	vld [tilespmem:s22+$0xFFFFFFA0];
	v13 =	vand.u32 $0x7FFFFFFF, v22  }
0x253: {  	v18 =	vand.u32 $0x180, v18;
	v19 =	vshrl.u32 v19, $0x17;
	v14 =	vld [tilespmem:s22+$0xFFFFFFC0];
	v13 =	vshrl.u32 v13, $0x17  }
0x254: {  	v18 =	vor.u32 v1, v18;
	v21 =	vand.u32 $0x7FFFFFFF, v21;
	v22 =	vld [tilespmem:s22+$0x70];
	v24 =	vand.u32 $0x180, v13  }
0x255: {  	v9 =	vor.u32 v9, v18;
	v21 =	vshrl.u32 v21, $0x17;
	v13 =	vand.u32 $0x7F, v13;
	v25 =	vld [tilespmem:s22+$0x60]  }
0x256: {  	v4 =	vand.u32 $0x7F, v4;
	v7 =	vor.u32 v1, v7;
	v26 =	vand.u32 $0x180, v21;
	v18 =	vld [tilespmem:s22+$0xFFFFFFD0]  }
0x257: {  	v3 =	vand.u32 $0x7F, v3;
	v21 =	vand.u32 $0x7F, v21;
	v26 =	vor.u32 v1, v26;
	v27 =	vld [tilespmem:s22+$0xFFFFFFE0]  }
0x258: {  	v29 =	vor.u32 v3, v5;
	v3 =	vor.u32 v1, v24;
	v5 =	vor.u32 v21, v26;
	v28 =	vld [tilespmem:s22+$0xFFFFFFF0]  }
0x259: {  	v24 =	vand.u32 $0x180, v19;
	v3 =	vor.u32 v13, v3;
	v21 =	vld [tilespmem:s22+$0x0];
	v22 =	vand.u32 $0x7FFFFFFF, v22  }
0x25a: {  	v4 =	vor.u32 v4, v7;
	v24 =	vor.u32 v1, v24;
	v13 =	vld [tilespmem:s22+$0x10];
	v22 =	vshrl.u32 v22, $0x17  }
0x25b: {  	v19 =	vand.u32 $0x7F, v19;
	v25 =	vand.u32 $0x7FFFFFFF, v25;
	v7 =	vld [tilespmem:s22+$0x20];
	v26 =	vand.u32 $0x180, v22  }
0x25c: {  	v19 =	vor.u32 v19, v24;
	v25 =	vshrl.u32 v25, $0x17;
	v26 =	vor.u32 v1, v26;
	[tilespmem:v15+s16+$0x0] =	vst.idx.add.s32.msk $0xffff, v2  }
0x25d: {  	v22 =	vand.u32 $0x7F, v22;
	v15 =	vand.u32 $0x180, v25;
	v24 =	vand.u32 $0x7F, v25;
	[tilespmem:v16+s16+$0x0] =	vst.idx.add.s32.msk $0xffff, v2  }
0x25e: {  	v15 =	vor.u32 v1, v15;
	v16 =	vor.u32 v22, v26;
	v22 =	vand.u32 $0x7F, v11;
	[tilespmem:v3+s16+$0x0] =	vst.idx.add.s32.msk $0xffff, v2  }
0x25f: {  	v21 =	vand.u32 $0x7FFFFFFF, v21;
	v15 =	vor.u32 v24, v15;
	v3 =	vand.u32 $0x7FFFFFFF, v13;
	[tilespmem:v4+s16+$0x0] =	vst.idx.add.s32.msk $0xffff, v2  }
0x260: {  	v11 =	vand.u32 $0x180, v11;
	v4 =	vshrl.u32 v3, $0x17;
	v3 =	vand.u32 $0x7FFFFFFF, v7;
	[tilespmem:v9+s16+$0x0] =	vst.idx.add.s32.msk $0xffff, v2  }
0x261: {  	v13 =	vand.u32 $0x7FFFFFFF, v28;
	v7 =	vand.u32 $0x180, v4;
	v3 =	vshrl.u32 v3, $0x17;
	[tilespmem:v5+s16+$0x0] =	vst.idx.add.s32.msk $0xffff, v2  }
0x262: {  	v24 =	vand.u32 $0x7FFFFFFF, v27;
	v9 =	vshrl.u32 v21, $0x17;
	v5 =	vor.u32 v1, v11;
	[tilespmem:v8+s16+$0x0] =	vst.idx.add.s32.msk $0xffff, v2  }
0x263: {  	v11 =	vand.u32 $0x7FFFFFFF, v18;
	v8 =	vand.u32 $0x7FFFFFFF, v14;
	v18 =	vor.u32 v22, v5;
	[tilespmem:v10+s16+$0x0] =	vst.idx.add.s32.msk $0xffff, v2  }
0x264: {  	v21 =	vshrl.u32 v13, $0x17;
	v5 =	vand.u32 $0x180, v3;
	v10 =	vand.u32 $0x180, v9;
	[tilespmem:v19+s16+$0x0] =	vst.idx.add.s32.msk $0xffff, v2  }
0x265: {  	v13 =	vand.u32 $0x7FFFFFFF, v23;
	v22 =	vshrl.u32 v8, $0x17;
	v5 =	vor.u32 v1, v5;
	[tilespmem:v6+s16+$0x0] =	vst.idx.add.s32.msk $0xffff, v2  }
0x266: {  	v8 =	vshrl.u32 v13, $0x17;
	v13 =	vshrl.u32 v24, $0x17;
	v6 =	vand.u32 $0x7FFFFFFF, v20;
	[tilespmem:v29+s16+$0x0] =	vst.idx.add.s32.msk $0xffff, v2  }
0x267: {  	v19 =	vand.u32 $0x180, v8;
	v14 =	vand.u32 $0x180, v13;
	v6 =	vshrl.u32 v6, $0x17;
	[tilespmem:v17+s16+$0x0] =	vst.idx.add.s32.msk $0xffff, v2  }
0x268: {  	v8 =	vand.u32 $0x7F, v8;
	v23 =	vand.u32 $0x180, v22;
	v13 =	vand.u32 $0x7F, v13;
	[tilespmem:v18+s16+$0x0] =	vst.idx.add.s32.msk $0xffff, v2  }
0x269: {  	v24 =	vand.u32 $0x7F, v6;
	v17 =	vor.u32 v1, v19;
	v18 =	vand.u32 $0x180, v21;
	[tilespmem:v16+s16+$0x0] =	vst.idx.add.s32.msk $0xffff, v2  }
.Ltmp15:
0x26a: {  	v6 =	vand.u32 $0x180, v6;
	v16 =	vor.u32 v8, v17;
	v17 =	vand.u32 $0x7F, v21;
	v20 =	vld [tilespmem:s22+$0x40];
	(pc) =	sbr.rel @p1 .LBB2_28-.Ltmp15, $4  }
0x26b: {  	v12 =	vand.u32 $0x7FFFFFFF, v12;
	v11 =	vshrl.u32 v11, $0x17;
	v6 =	vor.u32 v1, v6;
	[tilespmem:v15+s16+$0x0] =	vst.idx.add.s32.msk $0xffff, v2  }
0x26c: {  	v8 =	vor.u32 v24, v6;
	v6 =	vand.u32 $0x7F, v22;
	v15 =	vand.u32 $0x180, v11;
	v19 =	vld [tilespmem:s22+$0xFFFFFF80]  }
0x26d: {  	v21 =	vor.u32 v1, v23;
	v23 =	vand.u32 $0x7F, v11;
	v15 =	vor.u32 v1, v15;
	v22 =	vld [tilespmem:s22+$0x50]  }
0x26e: {  	v6 =	vor.u32 v6, v21;
	v11 =	vshrl.u32 v12, $0x17;
	v15 =	vor.u32 v23, v15;
	v21 =	vld [tilespmem:s22+$0x30];
	s22 =	sadd.s32 $0x100, s22  }
0x26f: {  	v18 =	vor.u32 v1, v18;
	v20 =	vand.u32 $0x7FFFFFFF, v20;
	v4 =	vand.u32 $0x7F, v4  }
0x270: {  	v7 =	vor.u32 v1, v7;
	v14 =	vor.u32 v1, v14;
	v60 =	vand.u32 $0x7F, v9  }
0x271: {  	v3 =	vand.u32 $0x7F, v3;
	v61 =	vor.u32 v1, v10;
	v62 =	vand.u32 $0x180, v11  }
0x272: {  	v63 =	vand.u32 $0x7F, v11;
	v17 =	vor.u32 v17, v18;
	v20 =	vshrl.u32 v20, $0x17  }
0x273: {  	v4 =	vor.u32 v4, v7;
	v13 =	vor.u32 v13, v14;
	v3 =	vor.u32 v3, v5  }
0x274: {  	[tilespmem:v16+s16+$0x0] =	vst.idx.add.s32.msk $0xffff, v2;
	v5 =	vor.u32 v1, v62;
	v19 =	vand.u32 $0x7FFFFFFF, v19;
	v52 =	vand.u32 $0x7F, v20  }
0x275: {  	[tilespmem:v15+s16+$0x0] =	vst.idx.add.s32.msk $0xffff, v2;
	v20 =	vand.u32 $0x180, v20;
	v5 =	vor.u32 v63, v5;
	v12 =	vand.u32 $0x7FFFFFFF, v22  }
0x276: {  	[tilespmem:v8+s16+$0x0] =	vst.idx.add.s32.msk $0xffff, v2;
	v20 =	vor.u32 v1, v20;
	v19 =	vshrl.u32 v19, $0x17;
	v12 =	vshrl.u32 v12, $0x17  }
0x277: {  	[tilespmem:v6+s16+$0x0] =	vst.idx.add.s32.msk $0xffff, v2;
	v21 =	vand.u32 $0x7FFFFFFF, v21;
	v54 =	vor.u32 v52, v20;
	v56 =	vand.u32 $0x180, v19  }
0x278: {  	v58 =	vand.u32 $0x7F, v19;
	v51 =	vand.u32 $0x180, v12;
	v57 =	vor.u32 v1, v56;
	[tilespmem:v17+s16+$0x0] =	vst.idx.add.s32.msk $0xffff, v2  }
0x279: {  	v12 =	vand.u32 $0x7F, v12;
	v21 =	vshrl.u32 v21, $0x17;
	v59 =	vor.u32 v58, v57;
	[tilespmem:v4+s16+$0x0] =	vst.idx.add.s32.msk $0xffff, v2  }
0x27a: {  	v18 =	vor.u32 v1, v51;
	v53 =	vand.u32 $0x180, v21;
	v4 =	vor.u32 v60, v61;
	[tilespmem:v13+s16+$0x0] =	vst.idx.add.s32.msk $0xffff, v2  }
0x27b: {  	v55 =	vand.u32 $0x7F, v21;
	[tilespmem:v3+s16+$0x0] =	vst.idx.add.s32.msk $0xffff, v2;
	v12 =	vor.u32 v12, v18;
	v7 =	vor.u32 v1, v53  }
0x27c: {  	[tilespmem:v5+s16+$0x0] =	vst.idx.add.s32.msk $0xffff, v2;
	v7 =	vor.u32 v55, v7  }
0x27d: {  	[tilespmem:v54+s16+$0x0] =	vst.idx.add.s32.msk $0xffff, v2  }
0x27e: {  	[tilespmem:v59+s16+$0x0] =	vst.idx.add.s32.msk $0xffff, v2  }
0x27f: {  	[tilespmem:v4+s16+$0x0] =	vst.idx.add.s32.msk $0xffff, v2  }
0x280: {  	[tilespmem:v12+s16+$0x0] =	vst.idx.add.s32.msk $0xffff, v2  }
0x281: {  	s21 =	simm.s32 $0x0;
	s0 =	simm.s32 $0x0;
	[tilespmem:v7+s16+$0x0] =	vst.idx.add.s32.msk $0xffff, v2  }
.LBB2_30:
0x282: {  	s1 =	sshra.s32 s0, $0x2  }
0x283: {  	v3 =	vld [tilespmem:s1+$0x13880];
	_ =	sdelay $0x4  }
0x284: {  	v3 =	vand.u32 $0x7FFFFFFF, v3  }
0x285: {  	v3 =	vshrl.u32 v3, $0x17  }
0x286: {  	v4 =	vand.u32 $0x180, v3  }
0x287: {  	v3 =	vand.u32 $0x7F, v3;
	v4 =	vor.u32 v1, v4  }
0x288: {  	p1 =	sne.s32 s0, $0xC0;
	v3 =	vor.u32 v3, v4  }
.Ltmp16:
0x289: {  	_ = 	snop;
	(pc) =	sbr.rel @p1 .LBB2_30-.Ltmp16, $2  }
0x28a: {  	_ =	sdelay $0x2  }
0x28b: {  	s0 =	sadd.s32 $0x40, s0;
	[tilespmem:v3+s16+$0x0] =	vst.idx.add.s32.msk $0xffff, v2  }
0x28c: {  	p4 =	por $0x0, $0x0  }
.Ltmp17:
0x28d: {  	_ = 	snop;
	(pc) =	sbr.rel @p4 .LBB2_32-.Ltmp17, $4  }
0x28e: {  	_ = 	snop  }
0x28f: {  	s30 =	sand.u32 $0xF0, s21  }
0x290: {  	s23 =	simm.s32 $0x10;
	v4 =	vld [tilespmem:s30+$0x13900]  }
0x291: {  	p1 =	por $0x0, $0x0;
	p2 =	por $0x0, $0x0;
	p3 =	por $0x0, $0x0;
	v7 =	vld [tilespmem:s30+$0x13A00]  }
0x292: {  	v3 =	vld [tilespmem:s30+$0x13B00]  }
0x293: {  	v5 =	vld [tilespmem:s30+$0x13C00]  }
0x294: {  	v6 =	vld [tilespmem:s30+$0x13D00]  }
0x295: {  	v8 =	vld [tilespmem:s30+$0x13E00]  }
0x296: {  	v4 =	vadd.s32 v4, v7;
	v7 =	vld [tilespmem:s30+$0x13F00]  }
0x297: {  	v3 =	vadd.s32 v4, v3;
	v4 =	vld [tilespmem:s30+$0x14000]  }
0x298: {  	v3 =	vadd.s32 v3, v5;
	v5 =	vld [tilespmem:s30+$0x14100]  }
0x299: {  	v3 =	vadd.s32 v3, v6;
	v6 =	vld [tilespmem:s30+$0x14200]  }
0x29a: {  	v3 =	vadd.s32 v3, v8;
	v8 =	vld [tilespmem:s30+$0x14300]  }
0x29b: {  	v3 =	vadd.s32 v3, v7;
	v7 =	vld [tilespmem:s30+$0x14400]  }
0x29c: {  	v9 =	vld [tilespmem:s30+$0x14500];
	p4 =	por $0x0, $0x0;
	v3 =	vadd.s32 v3, v4  }
.Ltmp18:
0x29d: {  	v4 =	vadd.s32 v3, v5;
	v3 =	vld [tilespmem:s30+$0x14600];
	(pc) =	sbr.rel @p4 .LBB2_34-.Ltmp18, $4  }
0x29e: {  	v5 =	vld [tilespmem:s30+$0x14700];
	v4 =	vadd.s32 v4, v6  }
0x29f: {  	s0 =	sand.u32 $0xF0, s23;
	v6 =	vld [tilespmem:s30+$0x14800];
	v8 =	vadd.s32 v4, v8  }
0x2a0: {  	v4 =	vld [tilespmem:s0+$0x13900];
	v8 =	vadd.s32 v8, v7  }
0x2a1: {  	s22 =	simm.s32 $0x20;
	p1 =	por $0x1, $0x1;
	v7 =	vld [tilespmem:s0+$0x13A00];
	v8 =	vadd.s32 v8, v9  }
0x2a2: {  	v9 =	vld [tilespmem:s0+$0x13B00]  }
0x2a3: {  	v3 =	vadd.s32 v8, v3;
	v8 =	vld [tilespmem:s0+$0x13C00]  }
0x2a4: {  	v3 =	vadd.s32 v3, v5;
	v5 =	vld [tilespmem:s0+$0x13D00]  }
0x2a5: {  	v3 =	vadd.s32 v3, v6;
	v6 =	vld [tilespmem:s0+$0x13E00]  }
0x2a6: {  	(xrf0) =	vadd.scan.msk.s32 $0xffff, v3;
	v3 =	vadd.s32 v4, v7;
	v4 =	vld [tilespmem:s0+$0x13F00]  }
0x2a7: {  	v7 =	vld [tilespmem:s0+$0x14000];
	v3 =	vadd.s32 v3, v9  }
0x2a8: {  	v3 =	vadd.s32 v3, v8;
	v8 =	vld [tilespmem:s0+$0x14100]  }
0x2a9: {  	v3 =	vadd.s32 v3, v5;
	v5 =	vld [tilespmem:s0+$0x14200]  }
0x2aa: {  	v3 =	vadd.s32 v3, v6;
	v6 =	vld [tilespmem:s0+$0x14300]  }
0x2ab: {  	v3 =	vadd.s32 v3, v4;
	v4 =	vld [tilespmem:s0+$0x14400]  }
0x2ac: {  	v10 =	vld [tilespmem:s0+$0x14500];
	p4 =	por $0x0, $0x0;
	v9, _, _ =	vpop (xrf0);
	v3 =	vadd.s32 v3, v7  }
.Ltmp19:
0x2ad: {  	v7 =	vadd.s32 v3, v8;
	v3 =	vld [tilespmem:s0+$0x14600];
	v8 =	vadd.s32 s21, v9;
	(pc) =	sbr.rel @p4 .LBB2_36-.Ltmp19, $4  }
0x2ae: {  	v7 =	vadd.s32 v7, v5;
	v5 =	vld [tilespmem:s0+$0x14700];
	vm0 =	vlt.s32 v8, $0x6D61;
	v8 =	vxor.u32 $0x80000000, v9  }
0x2af: {  	s30 =	sand.u32 $0xF0, s22;
	v7 =	vadd.s32 v7, v6;
	v6 =	vld [tilespmem:s0+$0x14800];
	v8 =	vnsel vm0, $0x80000000, v8  }
0x2b0: {  	v11 =	vsel vm0, $0x1, v0;
	v12 =	vadd.s32 v7, v4;
	v4 =	vld [tilespmem:s30+$0x13900];
	(xrf0) =	vmax.scan.msk.u32 $0xffff, v8  }
0x2b1: {  	s31 =	simm.s32 $0x30;
	p2 =	por $0x1, $0x1;
	(v2sf) =	vpush v9, $0xF;
	v7 =	vld [tilespmem:s30+$0x13A00];
	v8 =	vadd.s32 v12, v10;
	(xrf0) =	vadd.scan.msk.s32 $0xffff, v11  }
0x2b2: {  	_ =	sdelay $0x3  }
0x2b3: {  	v9 =	vld [tilespmem:s30+$0x13B00]  }
0x2b4: {  	v3 =	vadd.s32 v8, v3  }
0x2b5: {  	v8 =	vld [tilespmem:s30+$0x13C00];
	v3 =	vadd.s32 v3, v5  }
0x2b6: {  	v5 =	vld [tilespmem:s30+$0x13D00];
	v3 =	vadd.s32 v3, v6  }
0x2b7: {  	v6 =	vld [tilespmem:s30+$0x13E00];
	(xrf0) =	vadd.scan.msk.s32 $0xffff, v3;
	v3 =	vadd.s32 v4, v7  }
0x2b8: {  	v4 =	vld [tilespmem:s30+$0x13F00];
	v3 =	vadd.s32 v3, v9;
	v9, _, _ =	vpop (xrf0)  }
0x2b9: {  	v7 =	vld [tilespmem:s30+$0x14000];
	v10, _, _ =	vpop (xrf0);
	(v2sf) =	vpush v9, $0xF  }
0x2ba: {  	v3 =	vadd.s32 v3, v8;
	v8 =	vld [tilespmem:s30+$0x14100];
	(v2sf) =	vpush v10, $0xF  }
0x2bb: {  	v3 =	vadd.s32 v3, v5;
	v5 =	vld [tilespmem:s30+$0x14200]  }
0x2bc: {  	v3 =	vadd.s32 v3, v6;
	v6 =	vld [tilespmem:s30+$0x14300]  }
0x2bd: {  	v3 =	vadd.s32 v3, v4;
	v4 =	vld [tilespmem:s30+$0x14400];
	v11, _, _ =	vpop (xrf0);
	s0 =	spop (v2sf)  }
0x2be: {  	v12 =	vld [tilespmem:s30+$0x14500];
	p4 =	por $0x0, $0x0;
	v3 =	vadd.s32 v3, v7;
	(v2sf) =	vpush v11, $0xF;
	s24 =	sadd.s32 $0x0, s0  }
.Ltmp20:
0x2bf: {  	v7 =	vadd.s32 v3, v8;
	v3 =	vld [tilespmem:s30+$0x14600];
	v8 =	vadd.s32 s24, v11;
	(pc) =	sbr.rel @p4 .LBB2_38-.Ltmp20, $4  }
0x2c0: {  	v7 =	vadd.s32 v7, v5;
	v5 =	vld [tilespmem:s30+$0x14700];
	vm0 =	vlt.s32 v8, $0x6D61;
	v8 =	vxor.u32 $0x80000000, v11  }
0x2c1: {  	s1 =	sand.u32 $0xF0, s31;
	v7 =	vadd.s32 v7, v6;
	v6 =	vld [tilespmem:s30+$0x14800];
	v8 =	vnsel vm0, $0x80000000, v8  }
0x2c2: {  	p3 =	por $0x1, $0x1;
	s26 =	simm.s32 $0x0;
	s29 =	simm.s32 $0x0;
	v10 =	vadd.s32 v7, v4;
	v4 =	vld [tilespmem:s1+$0x13900];
	v9 =	vsel vm0, $0x1, v0;
	(xrf0) =	vmax.scan.msk.u32 $0xffff, v8  }
0x2c3: {  	s25 =	simm.s32 $0x0;
	s28 =	simm.s32 $0x0;
	v7 =	vld [tilespmem:s1+$0x13A00];
	s0 =	simm.s32 $0x40;
	v8 =	vadd.s32 v10, v12;
	(xrf0) =	vadd.scan.msk.s32 $0xffff, v9  }
.LBB2_39:
0x2c4: {  	p4 =	seq.s32 s0, $0xF0;
	v9 =	vld [tilespmem:s1+$0x13B00];
	v3 =	vadd.s32 v8, v3  }
0x2c5: {  	v8 =	vld [tilespmem:s1+$0x13C00];
	v3 =	vadd.s32 v3, v5  }
0x2c6: {  	v5 =	vld [tilespmem:s1+$0x13D00];
	v3 =	vadd.s32 v3, v6  }
0x2c7: {  	v6 =	vld [tilespmem:s1+$0x13E00];
	(xrf0) =	vadd.scan.msk.s32 $0xffff, v3  }
0x2c8: {  	p5 =	slt.s32 s26, $0x6D61;
	p6 =	sgt.s32 s24, $0x6D60;
	v3 =	vadd.s32 v4, v7;
	v4 =	vld [tilespmem:s1+$0x13F00];
	v7, _, _ =	vpop (xrf0);
	s3 =	spop (v2sf)  }
0x2c9: {  	p5 =	por !p5, !p6;
	v3 =	vadd.s32 v3, v9;
	v9 =	vld [tilespmem:s1+$0x14000];
	v10, _, _ =	vpop (xrf0);
	(v2sf) =	vpush v7, $0xF;
	s3 =	sadd.s32 s3, s26;
	s4 =	spop (v2sf)  }
0x2ca: {  	p5 =	por !p5, !p5;
	v3 =	vadd.s32 v3, v8;
	v7 =	vld [tilespmem:s1+$0x14100];
	(v2sf) =	vpush v10, $0xF;
	s3 =	sadd.s32 $0x80000000, s3;
	s4 =	sadd.s32 s29, s4  }
0x2cb: {  	s26 =	smov.u32 s24;
	v3 =	vadd.s32 v3, v5;
	v5 =	vld [tilespmem:s1+$0x14200];
	s25 =	smov.u32 @p5 s4;
	s28 =	smov.u32 @p5 s3  }
0x2cc: {  	s29 =	smov.u32 s23;
	s23 =	smov.u32 s22;
	s22 =	smov.u32 s31;
	v3 =	vadd.s32 v3, v6;
	v6 =	vld [tilespmem:s1+$0x14300]  }
0x2cd: {  	s31 =	smov.u32 s0;
	v3 =	vadd.s32 v3, v4;
	v8 =	vld [tilespmem:s1+$0x14400];
	v4, _, _ =	vpop (xrf0);
	s3 =	spop (v2sf)  }
0x2ce: {  	v3 =	vadd.s32 v3, v9;
	v9 =	vld [tilespmem:s1+$0x14500];
	(v2sf) =	vpush v4, $0xF;
	s24 =	sadd.s32 s24, s3  }
.Ltmp21:
0x2cf: {  	v7 =	vadd.s32 v3, v7;
	v3 =	vld [tilespmem:s1+$0x14600];
	v10 =	vadd.s32 s24, v4;
	(pc) =	sbr.rel @!p4 .LBB2_39-.Ltmp21, $4  }
0x2d0: {  	v4 =	vxor.u32 $0x80000000, v4;
	v7 =	vadd.s32 v7, v5;
	v5 =	vld [tilespmem:s1+$0x14700];
	vm0 =	vlt.s32 v10, $0x6D61  }
0x2d1: {  	v7 =	vadd.s32 v7, v6;
	v6 =	vld [tilespmem:s1+$0x14800];
	s1 =	sand.u32 $0xF0, s0;
	v10 =	vsel vm0, $0x1, v0;
	v11 =	vnsel vm0, $0x80000000, v4  }
0x2d2: {  	v4 =	vld [tilespmem:s1+$0x13900];
	v8 =	vadd.s32 v7, v8;
	(xrf0) =	vmax.scan.msk.u32 $0xffff, v11  }
0x2d3: {  	s0 =	sadd.s32 $0x10, s0;
	v7 =	vld [tilespmem:s1+$0x13A00];
	v8 =	vadd.s32 v8, v9;
	(xrf0) =	vadd.scan.msk.s32 $0xffff, v10  }
0x2d4: {  	s0 =	smov.u32 s23;
	s30 =	smov.u32 s1;
	s23 =	smov.u32 s31  }
.LBB2_41:
0x2d5: {  	v3 =	vadd.s32 @p1 v8, v3  }
0x2d6: {  	v3 =	vadd.s32 @p1 v3, v5  }
0x2d7: {  	v49 =	vld [tilespmem:s30+$0x13B00];
	v3 =	vadd.s32 @p1 v3, v6  }
0x2d8: {  	v50 =	vld [tilespmem:s30+$0x13C00];
	(xrf0) =	vadd.scan.msk.s32 @p1 $0xffff, v3  }
0x2d9: {  	v3 =	vld [tilespmem:s30+$0x13D00]  }
0x2da: {  	v51 =	vld [tilespmem:s30+$0x13E00]  }
0x2db: {  	v52 =	vld [tilespmem:s30+$0x13F00];
	v4 =	vadd.s32 v4, v7  }
0x2dc: {  	v53 =	vld [tilespmem:s30+$0x14000];
	v9, _, _ =	vpop @p2 (xrf0);
	v4 =	vadd.s32 v4, v49  }
0x2dd: {  	v54 =	vld [tilespmem:s30+$0x14100];
	v10, _, _ =	vpop @p2 (xrf0);
	(v2sf) =	vpush @p2 v9, $0xF;
	v4 =	vadd.s32 v4, v50  }
0x2de: {  	v55 =	vld [tilespmem:s30+$0x14200];
	(v2sf) =	vpush @p2 v10, $0xF;
	v3 =	vadd.s32 v4, v3;
	v9, _, _ =	vpop @p1 (xrf0)  }
0x2df: {  	v56 =	vld [tilespmem:s30+$0x14300];
	v3 =	vadd.s32 v3, v51;
	(v2sf) =	vpush @p1 v9, $0xF  }
0x2e0: {  	v57 =	vld [tilespmem:s30+$0x14400];
	s3 =	spop @p3 (v2sf);
	v3 =	vadd.s32 v3, v52  }
0x2e1: {  	v58 =	vld [tilespmem:s30+$0x14500];
	s4 =	spop @p3 (v2sf);
	v3 =	vadd.s32 v3, v53  }
0x2e2: {  	v59 =	vld [tilespmem:s30+$0x14600];
	s1 =	spop @p2 (v2sf);
	v3 =	vadd.s32 v3, v54  }
0x2e3: {  	s31 =	smov.u32 s21;
	v60 =	vld [tilespmem:s30+$0x14700];
	s1 =	sadd.s32 @p2 s24, s1;
	v3 =	vadd.s32 v3, v55  }
0x2e4: {  	v61 =	vld [tilespmem:s30+$0x14800];
	s31 =	smov.u32 @p2 s1;
	v3 =	vadd.s32 v3, v56  }
0x2e5: {  	v10 =	vadd.s32 @p1 s31, v9;
	v3 =	vadd.s32 v3, v57  }
0x2e6: {  	v7 =	vxor.u32 @p1 $0x80000000, v9;
	vm0 =	vlt.s32 @p1 v10, $0x6D61;
	v3 =	vadd.s32 v3, v58  }
0x2e7: {  	v5 =	vnsel @p1 vm0, $0x80000000, v7;
	v3 =	vadd.s32 v3, v59  }
0x2e8: {  	v6 =	vsel @p1 vm0, $0x1, v0;
	(xrf0) =	vmax.scan.msk.u32 @p1 $0xffff, v5;
	v3 =	vadd.s32 v3, v60  }
0x2e9: {  	(xrf0) =	vadd.scan.msk.s32 @p1 $0xffff, v6;
	v3 =	vadd.s32 v3, v61  }
0x2ea: {  	(xrf0) =	vadd.scan.msk.s32 $0xffff, v3;
	_ =	sdelay $0x1  }
0x2eb: {  	s10 =	spop @p2 (v2sf)  }
0x2ec: {  	s15 =	spop @p2 (v2sf)  }
0x2ed: {  	v3, _, _ =	vpop @p1 (xrf0);
	s1 =	spop @p1 (v2sf)  }
0x2ee: {  	v4, _, _ =	vpop @p1 (xrf0);
	s30 =	sadd.s32 @p1 s31, s1;
	s1 =	smov.u32 s21  }
0x2ef: {  	v62, _, _ =	vpop (xrf0);
	s1 =	smov.u32 @p1 s30  }
0x2f0: {  	(v2sf) =	vpush @p1 v3, $0xF;
	v3 =	vadd.s32 s1, v62  }
0x2f1: {  	vm15 =	vlt.s32 v3, $0x6D61;
	v3 =	vxor.u32 $0x80000000, v62  }
0x2f2: {  	v3 =	vnsel vm15, $0x80000000, v3  }
0x2f3: {  	(xrf0) =	vmax.scan.msk.u32 $0xffff, v3;
	_ =	sdelay $0x1  }
0x2f4: {  	p4 =	slt.s32 @p3 s26, $0x6D61;
	p5 =	sgt.s32 @p3 s24, $0x6D60  }
0x2f5: {  	p4 =	por @p3 !p4, !p5  }
0x2f6: {  	p4 =	por @p3 !p4, !p4;
	(v2sf) =	vpush @p1 v4, $0xF  }
0x2f7: {  	p4 =	por !p4, !p3;
	s3 =	sadd.s32 @p3 s3, s26;
	s4 =	sadd.s32 @p3 s29, s4;
	(v2sf) =	vpush v62, $0xF  }
0x2f8: {  	s3 =	sadd.s32 @p3 $0x80000000, s3;
	s4 =	smov.u32 @p4 s25;
	s25 =	smov.u32 s21;
	v3, _, _ =	vpop (xrf0)  }
0x2f9: {  	s26 =	smov.u32 s21;
	s3 =	smov.u32 @p4 s28;
	s25 =	smov.u32 @p3 s4;
	v63 =	vsel vm15, $0x1, v0;
	(v2sf) =	vpush v3, $0xF  }
0x2fa: {  	s4 =	smov.u32 @p1 s22;
	s26 =	smov.u32 @p3 s3;
	s3 =	smov.u32 s21;
	(xrf0) =	vadd.scan.msk.s32 $0xffff, v63  }
0x2fb: {  	s3 =	smov.u32 @p1 s4;
	s4 =	smov.u32 @p2 s24  }
0x2fc: {  	s0 =	smov.u32 @p2 s0;
	s4 =	smov.u32 @p2 s4  }
0x2fd: {  	p3 =	slt.s32 @p2 s4, $0x6D61;
	p4 =	sgt.s32 @p2 s31, $0x6D60;
	s22 =	smov.u32 @p1 s31  }
0x2fe: {  	s24 =	smov.u32 s21;
	p3 =	por @p2 !p3, !p4;
	s22 =	smov.u32 @p1 s22  }
0x2ff: {  	p3 =	por @p2 !p3, !p3;
	p4 =	slt.s32 @p1 s22, $0x6D61;
	s4 =	sadd.s32 @p2 s10, s4  }
0x300: {  	p3 =	por !p3, !p2;
	s0 =	sadd.s32 @p2 s0, s15;
	s4 =	sadd.s32 @p2 $0x80000000, s4;
	v4, _, _ =	vpop (xrf0)  }
0x301: {  	s0 =	smov.u32 @p3 s25;
	s4 =	smov.u32 @p3 s26;
	p5 =	sgt.s32 @p1 s1, $0x6D60;
	(v2sf) =	vpush v4, $0xF  }
0x302: {  	s24 =	smov.u32 @p2 s0;
	s0 =	smov.u32 s21;
	p3 =	por @p1 !p4, !p5  }
0x303: {  	s3 =	smov.u32 @p1 s3;
	s0 =	smov.u32 @p2 s4;
	p3 =	por @p1 !p3, !p3  }
0x304: {  	p5 =	slt.s32 s1, $0x6D61;
	p3 =	por !p3, !p1;
	s10 =	spop @p1 (v2sf)  }
0x305: {  	s15 =	spop @p1 (v2sf);
	s10 =	sadd.s32 @p1 s10, s22;
	s22 =	smov.u32 s21  }
0x306: {  	s3 =	sadd.s32 @p1 s3, s15;
	s4 =	sadd.s32 @p1 $0x80000000, s10;
	s29 =	spop (v2sf)  }
0x307: {  	s3 =	smov.u32 @p3 s24;
	s4 =	smov.u32 @p3 s0;
	s0 =	sadd.s32 s1, s29  }
0x308: {  	s22 =	smov.u32 @p1 s3;
	p6 =	sgt.s32 s0, $0x6D60;
	s30 =	spop (v2sf)  }
0x309: {  	s21 =	smov.u32 @p1 s4;
	p1 =	por !p5, !p6;
	s0 =	sadd.s32 s30, s1  }
0x30a: {  	p1 =	por !p1, !p1;
	s0 =	sadd.s32 $0x80000000, s0  }
0x30b: {  	s21 =	smov.u32 @p1 s0;
	s0 =	simm.s32 $0x13940  }
0x30c: {  	[tilespmem:s0+$0xFFFFFFC0] =	vst v0  }
0x30d: {  	[tilespmem:s0+$0x30] =	vst v0  }
0x30e: {  	[tilespmem:s0+$0x20] =	vst v0  }
0x30f: {  	[tilespmem:s0+$0x10] =	vst v0  }
0x310: {  	s31 =	spop (v2sf);
	[tilespmem:s0+$0x0] =	vst v0  }
0x311: {  	s1 =	sadd.s32 s23, s31;
	[tilespmem:s0+$0xFFFFFFF0] =	vst v0  }
0x312: {  	s22 =	smov.u32 @p1 s1;
	s1 =	simm.s32 $0x0;
	[tilespmem:s0+$0xFFFFFFE0] =	vst v0  }
.LBB2_42:
0x313: {  	s1 =	sadd.s32 $0x8, s1;
	[tilespmem:s0+$0xFFFFFFD0] =	vst v0;
	s0 =	sadd.s32 $0x80, s0  }
0x314: {  	[tilespmem:s0+$0xFFFFFFC0] =	vst v0;
	p1 =	slt.u32 s1, $0xF8  }
0x315: {  	[tilespmem:s0+$0x30] =	vst v0  }
.Ltmp22:
0x316: {  	[tilespmem:s0+$0x20] =	vst v0;
	(pc) =	sbr.rel @p1 .LBB2_42-.Ltmp22, $4  }
0x317: {  	[tilespmem:s0+$0x10] =	vst v0  }
0x318: {  	[tilespmem:s0+$0x0] =	vst v0  }
0x319: {  	[tilespmem:s0+$0xFFFFFFF0] =	vst v0  }
0x31a: {  	[tilespmem:s0+$0xFFFFFFE0] =	vst v0  }
0x31b: {  	[tilespmem:s0+$0xFFFFFFD0] =	vst v0;
	s31 =	simm.s32 $0x9D00  }
0x31c: {  	v4 =	vld [tilespmem:s31+$0x40]  }
0x31d: {  	v5 =	vld [tilespmem:s31+$0x50]  }
0x31e: {  	v6 =	vld [tilespmem:s31+$0xFFFFFFE0]  }
0x31f: {  	v8 =	vld [tilespmem:s31+$0xFFFFFFB0]  }
0x320: {  	v10 =	vld [tilespmem:s31+$0xFFFFFFD0]  }
0x321: {  	v13 =	vld [tilespmem:s31+$0xFFFFFFA0];
	_ =	sdelay $0x2  }
0x322: {  	v3 =	vmov s22;
	v4 =	vand.u32 $0x7FFFFFFF, v4;
	v5 =	vand.u32 $0x7FFFFFFF, v5  }
0x323: {  	v6 =	vand.u32 $0x7FFFFFFF, v6;
	v20 =	vand.u32 $0x7FFFFFFF, v10;
	v8 =	vand.u32 $0x7FFFFFFF, v8  }
0x324: {  	v7 =	vld [tilespmem:s31+$0x0];
	v19 =	vand.u32 $0x7FFFFFFF, v13;
	v9 =	vshrl.u32 v4, $0xF;
	v11 =	vshrl.u32 v4, $0x17  }
0x325: {  	v12 =	vshrl.u32 v5, $0xF;
	v5 =	vshrl.u32 v5, $0x17;
	v14 =	vshrl.u32 v6, $0xF  }
0x326: {  	v6 =	vshrl.u32 v6, $0x17;
	v13 =	vshrl.u32 v8, $0xF;
	v16 =	vshrl.u32 v19, $0xF  }
0x327: {  	v22 =	vshrl.u32 v8, $0x17;
	v4 =	vand.u32 $0xFF, v9;
	v9 =	vld [tilespmem:s31+$0xFFFFFFC0];
	vm1 =	veq.s32 v5, v3  }
0x328: {  	v5 =	vand.u32 $0xFF, v12;
	vm3 =	veq.s32 v11, v3;
	v12 =	vld [tilespmem:s31+$0xFFFFFFF0];
	v10 =	vand.u32 $0xFF, v14  }
0x329: {  	v17 =	vand.u32 $0xFF, v13;
	v15 =	vor.u32 v1, v5;
	v5 =	vand.u32 $0x7FFFFFFF, v7;
	v7 =	vld [tilespmem:s31+$0xFFFFFF90]  }
0x32a: {  	v23 =	vand.u32 $0xFF, v16;
	vm8 =	veq.s32 v6, v3;
	vm4 =	veq.s32 v22, v3  }
0x32b: {  	v18 =	vld [tilespmem:s31+$0x70];
	v4 =	vor.u32 v1, v4;
	v10 =	vor.u32 v1, v10;
	v11 =	vshrl.u32 v5, $0x17  }
0x32c: {  	v6 =	vor.u32 v1, v23;
	v5 =	vshrl.u32 v5, $0xF;
	vm0 =	veq.s32 v11, v3  }
0x32d: {  	v8 =	vld [tilespmem:s31+$0x10];
	v11 =	vand.u32 $0x7FFFFFFF, v9;
	v9 =	vand.u32 $0xFF, v5;
	v14 =	vand.u32 $0x7FFFFFFF, v12  }
0x32e: {  	v16 =	vld [tilespmem:s31+$0x30];
	v5 =	vshrl.u32 v20, $0xF;
	v7 =	vand.u32 $0x7FFFFFFF, v7;
	v13 =	vshrl.u32 v14, $0xF  }
0x32f: {  	[tilespmem:v15+s16+$0x0] =	vst.idx.add.s32.msk vm1, v2;
	v21 =	vshrl.u32 v11, $0xF;
	v12 =	vshrl.u32 v7, $0xF;
	v7 =	vshrl.u32 v7, $0x17  }
0x330: {  	v15 =	vand.u32 $0xFF, v13;
	v13 =	vand.u32 $0x7FFFFFFF, v18;
	v18 =	vld [tilespmem:s31+$0x20];
	vm2 =	veq.s32 v7, v3  }
0x331: {  	v7 =	vand.u32 $0xFF, v12;
	v12 =	vshrl.u32 v19, $0x17;
	v19 =	vld [tilespmem:s31+$0xFFFFFF80];
	v22 =	vshrl.u32 v13, $0x17  }
0x332: {  	s23 =	simm.s32 $0x0;
	s24 =	simm.s32 $0x9E00;
	v7 =	vor.u32 v1, v7;
	vm1 =	veq.s32 v12, v3;
	v12 =	vshrl.u32 v20, $0x17;
	v20 =	vld [tilespmem:s31+$0x60]  }
.LBB2_44:
0x333: {  	v17 =	vor.u32 v1, v17  }
0x334: {  	v23 =	vld [tilespmem:s24+$0x40];
	s23 =	sadd.s32 $0x10, s23;
	v11 =	vshrl.u32 v11, $0x17;
	v8 =	vand.u32 $0x7FFFFFFF, v8;
	vm7 =	vmmov vm3  }
0x335: {  	v24 =	vld [tilespmem:s24+$0xFFFFFFF0];
	p1 =	slt.u32 s23, $0x9B0;
	vm6 =	veq.s32 v11, v3;
	v11 =	vshrl.u32 v14, $0x17;
	v14 =	vshrl.u32 v8, $0xF  }
0x336: {  	v21 =	vand.u32 $0xFF, v21;
	vm5 =	veq.s32 v12, v3;
	vm3 =	veq.s32 v22, v3;
	v25 =	vld [tilespmem:s24+$0xFFFFFF90]  }
0x337: {  	v15 =	vor.u32 v1, v15;
	v9 =	vor.u32 v1, v9;
	v16 =	vand.u32 $0x7FFFFFFF, v16;
	v12 =	vld [tilespmem:s24+$0xFFFFFFA0]  }
0x338: {  	v18 =	vand.u32 $0x7FFFFFFF, v18;
	v19 =	vand.u32 $0x7FFFFFFF, v19;
	v22 =	vld [tilespmem:s24+$0xFFFFFFB0];
	v20 =	vand.u32 $0x7FFFFFFF, v20  }
0x339: {  	v14 =	vand.u32 $0xFF, v14;
	v26 =	vld [tilespmem:s24+$0xFFFFFFC0];
	v23 =	vand.u32 $0x7FFFFFFF, v23;
	v27 =	vshrl.u32 v20, $0x17  }
0x33a: {  	v13 =	vshrl.u32 v13, $0xF;
	v29 =	vshrl.u32 v19, $0x17;
	v20 =	vshrl.u32 v20, $0xF;
	v28 =	vld [tilespmem:s24+$0xFFFFFFD0]  }
0x33b: {  	v13 =	vand.u32 $0xFF, v13;
	vm9 =	veq.s32 v29, v3;
	v20 =	vand.u32 $0xFF, v20;
	v30 =	vld [tilespmem:s24+$0x50]  }
0x33c: {  	v19 =	vshrl.u32 v19, $0xF;
	v31 =	vshrl.u32 v23, $0xF;
	v23 =	vshrl.u32 v23, $0x17;
	v29 =	vld [tilespmem:s24+$0xFFFFFFE0]  }
0x33d: {  	v5 =	vand.u32 $0xFF, v5;
	v33 =	vshrl.u32 v16, $0xF;
	v13 =	vor.u32 v1, v13;
	v32 =	vld [tilespmem:s24+$0x0]  }
0x33e: {  	v21 =	vor.u32 v1, v21;
	v31 =	vand.u32 $0xFF, v31;
	[tilespmem:v10+s16+$0x0] =	vst.idx.add.s32.msk vm8, v2;
	v10 =	vshrl.u32 v16, $0x17  }
0x33f: {  	v19 =	vand.u32 $0xFF, v19;
	v16 =	vor.u32 v1, v31;
	[tilespmem:v9+s16+$0x0] =	vst.idx.add.s32.msk vm0, v2;
	v9 =	vand.u32 $0xFF, v33  }
0x340: {  	v19 =	vor.u32 v1, v19;
	vm8 =	veq.s32 v11, v3;
	v30 =	vand.u32 $0x7FFFFFFF, v30;
	v31 =	vld [tilespmem:s24+$0x70]  }
0x341: {  	v11 =	vshrl.u32 v30, $0xF;
	v30 =	vshrl.u32 v30, $0x17;
	[tilespmem:v7+s16+$0x0] =	vst.idx.add.s32.msk vm2, v2;
	v7 =	vor.u32 v1, v9  }
0x342: {  	vm0 =	veq.s32 v30, v3;
	v9 =	vand.u32 $0xFF, v11;
	v11 =	vshrl.u32 v8, $0x17;
	[tilespmem:v13+s16+$0x0] =	vst.idx.add.s32.msk vm3, v2  }
0x343: {  	vm3 =	veq.s32 v23, v3;
	v8 =	vld [tilespmem:s24+$0x10];
	v9 =	vor.u32 v1, v9;
	vm10 =	veq.s32 v11, v3  }
0x344: {  	v13 =	vor.u32 v1, v5;
	v5 =	vor.u32 v1, v14;
	v11 =	vshrl.u32 v18, $0xF;
	[tilespmem:v17+s16+$0x0] =	vst.idx.add.s32.msk vm4, v2  }
0x345: {  	vm4 =	veq.s32 v10, v3;
	[tilespmem:v6+s16+$0x0] =	vst.idx.add.s32.msk vm1, v2;
	v6 =	vshrl.u32 v18, $0x17;
	vm1 =	veq.s32 v27, v3  }
0x346: {  	v10 =	vand.u32 $0x7FFFFFFF, v32;
	[tilespmem:v19+s16+$0x0] =	vst.idx.add.s32.msk vm9, v2;
	vm2 =	veq.s32 v6, v3;
	v6 =	vor.u32 v1, v20  }
0x347: {  	v14 =	vand.u32 $0x7FFFFFFF, v29;
	v11 =	vand.u32 $0xFF, v11;
	v17 =	vshrl.u32 v10, $0x17;
	[tilespmem:v4+s16+$0x0] =	vst.idx.add.s32.msk vm7, v2;
	v4 =	vmovc v16  }
0x348: {  	v18 =	vor.u32 v1, v11;
	v20 =	vshrl.u32 v14, $0x17;
	v16 =	vshrl.u32 v14, $0xF;
	[tilespmem:v9+s16+$0x0] =	vst.idx.add.s32.msk vm0, v2  }
0x349: {  	v23 =	vand.u32 $0x7FFFFFFF, v28;
	v19 =	vand.u32 $0xFF, v16;
	vm0 =	veq.s32 v17, v3;
	[tilespmem:v5+s16+$0x0] =	vst.idx.add.s32.msk vm10, v2  }
0x34a: {  	v11 =	vand.u32 $0x7FFFFFFF, v26;
	v9 =	vshrl.u32 v10, $0xF;
	v5 =	vand.u32 $0x7FFFFFFF, v22;
	[tilespmem:v15+s16+$0x0] =	vst.idx.add.s32.msk vm8, v2  }
0x34b: {  	v10 =	vand.u32 $0x7FFFFFFF, v12;
	v9 =	vand.u32 $0xFF, v9;
	v12 =	vshrl.u32 v5, $0xF;
	[tilespmem:v21+s16+$0x0] =	vst.idx.add.s32.msk vm6, v2  }
0x34c: {  	v16 =	vshrl.u32 v10, $0xF;
	v22 =	vshrl.u32 v5, $0x17;
	v5 =	vshrl.u32 v23, $0xF;
	[tilespmem:v7+s16+$0x0] =	vst.idx.add.s32.msk vm4, v2  }
0x34d: {  	v14 =	vand.u32 $0x7FFFFFFF, v24;
	v17 =	vand.u32 $0xFF, v12;
	v7 =	vand.u32 $0x7FFFFFFF, v25;
	[tilespmem:v18+s16+$0x0] =	vst.idx.add.s32.msk vm2, v2  }
0x34e: {  	v15 =	vshrl.u32 v14, $0xF;
	v12 =	vshrl.u32 v7, $0xF;
	v7 =	vshrl.u32 v7, $0x17;
	[tilespmem:v6+s16+$0x0] =	vst.idx.add.s32.msk vm1, v2  }
.Ltmp23:
0x34f: {  	v15 =	vand.u32 $0xFF, v15;
	vm2 =	veq.s32 v7, v3;
	v6 =	vand.u32 $0xFF, v12;
	[tilespmem:v13+s16+$0x0] =	vst.idx.add.s32.msk vm5, v2;
	(pc) =	sbr.rel @p1 .LBB2_44-.Ltmp23, $4  }
0x350: {  	v7 =	vor.u32 v1, v6;
	v6 =	vand.u32 $0xFF, v16;
	v13 =	vand.u32 $0x7FFFFFFF, v31;
	v16 =	vld [tilespmem:s24+$0x30]  }
0x351: {  	v21 =	vshrl.u32 v11, $0xF;
	v12 =	vshrl.u32 v10, $0x17;
	v10 =	vor.u32 v1, v19;
	v18 =	vld [tilespmem:s24+$0x20]  }
0x352: {  	vm8 =	veq.s32 v20, v3;
	vm1 =	veq.s32 v12, v3;
	v12 =	vshrl.u32 v23, $0x17;
	v19 =	vld [tilespmem:s24+$0xFFFFFF80]  }
0x353: {  	vm4 =	veq.s32 v22, v3;
	v6 =	vor.u32 v1, v6;
	v22 =	vshrl.u32 v13, $0x17;
	v20 =	vld [tilespmem:s24+$0x60];
	s24 =	sadd.s32 $0x100, s24  }
0x354: {  	v17 =	vor.u32 v1, v17  }
0x355: {  	v11 =	vshrl.u32 v11, $0x17;
	v8 =	vand.u32 $0x7FFFFFFF, v8;
	vm5 =	vmmov vm3  }
0x356: {  	v48 =	vshrl.u32 v14, $0x17;
	v21 =	vand.u32 $0xFF, v21;
	v9 =	vor.u32 v1, v9  }
0x357: {  	v13 =	vshrl.u32 v13, $0xF;
	vm6 =	veq.s32 v22, v3;
	v15 =	vor.u32 v1, v15  }
0x358: {  	vm15 =	veq.s32 v12, v3;
	v5 =	vand.u32 $0xFF, v5;
	vm9 =	veq.s32 v11, v3  }
0x359: {  	v49 =	vshrl.u32 v8, $0xF;
	v13 =	vand.u32 $0xFF, v13;
	v16 =	vand.u32 $0x7FFFFFFF, v16  }
0x35a: {  	v8 =	vshrl.u32 v8, $0x17;
	vm11 =	veq.s32 v48, v3;
	v57 =	vor.u32 v1, v21  }
0x35b: {  	[tilespmem:v10+s16+$0x0] =	vst.idx.add.s32.msk vm8, v2;
	v5 =	vor.u32 v1, v5;
	v13 =	vor.u32 v1, v13;
	v18 =	vand.u32 $0x7FFFFFFF, v18  }
0x35c: {  	[tilespmem:v7+s16+$0x0] =	vst.idx.add.s32.msk vm2, v2;
	v14 =	vand.u32 $0xFF, v49;
	vm10 =	veq.s32 v8, v3;
	v55 =	vshrl.u32 v16, $0xF  }
0x35d: {  	[tilespmem:v6+s16+$0x0] =	vst.idx.add.s32.msk vm1, v2;
	v58 =	vshrl.u32 v16, $0x17;
	v19 =	vand.u32 $0x7FFFFFFF, v19;
	v56 =	vor.u32 v1, v14  }
0x35e: {  	v7 =	vand.u32 $0xFF, v55;
	v59 =	vshrl.u32 v18, $0xF;
	v60 =	vshrl.u32 v18, $0x17;
	[tilespmem:v9+s16+$0x0] =	vst.idx.add.s32.msk vm0, v2  }
0x35f: {  	vm12 =	veq.s32 v58, v3;
	v50 =	vshrl.u32 v19, $0x17;
	v19 =	vshrl.u32 v19, $0xF;
	[tilespmem:v17+s16+$0x0] =	vst.idx.add.s32.msk vm4, v2  }
0x360: {  	v20 =	vand.u32 $0x7FFFFFFF, v20;
	v7 =	vor.u32 v1, v7;
	vm13 =	veq.s32 v60, v3;
	[tilespmem:v4+s16+$0x0] =	vst.idx.add.s32.msk vm5, v2  }
0x361: {  	v61 =	vand.u32 $0xFF, v59;
	vm7 =	veq.s32 v50, v3;
	v51 =	vand.u32 $0xFF, v19;
	[tilespmem:v5+s16+$0x0] =	vst.idx.add.s32.msk vm15, v2  }
0x362: {  	v53 =	vshrl.u32 v20, $0x17;
	v54 =	vshrl.u32 v20, $0xF;
	v52 =	vor.u32 v1, v51;
	[tilespmem:v13+s16+$0x0] =	vst.idx.add.s32.msk vm6, v2  }
0x363: {  	v62 =	vand.u32 $0xFF, v54;
	vm14 =	veq.s32 v53, v3;
	v4 =	vor.u32 v1, v61;
	[tilespmem:v15+s16+$0x0] =	vst.idx.add.s32.msk vm11, v2  }
0x364: {  	v63 =	vor.u32 v1, v62;
	[tilespmem:v57+s16+$0x0] =	vst.idx.add.s32.msk vm9, v2  }
0x365: {  	[tilespmem:v56+s16+$0x0] =	vst.idx.add.s32.msk vm10, v2  }
0x366: {  	[tilespmem:v7+s16+$0x0] =	vst.idx.add.s32.msk vm12, v2  }
0x367: {  	[tilespmem:v52+s16+$0x0] =	vst.idx.add.s32.msk vm7, v2  }
0x368: {  	[tilespmem:v4+s16+$0x0] =	vst.idx.add.s32.msk vm13, v2  }
0x369: {  	s0 =	simm.s32 $0x0;
	[tilespmem:v63+s16+$0x0] =	vst.idx.add.s32.msk vm14, v2  }
.LBB2_46:
0x36a: {  	s1 =	sshra.s32 s0, $0x2  }
0x36b: {  	v4 =	vld [tilespmem:s1+$0x13880];
	_ =	sdelay $0x4  }
0x36c: {  	v4 =	vand.u32 $0x7FFFFFFF, v4  }
0x36d: {  	v5 =	vshrl.u32 v4, $0xF;
	v4 =	vshrl.u32 v4, $0x17  }
0x36e: {  	vm0 =	veq.s32 v4, v3;
	v4 =	vand.u32 $0xFF, v5  }
0x36f: {  	p1 =	seq.s32 s0, $0xC0;
	v4 =	vor.u32 v1, v4  }
.Ltmp24:
0x370: {  	_ = 	snop;
	(pc) =	sbr.rel @!p1 .LBB2_46-.Ltmp24, $2  }
0x371: {  	_ =	sdelay $0x2  }
0x372: {  	s0 =	sadd.s32 $0x40, s0;
	[tilespmem:v4+s16+$0x0] =	vst.idx.add.s32.msk vm0, v2  }
0x373: {  	s23 =	ssub.s32 $0x6D60, s21;
	s21 =	simm.s32 $0x0  }
0x374: {  	s0 =	sand.u32 $0xF0, s21  }
0x375: {  	v4 =	vld [tilespmem:s0+$0x13900]  }
0x376: {  	v5 =	vld [tilespmem:s0+$0x13A00]  }
0x377: {  	v6 =	vld [tilespmem:s0+$0x13B00]  }
0x378: {  	v7 =	vld [tilespmem:s0+$0x13C00]  }
0x379: {  	v8 =	vld [tilespmem:s0+$0x13D00]  }
0x37a: {  	v9 =	vld [tilespmem:s0+$0x13E00]  }
0x37b: {  	v10 =	vld [tilespmem:s0+$0x13F00];
	v4 =	vadd.s32 v4, v5  }
0x37c: {  	v5 =	vld [tilespmem:s0+$0x14000];
	v4 =	vadd.s32 v4, v6  }
0x37d: {  	v6 =	vld [tilespmem:s0+$0x14100];
	v4 =	vadd.s32 v4, v7  }
0x37e: {  	v7 =	vld [tilespmem:s0+$0x14200];
	v4 =	vadd.s32 v4, v8  }
0x37f: {  	v8 =	vld [tilespmem:s0+$0x14300];
	v4 =	vadd.s32 v4, v9  }
0x380: {  	v9 =	vld [tilespmem:s0+$0x14400];
	v4 =	vadd.s32 v4, v10  }
0x381: {  	v10 =	vld [tilespmem:s0+$0x14500];
	v4 =	vadd.s32 v4, v5  }
0x382: {  	v5 =	vld [tilespmem:s0+$0x14600];
	v4 =	vadd.s32 v4, v6  }
0x383: {  	v6 =	vld [tilespmem:s0+$0x14700];
	v4 =	vadd.s32 v4, v7  }
0x384: {  	s24 =	simm.s32 $0x10;
	v7 =	vld [tilespmem:s0+$0x14800];
	v4 =	vadd.s32 v4, v8  }
0x385: {  	s1 =	sand.u32 $0xF0, s24;
	v4 =	vadd.s32 v4, v9  }
0x386: {  	v8 =	vld [tilespmem:s1+$0x13900];
	v4 =	vadd.s32 v4, v10  }
0x387: {  	v9 =	vld [tilespmem:s1+$0x13A00];
	v4 =	vadd.s32 v4, v5  }
0x388: {  	v10 =	vld [tilespmem:s1+$0x13B00];
	v4 =	vadd.s32 v4, v6  }
0x389: {  	v5 =	vld [tilespmem:s1+$0x13C00];
	v4 =	vadd.s32 v4, v7  }
0x38a: {  	v6 =	vld [tilespmem:s1+$0x13D00];
	(xrf0) =	vadd.scan.msk.s32 $0xffff, v4  }
0x38b: {  	v7 =	vld [tilespmem:s1+$0x13E00]  }
0x38c: {  	v8 =	vadd.s32 v8, v9  }
0x38d: {  	v8 =	vadd.s32 v8, v10  }
0x38e: {  	v5 =	vadd.s32 v8, v5  }
0x38f: {  	v4 =	vld [tilespmem:s1+$0x13F00];
	v5 =	vadd.s32 v5, v6  }
0x390: {  	v11 =	vld [tilespmem:s1+$0x14000];
	v5 =	vadd.s32 v5, v7;
	v7, _, _ =	vpop (xrf0)  }
0x391: {  	v9 =	vld [tilespmem:s1+$0x14100];
	(v2sf) =	vpush v7, $0xF  }
0x392: {  	v10 =	vld [tilespmem:s1+$0x14200]  }
0x393: {  	v8 =	vld [tilespmem:s1+$0x14300]  }
0x394: {  	v6 =	vld [tilespmem:s1+$0x14400];
	v4 =	vadd.s32 v5, v4  }
0x395: {  	v12 =	vld [tilespmem:s1+$0x14500];
	v4 =	vadd.s32 v4, v11  }
0x396: {  	v3 =	vmov s23;
	v5 =	vld [tilespmem:s1+$0x14600];
	v4 =	vadd.s32 v4, v9;
	v7 =	vadd.s32 s21, v7  }
0x397: {  	s25 =	simm.s32 $0x20;
	v11 =	vld [tilespmem:s1+$0x14700];
	v4 =	vadd.s32 v4, v10;
	vm0 =	vle.s32 v7, v3  }
0x398: {  	s15 =	sand.u32 $0xF0, s25;
	v9 =	vld [tilespmem:s1+$0x14800];
	v4 =	vadd.s32 v4, v8;
	v7 =	vsel vm0, $0x1, v0  }
0x399: {  	v10 =	vld [tilespmem:s15+$0x13900];
	v4 =	vadd.s32 v4, v6;
	(xrf0) =	vadd.scan.msk.s32 $0xffff, v7  }
0x39a: {  	v8 =	vld [tilespmem:s15+$0x13A00];
	v4 =	vadd.s32 v4, v12  }
0x39b: {  	v6 =	vld [tilespmem:s15+$0x13B00];
	v4 =	vadd.s32 v4, v5  }
0x39c: {  	v62 =	vld [tilespmem:s15+$0x13C00];
	v4 =	vadd.s32 v4, v11  }
0x39d: {  	v5 =	vld [tilespmem:s15+$0x13D00];
	v4 =	vadd.s32 v4, v9  }
0x39e: {  	v11 =	vld [tilespmem:s15+$0x13E00];
	(xrf0) =	vadd.scan.msk.s32 $0xffff, v4  }
0x39f: {  	v7 =	vadd.s32 v10, v8;
	v8 =	vld [tilespmem:s15+$0x13F00];
	v10, _, _ =	vpop (xrf0)  }
0x3a0: {  	v4 =	vadd.s32 v7, v6;
	v6 =	vld [tilespmem:s15+$0x14000];
	s26 =	spop (v2sf);
	(v2sf) =	vpush v10, $0xF  }
0x3a1: {  	v7 =	vld [tilespmem:s15+$0x14100];
	v4 =	vadd.s32 v4, v62  }
0x3a2: {  	v4 =	vadd.s32 v4, v5;
	v5 =	vld [tilespmem:s15+$0x14200]  }
0x3a3: {  	v9 =	vld [tilespmem:s15+$0x14300];
	v4 =	vadd.s32 v4, v11  }
0x3a4: {  	v4 =	vadd.s32 v4, v8;
	v8 =	vld [tilespmem:s15+$0x14400];
	v63, _, _ =	vpop (xrf0)  }
0x3a5: {  	v11 =	vld [tilespmem:s15+$0x14500];
	v4 =	vadd.s32 v4, v6;
	s28 =	sadd.s32 $0x0, s26;
	(v2sf) =	vpush v63, $0xF  }
0x3a6: {  	v6 =	vadd.s32 v4, v7;
	v4 =	vld [tilespmem:s15+$0x14600];
	v7 =	vadd.s32 s28, v63  }
0x3a7: {  	v6 =	vadd.s32 v6, v5;
	v5 =	vld [tilespmem:s15+$0x14700];
	s26 =	simm.s32 $0x30;
	vm15 =	vle.s32 v7, v3  }
0x3a8: {  	v6 =	vadd.s32 v6, v9;
	s31 =	sand.u32 $0xF0, s26;
	v7 =	vld [tilespmem:s15+$0x14800];
	v9 =	vsel vm15, $0x1, v0  }
0x3a9: {  	v10 =	vadd.s32 v6, v8;
	v6 =	vld [tilespmem:s31+$0x13900];
	(xrf0) =	vadd.scan.msk.s32 $0xffff, v9  }
0x3aa: {  	s29 =	simm.s32 $0x0;
	s30 =	simm.s32 $0x0;
	s0 =	simm.s32 $0x40;
	v8 =	vld [tilespmem:s31+$0x13A00];
	v9 =	vadd.s32 v10, v11  }
.LBB2_48:
0x3ab: {  	p1 =	sne.s32 s0, $0xF0;
	v10 =	vld [tilespmem:s31+$0x13B00];
	v4 =	vadd.s32 v9, v4  }
0x3ac: {  	v9 =	vld [tilespmem:s31+$0x13C00];
	v4 =	vadd.s32 v4, v5  }
0x3ad: {  	v5 =	vld [tilespmem:s31+$0x13D00];
	v4 =	vadd.s32 v4, v7  }
0x3ae: {  	v7 =	vld [tilespmem:s31+$0x13E00];
	(xrf0) =	vadd.scan.msk.s32 $0xffff, v4  }
0x3af: {  	p2 =	sgt.s32 s28, s23;
	v4 =	vadd.s32 v6, v8;
	v6 =	vld [tilespmem:s31+$0x13F00];
	v8, _, _ =	vpop (xrf0);
	s1 =	spop (v2sf)  }
0x3b0: {  	s3 =	smov.u32 s21;
	v4 =	vadd.s32 v4, v10;
	v10 =	vld [tilespmem:s31+$0x14000];
	(v2sf) =	vpush v8, $0xF;
	s1 =	sadd.s32 s29, s1;
	s29 =	smov.u32 s24  }
0x3b1: {  	p3 =	sle.s32 s30, s23;
	s30 =	smov.u32 s28;
	v4 =	vadd.s32 v4, v9;
	v8 =	vld [tilespmem:s31+$0x14100];
	s3 =	smov.u32 @p2 s1  }
0x3b2: {  	s24 =	smov.u32 s25;
	s25 =	smov.u32 s26;
	v4 =	vadd.s32 v4, v5;
	v5 =	vld [tilespmem:s31+$0x14200];
	s21 =	smov.u32 @p3 s3  }
0x3b3: {  	s26 =	smov.u32 s0;
	v4 =	vadd.s32 v4, v7;
	v7 =	vld [tilespmem:s31+$0x14300]  }
0x3b4: {  	v4 =	vadd.s32 v4, v6;
	v9 =	vld [tilespmem:s31+$0x14400];
	v6, _, _ =	vpop (xrf0);
	s1 =	spop (v2sf)  }
0x3b5: {  	v4 =	vadd.s32 v4, v10;
	v10 =	vld [tilespmem:s31+$0x14500];
	(v2sf) =	vpush v6, $0xF;
	s28 =	sadd.s32 s28, s1  }
.Ltmp25:
0x3b6: {  	v8 =	vadd.s32 v4, v8;
	v4 =	vld [tilespmem:s31+$0x14600];
	v6 =	vadd.s32 s28, v6;
	(pc) =	sbr.rel @p1 .LBB2_48-.Ltmp25, $4  }
0x3b7: {  	v8 =	vadd.s32 v8, v5;
	v5 =	vld [tilespmem:s31+$0x14700];
	vm0 =	vle.s32 v6, v3  }
0x3b8: {  	v8 =	vadd.s32 v8, v7;
	v7 =	vld [tilespmem:s31+$0x14800];
	s31 =	sand.u32 $0xF0, s0;
	v11 =	vsel vm0, $0x1, v0  }
0x3b9: {  	v6 =	vld [tilespmem:s31+$0x13900];
	v9 =	vadd.s32 v8, v9;
	(xrf0) =	vadd.scan.msk.s32 $0xffff, v11  }
0x3ba: {  	s0 =	sadd.s32 $0x10, s0;
	v8 =	vld [tilespmem:s31+$0x13A00];
	v9 =	vadd.s32 v9, v10  }
0x3bb: {  	v4 =	vadd.s32 v9, v4  }
0x3bc: {  	v44 =	vld [tilespmem:s31+$0x13B00];
	v4 =	vadd.s32 v4, v5  }
0x3bd: {  	v45 =	vld [tilespmem:s31+$0x13C00];
	v4 =	vadd.s32 v4, v7  }
0x3be: {  	v46 =	vld [tilespmem:s31+$0x13D00];
	(xrf0) =	vadd.scan.msk.s32 $0xffff, v4  }
0x3bf: {  	v47 =	vld [tilespmem:s31+$0x13E00]  }
0x3c0: {  	v48 =	vld [tilespmem:s31+$0x13F00];
	v6 =	vadd.s32 v6, v8  }
0x3c1: {  	v49 =	vld [tilespmem:s31+$0x14000];
	v6 =	vadd.s32 v6, v44  }
0x3c2: {  	v50 =	vld [tilespmem:s31+$0x14100];
	v5 =	vadd.s32 v6, v45  }
0x3c3: {  	v51 =	vld [tilespmem:s31+$0x14200];
	v10, _, _ =	vpop (xrf0);
	v5 =	vadd.s32 v5, v46  }
0x3c4: {  	v52 =	vld [tilespmem:s31+$0x14300];
	(v2sf) =	vpush v10, $0xF;
	v4 =	vadd.s32 v5, v47;
	v53, _, _ =	vpop (xrf0)  }
0x3c5: {  	v54 =	vld [tilespmem:s31+$0x14400];
	v4 =	vadd.s32 v4, v48;
	(v2sf) =	vpush v53, $0xF  }
0x3c6: {  	v55 =	vld [tilespmem:s31+$0x14500];
	v4 =	vadd.s32 v4, v49  }
0x3c7: {  	v56 =	vld [tilespmem:s31+$0x14600];
	v4 =	vadd.s32 v4, v50  }
0x3c8: {  	v57 =	vld [tilespmem:s31+$0x14700];
	s0 =	spop (v2sf);
	v4 =	vadd.s32 v4, v51  }
0x3c9: {  	v58 =	vld [tilespmem:s31+$0x14800];
	s1 =	spop (v2sf);
	v4 =	vadd.s32 v4, v52  }
0x3ca: {  	s1 =	sadd.s32 s28, s1;
	v4 =	vadd.s32 v4, v54  }
0x3cb: {  	v59 =	vadd.s32 s1, v53;
	v4 =	vadd.s32 v4, v55  }
0x3cc: {  	vm0 =	vle.s32 v59, v3;
	v4 =	vadd.s32 v4, v56  }
0x3cd: {  	v60 =	vsel vm0, $0x1, v0;
	v4 =	vadd.s32 v4, v57  }
0x3ce: {  	(xrf0) =	vadd.scan.msk.s32 $0xffff, v60;
	v4 =	vadd.s32 v4, v58  }
0x3cf: {  	(xrf0) =	vadd.scan.msk.s32 $0xffff, v4;
	_ =	sdelay $0x3  }
0x3d0: {  	s3 =	spop (v2sf)  }
0x3d1: {  	v61, _, _ =	vpop (xrf0);
	s4 =	spop (v2sf)  }
0x3d2: {  	v62, _, _ =	vpop (xrf0);
	s4 =	sadd.s32 s1, s4  }
0x3d3: {  	v63 =	vadd.s32 s4, v62  }
0x3d4: {  	vm15 =	vle.s32 v63, v3  }
0x3d5: {  	v3 =	vsel vm15, $0x1, v0  }
0x3d6: {  	(xrf0) =	vadd.scan.msk.s32 $0xffff, v3;
	_ =	sdelay $0x3  }
0x3d7: {  	(v2sf) =	vpush v61, $0xF;
	_ =	sdelay $0x1  }
0x3d8: {  	(v2sf) =	vpush v62, $0xF;
	v3, _, _ =	vpop (xrf0)  }
0x3d9: {  	(v2sf) =	vpush v3, $0xF;
	_ =	sdelay $0x6  }
0x3da: {  	p1 =	sgt.s32 s28, s23;
	s10 =	smov.u32 s21;
	s0 =	sadd.s32 s29, s0  }
0x3db: {  	p2 =	sle.s32 s30, s23;
	s10 =	smov.u32 @p1 s0  }
0x3dc: {  	s21 =	smov.u32 @p2 s10  }
0x3dd: {  	p1 =	sgt.s32 s1, s23;
	s0 =	sadd.s32 s24, s3;
	s3 =	smov.u32 s21  }
0x3de: {  	p2 =	sle.s32 s28, s23;
	s3 =	smov.u32 @p1 s0  }
0x3df: {  	s21 =	smov.u32 @p2 s3;
	s28 =	spop (v2sf)  }
0x3e0: {  	s3 =	smov.u32 s21;
	p1 =	sgt.s32 s4, s23;
	s0 =	sadd.s32 s25, s28  }
0x3e1: {  	p2 =	sle.s32 s1, s23;
	s3 =	smov.u32 @p1 s0;
	s29 =	spop (v2sf)  }
0x3e2: {  	s21 =	smov.u32 @p2 s3;
	s0 =	sadd.s32 s4, s29;
	s30 =	spop (v2sf)  }
0x3e3: {  	s1 =	smov.u32 s21;
	p1 =	sgt.s32 s0, s23;
	s0 =	sadd.s32 s26, s30  }
0x3e4: {  	p2 =	sle.s32 s4, s23;
	s1 =	smov.u32 @p1 s0  }
0x3e5: {  	s21 =	smov.u32 @p2 s1  }
0x3e6: {  	s31 =	sshll.u32 s22, $0x17;
	s1 =	sshll.u32 s21, $0xF  }
0x3e7: {  	s0 =	sor.u32 s31, s1  }
0x3e8: {  	v3 =	vmov s0  }
0x3e9: {  	v3 =	vbroadcast v3, $0x0;
	_ =	sdelay $0x1  }
0x3ea: {  	[tilespmem:$0x14900] =	vst v3  }
0x3eb: {  	[hbm4b:s7+s2] =	stream.linear.scatter [tilespmem:s17], [sflag:$0x3], $0x80, $0x38;
	[tilespmem:$0x14980] =	vst v63  }
0x3ec: {  	_ =	swait.ge [sflag:s18], $0x80  }
0x3ed: {  	[sflag:s18] =	ssyncset.done $0x0  }
0x3ee: {  	[sflag:s18] =	ssyncadd.s32 $0xFFFFFF80  }
0x3ef: {  	_ =	swait.ge [sflag:s14], $0x9C80  }
0x3f0: {  	s3 =	simm.s32 @!p0 $0x9C80;
	[sflag:s14] =	ssyncset.done $0x0  }
0x3f1: {  	s1 =	simm.s32 @!p0 $0x400;
	s0 =	simm.s32 @!p0 $0x80;
	[sflag:s14] =	ssyncadd.s32 $0xFFFF6380  }
0x3f2: {  	[tilespmem:s3], [sflag:$0x2] =	stream.strided.gather @!p0 [hbm4b:s8+s0], $0x9C80, s1, s0, $0x38;
	[tilespmem:$0x14980] =	vst v63  }
0x3f3: {  	s1 =	simm.s32 $0x13940  }
0x3f4: {  	[tilespmem:s1+$0xFFFFFFC0] =	vst v0  }
0x3f5: {  	[tilespmem:s1+$0x30] =	vst v0  }
0x3f6: {  	[tilespmem:s1+$0x20] =	vst v0  }
0x3f7: {  	[tilespmem:s1+$0x10] =	vst v0  }
0x3f8: {  	[tilespmem:s1+$0x0] =	vst v0  }
0x3f9: {  	[tilespmem:s1+$0xFFFFFFF0] =	vst v0  }
0x3fa: {  	s21 =	simm.s32 $0x0;
	[tilespmem:s1+$0xFFFFFFE0] =	vst v0  }
.LBB2_50:
0x3fb: {  	s21 =	sadd.s32 $0x8, s21;
	[tilespmem:s1+$0xFFFFFFD0] =	vst v0;
	s1 =	sadd.s32 $0x80, s1  }
0x3fc: {  	[tilespmem:s1+$0xFFFFFFC0] =	vst v0;
	p1 =	slt.u32 s21, $0xF8  }
0x3fd: {  	[tilespmem:s1+$0x30] =	vst v0  }
.Ltmp26:
0x3fe: {  	[tilespmem:s1+$0x20] =	vst v0;
	(pc) =	sbr.rel @p1 .LBB2_50-.Ltmp26, $4  }
0x3ff: {  	[tilespmem:s1+$0x10] =	vst v0  }
0x400: {  	[tilespmem:s1+$0x0] =	vst v0  }
0x401: {  	[tilespmem:s1+$0xFFFFFFF0] =	vst v0  }
0x402: {  	s0 =	simm.s32 $0x80;
	[tilespmem:s1+$0xFFFFFFE0] =	vst v0  }
0x403: {  	[tilespmem:s1+$0xFFFFFFD0] =	vst v0  }
0x404: {  	v3 =	vld [tilespmem:s0+$0x70]  }
0x405: {  	v4 =	vld [tilespmem:s0+$0x60]  }
0x406: {  	v5 =	vld [tilespmem:s0+$0xFFFFFFC0]  }
0x407: {  	v6 =	vld [tilespmem:s0+$0xFFFFFFF0]  }
0x408: {  	v7 =	vld [tilespmem:s0+$0x0]  }
0x409: {  	v10 =	vld [tilespmem:s0+$0xFFFFFFE0]  }
0x40a: {  	v12 =	vld [tilespmem:s0+$0xFFFFFFD0]  }
0x40b: {  	v14 =	vld [tilespmem:s0+$0xFFFFFFA0];
	_ =	sdelay $0x2  }
0x40c: {  	v3 =	vand.u32 $0x7FFFFFFF, v3;
	v4 =	vand.u32 $0x7FFFFFFF, v4  }
0x40d: {  	v8 =	vld [tilespmem:s0+$0x10];
	v15 =	vand.u32 $0x7FFFFFFF, v7;
	v6 =	vand.u32 $0x7FFFFFFF, v6;
	v16 =	vand.u32 $0x7FFFFFFF, v10  }
0x40e: {  	v9 =	vld [tilespmem:s0+$0x20];
	v5 =	vand.u32 $0x7FFFFFFF, v5;
	v12 =	vand.u32 $0x7FFFFFFF, v12;
	v14 =	vand.u32 $0x7FFFFFFF, v14  }
0x40f: {  	v3 =	vshrl.u32 v3, $0x17;
	v4 =	vshrl.u32 v4, $0x17;
	v6 =	vshrl.u32 v6, $0x17  }
0x410: {  	v11 =	vand.u32 $0x180, v3;
	v13 =	vand.u32 $0x180, v4;
	v3 =	vand.u32 $0x7F, v3  }
0x411: {  	v4 =	vand.u32 $0x7F, v4;
	v11 =	vor.u32 v1, v11;
	v13 =	vor.u32 v1, v13  }
0x412: {  	v11 =	vor.u32 v3, v11;
	v3 =	vand.u32 $0x7FFFFFFF, v8;
	v8 =	vor.u32 v4, v13;
	v13 =	vld [tilespmem:s0+$0xFFFFFF90]  }
0x413: {  	v21 =	vshrl.u32 v5, $0x17;
	v4 =	vshrl.u32 v3, $0x17;
	v3 =	vand.u32 $0x7FFFFFFF, v9  }
0x414: {  	v17 =	vshrl.u32 v14, $0x17;
	v16 =	vshrl.u32 v16, $0x17;
	v3 =	vshrl.u32 v3, $0x17  }
0x415: {  	v12 =	vshrl.u32 v12, $0x17;
	v9 =	vshrl.u32 v15, $0x17;
	v15 =	vand.u32 $0x180, v3  }
0x416: {  	v18 =	vand.u32 $0x180, v17;
	v14 =	vand.u32 $0x180, v16;
	v5 =	vor.u32 v1, v15;
	v15 =	vld [tilespmem:s0+$0xFFFFFFB0]  }
0x417: {  	v17 =	vand.u32 $0x7F, v17;
	v22 =	vand.u32 $0x180, v21;
	v13 =	vand.u32 $0x7FFFFFFF, v13  }
0x418: {  	v7 =	vand.u32 $0x180, v4;
	v10 =	vand.u32 $0x180, v9;
	v19 =	vshrl.u32 v13, $0x17  }
0x419: {  	v20 =	vld [tilespmem:s0+$0x40];
	v13 =	vand.u32 $0x7F, v16;
	v16 =	vor.u32 v1, v18;
	v18 =	vand.u32 $0x180, v6  }
0x41a: {  	[tilespmem:v11+s16+$0x0] =	vst.idx.add.s32.msk $0xffff, v2;
	v23 =	vand.u32 $0x7F, v19;
	v11 =	vand.u32 $0x180, v19;
	v16 =	vor.u32 v17, v16  }
0x41b: {  	[tilespmem:v8+s16+$0x0] =	vst.idx.add.s32.msk $0xffff, v2;
	v17 =	vand.u32 $0x7F, v6;
	v6 =	vor.u32 v1, v11;
	v11 =	vand.u32 $0x7FFFFFFF, v15  }
0x41c: {  	v19 =	vld [tilespmem:s0+$0xFFFFFF80];
	v8 =	vor.u32 v23, v6;
	v6 =	vand.u32 $0x7F, v21;
	v15 =	vand.u32 $0x180, v12  }
0x41d: {  	v21 =	vor.u32 v1, v22;
	v12 =	vand.u32 $0x7F, v12;
	v22 =	vld [tilespmem:s0+$0x50];
	v15 =	vor.u32 v1, v15  }
0x41e: {  	s21 =	simm.s32 $0x0;
	s22 =	simm.s32 $0x180;
	v11 =	vshrl.u32 v11, $0x17;
	v6 =	vor.u32 v6, v21;
	v21 =	vld [tilespmem:s0+$0x30];
	v15 =	vor.u32 v12, v15  }
.LBB2_52:
0x41f: {  	s21 =	sadd.s32 $0x10, s21;
	[tilespmem:v16+s16+$0x0] =	vst.idx.add.s32.msk $0xffff, v2;
	v16 =	vor.u32 v1, v18;
	v9 =	vand.u32 $0x7F, v9;
	v18 =	vand.u32 $0x7FFFFFFF, v20  }
0x420: {  	v14 =	vor.u32 v1, v14;
	v10 =	vor.u32 v1, v10;
	v12 =	vld [tilespmem:s22+$0xFFFFFFB0];
	p1 =	slt.u32 s21, $0x9B0;
	v18 =	vshrl.u32 v18, $0x17  }
0x421: {  	v16 =	vor.u32 v17, v16;
	v17 =	vor.u32 v9, v10;
	v20 =	vld [tilespmem:s22+$0xFFFFFF90];
	v19 =	vand.u32 $0x7FFFFFFF, v19  }
0x422: {  	v10 =	vor.u32 v13, v14;
	v9 =	vand.u32 $0x7F, v18;
	v23 =	vld [tilespmem:s22+$0xFFFFFFA0];
	v13 =	vand.u32 $0x7FFFFFFF, v22  }
0x423: {  	v18 =	vand.u32 $0x180, v18;
	v19 =	vshrl.u32 v19, $0x17;
	v14 =	vld [tilespmem:s22+$0xFFFFFFC0];
	v13 =	vshrl.u32 v13, $0x17  }
0x424: {  	v18 =	vor.u32 v1, v18;
	v21 =	vand.u32 $0x7FFFFFFF, v21;
	v22 =	vld [tilespmem:s22+$0x70];
	v24 =	vand.u32 $0x180, v13  }
0x425: {  	v9 =	vor.u32 v9, v18;
	v21 =	vshrl.u32 v21, $0x17;
	v13 =	vand.u32 $0x7F, v13;
	v25 =	vld [tilespmem:s22+$0x60]  }
0x426: {  	v4 =	vand.u32 $0x7F, v4;
	v7 =	vor.u32 v1, v7;
	v26 =	vand.u32 $0x180, v21;
	v18 =	vld [tilespmem:s22+$0xFFFFFFD0]  }
0x427: {  	v3 =	vand.u32 $0x7F, v3;
	v21 =	vand.u32 $0x7F, v21;
	v26 =	vor.u32 v1, v26;
	v27 =	vld [tilespmem:s22+$0xFFFFFFE0]  }
0x428: {  	v29 =	vor.u32 v3, v5;
	v3 =	vor.u32 v1, v24;
	v5 =	vor.u32 v21, v26;
	v28 =	vld [tilespmem:s22+$0xFFFFFFF0]  }
0x429: {  	v24 =	vand.u32 $0x180, v19;
	v3 =	vor.u32 v13, v3;
	v21 =	vld [tilespmem:s22+$0x0];
	v22 =	vand.u32 $0x7FFFFFFF, v22  }
0x42a: {  	v4 =	vor.u32 v4, v7;
	v24 =	vor.u32 v1, v24;
	v13 =	vld [tilespmem:s22+$0x10];
	v22 =	vshrl.u32 v22, $0x17  }
0x42b: {  	v19 =	vand.u32 $0x7F, v19;
	v25 =	vand.u32 $0x7FFFFFFF, v25;
	v7 =	vld [tilespmem:s22+$0x20];
	v26 =	vand.u32 $0x180, v22  }
0x42c: {  	v19 =	vor.u32 v19, v24;
	v25 =	vshrl.u32 v25, $0x17;
	v26 =	vor.u32 v1, v26;
	[tilespmem:v15+s16+$0x0] =	vst.idx.add.s32.msk $0xffff, v2  }
0x42d: {  	v22 =	vand.u32 $0x7F, v22;
	v15 =	vand.u32 $0x180, v25;
	v24 =	vand.u32 $0x7F, v25;
	[tilespmem:v16+s16+$0x0] =	vst.idx.add.s32.msk $0xffff, v2  }
0x42e: {  	v15 =	vor.u32 v1, v15;
	v16 =	vor.u32 v22, v26;
	v22 =	vand.u32 $0x7F, v11;
	[tilespmem:v3+s16+$0x0] =	vst.idx.add.s32.msk $0xffff, v2  }
0x42f: {  	v21 =	vand.u32 $0x7FFFFFFF, v21;
	v15 =	vor.u32 v24, v15;
	v3 =	vand.u32 $0x7FFFFFFF, v13;
	[tilespmem:v4+s16+$0x0] =	vst.idx.add.s32.msk $0xffff, v2  }
0x430: {  	v11 =	vand.u32 $0x180, v11;
	v4 =	vshrl.u32 v3, $0x17;
	v3 =	vand.u32 $0x7FFFFFFF, v7;
	[tilespmem:v9+s16+$0x0] =	vst.idx.add.s32.msk $0xffff, v2  }
0x431: {  	v13 =	vand.u32 $0x7FFFFFFF, v28;
	v7 =	vand.u32 $0x180, v4;
	v3 =	vshrl.u32 v3, $0x17;
	[tilespmem:v5+s16+$0x0] =	vst.idx.add.s32.msk $0xffff, v2  }
0x432: {  	v24 =	vand.u32 $0x7FFFFFFF, v27;
	v9 =	vshrl.u32 v21, $0x17;
	v5 =	vor.u32 v1, v11;
	[tilespmem:v8+s16+$0x0] =	vst.idx.add.s32.msk $0xffff, v2  }
0x433: {  	v11 =	vand.u32 $0x7FFFFFFF, v18;
	v8 =	vand.u32 $0x7FFFFFFF, v14;
	v18 =	vor.u32 v22, v5;
	[tilespmem:v10+s16+$0x0] =	vst.idx.add.s32.msk $0xffff, v2  }
0x434: {  	v21 =	vshrl.u32 v13, $0x17;
	v5 =	vand.u32 $0x180, v3;
	v10 =	vand.u32 $0x180, v9;
	[tilespmem:v19+s16+$0x0] =	vst.idx.add.s32.msk $0xffff, v2  }
0x435: {  	v13 =	vand.u32 $0x7FFFFFFF, v23;
	v22 =	vshrl.u32 v8, $0x17;
	v5 =	vor.u32 v1, v5;
	[tilespmem:v6+s16+$0x0] =	vst.idx.add.s32.msk $0xffff, v2  }
0x436: {  	v8 =	vshrl.u32 v13, $0x17;
	v13 =	vshrl.u32 v24, $0x17;
	v6 =	vand.u32 $0x7FFFFFFF, v20;
	[tilespmem:v29+s16+$0x0] =	vst.idx.add.s32.msk $0xffff, v2  }
0x437: {  	v19 =	vand.u32 $0x180, v8;
	v14 =	vand.u32 $0x180, v13;
	v6 =	vshrl.u32 v6, $0x17;
	[tilespmem:v17+s16+$0x0] =	vst.idx.add.s32.msk $0xffff, v2  }
0x438: {  	v8 =	vand.u32 $0x7F, v8;
	v23 =	vand.u32 $0x180, v22;
	v13 =	vand.u32 $0x7F, v13;
	[tilespmem:v18+s16+$0x0] =	vst.idx.add.s32.msk $0xffff, v2  }
0x439: {  	v24 =	vand.u32 $0x7F, v6;
	v17 =	vor.u32 v1, v19;
	v18 =	vand.u32 $0x180, v21;
	[tilespmem:v16+s16+$0x0] =	vst.idx.add.s32.msk $0xffff, v2  }
.Ltmp27:
0x43a: {  	v6 =	vand.u32 $0x180, v6;
	v16 =	vor.u32 v8, v17;
	v17 =	vand.u32 $0x7F, v21;
	v20 =	vld [tilespmem:s22+$0x40];
	(pc) =	sbr.rel @p1 .LBB2_52-.Ltmp27, $4  }
0x43b: {  	v12 =	vand.u32 $0x7FFFFFFF, v12;
	v11 =	vshrl.u32 v11, $0x17;
	v6 =	vor.u32 v1, v6;
	[tilespmem:v15+s16+$0x0] =	vst.idx.add.s32.msk $0xffff, v2  }
0x43c: {  	v8 =	vor.u32 v24, v6;
	v6 =	vand.u32 $0x7F, v22;
	v15 =	vand.u32 $0x180, v11;
	v19 =	vld [tilespmem:s22+$0xFFFFFF80]  }
0x43d: {  	v21 =	vor.u32 v1, v23;
	v23 =	vand.u32 $0x7F, v11;
	v15 =	vor.u32 v1, v15;
	v22 =	vld [tilespmem:s22+$0x50]  }
0x43e: {  	v6 =	vor.u32 v6, v21;
	v11 =	vshrl.u32 v12, $0x17;
	v15 =	vor.u32 v23, v15;
	v21 =	vld [tilespmem:s22+$0x30];
	s22 =	sadd.s32 $0x100, s22  }
0x43f: {  	v18 =	vor.u32 v1, v18;
	v20 =	vand.u32 $0x7FFFFFFF, v20;
	v4 =	vand.u32 $0x7F, v4  }
0x440: {  	v7 =	vor.u32 v1, v7;
	v14 =	vor.u32 v1, v14;
	v60 =	vand.u32 $0x7F, v9  }
0x441: {  	v3 =	vand.u32 $0x7F, v3;
	v61 =	vor.u32 v1, v10;
	v62 =	vand.u32 $0x180, v11  }
0x442: {  	v63 =	vand.u32 $0x7F, v11;
	v17 =	vor.u32 v17, v18;
	v20 =	vshrl.u32 v20, $0x17  }
0x443: {  	v4 =	vor.u32 v4, v7;
	v13 =	vor.u32 v13, v14;
	v3 =	vor.u32 v3, v5  }
0x444: {  	[tilespmem:v16+s16+$0x0] =	vst.idx.add.s32.msk $0xffff, v2;
	v5 =	vor.u32 v1, v62;
	v19 =	vand.u32 $0x7FFFFFFF, v19;
	v52 =	vand.u32 $0x7F, v20  }
0x445: {  	[tilespmem:v15+s16+$0x0] =	vst.idx.add.s32.msk $0xffff, v2;
	v20 =	vand.u32 $0x180, v20;
	v5 =	vor.u32 v63, v5;
	v12 =	vand.u32 $0x7FFFFFFF, v22  }
0x446: {  	[tilespmem:v8+s16+$0x0] =	vst.idx.add.s32.msk $0xffff, v2;
	v20 =	vor.u32 v1, v20;
	v19 =	vshrl.u32 v19, $0x17;
	v12 =	vshrl.u32 v12, $0x17  }
0x447: {  	[tilespmem:v6+s16+$0x0] =	vst.idx.add.s32.msk $0xffff, v2;
	v21 =	vand.u32 $0x7FFFFFFF, v21;
	v54 =	vor.u32 v52, v20;
	v56 =	vand.u32 $0x180, v19  }
0x448: {  	v58 =	vand.u32 $0x7F, v19;
	v51 =	vand.u32 $0x180, v12;
	v57 =	vor.u32 v1, v56;
	[tilespmem:v17+s16+$0x0] =	vst.idx.add.s32.msk $0xffff, v2  }
0x449: {  	v12 =	vand.u32 $0x7F, v12;
	v21 =	vshrl.u32 v21, $0x17;
	v59 =	vor.u32 v58, v57;
	[tilespmem:v4+s16+$0x0] =	vst.idx.add.s32.msk $0xffff, v2  }
0x44a: {  	v18 =	vor.u32 v1, v51;
	v53 =	vand.u32 $0x180, v21;
	v4 =	vor.u32 v60, v61;
	[tilespmem:v13+s16+$0x0] =	vst.idx.add.s32.msk $0xffff, v2  }
0x44b: {  	v55 =	vand.u32 $0x7F, v21;
	[tilespmem:v3+s16+$0x0] =	vst.idx.add.s32.msk $0xffff, v2;
	v12 =	vor.u32 v12, v18;
	v7 =	vor.u32 v1, v53  }
0x44c: {  	[tilespmem:v5+s16+$0x0] =	vst.idx.add.s32.msk $0xffff, v2;
	v7 =	vor.u32 v55, v7  }
0x44d: {  	[tilespmem:v54+s16+$0x0] =	vst.idx.add.s32.msk $0xffff, v2  }
0x44e: {  	[tilespmem:v59+s16+$0x0] =	vst.idx.add.s32.msk $0xffff, v2  }
0x44f: {  	[tilespmem:v4+s16+$0x0] =	vst.idx.add.s32.msk $0xffff, v2  }
0x450: {  	[tilespmem:v12+s16+$0x0] =	vst.idx.add.s32.msk $0xffff, v2  }
0x451: {  	s21 =	simm.s32 $0x0;
	s0 =	simm.s32 $0x0;
	[tilespmem:v7+s16+$0x0] =	vst.idx.add.s32.msk $0xffff, v2  }
.LBB2_54:
0x452: {  	s1 =	sshra.s32 s0, $0x2  }
0x453: {  	v3 =	vld [tilespmem:s1+$0x9C00];
	_ =	sdelay $0x4  }
0x454: {  	v3 =	vand.u32 $0x7FFFFFFF, v3  }
0x455: {  	v3 =	vshrl.u32 v3, $0x17  }
0x456: {  	v4 =	vand.u32 $0x180, v3  }
0x457: {  	v3 =	vand.u32 $0x7F, v3;
	v4 =	vor.u32 v1, v4  }
0x458: {  	p1 =	sne.s32 s0, $0xC0;
	v3 =	vor.u32 v3, v4  }
.Ltmp28:
0x459: {  	_ = 	snop;
	(pc) =	sbr.rel @p1 .LBB2_54-.Ltmp28, $2  }
0x45a: {  	_ =	sdelay $0x2  }
0x45b: {  	s0 =	sadd.s32 $0x40, s0;
	[tilespmem:v3+s16+$0x0] =	vst.idx.add.s32.msk $0xffff, v2  }
0x45c: {  	p4 =	por $0x0, $0x0  }
.Ltmp29:
0x45d: {  	_ = 	snop;
	(pc) =	sbr.rel @p4 .LBB2_56-.Ltmp29, $4  }
0x45e: {  	_ = 	snop  }
0x45f: {  	s30 =	sand.u32 $0xF0, s21  }
0x460: {  	s23 =	simm.s32 $0x10;
	v4 =	vld [tilespmem:s30+$0x13900]  }
0x461: {  	p1 =	por $0x0, $0x0;
	p2 =	por $0x0, $0x0;
	p3 =	por $0x0, $0x0;
	v7 =	vld [tilespmem:s30+$0x13A00]  }
0x462: {  	v3 =	vld [tilespmem:s30+$0x13B00]  }
0x463: {  	v5 =	vld [tilespmem:s30+$0x13C00]  }
0x464: {  	v6 =	vld [tilespmem:s30+$0x13D00]  }
0x465: {  	v8 =	vld [tilespmem:s30+$0x13E00]  }
0x466: {  	v4 =	vadd.s32 v4, v7;
	v7 =	vld [tilespmem:s30+$0x13F00]  }
0x467: {  	v3 =	vadd.s32 v4, v3;
	v4 =	vld [tilespmem:s30+$0x14000]  }
0x468: {  	v3 =	vadd.s32 v3, v5;
	v5 =	vld [tilespmem:s30+$0x14100]  }
0x469: {  	v3 =	vadd.s32 v3, v6;
	v6 =	vld [tilespmem:s30+$0x14200]  }
0x46a: {  	v3 =	vadd.s32 v3, v8;
	v8 =	vld [tilespmem:s30+$0x14300]  }
0x46b: {  	v3 =	vadd.s32 v3, v7;
	v7 =	vld [tilespmem:s30+$0x14400]  }
0x46c: {  	v9 =	vld [tilespmem:s30+$0x14500];
	p4 =	por $0x0, $0x0;
	v3 =	vadd.s32 v3, v4  }
.Ltmp30:
0x46d: {  	v4 =	vadd.s32 v3, v5;
	v3 =	vld [tilespmem:s30+$0x14600];
	(pc) =	sbr.rel @p4 .LBB2_58-.Ltmp30, $4  }
0x46e: {  	v5 =	vld [tilespmem:s30+$0x14700];
	v4 =	vadd.s32 v4, v6  }
0x46f: {  	s0 =	sand.u32 $0xF0, s23;
	v6 =	vld [tilespmem:s30+$0x14800];
	v8 =	vadd.s32 v4, v8  }
0x470: {  	v4 =	vld [tilespmem:s0+$0x13900];
	v8 =	vadd.s32 v8, v7  }
0x471: {  	s22 =	simm.s32 $0x20;
	p1 =	por $0x1, $0x1;
	v7 =	vld [tilespmem:s0+$0x13A00];
	v8 =	vadd.s32 v8, v9  }
0x472: {  	v9 =	vld [tilespmem:s0+$0x13B00]  }
0x473: {  	v3 =	vadd.s32 v8, v3;
	v8 =	vld [tilespmem:s0+$0x13C00]  }
0x474: {  	v3 =	vadd.s32 v3, v5;
	v5 =	vld [tilespmem:s0+$0x13D00]  }
0x475: {  	v3 =	vadd.s32 v3, v6;
	v6 =	vld [tilespmem:s0+$0x13E00]  }
0x476: {  	(xrf0) =	vadd.scan.msk.s32 $0xffff, v3;
	v3 =	vadd.s32 v4, v7;
	v4 =	vld [tilespmem:s0+$0x13F00]  }
0x477: {  	v7 =	vld [tilespmem:s0+$0x14000];
	v3 =	vadd.s32 v3, v9  }
0x478: {  	v3 =	vadd.s32 v3, v8;
	v8 =	vld [tilespmem:s0+$0x14100]  }
0x479: {  	v3 =	vadd.s32 v3, v5;
	v5 =	vld [tilespmem:s0+$0x14200]  }
0x47a: {  	v3 =	vadd.s32 v3, v6;
	v6 =	vld [tilespmem:s0+$0x14300]  }
0x47b: {  	v3 =	vadd.s32 v3, v4;
	v4 =	vld [tilespmem:s0+$0x14400]  }
0x47c: {  	v10 =	vld [tilespmem:s0+$0x14500];
	p4 =	por $0x0, $0x0;
	v9, _, _ =	vpop (xrf0);
	v3 =	vadd.s32 v3, v7  }
.Ltmp31:
0x47d: {  	v7 =	vadd.s32 v3, v8;
	v3 =	vld [tilespmem:s0+$0x14600];
	v8 =	vadd.s32 s21, v9;
	(pc) =	sbr.rel @p4 .LBB2_60-.Ltmp31, $4  }
0x47e: {  	v7 =	vadd.s32 v7, v5;
	v5 =	vld [tilespmem:s0+$0x14700];
	vm0 =	vlt.s32 v8, $0x6D61;
	v8 =	vxor.u32 $0x80000000, v9  }
0x47f: {  	s30 =	sand.u32 $0xF0, s22;
	v7 =	vadd.s32 v7, v6;
	v6 =	vld [tilespmem:s0+$0x14800];
	v8 =	vnsel vm0, $0x80000000, v8  }
0x480: {  	v11 =	vsel vm0, $0x1, v0;
	v12 =	vadd.s32 v7, v4;
	v4 =	vld [tilespmem:s30+$0x13900];
	(xrf0) =	vmax.scan.msk.u32 $0xffff, v8  }
0x481: {  	s31 =	simm.s32 $0x30;
	p2 =	por $0x1, $0x1;
	(v2sf) =	vpush v9, $0xF;
	v7 =	vld [tilespmem:s30+$0x13A00];
	v8 =	vadd.s32 v12, v10;
	(xrf0) =	vadd.scan.msk.s32 $0xffff, v11  }
0x482: {  	_ =	sdelay $0x3  }
0x483: {  	v9 =	vld [tilespmem:s30+$0x13B00]  }
0x484: {  	v3 =	vadd.s32 v8, v3  }
0x485: {  	v8 =	vld [tilespmem:s30+$0x13C00];
	v3 =	vadd.s32 v3, v5  }
0x486: {  	v5 =	vld [tilespmem:s30+$0x13D00];
	v3 =	vadd.s32 v3, v6  }
0x487: {  	v6 =	vld [tilespmem:s30+$0x13E00];
	(xrf0) =	vadd.scan.msk.s32 $0xffff, v3;
	v3 =	vadd.s32 v4, v7  }
0x488: {  	v4 =	vld [tilespmem:s30+$0x13F00];
	v3 =	vadd.s32 v3, v9;
	v9, _, _ =	vpop (xrf0)  }
0x489: {  	v7 =	vld [tilespmem:s30+$0x14000];
	v10, _, _ =	vpop (xrf0);
	(v2sf) =	vpush v9, $0xF  }
0x48a: {  	v3 =	vadd.s32 v3, v8;
	v8 =	vld [tilespmem:s30+$0x14100];
	(v2sf) =	vpush v10, $0xF  }
0x48b: {  	v3 =	vadd.s32 v3, v5;
	v5 =	vld [tilespmem:s30+$0x14200]  }
0x48c: {  	v3 =	vadd.s32 v3, v6;
	v6 =	vld [tilespmem:s30+$0x14300]  }
0x48d: {  	v3 =	vadd.s32 v3, v4;
	v4 =	vld [tilespmem:s30+$0x14400];
	v11, _, _ =	vpop (xrf0);
	s0 =	spop (v2sf)  }
0x48e: {  	v12 =	vld [tilespmem:s30+$0x14500];
	p4 =	por $0x0, $0x0;
	v3 =	vadd.s32 v3, v7;
	(v2sf) =	vpush v11, $0xF;
	s24 =	sadd.s32 $0x0, s0  }
.Ltmp32:
0x48f: {  	v7 =	vadd.s32 v3, v8;
	v3 =	vld [tilespmem:s30+$0x14600];
	v8 =	vadd.s32 s24, v11;
	(pc) =	sbr.rel @p4 .LBB2_62-.Ltmp32, $4  }
0x490: {  	v7 =	vadd.s32 v7, v5;
	v5 =	vld [tilespmem:s30+$0x14700];
	vm0 =	vlt.s32 v8, $0x6D61;
	v8 =	vxor.u32 $0x80000000, v11  }
0x491: {  	s1 =	sand.u32 $0xF0, s31;
	v7 =	vadd.s32 v7, v6;
	v6 =	vld [tilespmem:s30+$0x14800];
	v8 =	vnsel vm0, $0x80000000, v8  }
0x492: {  	p3 =	por $0x1, $0x1;
	s26 =	simm.s32 $0x0;
	s29 =	simm.s32 $0x0;
	v10 =	vadd.s32 v7, v4;
	v4 =	vld [tilespmem:s1+$0x13900];
	v9 =	vsel vm0, $0x1, v0;
	(xrf0) =	vmax.scan.msk.u32 $0xffff, v8  }
0x493: {  	s25 =	simm.s32 $0x0;
	s28 =	simm.s32 $0x0;
	v7 =	vld [tilespmem:s1+$0x13A00];
	s0 =	simm.s32 $0x40;
	v8 =	vadd.s32 v10, v12;
	(xrf0) =	vadd.scan.msk.s32 $0xffff, v9  }
.LBB2_63:
0x494: {  	p4 =	seq.s32 s0, $0xF0;
	v9 =	vld [tilespmem:s1+$0x13B00];
	v3 =	vadd.s32 v8, v3  }
0x495: {  	v8 =	vld [tilespmem:s1+$0x13C00];
	v3 =	vadd.s32 v3, v5  }
0x496: {  	v5 =	vld [tilespmem:s1+$0x13D00];
	v3 =	vadd.s32 v3, v6  }
0x497: {  	v6 =	vld [tilespmem:s1+$0x13E00];
	(xrf0) =	vadd.scan.msk.s32 $0xffff, v3  }
0x498: {  	p5 =	slt.s32 s26, $0x6D61;
	p6 =	sgt.s32 s24, $0x6D60;
	v3 =	vadd.s32 v4, v7;
	v4 =	vld [tilespmem:s1+$0x13F00];
	v7, _, _ =	vpop (xrf0);
	s3 =	spop (v2sf)  }
0x499: {  	p5 =	por !p5, !p6;
	v3 =	vadd.s32 v3, v9;
	v9 =	vld [tilespmem:s1+$0x14000];
	v10, _, _ =	vpop (xrf0);
	(v2sf) =	vpush v7, $0xF;
	s3 =	sadd.s32 s3, s26;
	s4 =	spop (v2sf)  }
0x49a: {  	p5 =	por !p5, !p5;
	v3 =	vadd.s32 v3, v8;
	v7 =	vld [tilespmem:s1+$0x14100];
	(v2sf) =	vpush v10, $0xF;
	s3 =	sadd.s32 $0x80000000, s3;
	s4 =	sadd.s32 s29, s4  }
0x49b: {  	s26 =	smov.u32 s24;
	v3 =	vadd.s32 v3, v5;
	v5 =	vld [tilespmem:s1+$0x14200];
	s25 =	smov.u32 @p5 s4;
	s28 =	smov.u32 @p5 s3  }
0x49c: {  	s29 =	smov.u32 s23;
	s23 =	smov.u32 s22;
	s22 =	smov.u32 s31;
	v3 =	vadd.s32 v3, v6;
	v6 =	vld [tilespmem:s1+$0x14300]  }
0x49d: {  	s31 =	smov.u32 s0;
	v3 =	vadd.s32 v3, v4;
	v8 =	vld [tilespmem:s1+$0x14400];
	v4, _, _ =	vpop (xrf0);
	s3 =	spop (v2sf)  }
0x49e: {  	v3 =	vadd.s32 v3, v9;
	v9 =	vld [tilespmem:s1+$0x14500];
	(v2sf) =	vpush v4, $0xF;
	s24 =	sadd.s32 s24, s3  }
.Ltmp33:
0x49f: {  	v7 =	vadd.s32 v3, v7;
	v3 =	vld [tilespmem:s1+$0x14600];
	v10 =	vadd.s32 s24, v4;
	(pc) =	sbr.rel @!p4 .LBB2_63-.Ltmp33, $4  }
0x4a0: {  	v4 =	vxor.u32 $0x80000000, v4;
	v7 =	vadd.s32 v7, v5;
	v5 =	vld [tilespmem:s1+$0x14700];
	vm0 =	vlt.s32 v10, $0x6D61  }
0x4a1: {  	v7 =	vadd.s32 v7, v6;
	v6 =	vld [tilespmem:s1+$0x14800];
	s1 =	sand.u32 $0xF0, s0;
	v10 =	vsel vm0, $0x1, v0;
	v11 =	vnsel vm0, $0x80000000, v4  }
0x4a2: {  	v4 =	vld [tilespmem:s1+$0x13900];
	v8 =	vadd.s32 v7, v8;
	(xrf0) =	vmax.scan.msk.u32 $0xffff, v11  }
0x4a3: {  	s0 =	sadd.s32 $0x10, s0;
	v7 =	vld [tilespmem:s1+$0x13A00];
	v8 =	vadd.s32 v8, v9;
	(xrf0) =	vadd.scan.msk.s32 $0xffff, v10  }
0x4a4: {  	s0 =	smov.u32 s23;
	s30 =	smov.u32 s1;
	s23 =	smov.u32 s31  }
.LBB2_65:
0x4a5: {  	v3 =	vadd.s32 @p1 v8, v3  }
0x4a6: {  	v3 =	vadd.s32 @p1 v3, v5  }
0x4a7: {  	v49 =	vld [tilespmem:s30+$0x13B00];
	v3 =	vadd.s32 @p1 v3, v6  }
0x4a8: {  	v50 =	vld [tilespmem:s30+$0x13C00];
	(xrf0) =	vadd.scan.msk.s32 @p1 $0xffff, v3  }
0x4a9: {  	v3 =	vld [tilespmem:s30+$0x13D00]  }
0x4aa: {  	v51 =	vld [tilespmem:s30+$0x13E00]  }
0x4ab: {  	v52 =	vld [tilespmem:s30+$0x13F00];
	v4 =	vadd.s32 v4, v7  }
0x4ac: {  	v53 =	vld [tilespmem:s30+$0x14000];
	v9, _, _ =	vpop @p2 (xrf0);
	v4 =	vadd.s32 v4, v49  }
0x4ad: {  	v54 =	vld [tilespmem:s30+$0x14100];
	v10, _, _ =	vpop @p2 (xrf0);
	(v2sf) =	vpush @p2 v9, $0xF;
	v4 =	vadd.s32 v4, v50  }
0x4ae: {  	v55 =	vld [tilespmem:s30+$0x14200];
	(v2sf) =	vpush @p2 v10, $0xF;
	v3 =	vadd.s32 v4, v3;
	v9, _, _ =	vpop @p1 (xrf0)  }
0x4af: {  	v56 =	vld [tilespmem:s30+$0x14300];
	v3 =	vadd.s32 v3, v51;
	(v2sf) =	vpush @p1 v9, $0xF  }
0x4b0: {  	v57 =	vld [tilespmem:s30+$0x14400];
	s3 =	spop @p3 (v2sf);
	v3 =	vadd.s32 v3, v52  }
0x4b1: {  	v58 =	vld [tilespmem:s30+$0x14500];
	s4 =	spop @p3 (v2sf);
	v3 =	vadd.s32 v3, v53  }
0x4b2: {  	v59 =	vld [tilespmem:s30+$0x14600];
	s1 =	spop @p2 (v2sf);
	v3 =	vadd.s32 v3, v54  }
0x4b3: {  	s31 =	smov.u32 s21;
	v60 =	vld [tilespmem:s30+$0x14700];
	s1 =	sadd.s32 @p2 s24, s1;
	v3 =	vadd.s32 v3, v55  }
0x4b4: {  	v61 =	vld [tilespmem:s30+$0x14800];
	s31 =	smov.u32 @p2 s1;
	v3 =	vadd.s32 v3, v56  }
0x4b5: {  	v10 =	vadd.s32 @p1 s31, v9;
	v3 =	vadd.s32 v3, v57  }
0x4b6: {  	v7 =	vxor.u32 @p1 $0x80000000, v9;
	vm0 =	vlt.s32 @p1 v10, $0x6D61;
	v3 =	vadd.s32 v3, v58  }
0x4b7: {  	v5 =	vnsel @p1 vm0, $0x80000000, v7;
	v3 =	vadd.s32 v3, v59  }
0x4b8: {  	v6 =	vsel @p1 vm0, $0x1, v0;
	(xrf0) =	vmax.scan.msk.u32 @p1 $0xffff, v5;
	v3 =	vadd.s32 v3, v60  }
0x4b9: {  	(xrf0) =	vadd.scan.msk.s32 @p1 $0xffff, v6;
	v3 =	vadd.s32 v3, v61  }
0x4ba: {  	(xrf0) =	vadd.scan.msk.s32 $0xffff, v3;
	_ =	sdelay $0x1  }
0x4bb: {  	s10 =	spop @p2 (v2sf)  }
0x4bc: {  	s15 =	spop @p2 (v2sf)  }
0x4bd: {  	v3, _, _ =	vpop @p1 (xrf0);
	s1 =	spop @p1 (v2sf)  }
0x4be: {  	v4, _, _ =	vpop @p1 (xrf0);
	s30 =	sadd.s32 @p1 s31, s1;
	s1 =	smov.u32 s21  }
0x4bf: {  	v62, _, _ =	vpop (xrf0);
	s1 =	smov.u32 @p1 s30  }
0x4c0: {  	(v2sf) =	vpush @p1 v3, $0xF;
	v3 =	vadd.s32 s1, v62  }
0x4c1: {  	vm15 =	vlt.s32 v3, $0x6D61;
	v3 =	vxor.u32 $0x80000000, v62  }
0x4c2: {  	v3 =	vnsel vm15, $0x80000000, v3  }
0x4c3: {  	(xrf0) =	vmax.scan.msk.u32 $0xffff, v3;
	_ =	sdelay $0x1  }
0x4c4: {  	p4 =	slt.s32 @p3 s26, $0x6D61;
	p5 =	sgt.s32 @p3 s24, $0x6D60  }
0x4c5: {  	p4 =	por @p3 !p4, !p5  }
0x4c6: {  	p4 =	por @p3 !p4, !p4;
	(v2sf) =	vpush @p1 v4, $0xF  }
0x4c7: {  	p4 =	por !p4, !p3;
	s3 =	sadd.s32 @p3 s3, s26;
	s4 =	sadd.s32 @p3 s29, s4;
	(v2sf) =	vpush v62, $0xF  }
0x4c8: {  	s3 =	sadd.s32 @p3 $0x80000000, s3;
	s4 =	smov.u32 @p4 s25;
	s25 =	smov.u32 s21;
	v3, _, _ =	vpop (xrf0)  }
0x4c9: {  	s26 =	smov.u32 s21;
	s3 =	smov.u32 @p4 s28;
	s25 =	smov.u32 @p3 s4;
	v63 =	vsel vm15, $0x1, v0;
	(v2sf) =	vpush v3, $0xF  }
0x4ca: {  	s4 =	smov.u32 @p1 s22;
	s26 =	smov.u32 @p3 s3;
	s3 =	smov.u32 s21;
	(xrf0) =	vadd.scan.msk.s32 $0xffff, v63  }
0x4cb: {  	s3 =	smov.u32 @p1 s4;
	s4 =	smov.u32 @p2 s24  }
0x4cc: {  	s0 =	smov.u32 @p2 s0;
	s4 =	smov.u32 @p2 s4  }
0x4cd: {  	p3 =	slt.s32 @p2 s4, $0x6D61;
	p4 =	sgt.s32 @p2 s31, $0x6D60;
	s22 =	smov.u32 @p1 s31  }
0x4ce: {  	s24 =	smov.u32 s21;
	p3 =	por @p2 !p3, !p4;
	s22 =	smov.u32 @p1 s22  }
0x4cf: {  	p3 =	por @p2 !p3, !p3;
	p4 =	slt.s32 @p1 s22, $0x6D61;
	s4 =	sadd.s32 @p2 s10, s4  }
0x4d0: {  	p3 =	por !p3, !p2;
	s0 =	sadd.s32 @p2 s0, s15;
	s4 =	sadd.s32 @p2 $0x80000000, s4;
	v4, _, _ =	vpop (xrf0)  }
0x4d1: {  	s0 =	smov.u32 @p3 s25;
	s4 =	smov.u32 @p3 s26;
	p5 =	sgt.s32 @p1 s1, $0x6D60;
	(v2sf) =	vpush v4, $0xF  }
0x4d2: {  	s24 =	smov.u32 @p2 s0;
	s0 =	smov.u32 s21;
	p3 =	por @p1 !p4, !p5  }
0x4d3: {  	s3 =	smov.u32 @p1 s3;
	s0 =	smov.u32 @p2 s4;
	p3 =	por @p1 !p3, !p3  }
0x4d4: {  	p5 =	slt.s32 s1, $0x6D61;
	p3 =	por !p3, !p1;
	s10 =	spop @p1 (v2sf)  }
0x4d5: {  	s15 =	spop @p1 (v2sf);
	s10 =	sadd.s32 @p1 s10, s22;
	s22 =	smov.u32 s21  }
0x4d6: {  	s3 =	sadd.s32 @p1 s3, s15;
	s4 =	sadd.s32 @p1 $0x80000000, s10;
	s29 =	spop (v2sf)  }
0x4d7: {  	s3 =	smov.u32 @p3 s24;
	s4 =	smov.u32 @p3 s0;
	s0 =	sadd.s32 s1, s29  }
0x4d8: {  	s22 =	smov.u32 @p1 s3;
	p6 =	sgt.s32 s0, $0x6D60;
	s30 =	spop (v2sf)  }
0x4d9: {  	s21 =	smov.u32 @p1 s4;
	p1 =	por !p5, !p6;
	s0 =	sadd.s32 s30, s1  }
0x4da: {  	p1 =	por !p1, !p1;
	s0 =	sadd.s32 $0x80000000, s0  }
0x4db: {  	s21 =	smov.u32 @p1 s0;
	s0 =	simm.s32 $0x13940  }
0x4dc: {  	[tilespmem:s0+$0xFFFFFFC0] =	vst v0  }
0x4dd: {  	[tilespmem:s0+$0x30] =	vst v0  }
0x4de: {  	[tilespmem:s0+$0x20] =	vst v0  }
0x4df: {  	[tilespmem:s0+$0x10] =	vst v0  }
0x4e0: {  	s31 =	spop (v2sf);
	[tilespmem:s0+$0x0] =	vst v0  }
0x4e1: {  	s1 =	sadd.s32 s23, s31;
	[tilespmem:s0+$0xFFFFFFF0] =	vst v0  }
0x4e2: {  	s22 =	smov.u32 @p1 s1;
	s1 =	simm.s32 $0x0;
	[tilespmem:s0+$0xFFFFFFE0] =	vst v0  }
.LBB2_66:
0x4e3: {  	s1 =	sadd.s32 $0x8, s1;
	[tilespmem:s0+$0xFFFFFFD0] =	vst v0;
	s0 =	sadd.s32 $0x80, s0  }
0x4e4: {  	[tilespmem:s0+$0xFFFFFFC0] =	vst v0;
	p1 =	slt.u32 s1, $0xF8  }
0x4e5: {  	[tilespmem:s0+$0x30] =	vst v0  }
.Ltmp34:
0x4e6: {  	[tilespmem:s0+$0x20] =	vst v0;
	(pc) =	sbr.rel @p1 .LBB2_66-.Ltmp34, $4  }
0x4e7: {  	[tilespmem:s0+$0x10] =	vst v0  }
0x4e8: {  	[tilespmem:s0+$0x0] =	vst v0  }
0x4e9: {  	[tilespmem:s0+$0xFFFFFFF0] =	vst v0  }
0x4ea: {  	[tilespmem:s0+$0xFFFFFFE0] =	vst v0  }
0x4eb: {  	[tilespmem:s0+$0xFFFFFFD0] =	vst v0;
	s31 =	simm.s32 $0x80  }
0x4ec: {  	v4 =	vld [tilespmem:s31+$0x40]  }
0x4ed: {  	v5 =	vld [tilespmem:s31+$0x50]  }
0x4ee: {  	v6 =	vld [tilespmem:s31+$0xFFFFFFE0]  }
0x4ef: {  	v8 =	vld [tilespmem:s31+$0xFFFFFFB0]  }
0x4f0: {  	v10 =	vld [tilespmem:s31+$0xFFFFFFD0]  }
0x4f1: {  	v13 =	vld [tilespmem:s31+$0xFFFFFFA0];
	_ =	sdelay $0x2  }
0x4f2: {  	v3 =	vmov s22;
	v4 =	vand.u32 $0x7FFFFFFF, v4;
	v5 =	vand.u32 $0x7FFFFFFF, v5  }
0x4f3: {  	v6 =	vand.u32 $0x7FFFFFFF, v6;
	v20 =	vand.u32 $0x7FFFFFFF, v10;
	v8 =	vand.u32 $0x7FFFFFFF, v8  }
0x4f4: {  	v7 =	vld [tilespmem:s31+$0x0];
	v19 =	vand.u32 $0x7FFFFFFF, v13;
	v9 =	vshrl.u32 v4, $0xF;
	v11 =	vshrl.u32 v4, $0x17  }
0x4f5: {  	v12 =	vshrl.u32 v5, $0xF;
	v5 =	vshrl.u32 v5, $0x17;
	v14 =	vshrl.u32 v6, $0xF  }
0x4f6: {  	v6 =	vshrl.u32 v6, $0x17;
	v13 =	vshrl.u32 v8, $0xF;
	v16 =	vshrl.u32 v19, $0xF  }
0x4f7: {  	v22 =	vshrl.u32 v8, $0x17;
	v4 =	vand.u32 $0xFF, v9;
	v9 =	vld [tilespmem:s31+$0xFFFFFFC0];
	vm1 =	veq.s32 v5, v3  }
0x4f8: {  	v5 =	vand.u32 $0xFF, v12;
	vm3 =	veq.s32 v11, v3;
	v12 =	vld [tilespmem:s31+$0xFFFFFFF0];
	v10 =	vand.u32 $0xFF, v14  }
0x4f9: {  	v17 =	vand.u32 $0xFF, v13;
	v15 =	vor.u32 v1, v5;
	v5 =	vand.u32 $0x7FFFFFFF, v7;
	v7 =	vld [tilespmem:s31+$0xFFFFFF90]  }
0x4fa: {  	v23 =	vand.u32 $0xFF, v16;
	vm8 =	veq.s32 v6, v3;
	vm4 =	veq.s32 v22, v3  }
0x4fb: {  	v18 =	vld [tilespmem:s31+$0x70];
	v4 =	vor.u32 v1, v4;
	v10 =	vor.u32 v1, v10;
	v11 =	vshrl.u32 v5, $0x17  }
0x4fc: {  	v6 =	vor.u32 v1, v23;
	v5 =	vshrl.u32 v5, $0xF;
	vm0 =	veq.s32 v11, v3  }
0x4fd: {  	v8 =	vld [tilespmem:s31+$0x10];
	v11 =	vand.u32 $0x7FFFFFFF, v9;
	v9 =	vand.u32 $0xFF, v5;
	v14 =	vand.u32 $0x7FFFFFFF, v12  }
0x4fe: {  	v16 =	vld [tilespmem:s31+$0x30];
	v5 =	vshrl.u32 v20, $0xF;
	v7 =	vand.u32 $0x7FFFFFFF, v7;
	v13 =	vshrl.u32 v14, $0xF  }
0x4ff: {  	[tilespmem:v15+s16+$0x0] =	vst.idx.add.s32.msk vm1, v2;
	v21 =	vshrl.u32 v11, $0xF;
	v12 =	vshrl.u32 v7, $0xF;
	v7 =	vshrl.u32 v7, $0x17  }
0x500: {  	v15 =	vand.u32 $0xFF, v13;
	v13 =	vand.u32 $0x7FFFFFFF, v18;
	v18 =	vld [tilespmem:s31+$0x20];
	vm2 =	veq.s32 v7, v3  }
0x501: {  	v7 =	vand.u32 $0xFF, v12;
	v12 =	vshrl.u32 v19, $0x17;
	v19 =	vld [tilespmem:s31+$0xFFFFFF80];
	v22 =	vshrl.u32 v13, $0x17  }
0x502: {  	s23 =	simm.s32 $0x0;
	s24 =	simm.s32 $0x180;
	v7 =	vor.u32 v1, v7;
	vm1 =	veq.s32 v12, v3;
	v12 =	vshrl.u32 v20, $0x17;
	v20 =	vld [tilespmem:s31+$0x60]  }
.LBB2_68:
0x503: {  	v17 =	vor.u32 v1, v17  }
0x504: {  	v23 =	vld [tilespmem:s24+$0x40];
	s23 =	sadd.s32 $0x10, s23;
	v11 =	vshrl.u32 v11, $0x17;
	v8 =	vand.u32 $0x7FFFFFFF, v8;
	vm7 =	vmmov vm3  }
0x505: {  	v24 =	vld [tilespmem:s24+$0xFFFFFFF0];
	p1 =	slt.u32 s23, $0x9B0;
	vm6 =	veq.s32 v11, v3;
	v11 =	vshrl.u32 v14, $0x17;
	v14 =	vshrl.u32 v8, $0xF  }
0x506: {  	v21 =	vand.u32 $0xFF, v21;
	vm5 =	veq.s32 v12, v3;
	vm3 =	veq.s32 v22, v3;
	v25 =	vld [tilespmem:s24+$0xFFFFFF90]  }
0x507: {  	v15 =	vor.u32 v1, v15;
	v9 =	vor.u32 v1, v9;
	v16 =	vand.u32 $0x7FFFFFFF, v16;
	v12 =	vld [tilespmem:s24+$0xFFFFFFA0]  }
0x508: {  	v18 =	vand.u32 $0x7FFFFFFF, v18;
	v19 =	vand.u32 $0x7FFFFFFF, v19;
	v22 =	vld [tilespmem:s24+$0xFFFFFFB0];
	v20 =	vand.u32 $0x7FFFFFFF, v20  }
0x509: {  	v14 =	vand.u32 $0xFF, v14;
	v26 =	vld [tilespmem:s24+$0xFFFFFFC0];
	v23 =	vand.u32 $0x7FFFFFFF, v23;
	v27 =	vshrl.u32 v20, $0x17  }
0x50a: {  	v13 =	vshrl.u32 v13, $0xF;
	v29 =	vshrl.u32 v19, $0x17;
	v20 =	vshrl.u32 v20, $0xF;
	v28 =	vld [tilespmem:s24+$0xFFFFFFD0]  }
0x50b: {  	v13 =	vand.u32 $0xFF, v13;
	vm9 =	veq.s32 v29, v3;
	v20 =	vand.u32 $0xFF, v20;
	v30 =	vld [tilespmem:s24+$0x50]  }
0x50c: {  	v19 =	vshrl.u32 v19, $0xF;
	v31 =	vshrl.u32 v23, $0xF;
	v23 =	vshrl.u32 v23, $0x17;
	v29 =	vld [tilespmem:s24+$0xFFFFFFE0]  }
0x50d: {  	v5 =	vand.u32 $0xFF, v5;
	v33 =	vshrl.u32 v16, $0xF;
	v13 =	vor.u32 v1, v13;
	v32 =	vld [tilespmem:s24+$0x0]  }
0x50e: {  	v21 =	vor.u32 v1, v21;
	v31 =	vand.u32 $0xFF, v31;
	[tilespmem:v10+s16+$0x0] =	vst.idx.add.s32.msk vm8, v2;
	v10 =	vshrl.u32 v16, $0x17  }
0x50f: {  	v19 =	vand.u32 $0xFF, v19;
	v16 =	vor.u32 v1, v31;
	[tilespmem:v9+s16+$0x0] =	vst.idx.add.s32.msk vm0, v2;
	v9 =	vand.u32 $0xFF, v33  }
0x510: {  	v19 =	vor.u32 v1, v19;
	vm8 =	veq.s32 v11, v3;
	v30 =	vand.u32 $0x7FFFFFFF, v30;
	v31 =	vld [tilespmem:s24+$0x70]  }
0x511: {  	v11 =	vshrl.u32 v30, $0xF;
	v30 =	vshrl.u32 v30, $0x17;
	[tilespmem:v7+s16+$0x0] =	vst.idx.add.s32.msk vm2, v2;
	v7 =	vor.u32 v1, v9  }
0x512: {  	vm0 =	veq.s32 v30, v3;
	v9 =	vand.u32 $0xFF, v11;
	v11 =	vshrl.u32 v8, $0x17;
	[tilespmem:v13+s16+$0x0] =	vst.idx.add.s32.msk vm3, v2  }
0x513: {  	vm3 =	veq.s32 v23, v3;
	v8 =	vld [tilespmem:s24+$0x10];
	v9 =	vor.u32 v1, v9;
	vm10 =	veq.s32 v11, v3  }
0x514: {  	v13 =	vor.u32 v1, v5;
	v5 =	vor.u32 v1, v14;
	v11 =	vshrl.u32 v18, $0xF;
	[tilespmem:v17+s16+$0x0] =	vst.idx.add.s32.msk vm4, v2  }
0x515: {  	vm4 =	veq.s32 v10, v3;
	[tilespmem:v6+s16+$0x0] =	vst.idx.add.s32.msk vm1, v2;
	v6 =	vshrl.u32 v18, $0x17;
	vm1 =	veq.s32 v27, v3  }
0x516: {  	v10 =	vand.u32 $0x7FFFFFFF, v32;
	[tilespmem:v19+s16+$0x0] =	vst.idx.add.s32.msk vm9, v2;
	vm2 =	veq.s32 v6, v3;
	v6 =	vor.u32 v1, v20  }
0x517: {  	v14 =	vand.u32 $0x7FFFFFFF, v29;
	v11 =	vand.u32 $0xFF, v11;
	v17 =	vshrl.u32 v10, $0x17;
	[tilespmem:v4+s16+$0x0] =	vst.idx.add.s32.msk vm7, v2;
	v4 =	vmovc v16  }
0x518: {  	v18 =	vor.u32 v1, v11;
	v20 =	vshrl.u32 v14, $0x17;
	v16 =	vshrl.u32 v14, $0xF;
	[tilespmem:v9+s16+$0x0] =	vst.idx.add.s32.msk vm0, v2  }
0x519: {  	v23 =	vand.u32 $0x7FFFFFFF, v28;
	v19 =	vand.u32 $0xFF, v16;
	vm0 =	veq.s32 v17, v3;
	[tilespmem:v5+s16+$0x0] =	vst.idx.add.s32.msk vm10, v2  }
0x51a: {  	v11 =	vand.u32 $0x7FFFFFFF, v26;
	v9 =	vshrl.u32 v10, $0xF;
	v5 =	vand.u32 $0x7FFFFFFF, v22;
	[tilespmem:v15+s16+$0x0] =	vst.idx.add.s32.msk vm8, v2  }
0x51b: {  	v10 =	vand.u32 $0x7FFFFFFF, v12;
	v9 =	vand.u32 $0xFF, v9;
	v12 =	vshrl.u32 v5, $0xF;
	[tilespmem:v21+s16+$0x0] =	vst.idx.add.s32.msk vm6, v2  }
0x51c: {  	v16 =	vshrl.u32 v10, $0xF;
	v22 =	vshrl.u32 v5, $0x17;
	v5 =	vshrl.u32 v23, $0xF;
	[tilespmem:v7+s16+$0x0] =	vst.idx.add.s32.msk vm4, v2  }
0x51d: {  	v14 =	vand.u32 $0x7FFFFFFF, v24;
	v17 =	vand.u32 $0xFF, v12;
	v7 =	vand.u32 $0x7FFFFFFF, v25;
	[tilespmem:v18+s16+$0x0] =	vst.idx.add.s32.msk vm2, v2  }
0x51e: {  	v15 =	vshrl.u32 v14, $0xF;
	v12 =	vshrl.u32 v7, $0xF;
	v7 =	vshrl.u32 v7, $0x17;
	[tilespmem:v6+s16+$0x0] =	vst.idx.add.s32.msk vm1, v2  }
.Ltmp35:
0x51f: {  	v15 =	vand.u32 $0xFF, v15;
	vm2 =	veq.s32 v7, v3;
	v6 =	vand.u32 $0xFF, v12;
	[tilespmem:v13+s16+$0x0] =	vst.idx.add.s32.msk vm5, v2;
	(pc) =	sbr.rel @p1 .LBB2_68-.Ltmp35, $4  }
0x520: {  	v7 =	vor.u32 v1, v6;
	v6 =	vand.u32 $0xFF, v16;
	v13 =	vand.u32 $0x7FFFFFFF, v31;
	v16 =	vld [tilespmem:s24+$0x30]  }
0x521: {  	v21 =	vshrl.u32 v11, $0xF;
	v12 =	vshrl.u32 v10, $0x17;
	v10 =	vor.u32 v1, v19;
	v18 =	vld [tilespmem:s24+$0x20]  }
0x522: {  	vm8 =	veq.s32 v20, v3;
	vm1 =	veq.s32 v12, v3;
	v12 =	vshrl.u32 v23, $0x17;
	v19 =	vld [tilespmem:s24+$0xFFFFFF80]  }
0x523: {  	vm4 =	veq.s32 v22, v3;
	v6 =	vor.u32 v1, v6;
	v22 =	vshrl.u32 v13, $0x17;
	v20 =	vld [tilespmem:s24+$0x60];
	s24 =	sadd.s32 $0x100, s24  }
0x524: {  	v17 =	vor.u32 v1, v17  }
0x525: {  	v11 =	vshrl.u32 v11, $0x17;
	v8 =	vand.u32 $0x7FFFFFFF, v8;
	vm5 =	vmmov vm3  }
0x526: {  	v48 =	vshrl.u32 v14, $0x17;
	v21 =	vand.u32 $0xFF, v21;
	v9 =	vor.u32 v1, v9  }
0x527: {  	v13 =	vshrl.u32 v13, $0xF;
	vm6 =	veq.s32 v22, v3;
	v15 =	vor.u32 v1, v15  }
0x528: {  	vm15 =	veq.s32 v12, v3;
	v5 =	vand.u32 $0xFF, v5;
	vm9 =	veq.s32 v11, v3  }
0x529: {  	v49 =	vshrl.u32 v8, $0xF;
	v13 =	vand.u32 $0xFF, v13;
	v16 =	vand.u32 $0x7FFFFFFF, v16  }
0x52a: {  	v8 =	vshrl.u32 v8, $0x17;
	vm11 =	veq.s32 v48, v3;
	v57 =	vor.u32 v1, v21  }
0x52b: {  	[tilespmem:v10+s16+$0x0] =	vst.idx.add.s32.msk vm8, v2;
	v5 =	vor.u32 v1, v5;
	v13 =	vor.u32 v1, v13;
	v18 =	vand.u32 $0x7FFFFFFF, v18  }
0x52c: {  	[tilespmem:v7+s16+$0x0] =	vst.idx.add.s32.msk vm2, v2;
	v14 =	vand.u32 $0xFF, v49;
	vm10 =	veq.s32 v8, v3;
	v55 =	vshrl.u32 v16, $0xF  }
0x52d: {  	[tilespmem:v6+s16+$0x0] =	vst.idx.add.s32.msk vm1, v2;
	v58 =	vshrl.u32 v16, $0x17;
	v19 =	vand.u32 $0x7FFFFFFF, v19;
	v56 =	vor.u32 v1, v14  }
0x52e: {  	v7 =	vand.u32 $0xFF, v55;
	v59 =	vshrl.u32 v18, $0xF;
	v60 =	vshrl.u32 v18, $0x17;
	[tilespmem:v9+s16+$0x0] =	vst.idx.add.s32.msk vm0, v2  }
0x52f: {  	vm12 =	veq.s32 v58, v3;
	v50 =	vshrl.u32 v19, $0x17;
	v19 =	vshrl.u32 v19, $0xF;
	[tilespmem:v17+s16+$0x0] =	vst.idx.add.s32.msk vm4, v2  }
0x530: {  	v20 =	vand.u32 $0x7FFFFFFF, v20;
	v7 =	vor.u32 v1, v7;
	vm13 =	veq.s32 v60, v3;
	[tilespmem:v4+s16+$0x0] =	vst.idx.add.s32.msk vm5, v2  }
0x531: {  	v61 =	vand.u32 $0xFF, v59;
	vm7 =	veq.s32 v50, v3;
	v51 =	vand.u32 $0xFF, v19;
	[tilespmem:v5+s16+$0x0] =	vst.idx.add.s32.msk vm15, v2  }
0x532: {  	v53 =	vshrl.u32 v20, $0x17;
	v54 =	vshrl.u32 v20, $0xF;
	v52 =	vor.u32 v1, v51;
	[tilespmem:v13+s16+$0x0] =	vst.idx.add.s32.msk vm6, v2  }
0x533: {  	v62 =	vand.u32 $0xFF, v54;
	vm14 =	veq.s32 v53, v3;
	v4 =	vor.u32 v1, v61;
	[tilespmem:v15+s16+$0x0] =	vst.idx.add.s32.msk vm11, v2  }
0x534: {  	v63 =	vor.u32 v1, v62;
	[tilespmem:v57+s16+$0x0] =	vst.idx.add.s32.msk vm9, v2  }
0x535: {  	[tilespmem:v56+s16+$0x0] =	vst.idx.add.s32.msk vm10, v2  }
0x536: {  	[tilespmem:v7+s16+$0x0] =	vst.idx.add.s32.msk vm12, v2  }
0x537: {  	[tilespmem:v52+s16+$0x0] =	vst.idx.add.s32.msk vm7, v2  }
0x538: {  	[tilespmem:v4+s16+$0x0] =	vst.idx.add.s32.msk vm13, v2  }
0x539: {  	s0 =	simm.s32 $0x0;
	[tilespmem:v63+s16+$0x0] =	vst.idx.add.s32.msk vm14, v2  }
.LBB2_70:
0x53a: {  	s1 =	sshra.s32 s0, $0x2  }
0x53b: {  	v4 =	vld [tilespmem:s1+$0x9C00];
	_ =	sdelay $0x4  }
0x53c: {  	v4 =	vand.u32 $0x7FFFFFFF, v4  }
0x53d: {  	v5 =	vshrl.u32 v4, $0xF;
	v4 =	vshrl.u32 v4, $0x17  }
0x53e: {  	vm0 =	veq.s32 v4, v3;
	v4 =	vand.u32 $0xFF, v5  }
0x53f: {  	p1 =	seq.s32 s0, $0xC0;
	v4 =	vor.u32 v1, v4  }
.Ltmp36:
0x540: {  	_ = 	snop;
	(pc) =	sbr.rel @!p1 .LBB2_70-.Ltmp36, $2  }
0x541: {  	_ =	sdelay $0x2  }
0x542: {  	s0 =	sadd.s32 $0x40, s0;
	[tilespmem:v4+s16+$0x0] =	vst.idx.add.s32.msk vm0, v2  }
0x543: {  	s23 =	ssub.s32 $0x6D60, s21;
	s21 =	simm.s32 $0x0  }
0x544: {  	s0 =	sand.u32 $0xF0, s21  }
0x545: {  	v4 =	vld [tilespmem:s0+$0x13900]  }
0x546: {  	v5 =	vld [tilespmem:s0+$0x13A00]  }
0x547: {  	v6 =	vld [tilespmem:s0+$0x13B00]  }
0x548: {  	v7 =	vld [tilespmem:s0+$0x13C00]  }
0x549: {  	v8 =	vld [tilespmem:s0+$0x13D00]  }
0x54a: {  	v9 =	vld [tilespmem:s0+$0x13E00]  }
0x54b: {  	v10 =	vld [tilespmem:s0+$0x13F00];
	v4 =	vadd.s32 v4, v5  }
0x54c: {  	v5 =	vld [tilespmem:s0+$0x14000];
	v4 =	vadd.s32 v4, v6  }
0x54d: {  	v6 =	vld [tilespmem:s0+$0x14100];
	v4 =	vadd.s32 v4, v7  }
0x54e: {  	v7 =	vld [tilespmem:s0+$0x14200];
	v4 =	vadd.s32 v4, v8  }
0x54f: {  	v8 =	vld [tilespmem:s0+$0x14300];
	v4 =	vadd.s32 v4, v9  }
0x550: {  	v9 =	vld [tilespmem:s0+$0x14400];
	v4 =	vadd.s32 v4, v10  }
0x551: {  	v10 =	vld [tilespmem:s0+$0x14500];
	v4 =	vadd.s32 v4, v5  }
0x552: {  	v5 =	vld [tilespmem:s0+$0x14600];
	v4 =	vadd.s32 v4, v6  }
0x553: {  	v6 =	vld [tilespmem:s0+$0x14700];
	v4 =	vadd.s32 v4, v7  }
0x554: {  	s24 =	simm.s32 $0x10;
	v7 =	vld [tilespmem:s0+$0x14800];
	v4 =	vadd.s32 v4, v8  }
0x555: {  	s1 =	sand.u32 $0xF0, s24;
	v4 =	vadd.s32 v4, v9  }
0x556: {  	v8 =	vld [tilespmem:s1+$0x13900];
	v4 =	vadd.s32 v4, v10  }
0x557: {  	v9 =	vld [tilespmem:s1+$0x13A00];
	v4 =	vadd.s32 v4, v5  }
0x558: {  	v10 =	vld [tilespmem:s1+$0x13B00];
	v4 =	vadd.s32 v4, v6  }
0x559: {  	v5 =	vld [tilespmem:s1+$0x13C00];
	v4 =	vadd.s32 v4, v7  }
0x55a: {  	v6 =	vld [tilespmem:s1+$0x13D00];
	(xrf0) =	vadd.scan.msk.s32 $0xffff, v4  }
0x55b: {  	v7 =	vld [tilespmem:s1+$0x13E00]  }
0x55c: {  	v8 =	vadd.s32 v8, v9  }
0x55d: {  	v8 =	vadd.s32 v8, v10  }
0x55e: {  	v5 =	vadd.s32 v8, v5  }
0x55f: {  	v4 =	vld [tilespmem:s1+$0x13F00];
	v5 =	vadd.s32 v5, v6  }
0x560: {  	v11 =	vld [tilespmem:s1+$0x14000];
	v5 =	vadd.s32 v5, v7;
	v7, _, _ =	vpop (xrf0)  }
0x561: {  	v9 =	vld [tilespmem:s1+$0x14100];
	(v2sf) =	vpush v7, $0xF  }
0x562: {  	v10 =	vld [tilespmem:s1+$0x14200]  }
0x563: {  	v8 =	vld [tilespmem:s1+$0x14300]  }
0x564: {  	v6 =	vld [tilespmem:s1+$0x14400];
	v4 =	vadd.s32 v5, v4  }
0x565: {  	v12 =	vld [tilespmem:s1+$0x14500];
	v4 =	vadd.s32 v4, v11  }
0x566: {  	v3 =	vmov s23;
	v5 =	vld [tilespmem:s1+$0x14600];
	v4 =	vadd.s32 v4, v9;
	v7 =	vadd.s32 s21, v7  }
0x567: {  	s25 =	simm.s32 $0x20;
	v11 =	vld [tilespmem:s1+$0x14700];
	v4 =	vadd.s32 v4, v10;
	vm0 =	vle.s32 v7, v3  }
0x568: {  	s15 =	sand.u32 $0xF0, s25;
	v9 =	vld [tilespmem:s1+$0x14800];
	v4 =	vadd.s32 v4, v8;
	v7 =	vsel vm0, $0x1, v0  }
0x569: {  	v10 =	vld [tilespmem:s15+$0x13900];
	v4 =	vadd.s32 v4, v6;
	(xrf0) =	vadd.scan.msk.s32 $0xffff, v7  }
0x56a: {  	v8 =	vld [tilespmem:s15+$0x13A00];
	v4 =	vadd.s32 v4, v12  }
0x56b: {  	v6 =	vld [tilespmem:s15+$0x13B00];
	v4 =	vadd.s32 v4, v5  }
0x56c: {  	v62 =	vld [tilespmem:s15+$0x13C00];
	v4 =	vadd.s32 v4, v11  }
0x56d: {  	v5 =	vld [tilespmem:s15+$0x13D00];
	v4 =	vadd.s32 v4, v9  }
0x56e: {  	v11 =	vld [tilespmem:s15+$0x13E00];
	(xrf0) =	vadd.scan.msk.s32 $0xffff, v4  }
0x56f: {  	v7 =	vadd.s32 v10, v8;
	v8 =	vld [tilespmem:s15+$0x13F00];
	v10, _, _ =	vpop (xrf0)  }
0x570: {  	v4 =	vadd.s32 v7, v6;
	v6 =	vld [tilespmem:s15+$0x14000];
	s26 =	spop (v2sf);
	(v2sf) =	vpush v10, $0xF  }
0x571: {  	v7 =	vld [tilespmem:s15+$0x14100];
	v4 =	vadd.s32 v4, v62  }
0x572: {  	v4 =	vadd.s32 v4, v5;
	v5 =	vld [tilespmem:s15+$0x14200]  }
0x573: {  	v9 =	vld [tilespmem:s15+$0x14300];
	v4 =	vadd.s32 v4, v11  }
0x574: {  	v4 =	vadd.s32 v4, v8;
	v8 =	vld [tilespmem:s15+$0x14400];
	v63, _, _ =	vpop (xrf0)  }
0x575: {  	v11 =	vld [tilespmem:s15+$0x14500];
	v4 =	vadd.s32 v4, v6;
	s28 =	sadd.s32 $0x0, s26;
	(v2sf) =	vpush v63, $0xF  }
0x576: {  	v6 =	vadd.s32 v4, v7;
	v4 =	vld [tilespmem:s15+$0x14600];
	v7 =	vadd.s32 s28, v63  }
0x577: {  	v6 =	vadd.s32 v6, v5;
	v5 =	vld [tilespmem:s15+$0x14700];
	s26 =	simm.s32 $0x30;
	vm15 =	vle.s32 v7, v3  }
0x578: {  	v6 =	vadd.s32 v6, v9;
	s31 =	sand.u32 $0xF0, s26;
	v7 =	vld [tilespmem:s15+$0x14800];
	v9 =	vsel vm15, $0x1, v0  }
0x579: {  	v10 =	vadd.s32 v6, v8;
	v6 =	vld [tilespmem:s31+$0x13900];
	(xrf0) =	vadd.scan.msk.s32 $0xffff, v9  }
0x57a: {  	s29 =	simm.s32 $0x0;
	s30 =	simm.s32 $0x0;
	s0 =	simm.s32 $0x40;
	v8 =	vld [tilespmem:s31+$0x13A00];
	v9 =	vadd.s32 v10, v11  }
.LBB2_72:
0x57b: {  	p1 =	sne.s32 s0, $0xF0;
	v10 =	vld [tilespmem:s31+$0x13B00];
	v4 =	vadd.s32 v9, v4  }
0x57c: {  	v9 =	vld [tilespmem:s31+$0x13C00];
	v4 =	vadd.s32 v4, v5  }
0x57d: {  	v5 =	vld [tilespmem:s31+$0x13D00];
	v4 =	vadd.s32 v4, v7  }
0x57e: {  	v7 =	vld [tilespmem:s31+$0x13E00];
	(xrf0) =	vadd.scan.msk.s32 $0xffff, v4  }
0x57f: {  	p2 =	sgt.s32 s28, s23;
	v4 =	vadd.s32 v6, v8;
	v6 =	vld [tilespmem:s31+$0x13F00];
	v8, _, _ =	vpop (xrf0);
	s1 =	spop (v2sf)  }
0x580: {  	s3 =	smov.u32 s21;
	v4 =	vadd.s32 v4, v10;
	v10 =	vld [tilespmem:s31+$0x14000];
	(v2sf) =	vpush v8, $0xF;
	s1 =	sadd.s32 s29, s1;
	s29 =	smov.u32 s24  }
0x581: {  	p3 =	sle.s32 s30, s23;
	s30 =	smov.u32 s28;
	v4 =	vadd.s32 v4, v9;
	v8 =	vld [tilespmem:s31+$0x14100];
	s3 =	smov.u32 @p2 s1  }
0x582: {  	s24 =	smov.u32 s25;
	s25 =	smov.u32 s26;
	v4 =	vadd.s32 v4, v5;
	v5 =	vld [tilespmem:s31+$0x14200];
	s21 =	smov.u32 @p3 s3  }
0x583: {  	s26 =	smov.u32 s0;
	v4 =	vadd.s32 v4, v7;
	v7 =	vld [tilespmem:s31+$0x14300]  }
0x584: {  	v4 =	vadd.s32 v4, v6;
	v9 =	vld [tilespmem:s31+$0x14400];
	v6, _, _ =	vpop (xrf0);
	s1 =	spop (v2sf)  }
0x585: {  	v4 =	vadd.s32 v4, v10;
	v10 =	vld [tilespmem:s31+$0x14500];
	(v2sf) =	vpush v6, $0xF;
	s28 =	sadd.s32 s28, s1  }
.Ltmp37:
0x586: {  	v8 =	vadd.s32 v4, v8;
	v4 =	vld [tilespmem:s31+$0x14600];
	v6 =	vadd.s32 s28, v6;
	(pc) =	sbr.rel @p1 .LBB2_72-.Ltmp37, $4  }
0x587: {  	v8 =	vadd.s32 v8, v5;
	v5 =	vld [tilespmem:s31+$0x14700];
	vm0 =	vle.s32 v6, v3  }
0x588: {  	v8 =	vadd.s32 v8, v7;
	v7 =	vld [tilespmem:s31+$0x14800];
	s31 =	sand.u32 $0xF0, s0;
	v11 =	vsel vm0, $0x1, v0  }
0x589: {  	v6 =	vld [tilespmem:s31+$0x13900];
	v9 =	vadd.s32 v8, v9;
	(xrf0) =	vadd.scan.msk.s32 $0xffff, v11  }
0x58a: {  	s0 =	sadd.s32 $0x10, s0;
	v8 =	vld [tilespmem:s31+$0x13A00];
	v9 =	vadd.s32 v9, v10  }
0x58b: {  	v4 =	vadd.s32 v9, v4  }
0x58c: {  	v44 =	vld [tilespmem:s31+$0x13B00];
	v4 =	vadd.s32 v4, v5  }
0x58d: {  	v45 =	vld [tilespmem:s31+$0x13C00];
	v4 =	vadd.s32 v4, v7  }
0x58e: {  	v46 =	vld [tilespmem:s31+$0x13D00];
	(xrf0) =	vadd.scan.msk.s32 $0xffff, v4  }
0x58f: {  	v47 =	vld [tilespmem:s31+$0x13E00]  }
0x590: {  	v48 =	vld [tilespmem:s31+$0x13F00];
	v6 =	vadd.s32 v6, v8  }
0x591: {  	v49 =	vld [tilespmem:s31+$0x14000];
	v6 =	vadd.s32 v6, v44  }
0x592: {  	v50 =	vld [tilespmem:s31+$0x14100];
	v5 =	vadd.s32 v6, v45  }
0x593: {  	v51 =	vld [tilespmem:s31+$0x14200];
	v10, _, _ =	vpop (xrf0);
	v5 =	vadd.s32 v5, v46  }
0x594: {  	v52 =	vld [tilespmem:s31+$0x14300];
	(v2sf) =	vpush v10, $0xF;
	v4 =	vadd.s32 v5, v47;
	v53, _, _ =	vpop (xrf0)  }
0x595: {  	v54 =	vld [tilespmem:s31+$0x14400];
	v4 =	vadd.s32 v4, v48;
	(v2sf) =	vpush v53, $0xF  }
0x596: {  	v55 =	vld [tilespmem:s31+$0x14500];
	v4 =	vadd.s32 v4, v49  }
0x597: {  	v56 =	vld [tilespmem:s31+$0x14600];
	v4 =	vadd.s32 v4, v50  }
0x598: {  	v57 =	vld [tilespmem:s31+$0x14700];
	s0 =	spop (v2sf);
	v4 =	vadd.s32 v4, v51  }
0x599: {  	v58 =	vld [tilespmem:s31+$0x14800];
	s1 =	spop (v2sf);
	v4 =	vadd.s32 v4, v52  }
0x59a: {  	s1 =	sadd.s32 s28, s1;
	v4 =	vadd.s32 v4, v54  }
0x59b: {  	v59 =	vadd.s32 s1, v53;
	v4 =	vadd.s32 v4, v55  }
0x59c: {  	vm0 =	vle.s32 v59, v3;
	v4 =	vadd.s32 v4, v56  }
0x59d: {  	v60 =	vsel vm0, $0x1, v0;
	v4 =	vadd.s32 v4, v57  }
0x59e: {  	(xrf0) =	vadd.scan.msk.s32 $0xffff, v60;
	v4 =	vadd.s32 v4, v58  }
0x59f: {  	(xrf0) =	vadd.scan.msk.s32 $0xffff, v4;
	_ =	sdelay $0x3  }
0x5a0: {  	s3 =	spop (v2sf)  }
0x5a1: {  	v61, _, _ =	vpop (xrf0);
	s4 =	spop (v2sf)  }
0x5a2: {  	v62, _, _ =	vpop (xrf0);
	s4 =	sadd.s32 s1, s4  }
0x5a3: {  	v63 =	vadd.s32 s4, v62  }
0x5a4: {  	vm15 =	vle.s32 v63, v3  }
0x5a5: {  	v3 =	vsel vm15, $0x1, v0  }
0x5a6: {  	(xrf0) =	vadd.scan.msk.s32 $0xffff, v3;
	_ =	sdelay $0x3  }
0x5a7: {  	(v2sf) =	vpush v61, $0xF;
	_ =	sdelay $0x1  }
0x5a8: {  	(v2sf) =	vpush v62, $0xF;
	v3, _, _ =	vpop (xrf0)  }
0x5a9: {  	(v2sf) =	vpush v3, $0xF;
	_ =	sdelay $0x6  }
0x5aa: {  	p1 =	sgt.s32 s28, s23;
	s10 =	smov.u32 s21;
	s0 =	sadd.s32 s29, s0  }
0x5ab: {  	p2 =	sle.s32 s30, s23;
	s10 =	smov.u32 @p1 s0  }
0x5ac: {  	s21 =	smov.u32 @p2 s10  }
0x5ad: {  	p1 =	sgt.s32 s1, s23;
	s0 =	sadd.s32 s24, s3;
	s3 =	smov.u32 s21  }
0x5ae: {  	p2 =	sle.s32 s28, s23;
	s3 =	smov.u32 @p1 s0  }
0x5af: {  	s21 =	smov.u32 @p2 s3;
	s28 =	spop (v2sf)  }
0x5b0: {  	s3 =	smov.u32 s21;
	p1 =	sgt.s32 s4, s23;
	s0 =	sadd.s32 s25, s28  }
0x5b1: {  	p2 =	sle.s32 s1, s23;
	s3 =	smov.u32 @p1 s0;
	s29 =	spop (v2sf)  }
0x5b2: {  	s21 =	smov.u32 @p2 s3;
	s0 =	sadd.s32 s4, s29;
	s30 =	spop (v2sf)  }
0x5b3: {  	s1 =	smov.u32 s21;
	p1 =	sgt.s32 s0, s23;
	s0 =	sadd.s32 s26, s30  }
0x5b4: {  	p2 =	sle.s32 s4, s23;
	s1 =	smov.u32 @p1 s0  }
0x5b5: {  	s21 =	smov.u32 @p2 s1  }
0x5b6: {  	s31 =	sshll.u32 s22, $0x17;
	s1 =	sshll.u32 s21, $0xF  }
0x5b7: {  	s0 =	sor.u32 s31, s1  }
0x5b8: {  	v3 =	vmov s0  }
0x5b9: {  	v3 =	vbroadcast v3, $0x0;
	_ =	sdelay $0x1  }
.Ltmp38:
0x5ba: {  	[tilespmem:$0x14900] =	vst v3;
	(pc) =	sbr.rel @p0 .LBB2_99-.Ltmp38, $4  }
0x5bb: {  	[hbm4b:s9+s2] =	stream.linear.scatter [tilespmem:s17], [sflag:$0x3], $0x80, $0x38;
	[tilespmem:$0x14980] =	vst v63  }
0x5bc: {  	_ =	swait.ge [sflag:s18], $0x80  }
0x5bd: {  	[sflag:s18] =	ssyncset.done $0x0  }
0x5be: {  	[sflag:s18] =	ssyncadd.s32 $0xFFFFFF80  }
0x5bf: {  	_ =	swait.ge [sflag:s19], $0x9C80  }
0x5c0: {  	[sflag:s19] =	ssyncset.done $0x0  }
0x5c1: {  	s1 =	simm.s32 $0x13940;
	[sflag:s19] =	ssyncadd.s32 $0xFFFF6380  }
0x5c2: {  	[tilespmem:s1+$0xFFFFFFC0] =	vst v0  }
0x5c3: {  	[tilespmem:s1+$0x30] =	vst v0  }
0x5c4: {  	[tilespmem:s1+$0x20] =	vst v0  }
0x5c5: {  	[tilespmem:s1+$0x10] =	vst v0  }
0x5c6: {  	[tilespmem:s1+$0x0] =	vst v0  }
0x5c7: {  	[tilespmem:s1+$0xFFFFFFF0] =	vst v0  }
0x5c8: {  	s21 =	simm.s32 $0x0;
	[tilespmem:s1+$0xFFFFFFE0] =	vst v0  }
.LBB2_75:
0x5c9: {  	s21 =	sadd.s32 $0x8, s21;
	[tilespmem:s1+$0xFFFFFFD0] =	vst v0;
	s1 =	sadd.s32 $0x80, s1  }
0x5ca: {  	[tilespmem:s1+$0xFFFFFFC0] =	vst v0;
	p1 =	slt.u32 s21, $0xF8  }
0x5cb: {  	[tilespmem:s1+$0x30] =	vst v0  }
.Ltmp39:
0x5cc: {  	[tilespmem:s1+$0x20] =	vst v0;
	(pc) =	sbr.rel @p1 .LBB2_75-.Ltmp39, $4  }
0x5cd: {  	[tilespmem:s1+$0x10] =	vst v0  }
0x5ce: {  	[tilespmem:s1+$0x0] =	vst v0  }
0x5cf: {  	[tilespmem:s1+$0xFFFFFFF0] =	vst v0  }
0x5d0: {  	s0 =	simm.s32 $0x9D00;
	[tilespmem:s1+$0xFFFFFFE0] =	vst v0  }
0x5d1: {  	[tilespmem:s1+$0xFFFFFFD0] =	vst v0  }
0x5d2: {  	v3 =	vld [tilespmem:s0+$0x70]  }
0x5d3: {  	v4 =	vld [tilespmem:s0+$0x60]  }
0x5d4: {  	v5 =	vld [tilespmem:s0+$0xFFFFFFC0]  }
0x5d5: {  	v6 =	vld [tilespmem:s0+$0xFFFFFFF0]  }
0x5d6: {  	v7 =	vld [tilespmem:s0+$0x0]  }
0x5d7: {  	v10 =	vld [tilespmem:s0+$0xFFFFFFE0]  }
0x5d8: {  	v12 =	vld [tilespmem:s0+$0xFFFFFFD0]  }
0x5d9: {  	v14 =	vld [tilespmem:s0+$0xFFFFFFA0];
	_ =	sdelay $0x2  }
0x5da: {  	v3 =	vand.u32 $0x7FFFFFFF, v3;
	v4 =	vand.u32 $0x7FFFFFFF, v4  }
0x5db: {  	v8 =	vld [tilespmem:s0+$0x10];
	v15 =	vand.u32 $0x7FFFFFFF, v7;
	v6 =	vand.u32 $0x7FFFFFFF, v6;
	v16 =	vand.u32 $0x7FFFFFFF, v10  }
0x5dc: {  	v9 =	vld [tilespmem:s0+$0x20];
	v5 =	vand.u32 $0x7FFFFFFF, v5;
	v12 =	vand.u32 $0x7FFFFFFF, v12;
	v14 =	vand.u32 $0x7FFFFFFF, v14  }
0x5dd: {  	v3 =	vshrl.u32 v3, $0x17;
	v4 =	vshrl.u32 v4, $0x17;
	v6 =	vshrl.u32 v6, $0x17  }
0x5de: {  	v11 =	vand.u32 $0x180, v3;
	v13 =	vand.u32 $0x180, v4;
	v3 =	vand.u32 $0x7F, v3  }
0x5df: {  	v4 =	vand.u32 $0x7F, v4;
	v11 =	vor.u32 v1, v11;
	v13 =	vor.u32 v1, v13  }
0x5e0: {  	v11 =	vor.u32 v3, v11;
	v3 =	vand.u32 $0x7FFFFFFF, v8;
	v8 =	vor.u32 v4, v13;
	v13 =	vld [tilespmem:s0+$0xFFFFFF90]  }
0x5e1: {  	v21 =	vshrl.u32 v5, $0x17;
	v4 =	vshrl.u32 v3, $0x17;
	v3 =	vand.u32 $0x7FFFFFFF, v9  }
0x5e2: {  	v17 =	vshrl.u32 v14, $0x17;
	v16 =	vshrl.u32 v16, $0x17;
	v3 =	vshrl.u32 v3, $0x17  }
0x5e3: {  	v12 =	vshrl.u32 v12, $0x17;
	v9 =	vshrl.u32 v15, $0x17;
	v15 =	vand.u32 $0x180, v3  }
0x5e4: {  	v18 =	vand.u32 $0x180, v17;
	v14 =	vand.u32 $0x180, v16;
	v5 =	vor.u32 v1, v15;
	v15 =	vld [tilespmem:s0+$0xFFFFFFB0]  }
0x5e5: {  	v17 =	vand.u32 $0x7F, v17;
	v22 =	vand.u32 $0x180, v21;
	v13 =	vand.u32 $0x7FFFFFFF, v13  }
0x5e6: {  	v7 =	vand.u32 $0x180, v4;
	v10 =	vand.u32 $0x180, v9;
	v19 =	vshrl.u32 v13, $0x17  }
0x5e7: {  	v20 =	vld [tilespmem:s0+$0x40];
	v13 =	vand.u32 $0x7F, v16;
	v16 =	vor.u32 v1, v18;
	v18 =	vand.u32 $0x180, v6  }
0x5e8: {  	[tilespmem:v11+s16+$0x0] =	vst.idx.add.s32.msk $0xffff, v2;
	v23 =	vand.u32 $0x7F, v19;
	v11 =	vand.u32 $0x180, v19;
	v16 =	vor.u32 v17, v16  }
0x5e9: {  	[tilespmem:v8+s16+$0x0] =	vst.idx.add.s32.msk $0xffff, v2;
	v17 =	vand.u32 $0x7F, v6;
	v6 =	vor.u32 v1, v11;
	v11 =	vand.u32 $0x7FFFFFFF, v15  }
0x5ea: {  	v19 =	vld [tilespmem:s0+$0xFFFFFF80];
	v8 =	vor.u32 v23, v6;
	v6 =	vand.u32 $0x7F, v21;
	v15 =	vand.u32 $0x180, v12  }
0x5eb: {  	v21 =	vor.u32 v1, v22;
	v12 =	vand.u32 $0x7F, v12;
	v22 =	vld [tilespmem:s0+$0x50];
	v15 =	vor.u32 v1, v15  }
0x5ec: {  	s21 =	simm.s32 $0x0;
	s22 =	simm.s32 $0x9E00;
	v11 =	vshrl.u32 v11, $0x17;
	v6 =	vor.u32 v6, v21;
	v21 =	vld [tilespmem:s0+$0x30];
	v15 =	vor.u32 v12, v15  }
.LBB2_77:
0x5ed: {  	s21 =	sadd.s32 $0x10, s21;
	[tilespmem:v16+s16+$0x0] =	vst.idx.add.s32.msk $0xffff, v2;
	v16 =	vor.u32 v1, v18;
	v9 =	vand.u32 $0x7F, v9;
	v18 =	vand.u32 $0x7FFFFFFF, v20  }
0x5ee: {  	v14 =	vor.u32 v1, v14;
	v10 =	vor.u32 v1, v10;
	v12 =	vld [tilespmem:s22+$0xFFFFFFB0];
	p1 =	slt.u32 s21, $0x9B0;
	v18 =	vshrl.u32 v18, $0x17  }
0x5ef: {  	v16 =	vor.u32 v17, v16;
	v17 =	vor.u32 v9, v10;
	v20 =	vld [tilespmem:s22+$0xFFFFFF90];
	v19 =	vand.u32 $0x7FFFFFFF, v19  }
0x5f0: {  	v10 =	vor.u32 v13, v14;
	v9 =	vand.u32 $0x7F, v18;
	v23 =	vld [tilespmem:s22+$0xFFFFFFA0];
	v13 =	vand.u32 $0x7FFFFFFF, v22  }
0x5f1: {  	v18 =	vand.u32 $0x180, v18;
	v19 =	vshrl.u32 v19, $0x17;
	v14 =	vld [tilespmem:s22+$0xFFFFFFC0];
	v13 =	vshrl.u32 v13, $0x17  }
0x5f2: {  	v18 =	vor.u32 v1, v18;
	v21 =	vand.u32 $0x7FFFFFFF, v21;
	v22 =	vld [tilespmem:s22+$0x70];
	v24 =	vand.u32 $0x180, v13  }
0x5f3: {  	v9 =	vor.u32 v9, v18;
	v21 =	vshrl.u32 v21, $0x17;
	v13 =	vand.u32 $0x7F, v13;
	v25 =	vld [tilespmem:s22+$0x60]  }
0x5f4: {  	v4 =	vand.u32 $0x7F, v4;
	v7 =	vor.u32 v1, v7;
	v26 =	vand.u32 $0x180, v21;
	v18 =	vld [tilespmem:s22+$0xFFFFFFD0]  }
0x5f5: {  	v3 =	vand.u32 $0x7F, v3;
	v21 =	vand.u32 $0x7F, v21;
	v26 =	vor.u32 v1, v26;
	v27 =	vld [tilespmem:s22+$0xFFFFFFE0]  }
0x5f6: {  	v29 =	vor.u32 v3, v5;
	v3 =	vor.u32 v1, v24;
	v5 =	vor.u32 v21, v26;
	v28 =	vld [tilespmem:s22+$0xFFFFFFF0]  }
0x5f7: {  	v24 =	vand.u32 $0x180, v19;
	v3 =	vor.u32 v13, v3;
	v21 =	vld [tilespmem:s22+$0x0];
	v22 =	vand.u32 $0x7FFFFFFF, v22  }
0x5f8: {  	v4 =	vor.u32 v4, v7;
	v24 =	vor.u32 v1, v24;
	v13 =	vld [tilespmem:s22+$0x10];
	v22 =	vshrl.u32 v22, $0x17  }
0x5f9: {  	v19 =	vand.u32 $0x7F, v19;
	v25 =	vand.u32 $0x7FFFFFFF, v25;
	v7 =	vld [tilespmem:s22+$0x20];
	v26 =	vand.u32 $0x180, v22  }
0x5fa: {  	v19 =	vor.u32 v19, v24;
	v25 =	vshrl.u32 v25, $0x17;
	v26 =	vor.u32 v1, v26;
	[tilespmem:v15+s16+$0x0] =	vst.idx.add.s32.msk $0xffff, v2  }
0x5fb: {  	v22 =	vand.u32 $0x7F, v22;
	v15 =	vand.u32 $0x180, v25;
	v24 =	vand.u32 $0x7F, v25;
	[tilespmem:v16+s16+$0x0] =	vst.idx.add.s32.msk $0xffff, v2  }
0x5fc: {  	v15 =	vor.u32 v1, v15;
	v16 =	vor.u32 v22, v26;
	v22 =	vand.u32 $0x7F, v11;
	[tilespmem:v3+s16+$0x0] =	vst.idx.add.s32.msk $0xffff, v2  }
0x5fd: {  	v21 =	vand.u32 $0x7FFFFFFF, v21;
	v15 =	vor.u32 v24, v15;
	v3 =	vand.u32 $0x7FFFFFFF, v13;
	[tilespmem:v4+s16+$0x0] =	vst.idx.add.s32.msk $0xffff, v2  }
0x5fe: {  	v11 =	vand.u32 $0x180, v11;
	v4 =	vshrl.u32 v3, $0x17;
	v3 =	vand.u32 $0x7FFFFFFF, v7;
	[tilespmem:v9+s16+$0x0] =	vst.idx.add.s32.msk $0xffff, v2  }
0x5ff: {  	v13 =	vand.u32 $0x7FFFFFFF, v28;
	v7 =	vand.u32 $0x180, v4;
	v3 =	vshrl.u32 v3, $0x17;
	[tilespmem:v5+s16+$0x0] =	vst.idx.add.s32.msk $0xffff, v2  }
0x600: {  	v24 =	vand.u32 $0x7FFFFFFF, v27;
	v9 =	vshrl.u32 v21, $0x17;
	v5 =	vor.u32 v1, v11;
	[tilespmem:v8+s16+$0x0] =	vst.idx.add.s32.msk $0xffff, v2  }
0x601: {  	v11 =	vand.u32 $0x7FFFFFFF, v18;
	v8 =	vand.u32 $0x7FFFFFFF, v14;
	v18 =	vor.u32 v22, v5;
	[tilespmem:v10+s16+$0x0] =	vst.idx.add.s32.msk $0xffff, v2  }
0x602: {  	v21 =	vshrl.u32 v13, $0x17;
	v5 =	vand.u32 $0x180, v3;
	v10 =	vand.u32 $0x180, v9;
	[tilespmem:v19+s16+$0x0] =	vst.idx.add.s32.msk $0xffff, v2  }
0x603: {  	v13 =	vand.u32 $0x7FFFFFFF, v23;
	v22 =	vshrl.u32 v8, $0x17;
	v5 =	vor.u32 v1, v5;
	[tilespmem:v6+s16+$0x0] =	vst.idx.add.s32.msk $0xffff, v2  }
0x604: {  	v8 =	vshrl.u32 v13, $0x17;
	v13 =	vshrl.u32 v24, $0x17;
	v6 =	vand.u32 $0x7FFFFFFF, v20;
	[tilespmem:v29+s16+$0x0] =	vst.idx.add.s32.msk $0xffff, v2  }
0x605: {  	v19 =	vand.u32 $0x180, v8;
	v14 =	vand.u32 $0x180, v13;
	v6 =	vshrl.u32 v6, $0x17;
	[tilespmem:v17+s16+$0x0] =	vst.idx.add.s32.msk $0xffff, v2  }
0x606: {  	v8 =	vand.u32 $0x7F, v8;
	v23 =	vand.u32 $0x180, v22;
	v13 =	vand.u32 $0x7F, v13;
	[tilespmem:v18+s16+$0x0] =	vst.idx.add.s32.msk $0xffff, v2  }
0x607: {  	v24 =	vand.u32 $0x7F, v6;
	v17 =	vor.u32 v1, v19;
	v18 =	vand.u32 $0x180, v21;
	[tilespmem:v16+s16+$0x0] =	vst.idx.add.s32.msk $0xffff, v2  }
.Ltmp40:
0x608: {  	v6 =	vand.u32 $0x180, v6;
	v16 =	vor.u32 v8, v17;
	v17 =	vand.u32 $0x7F, v21;
	v20 =	vld [tilespmem:s22+$0x40];
	(pc) =	sbr.rel @p1 .LBB2_77-.Ltmp40, $4  }
0x609: {  	v12 =	vand.u32 $0x7FFFFFFF, v12;
	v11 =	vshrl.u32 v11, $0x17;
	v6 =	vor.u32 v1, v6;
	[tilespmem:v15+s16+$0x0] =	vst.idx.add.s32.msk $0xffff, v2  }
0x60a: {  	v8 =	vor.u32 v24, v6;
	v6 =	vand.u32 $0x7F, v22;
	v15 =	vand.u32 $0x180, v11;
	v19 =	vld [tilespmem:s22+$0xFFFFFF80]  }
0x60b: {  	v21 =	vor.u32 v1, v23;
	v23 =	vand.u32 $0x7F, v11;
	v15 =	vor.u32 v1, v15;
	v22 =	vld [tilespmem:s22+$0x50]  }
0x60c: {  	v6 =	vor.u32 v6, v21;
	v11 =	vshrl.u32 v12, $0x17;
	v15 =	vor.u32 v23, v15;
	v21 =	vld [tilespmem:s22+$0x30];
	s22 =	sadd.s32 $0x100, s22  }
0x60d: {  	v18 =	vor.u32 v1, v18;
	v20 =	vand.u32 $0x7FFFFFFF, v20;
	v4 =	vand.u32 $0x7F, v4  }
0x60e: {  	v7 =	vor.u32 v1, v7;
	v14 =	vor.u32 v1, v14;
	v60 =	vand.u32 $0x7F, v9  }
0x60f: {  	v3 =	vand.u32 $0x7F, v3;
	v61 =	vor.u32 v1, v10;
	v62 =	vand.u32 $0x180, v11  }
0x610: {  	v63 =	vand.u32 $0x7F, v11;
	v17 =	vor.u32 v17, v18;
	v20 =	vshrl.u32 v20, $0x17  }
0x611: {  	v4 =	vor.u32 v4, v7;
	v13 =	vor.u32 v13, v14;
	v3 =	vor.u32 v3, v5  }
0x612: {  	[tilespmem:v16+s16+$0x0] =	vst.idx.add.s32.msk $0xffff, v2;
	v5 =	vor.u32 v1, v62;
	v19 =	vand.u32 $0x7FFFFFFF, v19;
	v52 =	vand.u32 $0x7F, v20  }
0x613: {  	[tilespmem:v15+s16+$0x0] =	vst.idx.add.s32.msk $0xffff, v2;
	v20 =	vand.u32 $0x180, v20;
	v5 =	vor.u32 v63, v5;
	v12 =	vand.u32 $0x7FFFFFFF, v22  }
0x614: {  	[tilespmem:v8+s16+$0x0] =	vst.idx.add.s32.msk $0xffff, v2;
	v20 =	vor.u32 v1, v20;
	v19 =	vshrl.u32 v19, $0x17;
	v12 =	vshrl.u32 v12, $0x17  }
0x615: {  	[tilespmem:v6+s16+$0x0] =	vst.idx.add.s32.msk $0xffff, v2;
	v21 =	vand.u32 $0x7FFFFFFF, v21;
	v54 =	vor.u32 v52, v20;
	v56 =	vand.u32 $0x180, v19  }
0x616: {  	v58 =	vand.u32 $0x7F, v19;
	v51 =	vand.u32 $0x180, v12;
	v57 =	vor.u32 v1, v56;
	[tilespmem:v17+s16+$0x0] =	vst.idx.add.s32.msk $0xffff, v2  }
0x617: {  	v12 =	vand.u32 $0x7F, v12;
	v21 =	vshrl.u32 v21, $0x17;
	v59 =	vor.u32 v58, v57;
	[tilespmem:v4+s16+$0x0] =	vst.idx.add.s32.msk $0xffff, v2  }
0x618: {  	v18 =	vor.u32 v1, v51;
	v53 =	vand.u32 $0x180, v21;
	v4 =	vor.u32 v60, v61;
	[tilespmem:v13+s16+$0x0] =	vst.idx.add.s32.msk $0xffff, v2  }
0x619: {  	v55 =	vand.u32 $0x7F, v21;
	[tilespmem:v3+s16+$0x0] =	vst.idx.add.s32.msk $0xffff, v2;
	v12 =	vor.u32 v12, v18;
	v7 =	vor.u32 v1, v53  }
0x61a: {  	[tilespmem:v5+s16+$0x0] =	vst.idx.add.s32.msk $0xffff, v2;
	v7 =	vor.u32 v55, v7  }
0x61b: {  	[tilespmem:v54+s16+$0x0] =	vst.idx.add.s32.msk $0xffff, v2  }
0x61c: {  	[tilespmem:v59+s16+$0x0] =	vst.idx.add.s32.msk $0xffff, v2  }
0x61d: {  	[tilespmem:v4+s16+$0x0] =	vst.idx.add.s32.msk $0xffff, v2  }
0x61e: {  	[tilespmem:v12+s16+$0x0] =	vst.idx.add.s32.msk $0xffff, v2  }
0x61f: {  	s21 =	simm.s32 $0x0;
	s0 =	simm.s32 $0x0;
	[tilespmem:v7+s16+$0x0] =	vst.idx.add.s32.msk $0xffff, v2  }
.LBB2_79:
0x620: {  	s1 =	sshra.s32 s0, $0x2  }
0x621: {  	v3 =	vld [tilespmem:s1+$0x13880];
	_ =	sdelay $0x4  }
0x622: {  	v3 =	vand.u32 $0x7FFFFFFF, v3  }
0x623: {  	v3 =	vshrl.u32 v3, $0x17  }
0x624: {  	v4 =	vand.u32 $0x180, v3  }
0x625: {  	v3 =	vand.u32 $0x7F, v3;
	v4 =	vor.u32 v1, v4  }
0x626: {  	p1 =	sne.s32 s0, $0xC0;
	v3 =	vor.u32 v3, v4  }
.Ltmp41:
0x627: {  	_ = 	snop;
	(pc) =	sbr.rel @p1 .LBB2_79-.Ltmp41, $2  }
0x628: {  	_ =	sdelay $0x2  }
0x629: {  	s0 =	sadd.s32 $0x40, s0;
	[tilespmem:v3+s16+$0x0] =	vst.idx.add.s32.msk $0xffff, v2  }
0x62a: {  	p4 =	por $0x0, $0x0  }
.Ltmp42:
0x62b: {  	_ = 	snop;
	(pc) =	sbr.rel @p4 .LBB2_81-.Ltmp42, $4  }
0x62c: {  	_ = 	snop  }
0x62d: {  	s30 =	sand.u32 $0xF0, s21  }
0x62e: {  	s23 =	simm.s32 $0x10;
	v4 =	vld [tilespmem:s30+$0x13900]  }
0x62f: {  	p1 =	por $0x0, $0x0;
	p2 =	por $0x0, $0x0;
	p3 =	por $0x0, $0x0;
	v7 =	vld [tilespmem:s30+$0x13A00]  }
0x630: {  	v3 =	vld [tilespmem:s30+$0x13B00]  }
0x631: {  	v5 =	vld [tilespmem:s30+$0x13C00]  }
0x632: {  	v6 =	vld [tilespmem:s30+$0x13D00]  }
0x633: {  	v8 =	vld [tilespmem:s30+$0x13E00]  }
0x634: {  	v4 =	vadd.s32 v4, v7;
	v7 =	vld [tilespmem:s30+$0x13F00]  }
0x635: {  	v3 =	vadd.s32 v4, v3;
	v4 =	vld [tilespmem:s30+$0x14000]  }
0x636: {  	v3 =	vadd.s32 v3, v5;
	v5 =	vld [tilespmem:s30+$0x14100]  }
0x637: {  	v3 =	vadd.s32 v3, v6;
	v6 =	vld [tilespmem:s30+$0x14200]  }
0x638: {  	v3 =	vadd.s32 v3, v8;
	v8 =	vld [tilespmem:s30+$0x14300]  }
0x639: {  	v3 =	vadd.s32 v3, v7;
	v7 =	vld [tilespmem:s30+$0x14400]  }
0x63a: {  	v9 =	vld [tilespmem:s30+$0x14500];
	p4 =	por $0x0, $0x0;
	v3 =	vadd.s32 v3, v4  }
.Ltmp43:
0x63b: {  	v4 =	vadd.s32 v3, v5;
	v3 =	vld [tilespmem:s30+$0x14600];
	(pc) =	sbr.rel @p4 .LBB2_83-.Ltmp43, $4  }
0x63c: {  	v5 =	vld [tilespmem:s30+$0x14700];
	v4 =	vadd.s32 v4, v6  }
0x63d: {  	s0 =	sand.u32 $0xF0, s23;
	v6 =	vld [tilespmem:s30+$0x14800];
	v8 =	vadd.s32 v4, v8  }
0x63e: {  	v4 =	vld [tilespmem:s0+$0x13900];
	v8 =	vadd.s32 v8, v7  }
0x63f: {  	s22 =	simm.s32 $0x20;
	p1 =	por $0x1, $0x1;
	v7 =	vld [tilespmem:s0+$0x13A00];
	v8 =	vadd.s32 v8, v9  }
0x640: {  	v9 =	vld [tilespmem:s0+$0x13B00]  }
0x641: {  	v3 =	vadd.s32 v8, v3;
	v8 =	vld [tilespmem:s0+$0x13C00]  }
0x642: {  	v3 =	vadd.s32 v3, v5;
	v5 =	vld [tilespmem:s0+$0x13D00]  }
0x643: {  	v3 =	vadd.s32 v3, v6;
	v6 =	vld [tilespmem:s0+$0x13E00]  }
0x644: {  	(xrf0) =	vadd.scan.msk.s32 $0xffff, v3;
	v3 =	vadd.s32 v4, v7;
	v4 =	vld [tilespmem:s0+$0x13F00]  }
0x645: {  	v7 =	vld [tilespmem:s0+$0x14000];
	v3 =	vadd.s32 v3, v9  }
0x646: {  	v3 =	vadd.s32 v3, v8;
	v8 =	vld [tilespmem:s0+$0x14100]  }
0x647: {  	v3 =	vadd.s32 v3, v5;
	v5 =	vld [tilespmem:s0+$0x14200]  }
0x648: {  	v3 =	vadd.s32 v3, v6;
	v6 =	vld [tilespmem:s0+$0x14300]  }
0x649: {  	v3 =	vadd.s32 v3, v4;
	v4 =	vld [tilespmem:s0+$0x14400]  }
0x64a: {  	v10 =	vld [tilespmem:s0+$0x14500];
	p4 =	por $0x0, $0x0;
	v9, _, _ =	vpop (xrf0);
	v3 =	vadd.s32 v3, v7  }
.Ltmp44:
0x64b: {  	v7 =	vadd.s32 v3, v8;
	v3 =	vld [tilespmem:s0+$0x14600];
	v8 =	vadd.s32 s21, v9;
	(pc) =	sbr.rel @p4 .LBB2_85-.Ltmp44, $4  }
0x64c: {  	v7 =	vadd.s32 v7, v5;
	v5 =	vld [tilespmem:s0+$0x14700];
	vm0 =	vlt.s32 v8, $0x6D61;
	v8 =	vxor.u32 $0x80000000, v9  }
0x64d: {  	s30 =	sand.u32 $0xF0, s22;
	v7 =	vadd.s32 v7, v6;
	v6 =	vld [tilespmem:s0+$0x14800];
	v8 =	vnsel vm0, $0x80000000, v8  }
0x64e: {  	v11 =	vsel vm0, $0x1, v0;
	v12 =	vadd.s32 v7, v4;
	v4 =	vld [tilespmem:s30+$0x13900];
	(xrf0) =	vmax.scan.msk.u32 $0xffff, v8  }
0x64f: {  	s31 =	simm.s32 $0x30;
	p2 =	por $0x1, $0x1;
	(v2sf) =	vpush v9, $0xF;
	v7 =	vld [tilespmem:s30+$0x13A00];
	v8 =	vadd.s32 v12, v10;
	(xrf0) =	vadd.scan.msk.s32 $0xffff, v11  }
0x650: {  	_ =	sdelay $0x3  }
0x651: {  	v9 =	vld [tilespmem:s30+$0x13B00]  }
0x652: {  	v3 =	vadd.s32 v8, v3  }
0x653: {  	v8 =	vld [tilespmem:s30+$0x13C00];
	v3 =	vadd.s32 v3, v5  }
0x654: {  	v5 =	vld [tilespmem:s30+$0x13D00];
	v3 =	vadd.s32 v3, v6  }
0x655: {  	v6 =	vld [tilespmem:s30+$0x13E00];
	(xrf0) =	vadd.scan.msk.s32 $0xffff, v3;
	v3 =	vadd.s32 v4, v7  }
0x656: {  	v4 =	vld [tilespmem:s30+$0x13F00];
	v3 =	vadd.s32 v3, v9;
	v9, _, _ =	vpop (xrf0)  }
0x657: {  	v7 =	vld [tilespmem:s30+$0x14000];
	v10, _, _ =	vpop (xrf0);
	(v2sf) =	vpush v9, $0xF  }
0x658: {  	v3 =	vadd.s32 v3, v8;
	v8 =	vld [tilespmem:s30+$0x14100];
	(v2sf) =	vpush v10, $0xF  }
0x659: {  	v3 =	vadd.s32 v3, v5;
	v5 =	vld [tilespmem:s30+$0x14200]  }
0x65a: {  	v3 =	vadd.s32 v3, v6;
	v6 =	vld [tilespmem:s30+$0x14300]  }
0x65b: {  	v3 =	vadd.s32 v3, v4;
	v4 =	vld [tilespmem:s30+$0x14400];
	v11, _, _ =	vpop (xrf0);
	s0 =	spop (v2sf)  }
0x65c: {  	v12 =	vld [tilespmem:s30+$0x14500];
	p4 =	por $0x0, $0x0;
	v3 =	vadd.s32 v3, v7;
	(v2sf) =	vpush v11, $0xF;
	s24 =	sadd.s32 $0x0, s0  }
.Ltmp45:
0x65d: {  	v7 =	vadd.s32 v3, v8;
	v3 =	vld [tilespmem:s30+$0x14600];
	v8 =	vadd.s32 s24, v11;
	(pc) =	sbr.rel @p4 .LBB2_87-.Ltmp45, $4  }
0x65e: {  	v7 =	vadd.s32 v7, v5;
	v5 =	vld [tilespmem:s30+$0x14700];
	vm0 =	vlt.s32 v8, $0x6D61;
	v8 =	vxor.u32 $0x80000000, v11  }
0x65f: {  	s1 =	sand.u32 $0xF0, s31;
	v7 =	vadd.s32 v7, v6;
	v6 =	vld [tilespmem:s30+$0x14800];
	v8 =	vnsel vm0, $0x80000000, v8  }
0x660: {  	p3 =	por $0x1, $0x1;
	s26 =	simm.s32 $0x0;
	s29 =	simm.s32 $0x0;
	v10 =	vadd.s32 v7, v4;
	v4 =	vld [tilespmem:s1+$0x13900];
	v9 =	vsel vm0, $0x1, v0;
	(xrf0) =	vmax.scan.msk.u32 $0xffff, v8  }
0x661: {  	s25 =	simm.s32 $0x0;
	s28 =	simm.s32 $0x0;
	v7 =	vld [tilespmem:s1+$0x13A00];
	s0 =	simm.s32 $0x40;
	v8 =	vadd.s32 v10, v12;
	(xrf0) =	vadd.scan.msk.s32 $0xffff, v9  }
.LBB2_88:
0x662: {  	p4 =	seq.s32 s0, $0xF0;
	v9 =	vld [tilespmem:s1+$0x13B00];
	v3 =	vadd.s32 v8, v3  }
0x663: {  	v8 =	vld [tilespmem:s1+$0x13C00];
	v3 =	vadd.s32 v3, v5  }
0x664: {  	v5 =	vld [tilespmem:s1+$0x13D00];
	v3 =	vadd.s32 v3, v6  }
0x665: {  	v6 =	vld [tilespmem:s1+$0x13E00];
	(xrf0) =	vadd.scan.msk.s32 $0xffff, v3  }
0x666: {  	p5 =	slt.s32 s26, $0x6D61;
	p6 =	sgt.s32 s24, $0x6D60;
	v3 =	vadd.s32 v4, v7;
	v4 =	vld [tilespmem:s1+$0x13F00];
	v7, _, _ =	vpop (xrf0);
	s3 =	spop (v2sf)  }
0x667: {  	p5 =	por !p5, !p6;
	v3 =	vadd.s32 v3, v9;
	v9 =	vld [tilespmem:s1+$0x14000];
	v10, _, _ =	vpop (xrf0);
	(v2sf) =	vpush v7, $0xF;
	s3 =	sadd.s32 s3, s26;
	s4 =	spop (v2sf)  }
0x668: {  	p5 =	por !p5, !p5;
	v3 =	vadd.s32 v3, v8;
	v7 =	vld [tilespmem:s1+$0x14100];
	(v2sf) =	vpush v10, $0xF;
	s3 =	sadd.s32 $0x80000000, s3;
	s4 =	sadd.s32 s29, s4  }
0x669: {  	s26 =	smov.u32 s24;
	v3 =	vadd.s32 v3, v5;
	v5 =	vld [tilespmem:s1+$0x14200];
	s25 =	smov.u32 @p5 s4;
	s28 =	smov.u32 @p5 s3  }
0x66a: {  	s29 =	smov.u32 s23;
	s23 =	smov.u32 s22;
	s22 =	smov.u32 s31;
	v3 =	vadd.s32 v3, v6;
	v6 =	vld [tilespmem:s1+$0x14300]  }
0x66b: {  	s31 =	smov.u32 s0;
	v3 =	vadd.s32 v3, v4;
	v8 =	vld [tilespmem:s1+$0x14400];
	v4, _, _ =	vpop (xrf0);
	s3 =	spop (v2sf)  }
0x66c: {  	v3 =	vadd.s32 v3, v9;
	v9 =	vld [tilespmem:s1+$0x14500];
	(v2sf) =	vpush v4, $0xF;
	s24 =	sadd.s32 s24, s3  }
.Ltmp46:
0x66d: {  	v7 =	vadd.s32 v3, v7;
	v3 =	vld [tilespmem:s1+$0x14600];
	v10 =	vadd.s32 s24, v4;
	(pc) =	sbr.rel @!p4 .LBB2_88-.Ltmp46, $4  }
0x66e: {  	v4 =	vxor.u32 $0x80000000, v4;
	v7 =	vadd.s32 v7, v5;
	v5 =	vld [tilespmem:s1+$0x14700];
	vm0 =	vlt.s32 v10, $0x6D61  }
0x66f: {  	v7 =	vadd.s32 v7, v6;
	v6 =	vld [tilespmem:s1+$0x14800];
	s1 =	sand.u32 $0xF0, s0;
	v10 =	vsel vm0, $0x1, v0;
	v11 =	vnsel vm0, $0x80000000, v4  }
0x670: {  	v4 =	vld [tilespmem:s1+$0x13900];
	v8 =	vadd.s32 v7, v8;
	(xrf0) =	vmax.scan.msk.u32 $0xffff, v11  }
0x671: {  	s0 =	sadd.s32 $0x10, s0;
	v7 =	vld [tilespmem:s1+$0x13A00];
	v8 =	vadd.s32 v8, v9;
	(xrf0) =	vadd.scan.msk.s32 $0xffff, v10  }
0x672: {  	s0 =	smov.u32 s23;
	s30 =	smov.u32 s1;
	s23 =	smov.u32 s31  }
.LBB2_90:
0x673: {  	v3 =	vadd.s32 @p1 v8, v3  }
0x674: {  	v3 =	vadd.s32 @p1 v3, v5  }
0x675: {  	v49 =	vld [tilespmem:s30+$0x13B00];
	v3 =	vadd.s32 @p1 v3, v6  }
0x676: {  	v50 =	vld [tilespmem:s30+$0x13C00];
	(xrf0) =	vadd.scan.msk.s32 @p1 $0xffff, v3  }
0x677: {  	v3 =	vld [tilespmem:s30+$0x13D00]  }
0x678: {  	v51 =	vld [tilespmem:s30+$0x13E00]  }
0x679: {  	v52 =	vld [tilespmem:s30+$0x13F00];
	v4 =	vadd.s32 v4, v7  }
0x67a: {  	v53 =	vld [tilespmem:s30+$0x14000];
	v9, _, _ =	vpop @p2 (xrf0);
	v4 =	vadd.s32 v4, v49  }
0x67b: {  	v54 =	vld [tilespmem:s30+$0x14100];
	v10, _, _ =	vpop @p2 (xrf0);
	(v2sf) =	vpush @p2 v9, $0xF;
	v4 =	vadd.s32 v4, v50  }
0x67c: {  	v55 =	vld [tilespmem:s30+$0x14200];
	(v2sf) =	vpush @p2 v10, $0xF;
	v3 =	vadd.s32 v4, v3;
	v9, _, _ =	vpop @p1 (xrf0)  }
0x67d: {  	v56 =	vld [tilespmem:s30+$0x14300];
	v3 =	vadd.s32 v3, v51;
	(v2sf) =	vpush @p1 v9, $0xF  }
0x67e: {  	v57 =	vld [tilespmem:s30+$0x14400];
	s3 =	spop @p3 (v2sf);
	v3 =	vadd.s32 v3, v52  }
0x67f: {  	v58 =	vld [tilespmem:s30+$0x14500];
	s4 =	spop @p3 (v2sf);
	v3 =	vadd.s32 v3, v53  }
0x680: {  	v59 =	vld [tilespmem:s30+$0x14600];
	s1 =	spop @p2 (v2sf);
	v3 =	vadd.s32 v3, v54  }
0x681: {  	s31 =	smov.u32 s21;
	v60 =	vld [tilespmem:s30+$0x14700];
	s1 =	sadd.s32 @p2 s24, s1;
	v3 =	vadd.s32 v3, v55  }
0x682: {  	v61 =	vld [tilespmem:s30+$0x14800];
	s31 =	smov.u32 @p2 s1;
	v3 =	vadd.s32 v3, v56  }
0x683: {  	v10 =	vadd.s32 @p1 s31, v9;
	v3 =	vadd.s32 v3, v57  }
0x684: {  	v7 =	vxor.u32 @p1 $0x80000000, v9;
	vm0 =	vlt.s32 @p1 v10, $0x6D61;
	v3 =	vadd.s32 v3, v58  }
0x685: {  	v5 =	vnsel @p1 vm0, $0x80000000, v7;
	v3 =	vadd.s32 v3, v59  }
0x686: {  	v6 =	vsel @p1 vm0, $0x1, v0;
	(xrf0) =	vmax.scan.msk.u32 @p1 $0xffff, v5;
	v3 =	vadd.s32 v3, v60  }
0x687: {  	(xrf0) =	vadd.scan.msk.s32 @p1 $0xffff, v6;
	v3 =	vadd.s32 v3, v61  }
0x688: {  	(xrf0) =	vadd.scan.msk.s32 $0xffff, v3;
	_ =	sdelay $0x1  }
0x689: {  	s10 =	spop @p2 (v2sf)  }
0x68a: {  	s15 =	spop @p2 (v2sf)  }
0x68b: {  	v3, _, _ =	vpop @p1 (xrf0);
	s1 =	spop @p1 (v2sf)  }
0x68c: {  	v4, _, _ =	vpop @p1 (xrf0);
	s30 =	sadd.s32 @p1 s31, s1;
	s1 =	smov.u32 s21  }
0x68d: {  	v62, _, _ =	vpop (xrf0);
	s1 =	smov.u32 @p1 s30  }
0x68e: {  	(v2sf) =	vpush @p1 v3, $0xF;
	v3 =	vadd.s32 s1, v62  }
0x68f: {  	vm15 =	vlt.s32 v3, $0x6D61;
	v3 =	vxor.u32 $0x80000000, v62  }
0x690: {  	v3 =	vnsel vm15, $0x80000000, v3  }
0x691: {  	(xrf0) =	vmax.scan.msk.u32 $0xffff, v3;
	_ =	sdelay $0x1  }
0x692: {  	p4 =	slt.s32 @p3 s26, $0x6D61;
	p5 =	sgt.s32 @p3 s24, $0x6D60  }
0x693: {  	p4 =	por @p3 !p4, !p5  }
0x694: {  	p4 =	por @p3 !p4, !p4;
	(v2sf) =	vpush @p1 v4, $0xF  }
0x695: {  	p4 =	por !p4, !p3;
	s3 =	sadd.s32 @p3 s3, s26;
	s4 =	sadd.s32 @p3 s29, s4;
	(v2sf) =	vpush v62, $0xF  }
0x696: {  	s3 =	sadd.s32 @p3 $0x80000000, s3;
	s4 =	smov.u32 @p4 s25;
	s25 =	smov.u32 s21;
	v3, _, _ =	vpop (xrf0)  }
0x697: {  	s26 =	smov.u32 s21;
	s3 =	smov.u32 @p4 s28;
	s25 =	smov.u32 @p3 s4;
	v63 =	vsel vm15, $0x1, v0;
	(v2sf) =	vpush v3, $0xF  }
0x698: {  	s4 =	smov.u32 @p1 s22;
	s26 =	smov.u32 @p3 s3;
	s3 =	smov.u32 s21;
	(xrf0) =	vadd.scan.msk.s32 $0xffff, v63  }
0x699: {  	s3 =	smov.u32 @p1 s4;
	s4 =	smov.u32 @p2 s24  }
0x69a: {  	s0 =	smov.u32 @p2 s0;
	s4 =	smov.u32 @p2 s4  }
0x69b: {  	p3 =	slt.s32 @p2 s4, $0x6D61;
	p4 =	sgt.s32 @p2 s31, $0x6D60;
	s22 =	smov.u32 @p1 s31  }
0x69c: {  	s24 =	smov.u32 s21;
	p3 =	por @p2 !p3, !p4;
	s22 =	smov.u32 @p1 s22  }
0x69d: {  	p3 =	por @p2 !p3, !p3;
	p4 =	slt.s32 @p1 s22, $0x6D61;
	s4 =	sadd.s32 @p2 s10, s4  }
0x69e: {  	p3 =	por !p3, !p2;
	s0 =	sadd.s32 @p2 s0, s15;
	s4 =	sadd.s32 @p2 $0x80000000, s4;
	v4, _, _ =	vpop (xrf0)  }
0x69f: {  	s0 =	smov.u32 @p3 s25;
	s4 =	smov.u32 @p3 s26;
	p5 =	sgt.s32 @p1 s1, $0x6D60;
	(v2sf) =	vpush v4, $0xF  }
0x6a0: {  	s24 =	smov.u32 @p2 s0;
	s0 =	smov.u32 s21;
	p3 =	por @p1 !p4, !p5  }
0x6a1: {  	s3 =	smov.u32 @p1 s3;
	s0 =	smov.u32 @p2 s4;
	p3 =	por @p1 !p3, !p3  }
0x6a2: {  	p5 =	slt.s32 s1, $0x6D61;
	p3 =	por !p3, !p1;
	s10 =	spop @p1 (v2sf)  }
0x6a3: {  	s15 =	spop @p1 (v2sf);
	s10 =	sadd.s32 @p1 s10, s22;
	s22 =	smov.u32 s21  }
0x6a4: {  	s3 =	sadd.s32 @p1 s3, s15;
	s4 =	sadd.s32 @p1 $0x80000000, s10;
	s29 =	spop (v2sf)  }
0x6a5: {  	s3 =	smov.u32 @p3 s24;
	s4 =	smov.u32 @p3 s0;
	s0 =	sadd.s32 s1, s29  }
0x6a6: {  	s22 =	smov.u32 @p1 s3;
	p6 =	sgt.s32 s0, $0x6D60;
	s30 =	spop (v2sf)  }
0x6a7: {  	s21 =	smov.u32 @p1 s4;
	p1 =	por !p5, !p6;
	s0 =	sadd.s32 s30, s1  }
0x6a8: {  	p1 =	por !p1, !p1;
	s0 =	sadd.s32 $0x80000000, s0  }
0x6a9: {  	s21 =	smov.u32 @p1 s0;
	s0 =	simm.s32 $0x13940  }
0x6aa: {  	[tilespmem:s0+$0xFFFFFFC0] =	vst v0  }
0x6ab: {  	[tilespmem:s0+$0x30] =	vst v0  }
0x6ac: {  	[tilespmem:s0+$0x20] =	vst v0  }
0x6ad: {  	[tilespmem:s0+$0x10] =	vst v0  }
0x6ae: {  	s31 =	spop (v2sf);
	[tilespmem:s0+$0x0] =	vst v0  }
0x6af: {  	s1 =	sadd.s32 s23, s31;
	[tilespmem:s0+$0xFFFFFFF0] =	vst v0  }
0x6b0: {  	s22 =	smov.u32 @p1 s1;
	s1 =	simm.s32 $0x0;
	[tilespmem:s0+$0xFFFFFFE0] =	vst v0  }
.LBB2_91:
0x6b1: {  	s1 =	sadd.s32 $0x8, s1;
	[tilespmem:s0+$0xFFFFFFD0] =	vst v0;
	s0 =	sadd.s32 $0x80, s0  }
0x6b2: {  	[tilespmem:s0+$0xFFFFFFC0] =	vst v0;
	p1 =	slt.u32 s1, $0xF8  }
0x6b3: {  	[tilespmem:s0+$0x30] =	vst v0  }
.Ltmp47:
0x6b4: {  	[tilespmem:s0+$0x20] =	vst v0;
	(pc) =	sbr.rel @p1 .LBB2_91-.Ltmp47, $4  }
0x6b5: {  	[tilespmem:s0+$0x10] =	vst v0  }
0x6b6: {  	[tilespmem:s0+$0x0] =	vst v0  }
0x6b7: {  	[tilespmem:s0+$0xFFFFFFF0] =	vst v0  }
0x6b8: {  	[tilespmem:s0+$0xFFFFFFE0] =	vst v0  }
0x6b9: {  	[tilespmem:s0+$0xFFFFFFD0] =	vst v0;
	s31 =	simm.s32 $0x9D00  }
0x6ba: {  	v4 =	vld [tilespmem:s31+$0x40]  }
0x6bb: {  	v5 =	vld [tilespmem:s31+$0x50]  }
0x6bc: {  	v6 =	vld [tilespmem:s31+$0xFFFFFFE0]  }
0x6bd: {  	v8 =	vld [tilespmem:s31+$0xFFFFFFB0]  }
0x6be: {  	v10 =	vld [tilespmem:s31+$0xFFFFFFD0]  }
0x6bf: {  	v13 =	vld [tilespmem:s31+$0xFFFFFFA0];
	_ =	sdelay $0x2  }
0x6c0: {  	v3 =	vmov s22;
	v4 =	vand.u32 $0x7FFFFFFF, v4;
	v5 =	vand.u32 $0x7FFFFFFF, v5  }
0x6c1: {  	v6 =	vand.u32 $0x7FFFFFFF, v6;
	v20 =	vand.u32 $0x7FFFFFFF, v10;
	v8 =	vand.u32 $0x7FFFFFFF, v8  }
0x6c2: {  	v7 =	vld [tilespmem:s31+$0x0];
	v19 =	vand.u32 $0x7FFFFFFF, v13;
	v9 =	vshrl.u32 v4, $0xF;
	v11 =	vshrl.u32 v4, $0x17  }
0x6c3: {  	v12 =	vshrl.u32 v5, $0xF;
	v5 =	vshrl.u32 v5, $0x17;
	v14 =	vshrl.u32 v6, $0xF  }
0x6c4: {  	v6 =	vshrl.u32 v6, $0x17;
	v13 =	vshrl.u32 v8, $0xF;
	v16 =	vshrl.u32 v19, $0xF  }
0x6c5: {  	v22 =	vshrl.u32 v8, $0x17;
	v4 =	vand.u32 $0xFF, v9;
	v9 =	vld [tilespmem:s31+$0xFFFFFFC0];
	vm1 =	veq.s32 v5, v3  }
0x6c6: {  	v5 =	vand.u32 $0xFF, v12;
	vm3 =	veq.s32 v11, v3;
	v12 =	vld [tilespmem:s31+$0xFFFFFFF0];
	v10 =	vand.u32 $0xFF, v14  }
0x6c7: {  	v17 =	vand.u32 $0xFF, v13;
	v15 =	vor.u32 v1, v5;
	v5 =	vand.u32 $0x7FFFFFFF, v7;
	v7 =	vld [tilespmem:s31+$0xFFFFFF90]  }
0x6c8: {  	v23 =	vand.u32 $0xFF, v16;
	vm8 =	veq.s32 v6, v3;
	vm4 =	veq.s32 v22, v3  }
0x6c9: {  	v18 =	vld [tilespmem:s31+$0x70];
	v4 =	vor.u32 v1, v4;
	v10 =	vor.u32 v1, v10;
	v11 =	vshrl.u32 v5, $0x17  }
0x6ca: {  	v6 =	vor.u32 v1, v23;
	v5 =	vshrl.u32 v5, $0xF;
	vm0 =	veq.s32 v11, v3  }
0x6cb: {  	v8 =	vld [tilespmem:s31+$0x10];
	v11 =	vand.u32 $0x7FFFFFFF, v9;
	v9 =	vand.u32 $0xFF, v5;
	v14 =	vand.u32 $0x7FFFFFFF, v12  }
0x6cc: {  	v16 =	vld [tilespmem:s31+$0x30];
	v5 =	vshrl.u32 v20, $0xF;
	v7 =	vand.u32 $0x7FFFFFFF, v7;
	v13 =	vshrl.u32 v14, $0xF  }
0x6cd: {  	[tilespmem:v15+s16+$0x0] =	vst.idx.add.s32.msk vm1, v2;
	v21 =	vshrl.u32 v11, $0xF;
	v12 =	vshrl.u32 v7, $0xF;
	v7 =	vshrl.u32 v7, $0x17  }
0x6ce: {  	v15 =	vand.u32 $0xFF, v13;
	v13 =	vand.u32 $0x7FFFFFFF, v18;
	v18 =	vld [tilespmem:s31+$0x20];
	vm2 =	veq.s32 v7, v3  }
0x6cf: {  	v7 =	vand.u32 $0xFF, v12;
	v12 =	vshrl.u32 v19, $0x17;
	v19 =	vld [tilespmem:s31+$0xFFFFFF80];
	v22 =	vshrl.u32 v13, $0x17  }
0x6d0: {  	s23 =	simm.s32 $0x0;
	s24 =	simm.s32 $0x9E00;
	v7 =	vor.u32 v1, v7;
	vm1 =	veq.s32 v12, v3;
	v12 =	vshrl.u32 v20, $0x17;
	v20 =	vld [tilespmem:s31+$0x60]  }
.LBB2_93:
0x6d1: {  	v17 =	vor.u32 v1, v17  }
0x6d2: {  	v23 =	vld [tilespmem:s24+$0x40];
	s23 =	sadd.s32 $0x10, s23;
	v11 =	vshrl.u32 v11, $0x17;
	v8 =	vand.u32 $0x7FFFFFFF, v8;
	vm7 =	vmmov vm3  }
0x6d3: {  	v24 =	vld [tilespmem:s24+$0xFFFFFFF0];
	p1 =	slt.u32 s23, $0x9B0;
	vm6 =	veq.s32 v11, v3;
	v11 =	vshrl.u32 v14, $0x17;
	v14 =	vshrl.u32 v8, $0xF  }
0x6d4: {  	v21 =	vand.u32 $0xFF, v21;
	vm5 =	veq.s32 v12, v3;
	vm3 =	veq.s32 v22, v3;
	v25 =	vld [tilespmem:s24+$0xFFFFFF90]  }
0x6d5: {  	v15 =	vor.u32 v1, v15;
	v9 =	vor.u32 v1, v9;
	v16 =	vand.u32 $0x7FFFFFFF, v16;
	v12 =	vld [tilespmem:s24+$0xFFFFFFA0]  }
0x6d6: {  	v18 =	vand.u32 $0x7FFFFFFF, v18;
	v19 =	vand.u32 $0x7FFFFFFF, v19;
	v22 =	vld [tilespmem:s24+$0xFFFFFFB0];
	v20 =	vand.u32 $0x7FFFFFFF, v20  }
0x6d7: {  	v14 =	vand.u32 $0xFF, v14;
	v26 =	vld [tilespmem:s24+$0xFFFFFFC0];
	v23 =	vand.u32 $0x7FFFFFFF, v23;
	v27 =	vshrl.u32 v20, $0x17  }
0x6d8: {  	v13 =	vshrl.u32 v13, $0xF;
	v29 =	vshrl.u32 v19, $0x17;
	v20 =	vshrl.u32 v20, $0xF;
	v28 =	vld [tilespmem:s24+$0xFFFFFFD0]  }
0x6d9: {  	v13 =	vand.u32 $0xFF, v13;
	vm9 =	veq.s32 v29, v3;
	v20 =	vand.u32 $0xFF, v20;
	v30 =	vld [tilespmem:s24+$0x50]  }
0x6da: {  	v19 =	vshrl.u32 v19, $0xF;
	v31 =	vshrl.u32 v23, $0xF;
	v23 =	vshrl.u32 v23, $0x17;
	v29 =	vld [tilespmem:s24+$0xFFFFFFE0]  }
0x6db: {  	v5 =	vand.u32 $0xFF, v5;
	v33 =	vshrl.u32 v16, $0xF;
	v13 =	vor.u32 v1, v13;
	v32 =	vld [tilespmem:s24+$0x0]  }
0x6dc: {  	v21 =	vor.u32 v1, v21;
	v31 =	vand.u32 $0xFF, v31;
	[tilespmem:v10+s16+$0x0] =	vst.idx.add.s32.msk vm8, v2;
	v10 =	vshrl.u32 v16, $0x17  }
0x6dd: {  	v19 =	vand.u32 $0xFF, v19;
	v16 =	vor.u32 v1, v31;
	[tilespmem:v9+s16+$0x0] =	vst.idx.add.s32.msk vm0, v2;
	v9 =	vand.u32 $0xFF, v33  }
0x6de: {  	v19 =	vor.u32 v1, v19;
	vm8 =	veq.s32 v11, v3;
	v30 =	vand.u32 $0x7FFFFFFF, v30;
	v31 =	vld [tilespmem:s24+$0x70]  }
0x6df: {  	v11 =	vshrl.u32 v30, $0xF;
	v30 =	vshrl.u32 v30, $0x17;
	[tilespmem:v7+s16+$0x0] =	vst.idx.add.s32.msk vm2, v2;
	v7 =	vor.u32 v1, v9  }
0x6e0: {  	vm0 =	veq.s32 v30, v3;
	v9 =	vand.u32 $0xFF, v11;
	v11 =	vshrl.u32 v8, $0x17;
	[tilespmem:v13+s16+$0x0] =	vst.idx.add.s32.msk vm3, v2  }
0x6e1: {  	vm3 =	veq.s32 v23, v3;
	v8 =	vld [tilespmem:s24+$0x10];
	v9 =	vor.u32 v1, v9;
	vm10 =	veq.s32 v11, v3  }
0x6e2: {  	v13 =	vor.u32 v1, v5;
	v5 =	vor.u32 v1, v14;
	v11 =	vshrl.u32 v18, $0xF;
	[tilespmem:v17+s16+$0x0] =	vst.idx.add.s32.msk vm4, v2  }
0x6e3: {  	vm4 =	veq.s32 v10, v3;
	[tilespmem:v6+s16+$0x0] =	vst.idx.add.s32.msk vm1, v2;
	v6 =	vshrl.u32 v18, $0x17;
	vm1 =	veq.s32 v27, v3  }
0x6e4: {  	v10 =	vand.u32 $0x7FFFFFFF, v32;
	[tilespmem:v19+s16+$0x0] =	vst.idx.add.s32.msk vm9, v2;
	vm2 =	veq.s32 v6, v3;
	v6 =	vor.u32 v1, v20  }
0x6e5: {  	v14 =	vand.u32 $0x7FFFFFFF, v29;
	v11 =	vand.u32 $0xFF, v11;
	v17 =	vshrl.u32 v10, $0x17;
	[tilespmem:v4+s16+$0x0] =	vst.idx.add.s32.msk vm7, v2;
	v4 =	vmovc v16  }
0x6e6: {  	v18 =	vor.u32 v1, v11;
	v20 =	vshrl.u32 v14, $0x17;
	v16 =	vshrl.u32 v14, $0xF;
	[tilespmem:v9+s16+$0x0] =	vst.idx.add.s32.msk vm0, v2  }
0x6e7: {  	v23 =	vand.u32 $0x7FFFFFFF, v28;
	v19 =	vand.u32 $0xFF, v16;
	vm0 =	veq.s32 v17, v3;
	[tilespmem:v5+s16+$0x0] =	vst.idx.add.s32.msk vm10, v2  }
0x6e8: {  	v11 =	vand.u32 $0x7FFFFFFF, v26;
	v9 =	vshrl.u32 v10, $0xF;
	v5 =	vand.u32 $0x7FFFFFFF, v22;
	[tilespmem:v15+s16+$0x0] =	vst.idx.add.s32.msk vm8, v2  }
0x6e9: {  	v10 =	vand.u32 $0x7FFFFFFF, v12;
	v9 =	vand.u32 $0xFF, v9;
	v12 =	vshrl.u32 v5, $0xF;
	[tilespmem:v21+s16+$0x0] =	vst.idx.add.s32.msk vm6, v2  }
0x6ea: {  	v16 =	vshrl.u32 v10, $0xF;
	v22 =	vshrl.u32 v5, $0x17;
	v5 =	vshrl.u32 v23, $0xF;
	[tilespmem:v7+s16+$0x0] =	vst.idx.add.s32.msk vm4, v2  }
0x6eb: {  	v14 =	vand.u32 $0x7FFFFFFF, v24;
	v17 =	vand.u32 $0xFF, v12;
	v7 =	vand.u32 $0x7FFFFFFF, v25;
	[tilespmem:v18+s16+$0x0] =	vst.idx.add.s32.msk vm2, v2  }
0x6ec: {  	v15 =	vshrl.u32 v14, $0xF;
	v12 =	vshrl.u32 v7, $0xF;
	v7 =	vshrl.u32 v7, $0x17;
	[tilespmem:v6+s16+$0x0] =	vst.idx.add.s32.msk vm1, v2  }
.Ltmp48:
0x6ed: {  	v15 =	vand.u32 $0xFF, v15;
	vm2 =	veq.s32 v7, v3;
	v6 =	vand.u32 $0xFF, v12;
	[tilespmem:v13+s16+$0x0] =	vst.idx.add.s32.msk vm5, v2;
	(pc) =	sbr.rel @p1 .LBB2_93-.Ltmp48, $4  }
0x6ee: {  	v7 =	vor.u32 v1, v6;
	v6 =	vand.u32 $0xFF, v16;
	v13 =	vand.u32 $0x7FFFFFFF, v31;
	v16 =	vld [tilespmem:s24+$0x30]  }
0x6ef: {  	v21 =	vshrl.u32 v11, $0xF;
	v12 =	vshrl.u32 v10, $0x17;
	v10 =	vor.u32 v1, v19;
	v18 =	vld [tilespmem:s24+$0x20]  }
0x6f0: {  	vm8 =	veq.s32 v20, v3;
	vm1 =	veq.s32 v12, v3;
	v12 =	vshrl.u32 v23, $0x17;
	v19 =	vld [tilespmem:s24+$0xFFFFFF80]  }
0x6f1: {  	vm4 =	veq.s32 v22, v3;
	v6 =	vor.u32 v1, v6;
	v22 =	vshrl.u32 v13, $0x17;
	v20 =	vld [tilespmem:s24+$0x60];
	s24 =	sadd.s32 $0x100, s24  }
0x6f2: {  	v17 =	vor.u32 v1, v17  }
0x6f3: {  	v11 =	vshrl.u32 v11, $0x17;
	v8 =	vand.u32 $0x7FFFFFFF, v8;
	vm5 =	vmmov vm3  }
0x6f4: {  	v48 =	vshrl.u32 v14, $0x17;
	v21 =	vand.u32 $0xFF, v21;
	v9 =	vor.u32 v1, v9  }
0x6f5: {  	v13 =	vshrl.u32 v13, $0xF;
	vm6 =	veq.s32 v22, v3;
	v15 =	vor.u32 v1, v15  }
0x6f6: {  	vm15 =	veq.s32 v12, v3;
	v5 =	vand.u32 $0xFF, v5;
	vm9 =	veq.s32 v11, v3  }
0x6f7: {  	v49 =	vshrl.u32 v8, $0xF;
	v13 =	vand.u32 $0xFF, v13;
	v16 =	vand.u32 $0x7FFFFFFF, v16  }
0x6f8: {  	v8 =	vshrl.u32 v8, $0x17;
	vm11 =	veq.s32 v48, v3;
	v57 =	vor.u32 v1, v21  }
0x6f9: {  	[tilespmem:v10+s16+$0x0] =	vst.idx.add.s32.msk vm8, v2;
	v5 =	vor.u32 v1, v5;
	v13 =	vor.u32 v1, v13;
	v18 =	vand.u32 $0x7FFFFFFF, v18  }
0x6fa: {  	[tilespmem:v7+s16+$0x0] =	vst.idx.add.s32.msk vm2, v2;
	v14 =	vand.u32 $0xFF, v49;
	vm10 =	veq.s32 v8, v3;
	v55 =	vshrl.u32 v16, $0xF  }
0x6fb: {  	[tilespmem:v6+s16+$0x0] =	vst.idx.add.s32.msk vm1, v2;
	v58 =	vshrl.u32 v16, $0x17;
	v19 =	vand.u32 $0x7FFFFFFF, v19;
	v56 =	vor.u32 v1, v14  }
0x6fc: {  	v7 =	vand.u32 $0xFF, v55;
	v59 =	vshrl.u32 v18, $0xF;
	v60 =	vshrl.u32 v18, $0x17;
	[tilespmem:v9+s16+$0x0] =	vst.idx.add.s32.msk vm0, v2  }
0x6fd: {  	vm12 =	veq.s32 v58, v3;
	v50 =	vshrl.u32 v19, $0x17;
	v19 =	vshrl.u32 v19, $0xF;
	[tilespmem:v17+s16+$0x0] =	vst.idx.add.s32.msk vm4, v2  }
0x6fe: {  	v20 =	vand.u32 $0x7FFFFFFF, v20;
	v7 =	vor.u32 v1, v7;
	vm13 =	veq.s32 v60, v3;
	[tilespmem:v4+s16+$0x0] =	vst.idx.add.s32.msk vm5, v2  }
0x6ff: {  	v61 =	vand.u32 $0xFF, v59;
	vm7 =	veq.s32 v50, v3;
	v51 =	vand.u32 $0xFF, v19;
	[tilespmem:v5+s16+$0x0] =	vst.idx.add.s32.msk vm15, v2  }
0x700: {  	v53 =	vshrl.u32 v20, $0x17;
	v54 =	vshrl.u32 v20, $0xF;
	v52 =	vor.u32 v1, v51;
	[tilespmem:v13+s16+$0x0] =	vst.idx.add.s32.msk vm6, v2  }
0x701: {  	v62 =	vand.u32 $0xFF, v54;
	vm14 =	veq.s32 v53, v3;
	v4 =	vor.u32 v1, v61;
	[tilespmem:v15+s16+$0x0] =	vst.idx.add.s32.msk vm11, v2  }
0x702: {  	v63 =	vor.u32 v1, v62;
	[tilespmem:v57+s16+$0x0] =	vst.idx.add.s32.msk vm9, v2  }
0x703: {  	[tilespmem:v56+s16+$0x0] =	vst.idx.add.s32.msk vm10, v2  }
0x704: {  	[tilespmem:v7+s16+$0x0] =	vst.idx.add.s32.msk vm12, v2  }
0x705: {  	[tilespmem:v52+s16+$0x0] =	vst.idx.add.s32.msk vm7, v2  }
0x706: {  	[tilespmem:v4+s16+$0x0] =	vst.idx.add.s32.msk vm13, v2  }
0x707: {  	s0 =	simm.s32 $0x0;
	[tilespmem:v63+s16+$0x0] =	vst.idx.add.s32.msk vm14, v2  }
.LBB2_95:
0x708: {  	s1 =	sshra.s32 s0, $0x2  }
0x709: {  	v4 =	vld [tilespmem:s1+$0x13880];
	_ =	sdelay $0x4  }
0x70a: {  	v4 =	vand.u32 $0x7FFFFFFF, v4  }
0x70b: {  	v5 =	vshrl.u32 v4, $0xF;
	v4 =	vshrl.u32 v4, $0x17  }
0x70c: {  	vm0 =	veq.s32 v4, v3;
	v4 =	vand.u32 $0xFF, v5  }
0x70d: {  	p1 =	seq.s32 s0, $0xC0;
	v4 =	vor.u32 v1, v4  }
.Ltmp49:
0x70e: {  	_ = 	snop;
	(pc) =	sbr.rel @!p1 .LBB2_95-.Ltmp49, $2  }
0x70f: {  	_ =	sdelay $0x2  }
0x710: {  	s0 =	sadd.s32 $0x40, s0;
	[tilespmem:v4+s16+$0x0] =	vst.idx.add.s32.msk vm0, v2  }
0x711: {  	s23 =	ssub.s32 $0x6D60, s21;
	s21 =	simm.s32 $0x0  }
0x712: {  	s0 =	sand.u32 $0xF0, s21  }
0x713: {  	v4 =	vld [tilespmem:s0+$0x13900]  }
0x714: {  	v5 =	vld [tilespmem:s0+$0x13A00]  }
0x715: {  	v6 =	vld [tilespmem:s0+$0x13B00]  }
0x716: {  	v7 =	vld [tilespmem:s0+$0x13C00]  }
0x717: {  	v8 =	vld [tilespmem:s0+$0x13D00]  }
0x718: {  	v9 =	vld [tilespmem:s0+$0x13E00]  }
0x719: {  	v10 =	vld [tilespmem:s0+$0x13F00];
	v4 =	vadd.s32 v4, v5  }
0x71a: {  	v5 =	vld [tilespmem:s0+$0x14000];
	v4 =	vadd.s32 v4, v6  }
0x71b: {  	v6 =	vld [tilespmem:s0+$0x14100];
	v4 =	vadd.s32 v4, v7  }
0x71c: {  	v7 =	vld [tilespmem:s0+$0x14200];
	v4 =	vadd.s32 v4, v8  }
0x71d: {  	v8 =	vld [tilespmem:s0+$0x14300];
	v4 =	vadd.s32 v4, v9  }
0x71e: {  	v9 =	vld [tilespmem:s0+$0x14400];
	v4 =	vadd.s32 v4, v10  }
0x71f: {  	v10 =	vld [tilespmem:s0+$0x14500];
	v4 =	vadd.s32 v4, v5  }
0x720: {  	v5 =	vld [tilespmem:s0+$0x14600];
	v4 =	vadd.s32 v4, v6  }
0x721: {  	v6 =	vld [tilespmem:s0+$0x14700];
	v4 =	vadd.s32 v4, v7  }
0x722: {  	s24 =	simm.s32 $0x10;
	v7 =	vld [tilespmem:s0+$0x14800];
	v4 =	vadd.s32 v4, v8  }
0x723: {  	s1 =	sand.u32 $0xF0, s24;
	v4 =	vadd.s32 v4, v9  }
0x724: {  	v8 =	vld [tilespmem:s1+$0x13900];
	v4 =	vadd.s32 v4, v10  }
0x725: {  	v9 =	vld [tilespmem:s1+$0x13A00];
	v4 =	vadd.s32 v4, v5  }
0x726: {  	v10 =	vld [tilespmem:s1+$0x13B00];
	v4 =	vadd.s32 v4, v6  }
0x727: {  	v5 =	vld [tilespmem:s1+$0x13C00];
	v4 =	vadd.s32 v4, v7  }
0x728: {  	v6 =	vld [tilespmem:s1+$0x13D00];
	(xrf0) =	vadd.scan.msk.s32 $0xffff, v4  }
0x729: {  	v7 =	vld [tilespmem:s1+$0x13E00]  }
0x72a: {  	v8 =	vadd.s32 v8, v9  }
0x72b: {  	v8 =	vadd.s32 v8, v10  }
0x72c: {  	v5 =	vadd.s32 v8, v5  }
0x72d: {  	v4 =	vld [tilespmem:s1+$0x13F00];
	v5 =	vadd.s32 v5, v6  }
0x72e: {  	v11 =	vld [tilespmem:s1+$0x14000];
	v5 =	vadd.s32 v5, v7;
	v7, _, _ =	vpop (xrf0)  }
0x72f: {  	v9 =	vld [tilespmem:s1+$0x14100];
	(v2sf) =	vpush v7, $0xF  }
0x730: {  	v10 =	vld [tilespmem:s1+$0x14200]  }
0x731: {  	v8 =	vld [tilespmem:s1+$0x14300]  }
0x732: {  	v6 =	vld [tilespmem:s1+$0x14400];
	v4 =	vadd.s32 v5, v4  }
0x733: {  	v12 =	vld [tilespmem:s1+$0x14500];
	v4 =	vadd.s32 v4, v11  }
0x734: {  	v3 =	vmov s23;
	v5 =	vld [tilespmem:s1+$0x14600];
	v4 =	vadd.s32 v4, v9;
	v7 =	vadd.s32 s21, v7  }
0x735: {  	s25 =	simm.s32 $0x20;
	v11 =	vld [tilespmem:s1+$0x14700];
	v4 =	vadd.s32 v4, v10;
	vm0 =	vle.s32 v7, v3  }
0x736: {  	s15 =	sand.u32 $0xF0, s25;
	v9 =	vld [tilespmem:s1+$0x14800];
	v4 =	vadd.s32 v4, v8;
	v7 =	vsel vm0, $0x1, v0  }
0x737: {  	v10 =	vld [tilespmem:s15+$0x13900];
	v4 =	vadd.s32 v4, v6;
	(xrf0) =	vadd.scan.msk.s32 $0xffff, v7  }
0x738: {  	v8 =	vld [tilespmem:s15+$0x13A00];
	v4 =	vadd.s32 v4, v12  }
0x739: {  	v6 =	vld [tilespmem:s15+$0x13B00];
	v4 =	vadd.s32 v4, v5  }
0x73a: {  	v62 =	vld [tilespmem:s15+$0x13C00];
	v4 =	vadd.s32 v4, v11  }
0x73b: {  	v5 =	vld [tilespmem:s15+$0x13D00];
	v4 =	vadd.s32 v4, v9  }
0x73c: {  	v11 =	vld [tilespmem:s15+$0x13E00];
	(xrf0) =	vadd.scan.msk.s32 $0xffff, v4  }
0x73d: {  	v7 =	vadd.s32 v10, v8;
	v8 =	vld [tilespmem:s15+$0x13F00];
	v10, _, _ =	vpop (xrf0)  }
0x73e: {  	v4 =	vadd.s32 v7, v6;
	v6 =	vld [tilespmem:s15+$0x14000];
	s26 =	spop (v2sf);
	(v2sf) =	vpush v10, $0xF  }
0x73f: {  	v7 =	vld [tilespmem:s15+$0x14100];
	v4 =	vadd.s32 v4, v62  }
0x740: {  	v4 =	vadd.s32 v4, v5;
	v5 =	vld [tilespmem:s15+$0x14200]  }
0x741: {  	v9 =	vld [tilespmem:s15+$0x14300];
	v4 =	vadd.s32 v4, v11  }
0x742: {  	v4 =	vadd.s32 v4, v8;
	v8 =	vld [tilespmem:s15+$0x14400];
	v63, _, _ =	vpop (xrf0)  }
0x743: {  	v11 =	vld [tilespmem:s15+$0x14500];
	v4 =	vadd.s32 v4, v6;
	s28 =	sadd.s32 $0x0, s26;
	(v2sf) =	vpush v63, $0xF  }
0x744: {  	v6 =	vadd.s32 v4, v7;
	v4 =	vld [tilespmem:s15+$0x14600];
	v7 =	vadd.s32 s28, v63  }
0x745: {  	v6 =	vadd.s32 v6, v5;
	v5 =	vld [tilespmem:s15+$0x14700];
	s26 =	simm.s32 $0x30;
	vm15 =	vle.s32 v7, v3  }
0x746: {  	v6 =	vadd.s32 v6, v9;
	s31 =	sand.u32 $0xF0, s26;
	v7 =	vld [tilespmem:s15+$0x14800];
	v9 =	vsel vm15, $0x1, v0  }
0x747: {  	v10 =	vadd.s32 v6, v8;
	v6 =	vld [tilespmem:s31+$0x13900];
	(xrf0) =	vadd.scan.msk.s32 $0xffff, v9  }
0x748: {  	s29 =	simm.s32 $0x0;
	s30 =	simm.s32 $0x0;
	s0 =	simm.s32 $0x40;
	v8 =	vld [tilespmem:s31+$0x13A00];
	v9 =	vadd.s32 v10, v11  }
.LBB2_97:
0x749: {  	p1 =	sne.s32 s0, $0xF0;
	v10 =	vld [tilespmem:s31+$0x13B00];
	v4 =	vadd.s32 v9, v4  }
0x74a: {  	v9 =	vld [tilespmem:s31+$0x13C00];
	v4 =	vadd.s32 v4, v5  }
0x74b: {  	v5 =	vld [tilespmem:s31+$0x13D00];
	v4 =	vadd.s32 v4, v7  }
0x74c: {  	v7 =	vld [tilespmem:s31+$0x13E00];
	(xrf0) =	vadd.scan.msk.s32 $0xffff, v4  }
0x74d: {  	p2 =	sgt.s32 s28, s23;
	v4 =	vadd.s32 v6, v8;
	v6 =	vld [tilespmem:s31+$0x13F00];
	v8, _, _ =	vpop (xrf0);
	s1 =	spop (v2sf)  }
0x74e: {  	s3 =	smov.u32 s21;
	v4 =	vadd.s32 v4, v10;
	v10 =	vld [tilespmem:s31+$0x14000];
	(v2sf) =	vpush v8, $0xF;
	s1 =	sadd.s32 s29, s1;
	s29 =	smov.u32 s24  }
0x74f: {  	p3 =	sle.s32 s30, s23;
	s30 =	smov.u32 s28;
	v4 =	vadd.s32 v4, v9;
	v8 =	vld [tilespmem:s31+$0x14100];
	s3 =	smov.u32 @p2 s1  }
0x750: {  	s24 =	smov.u32 s25;
	s25 =	smov.u32 s26;
	v4 =	vadd.s32 v4, v5;
	v5 =	vld [tilespmem:s31+$0x14200];
	s21 =	smov.u32 @p3 s3  }
0x751: {  	s26 =	smov.u32 s0;
	v4 =	vadd.s32 v4, v7;
	v7 =	vld [tilespmem:s31+$0x14300]  }
0x752: {  	v4 =	vadd.s32 v4, v6;
	v9 =	vld [tilespmem:s31+$0x14400];
	v6, _, _ =	vpop (xrf0);
	s1 =	spop (v2sf)  }
0x753: {  	v4 =	vadd.s32 v4, v10;
	v10 =	vld [tilespmem:s31+$0x14500];
	(v2sf) =	vpush v6, $0xF;
	s28 =	sadd.s32 s28, s1  }
.Ltmp50:
0x754: {  	v8 =	vadd.s32 v4, v8;
	v4 =	vld [tilespmem:s31+$0x14600];
	v6 =	vadd.s32 s28, v6;
	(pc) =	sbr.rel @p1 .LBB2_97-.Ltmp50, $4  }
0x755: {  	v8 =	vadd.s32 v8, v5;
	v5 =	vld [tilespmem:s31+$0x14700];
	vm0 =	vle.s32 v6, v3  }
0x756: {  	v8 =	vadd.s32 v8, v7;
	v7 =	vld [tilespmem:s31+$0x14800];
	s31 =	sand.u32 $0xF0, s0;
	v11 =	vsel vm0, $0x1, v0  }
0x757: {  	v6 =	vld [tilespmem:s31+$0x13900];
	v9 =	vadd.s32 v8, v9;
	(xrf0) =	vadd.scan.msk.s32 $0xffff, v11  }
0x758: {  	s0 =	sadd.s32 $0x10, s0;
	v8 =	vld [tilespmem:s31+$0x13A00];
	v9 =	vadd.s32 v9, v10  }
.Ltmp51:
0x759: {  	_ = 	snop;
	(pc) =	sbr.rel .LBB2_98-.Ltmp51, $1  }
0x75a: {  	_ =	sdelay $0x3  }
.LBB2_8:
.Ltmp52:
0x75b: {  	(pc) =	sbr.rel .LBB2_17-.Ltmp52, $3  }
0x75c: {  	_ =	sdelay $0x1  }
0x75d: {  	s24 =	simm.s32 $0x0  }
0x75e: {  	s25 =	simm.s32 $0x0;
	s28 =	simm.s32 $0x0;
	s23 =	simm.s32 $0x0  }
.LBB2_32:
.Ltmp53:
0x75f: {  	(pc) =	sbr.rel .LBB2_41-.Ltmp53, $3  }
0x760: {  	_ =	sdelay $0x1  }
0x761: {  	s24 =	simm.s32 $0x0  }
0x762: {  	s25 =	simm.s32 $0x0;
	s28 =	simm.s32 $0x0;
	s23 =	simm.s32 $0x0  }
.LBB2_56:
.Ltmp54:
0x763: {  	(pc) =	sbr.rel .LBB2_65-.Ltmp54, $3  }
0x764: {  	_ =	sdelay $0x1  }
0x765: {  	s24 =	simm.s32 $0x0  }
0x766: {  	s25 =	simm.s32 $0x0;
	s28 =	simm.s32 $0x0;
	s23 =	simm.s32 $0x0  }
.LBB2_10:
.Ltmp55:
0x767: {  	(pc) =	sbr.rel .LBB2_17-.Ltmp55, $3  }
0x768: {  	_ =	sdelay $0x1  }
0x769: {  	s24 =	simm.s32 $0x0;
	s1 =	smov.u32 s0  }
0x76a: {  	s25 =	simm.s32 $0x0;
	s28 =	simm.s32 $0x0;
	s22 =	simm.s32 $0x0  }
.LBB2_34:
.Ltmp56:
0x76b: {  	(pc) =	sbr.rel .LBB2_41-.Ltmp56, $3  }
0x76c: {  	_ =	sdelay $0x1  }
0x76d: {  	s24 =	simm.s32 $0x0;
	s30 =	smov.u32 s0  }
0x76e: {  	s25 =	simm.s32 $0x0;
	s28 =	simm.s32 $0x0;
	s22 =	simm.s32 $0x0  }
.LBB2_58:
.Ltmp57:
0x76f: {  	(pc) =	sbr.rel .LBB2_65-.Ltmp57, $3  }
0x770: {  	_ =	sdelay $0x1  }
0x771: {  	s24 =	simm.s32 $0x0;
	s30 =	smov.u32 s0  }
0x772: {  	s25 =	simm.s32 $0x0;
	s28 =	simm.s32 $0x0;
	s22 =	simm.s32 $0x0  }
.LBB2_12:
.Ltmp58:
0x773: {  	(pc) =	sbr.rel .LBB2_17-.Ltmp58, $3  }
0x774: {  	_ =	sdelay $0x1  }
0x775: {  	s24 =	simm.s32 $0x0;
	s25 =	simm.s32 $0x0;
	s28 =	simm.s32 $0x0  }
0x776: {  	s0 =	simm.s32 $0x0;
	s22 =	simm.s32 $0x10;
	s23 =	simm.s32 $0x20  }
.LBB2_36:
.Ltmp59:
0x777: {  	(pc) =	sbr.rel .LBB2_41-.Ltmp59, $3  }
0x778: {  	_ =	sdelay $0x1  }
0x779: {  	s24 =	simm.s32 $0x0;
	s25 =	simm.s32 $0x0;
	s28 =	simm.s32 $0x0  }
0x77a: {  	s0 =	simm.s32 $0x0;
	s22 =	simm.s32 $0x10;
	s23 =	simm.s32 $0x20  }
.LBB2_60:
.Ltmp60:
0x77b: {  	(pc) =	sbr.rel .LBB2_65-.Ltmp60, $3  }
0x77c: {  	_ =	sdelay $0x1  }
0x77d: {  	s24 =	simm.s32 $0x0;
	s25 =	simm.s32 $0x0;
	s28 =	simm.s32 $0x0  }
0x77e: {  	s0 =	simm.s32 $0x0;
	s22 =	simm.s32 $0x10;
	s23 =	simm.s32 $0x20  }
.LBB2_14:
.Ltmp61:
0x77f: {  	(pc) =	sbr.rel .LBB2_17-.Ltmp61, $4  }
0x780: {  	_ = 	snop  }
0x781: {  	s26 =	simm.s32 $0x0  }
0x782: {  	s29 =	simm.s32 $0x0;
	s25 =	simm.s32 $0x0;
	s1 =	smov.u32 s30  }
0x783: {  	s28 =	simm.s32 $0x0;
	s0 =	simm.s32 $0x10;
	s23 =	simm.s32 $0x30  }
.LBB2_38:
.Ltmp62:
0x784: {  	(pc) =	sbr.rel .LBB2_41-.Ltmp62, $4  }
0x785: {  	_ = 	snop  }
0x786: {  	s26 =	simm.s32 $0x0  }
0x787: {  	s29 =	simm.s32 $0x0;
	s25 =	simm.s32 $0x0;
	s30 =	smov.u32 s1  }
0x788: {  	s28 =	simm.s32 $0x0;
	s0 =	simm.s32 $0x10;
	s23 =	simm.s32 $0x30  }
.LBB2_62:
.Ltmp63:
0x789: {  	(pc) =	sbr.rel .LBB2_65-.Ltmp63, $4  }
0x78a: {  	_ = 	snop  }
0x78b: {  	s26 =	simm.s32 $0x0  }
0x78c: {  	s29 =	simm.s32 $0x0;
	s25 =	simm.s32 $0x0;
	s30 =	smov.u32 s1  }
0x78d: {  	s28 =	simm.s32 $0x0;
	s0 =	simm.s32 $0x10;
	s23 =	simm.s32 $0x30  }
.LBB2_81:
.Ltmp64:
0x78e: {  	(pc) =	sbr.rel .LBB2_90-.Ltmp64, $3  }
0x78f: {  	_ =	sdelay $0x1  }
0x790: {  	s24 =	simm.s32 $0x0  }
0x791: {  	s25 =	simm.s32 $0x0;
	s28 =	simm.s32 $0x0;
	s23 =	simm.s32 $0x0  }
.LBB2_83:
.Ltmp65:
0x792: {  	(pc) =	sbr.rel .LBB2_90-.Ltmp65, $3  }
0x793: {  	_ =	sdelay $0x1  }
0x794: {  	s24 =	simm.s32 $0x0;
	s30 =	smov.u32 s0  }
0x795: {  	s25 =	simm.s32 $0x0;
	s28 =	simm.s32 $0x0;
	s22 =	simm.s32 $0x0  }
.LBB2_85:
.Ltmp66:
0x796: {  	(pc) =	sbr.rel .LBB2_90-.Ltmp66, $3  }
0x797: {  	_ =	sdelay $0x1  }
0x798: {  	s24 =	simm.s32 $0x0;
	s25 =	simm.s32 $0x0;
	s28 =	simm.s32 $0x0  }
0x799: {  	s0 =	simm.s32 $0x0;
	s22 =	simm.s32 $0x10;
	s23 =	simm.s32 $0x20  }
.LBB2_87:
.Ltmp67:
0x79a: {  	(pc) =	sbr.rel .LBB2_90-.Ltmp67, $4  }
0x79b: {  	_ = 	snop  }
0x79c: {  	s26 =	simm.s32 $0x0  }
0x79d: {  	s29 =	simm.s32 $0x0;
	s25 =	simm.s32 $0x0;
	s30 =	smov.u32 s1  }
0x79e: {  	s28 =	simm.s32 $0x0;
	s0 =	simm.s32 $0x10;
	s23 =	simm.s32 $0x30  }
.LBB2_100:
0x79f: {  	_ =	sfence.sel $0x180000  }
0x7a0: {  	[bflag:$0x0] =	sbarrier.arrive $0xFFFF  }
0x7a1: {  	_ =	strace $0x90000047  }
0x7a2: {  	s0 =	stileid.u32;
	[bflag:$0x2] =	sbarrier.arrive $0xFFFF  }
0x7a3: {  	p0 =	sne.s32 s0, $0x0;
	s0 =	rddreg [dreg:$0x1]  }
0x7a4: {  	s0 =	sadd.s32 @!p0 $0x100000, s0  }
0x7a5: {  	[sflag:s0] =	ssyncadd.tile.s32 @!p0 $0x1;
	_ =	shalt  }
.Lfunc_end2:
_tile_overlayer_lowered:
.L_overlay_start_2:
0x7a6: {  	(tag) =	ssettag $0x2  }
0x7a7: {  	s0 =	rddreg [dreg:$0x0];
	s2 =	stileid.u32  }
0x7a8: {  	s1 =	rddreg [dreg:$0x1];
	p0 =	sne.s32 s2, $0x0  }
0x7a9: {  	s3 =	rddreg [dreg:$0x2];
	[bflag:$0x3] =	sbarrier.arrive $0xFFFF;
	s2 =	simm.s32 @!p0 $0x1C03  }
0x7aa: {  	[timem:s3], [sflag:s2] =	dma.local @!p0 [hbm:s0], s1  }
0x7ab: {  	s0 =	simm.s32 @!p0 $0x3  }
0x7ac: {  	_ =	swait.ge @!p0 [sflag:s0], s1  }
0x7ad: {  	s1 =	ssub.s32 @!p0 $0x0, s1;
	[sflag:s0] =	ssyncset.done @!p0 $0x0  }
0x7ae: {  	[sflag:s0] =	ssyncadd.s32 @!p0 s1  }
0x7af: {  	[bflag:$0x3] =	sbarrier.arrive $0xFFFF  }
0x7b0: {  	_ =	shalt  }

</sc_bundles>
